<compile_context>
chip_gen: v7x
topology: tpu7x:2x2x1
jax: 0.10.2.dev20260603
libtpu: 0.0.44.dev20260713+nightly
codegen_flags: <defaults>
</compile_context>

<pallas_src>
import jax
import jax.numpy as jnp
from jax import lax
from jax.experimental import pallas as pl
from jax.experimental.pallas import tpu as pltpu
from jax.experimental.pallas import tpu_sc as plsc

N = 10000
NUM_GRAPHS = 64
OUT = 10
NC = 2
NS = 16
NW = NC * NS
CH = 128
ZCH = 128
NPAD = 10240
RPT = NPAD // NS
CROW = NPAD // 128


def _make_edge_agg(d, nchunk, with_cnt, nbuf, bf16_in):
    ept = nchunk * CH
    gb = nbuf // 2
    mesh = plsc.VectorSubcoreMesh(core_axis_name="c", subcore_axis_name="s")

    out_type = [jax.ShapeDtypeStruct((NC, NPAD, d), jnp.float32)]
    scratch = [
        pltpu.VMEM((ept,), jnp.int32),
        pltpu.VMEM((nchunk, CH), jnp.int32),
        pltpu.VMEM((nbuf, CH, d), jnp.float32),
        pltpu.VMEM((ZCH, d), jnp.float32),
        pltpu.VMEM_SHARED((NPAD, d), jnp.float32),
    ] + [pltpu.SemaphoreType.DMA] * (2 * nbuf)
    if bf16_in:
        scratch.append(pltpu.VMEM((nbuf, CH, d), jnp.bfloat16))
    if with_cnt:
        out_type.append(jax.ShapeDtypeStruct((NC, CROW, 128), jnp.float32))
        scratch += [
            pltpu.VMEM((CROW, 128), jnp.float32),
            pltpu.VMEM((CROW,), jnp.int32),
            pltpu.VMEM_SHARED((CROW, 128), jnp.float32),
        ]

    def body(table, srcs, dsts, zeros_hbm, *rest):
        if with_cnt:
            out_p, out_c = rest[:2]
            rest = rest[2:]
        else:
            out_p = rest[0]
            rest = rest[1:]
        src_v, dst_v, rows_v, zero_v, agg_sh = rest[:5]
        rest = rest[5:]
        gsem = rest[:nbuf]
        ssem = rest[nbuf:2 * nbuf]
        rest = rest[2 * nbuf:]
        if bf16_in:
            rowsb_v = rest[0]
            rest = rest[1:]
        if with_cnt:
            hist_v, rowidx_v, cnt_sh = rest

        cid = lax.axis_index("c")
        sid = lax.axis_index("s")
        wid = cid * NS + sid
        row0 = sid * RPT

        pltpu.sync_copy(srcs.at[wid], src_v)
        pltpu.sync_copy(dsts.at[wid], dst_v)
        pltpu.sync_copy(zeros_hbm, zero_v)
        for j in range(RPT // ZCH):
            pltpu.sync_copy(zero_v, agg_sh.at[pl.ds(row0 + j * ZCH, ZCH)])
        if with_cnt:
            @pl.loop(0, CROW)
            def _(rr):
                for k in range(8):
                    hist_v[rr, pl.ds(k * 16, 16)] = jnp.zeros((16,),
                                                              jnp.float32)
            for k in range(CROW // 16):
                rowidx_v[pl.ds(k * 16, 16)] = (lax.iota(jnp.int32, 16)
                                               + k * 16)
            crpt = CROW // NS
            pltpu.sync_copy(hist_v.at[pl.ds(0, crpt)],
                            cnt_sh.at[pl.ds(sid * crpt, crpt)])
        plsc.subcore_barrier()

        grows_v = rowsb_v if bf16_in else rows_v

        def start_gather(chunk, b):
            pltpu.async_copy(
                table.at[src_v.at[pl.ds(chunk * CH, CH)]], grows_v.at[b],
                gsem[b])

        def wait_gather(b):
            pltpu.make_async_copy(
                table.at[src_v.at[pl.ds(0, CH)]], grows_v.at[b],
                gsem[b]).wait()

        def convert(b):
            if not bf16_in:
                return

            @pl.loop(0, CH)
            def _(r):
                for k in range(d // 32):
                    v = rowsb_v[b, r, pl.ds(k * 32, 32)]
                    av, bv = plsc.unpack(v,
                                         format=plsc.PackFormat.INTERLEAVED)
                    rows_v[b, r, pl.ds(k * 32, 16)] = av
                    rows_v[b, r, pl.ds(k * 32 + 16, 16)] = bv

        def start_scatter(chunk, b):
            pltpu.async_copy(rows_v.at[b], agg_sh.at[dst_v.at[chunk]],
                             ssem[b], add=True)

        def wait_scatter(b):
            pltpu.make_async_copy(rows_v.at[b], agg_sh.at[dst_v.at[0]],
                                  ssem[b]).wait()

        ngroup = nchunk // gb
        for b in range(nbuf):
            start_gather(b, b)

        @pl.loop(0, ngroup - 2, step=2)
        def _(g0):
            for p in range(2):
                cb = (g0 + p) * gb
                for k in range(gb):
                    b = p * gb + k
                    wait_gather(b)
                    convert(b)
                    start_scatter(cb + k, b)
                for k in range(gb):
                    b = p * gb + k
                    wait_scatter(b)
                    start_gather(cb + 2 * gb + k, b)

        for p in range(2):
            cb = (ngroup - 2 + p) * gb
            for k in range(gb):
                b = p * gb + k
                wait_gather(b)
                convert(b)
                start_scatter(cb + k, b)
            for k in range(gb):
                wait_scatter(p * gb + k)

        if with_cnt:
            ones16v = jnp.ones((16,), jnp.float32)

            @pl.loop(0, nchunk)
            def _(j):
                for k in range(CH // 16):
                    dv = dst_v[j, pl.ds(k * 16, 16)]
                    plsc.addupdate_scatter(
                        hist_v, [lax.shift_right_logical(dv, 7),
                                 lax.bitwise_and(dv, 127)], ones16v)
            pltpu.sync_copy(hist_v, cnt_sh.at[rowidx_v], add=True)

        plsc.subcore_barrier()
        pltpu.sync_copy(agg_sh.at[pl.ds(row0, RPT)],
                        out_p.at[cid, pl.ds(row0, RPT)])
        if with_cnt:
            crpt = CROW // NS
            pltpu.sync_copy(cnt_sh.at[pl.ds(sid * crpt, crpt)],
                            out_c.at[cid, pl.ds(sid * crpt, crpt)])

    return pl.kernel(body, out_type=tuple(out_type), mesh=mesh,
                     scratch_types=scratch,
                     compiler_params=pltpu.CompilerParams(
                         use_tc_tiling_on_sc=False,
                         needs_layout_passes=False))


BN = 2048


def _stage_in_body(x_ref, wl_ref, wr_ref, t_ref, r_ref):
    xb = x_ref[...]
    t_ref[...] = jnp.dot(xb, wl_ref[...], preferred_element_type=jnp.float32)
    r_ref[...] = jnp.dot(xb, wr_ref[...], preferred_element_type=jnp.float32)


def _stage_in(x_pad, wlt, wrt):
    din, dout = wlt.shape
    return pl.pallas_call(
        _stage_in_body,
        grid=(NPAD // BN,),
        in_specs=[
            pl.BlockSpec((BN, din), lambda i: (i, 0)),
            pl.BlockSpec((din, dout), lambda i: (0, 0)),
            pl.BlockSpec((din, dout), lambda i: (0, 0)),
        ],
        out_specs=[
            pl.BlockSpec((BN, dout), lambda i: (i, 0)),
            pl.BlockSpec((BN, dout), lambda i: (i, 0)),
        ],
        out_shape=[
            jax.ShapeDtypeStruct((NPAD, dout), jnp.float32),
            jax.ShapeDtypeStruct((NPAD, dout), jnp.float32),
        ],
    )(x_pad, wlt, wrt)


def _stage_mid_body(p0, p1, c0, c1, r, b, wl, wr, t_ref, r_ref):
    cnt = jnp.maximum(c0[...] + c1[...], 1.0)
    h = (p0[...] + p1[...]) / cnt + b[...] + r[...]
    h = jnp.maximum(h, 0.0)
    t_ref[...] = jnp.dot(h, wl[...], preferred_element_type=jnp.float32)
    r_ref[...] = jnp.dot(h, wr[...], preferred_element_type=jnp.float32)


def _stage_mid(p0, p1, c0, c1, r, bias, wlt, wrt):
    din, dout = wlt.shape
    col = pl.BlockSpec((BN, 1), lambda i: (i, 0))
    blk = pl.BlockSpec((BN, din), lambda i: (i, 0))
    return pl.pallas_call(
        _stage_mid_body,
        grid=(NPAD // BN,),
        in_specs=[blk, blk, col, col, blk,
                  pl.BlockSpec((1, din), lambda i: (0, 0)),
                  pl.BlockSpec((din, dout), lambda i: (0, 0)),
                  pl.BlockSpec((din, dout), lambda i: (0, 0))],
        out_specs=[
            pl.BlockSpec((BN, dout), lambda i: (i, 0)),
            pl.BlockSpec((BN, dout), lambda i: (i, 0)),
        ],
        out_shape=[
            jax.ShapeDtypeStruct((NPAD, dout), jnp.float32),
            jax.ShapeDtypeStruct((NPAD, dout), jnp.float32),
        ],
    )(p0, p1, c0, c1, r, bias, wlt, wrt)


def _stage_out_body(p0, p1, c0, c1, r, bcol, b3, w1, b1, w2, b2, w3, b3b,
                    out_ref, gsum, gcnt):
    i = pl.program_id(0)

    @pl.when(i == 0)
    def _():
        gsum[...] = jnp.zeros_like(gsum)
        gcnt[...] = jnp.zeros_like(gcnt)

    cnt = jnp.maximum(c0[...] + c1[...], 1.0)
    h = (p0[...] + p1[...]) / cnt + b3[...] + r[...]
    gids = lax.broadcasted_iota(jnp.int32, (1, NUM_GRAPHS), 1)
    maskt = (bcol[...] == gids).astype(jnp.float32)
    dn = (((0,), (0,)), ((), ()))
    gsum[...] += lax.dot_general(maskt, h, dn,
                                 preferred_element_type=jnp.float32)
    ones = jnp.ones((BN, 1), jnp.float32)
    gcnt[...] += lax.dot_general(maskt, ones, dn,
                                 preferred_element_type=jnp.float32)

    @pl.when(i == pl.num_programs(0) - 1)
    def _():
        g = gsum[...] / jnp.maximum(gcnt[...], 1.0)
        z = jnp.dot(g, w1[...], preferred_element_type=jnp.float32) + b1[...]
        z = jnp.maximum(z, 0.0)
        z = jnp.dot(z, w2[...], preferred_element_type=jnp.float32) + b2[...]
        z = jnp.maximum(z, 0.0)
        out_ref[...] = (jnp.dot(z, w3[...],
                                preferred_element_type=jnp.float32) + b3b[...])


def _stage_out(p0, p1, c0, c1, r, bcol, b3, w1t, b1, w2t, b2, w3t, b3b):
    din = p0.shape[1]
    col = pl.BlockSpec((BN, 1), lambda i: (i, 0))
    blk = pl.BlockSpec((BN, din), lambda i: (i, 0))

    def full(a):
        return pl.BlockSpec(a.shape, lambda i: tuple(0 for _ in a.shape))

    return pl.pallas_call(
        _stage_out_body,
        grid=(NPAD // BN,),
        in_specs=[blk, blk, col, col, blk, col,
                  full(b3), full(w1t), full(b1), full(w2t), full(b2),
                  full(w3t), full(b3b)],
        out_specs=pl.BlockSpec((NUM_GRAPHS, OUT), lambda i: (0, 0)),
        out_shape=jax.ShapeDtypeStruct((NUM_GRAPHS, OUT), jnp.float32),
        scratch_shapes=[
            pltpu.VMEM((NUM_GRAPHS, NUM_GRAPHS), jnp.float32),
            pltpu.VMEM((NUM_GRAPHS, 1), jnp.float32),
        ],
    )(p0, p1, c0, c1, r, bcol, b3, w1t, b1, w2t, b2, w3t, b3b)


def kernel(x, edge_index, batch, W1l, b1, W1r, W2l, b2, W2r, W3l, b3, W3r,
           Wlin1, blin1, Wlin2, blin2, Wlin3, blin3):
    e = edge_index.shape[1]
    nchunk = -(-e // (NW * CH))
    nchunk = -(-nchunk // 8) * 8
    ept = nchunk * CH
    epad = NW * ept

    src = jnp.concatenate(
        [edge_index[0], jnp.zeros((epad - e,), jnp.int32)]).reshape(NW, ept)
    dst = jnp.concatenate(
        [edge_index[1],
         jnp.full((epad - e,), NPAD - 1, jnp.int32)]).reshape(NW, nchunk, CH)

    x_pad = jnp.pad(x, ((0, NPAD - N), (0, 0)))
    bcol = jnp.pad(batch, (0, NPAD - N),
                   constant_values=NUM_GRAPHS).reshape(NPAD, 1)
    zeros64 = jnp.zeros((ZCH, 64), jnp.float32)

    agg32 = _make_edge_agg(32, nchunk, True, 4, True)
    agg64 = _make_edge_agg(64, nchunk, False, 4, True)

    def _swiz(t):
        db = t.shape[1]
        tb = t.astype(jnp.bfloat16).reshape(NPAD, db // 32, 2, 16)
        return jnp.swapaxes(tb, 2, 3).reshape(NPAD, db)

    t1, r1 = _stage_in(x_pad, W1l.T, W1r.T)
    p1, cnt = agg32(_swiz(t1), src, dst, zeros64[:, :32])
    c0 = cnt[0].reshape(NPAD, 1)
    c1 = cnt[1].reshape(NPAD, 1)
    t2, r2 = _stage_mid(p1[0], p1[1], c0, c1, r1, b1.reshape(1, 32),
                        W2l.T, W2r.T)
    t2p = jnp.pad(t2, ((0, 0), (0, 16)))
    (p2,) = agg64(_swiz(t2p), src, dst, zeros64)
    t3, r3 = _stage_mid(p2[0][:, :48], p2[1][:, :48], c0, c1, r2,
                        b2.reshape(1, 48), W3l.T, W3r.T)
    (p3,) = agg64(_swiz(t3), src, dst, zeros64)
    out = _stage_out(p3[0], p3[1], c0, c1, r3, bcol.astype(jnp.int32),
                     b3.reshape(1, 64), Wlin1.T, blin1.reshape(1, 32),
                     Wlin2.T, blin2.reshape(1, 32), Wlin3.T,
                     blin3.reshape(1, OUT))
    return out

# --- scband reference (transcript-rebuilt; emitter-appended) ---
"""Pipeline reference for scband-gnn-5153960755249 (READ-ONLY COPY).

The authoritative reference and input builder live on the scoring server;
editing this copy changes nothing except your own understanding.
"""

import jax, jax.numpy as jnp
import numpy as np

N = 10000
E = 320000
D_IN = 128
NUM_GRAPHS = 64
OUT = 10


def _sage(x, edge_index, Wl, bl, Wr, n_nodes):
    # PyG SAGEConv (default): mean-aggregate source-node features at target,
    # then out = lin_l(mean_aggr) + lin_r(x); bias lives in lin_l.
    src = edge_index[0]
    dst = edge_index[1]
    msg = jnp.take(x, src, axis=0)
    agg = jax.ops.segment_sum(msg, dst, num_segments=n_nodes)
    cnt = jax.ops.segment_sum(jnp.ones((edge_index.shape[1],), jnp.float32), dst, num_segments=n_nodes)
    mean = agg / jnp.maximum(cnt, 1.0)[:, None]
    return mean @ Wl.T + bl + x @ Wr.T


def setup_inputs(seed: int = 0):
    key = jax.random.key(seed)
    ks = jax.random.split(key, 24)

    def lin(k, out_c, in_c):
        return (jax.random.normal(k, (out_c, in_c), jnp.float32) / np.sqrt(in_c)).astype(jnp.float32)

    inp = {}
    inp["x"] = jax.random.normal(ks[0], (N, D_IN), dtype=jnp.float32)
    inp["edge_index"] = jax.random.randint(ks[1], (2, E), 0, N, dtype=jnp.int32)
    inp["batch"] = jnp.sort(jax.random.randint(ks[2], (N,), 0, NUM_GRAPHS, dtype=jnp.int32))
    inp["W1l"] = lin(ks[3], 32, D_IN)
    inp["b1"] = jnp.zeros((32,), jnp.float32)
    inp["W1r"] = lin(ks[4], 32, D_IN)
    inp["W2l"] = lin(ks[5], 48, 32)
    inp["b2"] = jnp.zeros((48,), jnp.float32)
    inp["W2r"] = lin(ks[6], 48, 32)
    inp["W3l"] = lin(ks[7], 64, 48)
    inp["b3"] = jnp.zeros((64,), jnp.float32)
    inp["W3r"] = lin(ks[8], 64, 48)
    inp["Wlin1"] = lin(ks[9], 32, 64)
    inp["blin1"] = jnp.zeros((32,), jnp.float32)
    inp["Wlin2"] = lin(ks[10], 32, 32)
    inp["blin2"] = jnp.zeros((32,), jnp.float32)
    inp["Wlin3"] = lin(ks[11], OUT, 32)
    inp["blin3"] = jnp.zeros((OUT,), jnp.float32)
    return inp


def reference(x, edge_index, batch, W1l, b1, W1r, W2l, b2, W2r, W3l, b3, W3r,
              Wlin1, blin1, Wlin2, blin2, Wlin3, blin3):
    # embed: 3 SAGEConv layers with relu between, then global mean pool
    h = jax.nn.relu(_sage(x, edge_index, W1l, b1, W1r, N))
    h = jax.nn.relu(_sage(h, edge_index, W2l, b2, W2r, N))
    h = _sage(h, edge_index, W3l, b3, W3r, N)
    s = jax.ops.segment_sum(h, batch, num_segments=NUM_GRAPHS)
    c = jax.ops.segment_sum(jnp.ones((N,), jnp.float32), batch, num_segments=NUM_GRAPHS)
    g = s / jnp.maximum(c, 1.0)[:, None]
    # classify: 3-layer MLP
    z = jax.nn.relu(g @ Wlin1.T + blin1)
    z = jax.nn.relu(z @ Wlin2.T + blin2)
    return z @ Wlin3.T + blin3

if __name__ == "__main__":
    import jax
    _d = setup_inputs()
    print(jax.jit(kernel)(*tuple(_d.values())))

</pallas_src>

<mosaic_0001>
#map = affine_map<(d0, d1) -> (0, 0)>
#map1 = affine_map<(d0, d1) -> (0, 0, 0)>
module attributes {stable_mosaic.version = 14 : i64} {
  func.func @body(%arg0: i32, %arg1: i32, %arg2: memref<10240x32xbf16, #tpu.memory_space<hbm>>, %arg3: memref<32x10240xi32, #tpu.memory_space<hbm>>, %arg4: memref<32x80x128xi32, #tpu.memory_space<hbm>>, %arg5: memref<128x32xf32, #tpu.memory_space<hbm>>, %arg6: memref<2x10240x32xf32, #tpu.memory_space<hbm>>, %arg7: memref<2x80x128xf32, #tpu.memory_space<hbm>>, %arg8: memref<10240xi32, #tpu.memory_space<vmem>>, %arg9: memref<80x128xi32, #tpu.memory_space<vmem>>, %arg10: memref<4x128x32xf32, #tpu.memory_space<vmem>>, %arg11: memref<128x32xf32, #tpu.memory_space<vmem>>, %arg12: memref<10240x32xf32, #tpu.memory_space<vmem_shared>>, %arg13: memref<!tpu.dma_semaphore, #tpu.memory_space<semaphore_mem>>, %arg14: memref<!tpu.dma_semaphore, #tpu.memory_space<semaphore_mem>>, %arg15: memref<!tpu.dma_semaphore, #tpu.memory_space<semaphore_mem>>, %arg16: memref<!tpu.dma_semaphore, #tpu.memory_space<semaphore_mem>>, %arg17: memref<!tpu.dma_semaphore, #tpu.memory_space<semaphore_mem>>, %arg18: memref<!tpu.dma_semaphore, #tpu.memory_space<semaphore_mem>>, %arg19: memref<!tpu.dma_semaphore, #tpu.memory_space<semaphore_mem>>, %arg20: memref<!tpu.dma_semaphore, #tpu.memory_space<semaphore_mem>>, %arg21: memref<4x128x32xbf16, #tpu.memory_space<vmem>>, %arg22: memref<80x128xf32, #tpu.memory_space<vmem>>, %arg23: memref<80xi32, #tpu.memory_space<vmem>>, %arg24: memref<80x128xf32, #tpu.memory_space<vmem_shared>>) attributes {dimension_semantics = [#tpu.dimension_semantics<core_parallel>, #tpu.dimension_semantics<subcore_parallel>], iteration_bounds = array<i64: 2, 16>, scalar_prefetch = 0 : i64, scratch_operands = 17 : i64, tpu.core_type = #tpu.core_type<sc_vector_subcore>, window_params = [{transform_indices = #map}, {transform_indices = #map}, {transform_indices = #map1}, {transform_indices = #map}, {transform_indices = #map1}, {transform_indices = #map1}]} {
    %mul3A = arith.constant 16 : i32
    %mul3A_0 = arith.muli %arg0, %mul3A : i32
    %add3A = arith.addi %mul3A_0, %arg1 : i32
    %mul3A_1 = arith.constant 640 : i32
    %mul3A_2 = arith.muli %arg1, %mul3A_1 : i32
    "tpu.region"() ({
      %run_scoped3A = tpu.sem_alloc : memref<!tpu.dma_semaphore, #tpu.memory_space<semaphore_mem>>
      %dma_start3A_257 = arith.constant 0 : i32
      %dma_start3A_258 = tpu.memref_slice %arg3[%add3A, %dma_start3A_257] : memref<32x10240xi32, #tpu.memory_space<hbm>> -> memref<1x10240xi32, #tpu.memory_space<hbm>>
      %dma_start3A_259 = tpu.memref_squeeze %dma_start3A_258 : memref<1x10240xi32, #tpu.memory_space<hbm>> -> memref<10240xi32, #tpu.memory_space<hbm>>
      %dma_start3A_260 = arith.constant 0 : i32
      %dma_start3A_261 = tpu.memref_slice %arg3[%add3A, %dma_start3A_260] : memref<32x10240xi32, #tpu.memory_space<hbm>> -> memref<1x10240xi32, #tpu.memory_space<hbm>>
      %dma_start3A_262 = tpu.memref_squeeze %dma_start3A_261 : memref<1x10240xi32, #tpu.memory_space<hbm>> -> memref<10240xi32, #tpu.memory_space<hbm>>
      tpu.enqueue_dma source(%dma_start3A_262 : memref<10240xi32, #tpu.memory_space<hbm>>) target(%arg8 : memref<10240xi32, #tpu.memory_space<vmem>>) target_semaphore(%run_scoped3A : memref<!tpu.dma_semaphore, #tpu.memory_space<semaphore_mem>>)
      %dma_wait3A_263 = arith.constant 0 : i32
      %dma_wait3A_264 = tpu.memref_slice %arg3[%add3A, %dma_wait3A_263] : memref<32x10240xi32, #tpu.memory_space<hbm>> -> memref<1x10240xi32, #tpu.memory_space<hbm>>
      %dma_wait3A_265 = tpu.memref_squeeze %dma_wait3A_264 : memref<1x10240xi32, #tpu.memory_space<hbm>> -> memref<10240xi32, #tpu.memory_space<hbm>>
      %dma_wait3A_266 = arith.constant 0 : i32
      %dma_wait3A_267 = tpu.memref_slice %arg3[%add3A, %dma_wait3A_266] : memref<32x10240xi32, #tpu.memory_space<hbm>> -> memref<1x10240xi32, #tpu.memory_space<hbm>>
      %dma_wait3A_268 = tpu.memref_squeeze %dma_wait3A_267 : memref<1x10240xi32, #tpu.memory_space<hbm>> -> memref<10240xi32, #tpu.memory_space<hbm>>
      tpu.wait_dma2 semaphore(%run_scoped3A : memref<!tpu.dma_semaphore, #tpu.memory_space<semaphore_mem>>) src(%dma_wait3A_268 : memref<10240xi32, #tpu.memory_space<hbm>>) dst(%arg8 : memref<10240xi32, #tpu.memory_space<vmem>>)
      tpu.yield
    }) : () -> ()
    "tpu.region"() ({
      %run_scoped3A = tpu.sem_alloc : memref<!tpu.dma_semaphore, #tpu.memory_space<semaphore_mem>>
      %dma_start3A_257 = arith.constant 0 : i32
      %dma_start3A_258 = arith.constant 0 : i32
      %dma_start3A_259 = tpu.memref_slice %arg4[%add3A, %dma_start3A_257, %dma_start3A_258] : memref<32x80x128xi32, #tpu.memory_space<hbm>> -> memref<1x80x128xi32, #tpu.memory_space<hbm>>
      %dma_start3A_260 = tpu.memref_squeeze %dma_start3A_259 : memref<1x80x128xi32, #tpu.memory_space<hbm>> -> memref<80x128xi32, #tpu.memory_space<hbm>>
      %dma_start3A_261 = arith.constant 0 : i32
      %dma_start3A_262 = arith.constant 0 : i32
      %dma_start3A_263 = tpu.memref_slice %arg4[%add3A, %dma_start3A_261, %dma_start3A_262] : memref<32x80x128xi32, #tpu.memory_space<hbm>> -> memref<1x80x128xi32, #tpu.memory_space<hbm>>
      %dma_start3A_264 = tpu.memref_squeeze %dma_start3A_263 : memref<1x80x128xi32, #tpu.memory_space<hbm>> -> memref<80x128xi32, #tpu.memory_space<hbm>>
      tpu.enqueue_dma source(%dma_start3A_264 : memref<80x128xi32, #tpu.memory_space<hbm>>) target(%arg9 : memref<80x128xi32, #tpu.memory_space<vmem>>) target_semaphore(%run_scoped3A : memref<!tpu.dma_semaphore, #tpu.memory_space<semaphore_mem>>)
      %dma_wait3A_265 = arith.constant 0 : i32
      %dma_wait3A_266 = arith.constant 0 : i32
      %dma_wait3A_267 = tpu.memref_slice %arg4[%add3A, %dma_wait3A_265, %dma_wait3A_266] : memref<32x80x128xi32, #tpu.memory_space<hbm>> -> memref<1x80x128xi32, #tpu.memory_space<hbm>>
      %dma_wait3A_268 = tpu.memref_squeeze %dma_wait3A_267 : memref<1x80x128xi32, #tpu.memory_space<hbm>> -> memref<80x128xi32, #tpu.memory_space<hbm>>
      %dma_wait3A_269 = arith.constant 0 : i32
      %dma_wait3A_270 = arith.constant 0 : i32
      %dma_wait3A_271 = tpu.memref_slice %arg4[%add3A, %dma_wait3A_269, %dma_wait3A_270] : memref<32x80x128xi32, #tpu.memory_space<hbm>> -> memref<1x80x128xi32, #tpu.memory_space<hbm>>
      %dma_wait3A_272 = tpu.memref_squeeze %dma_wait3A_271 : memref<1x80x128xi32, #tpu.memory_space<hbm>> -> memref<80x128xi32, #tpu.memory_space<hbm>>
      tpu.wait_dma2 semaphore(%run_scoped3A : memref<!tpu.dma_semaphore, #tpu.memory_space<semaphore_mem>>) src(%dma_wait3A_272 : memref<80x128xi32, #tpu.memory_space<hbm>>) dst(%arg9 : memref<80x128xi32, #tpu.memory_space<vmem>>)
      tpu.yield
    }) : () -> ()
    "tpu.region"() ({
      %run_scoped3A = tpu.sem_alloc : memref<!tpu.dma_semaphore, #tpu.memory_space<semaphore_mem>>
      tpu.enqueue_dma source(%arg5 : memref<128x32xf32, #tpu.memory_space<hbm>>) target(%arg11 : memref<128x32xf32, #tpu.memory_space<vmem>>) target_semaphore(%run_scoped3A : memref<!tpu.dma_semaphore, #tpu.memory_space<semaphore_mem>>)
      tpu.wait_dma2 semaphore(%run_scoped3A : memref<!tpu.dma_semaphore, #tpu.memory_space<semaphore_mem>>) src(%arg5 : memref<128x32xf32, #tpu.memory_space<hbm>>) dst(%arg11 : memref<128x32xf32, #tpu.memory_space<vmem>>)
      tpu.yield
    }) : () -> ()
    %add3A_3 = arith.constant 0 : i32
    %add3A_4 = arith.addi %mul3A_2, %add3A_3 : i32
    "tpu.region"() ({
      %run_scoped3A = tpu.sem_alloc : memref<!tpu.dma_semaphore, #tpu.memory_space<semaphore_mem>>
      %dma_start3A_257 = arith.constant 0 : i32
      %dma_start3A_258 = tpu.memref_slice %arg12[%add3A_4, %dma_start3A_257] : memref<10240x32xf32, #tpu.memory_space<vmem_shared>> -> memref<128x32xf32, #tpu.memory_space<vmem_shared>>
      %dma_start3A_259 = arith.constant 0 : i32
      %dma_start3A_260 = tpu.memref_slice %arg12[%add3A_4, %dma_start3A_259] : memref<10240x32xf32, #tpu.memory_space<vmem_shared>> -> memref<128x32xf32, #tpu.memory_space<vmem_shared>>
      tpu.enqueue_dma source(%arg11 : memref<128x32xf32, #tpu.memory_space<vmem>>) target(%dma_start3A_260 : memref<128x32xf32, #tpu.memory_space<vmem_shared>>) target_semaphore(%run_scoped3A : memref<!tpu.dma_semaphore, #tpu.memory_space<semaphore_mem>>)
      %dma_wait3A_261 = arith.constant 0 : i32
      %dma_wait3A_262 = tpu.memref_slice %arg12[%add3A_4, %dma_wait3A_261] : memref<10240x32xf32, #tpu.memory_space<vmem_shared>> -> memref<128x32xf32, #tpu.memory_space<vmem_shared>>
      %dma_wait3A_263 = arith.constant 0 : i32
      %dma_wait3A_264 = tpu.memref_slice %arg12[%add3A_4, %dma_wait3A_263] : memref<10240x32xf32, #tpu.memory_space<vmem_shared>> -> memref<128x32xf32, #tpu.memory_space<vmem_shared>>
      tpu.wait_dma2 semaphore(%run_scoped3A : memref<!tpu.dma_semaphore, #tpu.memory_space<semaphore_mem>>) src(%arg11 : memref<128x32xf32, #tpu.memory_space<vmem>>) dst(%dma_wait3A_264 : memref<128x32xf32, #tpu.memory_space<vmem_shared>>)
      tpu.yield
    }) : () -> ()
    %add3A_5 = arith.constant 128 : i32
    %add3A_6 = arith.addi %mul3A_2, %add3A_5 : i32
    "tpu.region"() ({
      %run_scoped3A = tpu.sem_alloc : memref<!tpu.dma_semaphore, #tpu.memory_space<semaphore_mem>>
      %dma_start3A_257 = arith.constant 0 : i32
      %dma_start3A_258 = tpu.memref_slice %arg12[%add3A_6, %dma_start3A_257] : memref<10240x32xf32, #tpu.memory_space<vmem_shared>> -> memref<128x32xf32, #tpu.memory_space<vmem_shared>>
      %dma_start3A_259 = arith.constant 0 : i32
      %dma_start3A_260 = tpu.memref_slice %arg12[%add3A_6, %dma_start3A_259] : memref<10240x32xf32, #tpu.memory_space<vmem_shared>> -> memref<128x32xf32, #tpu.memory_space<vmem_shared>>
      tpu.enqueue_dma source(%arg11 : memref<128x32xf32, #tpu.memory_space<vmem>>) target(%dma_start3A_260 : memref<128x32xf32, #tpu.memory_space<vmem_shared>>) target_semaphore(%run_scoped3A : memref<!tpu.dma_semaphore, #tpu.memory_space<semaphore_mem>>)
      %dma_wait3A_261 = arith.constant 0 : i32
      %dma_wait3A_262 = tpu.memref_slice %arg12[%add3A_6, %dma_wait3A_261] : memref<10240x32xf32, #tpu.memory_space<vmem_shared>> -> memref<128x32xf32, #tpu.memory_space<vmem_shared>>
      %dma_wait3A_263 = arith.constant 0 : i32
      %dma_wait3A_264 = tpu.memref_slice %arg12[%add3A_6, %dma_wait3A_263] : memref<10240x32xf32, #tpu.memory_space<vmem_shared>> -> memref<128x32xf32, #tpu.memory_space<vmem_shared>>
      tpu.wait_dma2 semaphore(%run_scoped3A : memref<!tpu.dma_semaphore, #tpu.memory_space<semaphore_mem>>) src(%arg11 : memref<128x32xf32, #tpu.memory_space<vmem>>) dst(%dma_wait3A_264 : memref<128x32xf32, #tpu.memory_space<vmem_shared>>)
      tpu.yield
    }) : () -> ()
    %add3A_7 = arith.constant 256 : i32
    %add3A_8 = arith.addi %mul3A_2, %add3A_7 : i32
    "tpu.region"() ({
      %run_scoped3A = tpu.sem_alloc : memref<!tpu.dma_semaphore, #tpu.memory_space<semaphore_mem>>
      %dma_start3A_257 = arith.constant 0 : i32
      %dma_start3A_258 = tpu.memref_slice %arg12[%add3A_8, %dma_start3A_257] : memref<10240x32xf32, #tpu.memory_space<vmem_shared>> -> memref<128x32xf32, #tpu.memory_space<vmem_shared>>
      %dma_start3A_259 = arith.constant 0 : i32
      %dma_start3A_260 = tpu.memref_slice %arg12[%add3A_8, %dma_start3A_259] : memref<10240x32xf32, #tpu.memory_space<vmem_shared>> -> memref<128x32xf32, #tpu.memory_space<vmem_shared>>
      tpu.enqueue_dma source(%arg11 : memref<128x32xf32, #tpu.memory_space<vmem>>) target(%dma_start3A_260 : memref<128x32xf32, #tpu.memory_space<vmem_shared>>) target_semaphore(%run_scoped3A : memref<!tpu.dma_semaphore, #tpu.memory_space<semaphore_mem>>)
      %dma_wait3A_261 = arith.constant 0 : i32
      %dma_wait3A_262 = tpu.memref_slice %arg12[%add3A_8, %dma_wait3A_261] : memref<10240x32xf32, #tpu.memory_space<vmem_shared>> -> memref<128x32xf32, #tpu.memory_space<vmem_shared>>
      %dma_wait3A_263 = arith.constant 0 : i32
      %dma_wait3A_264 = tpu.memref_slice %arg12[%add3A_8, %dma_wait3A_263] : memref<10240x32xf32, #tpu.memory_space<vmem_shared>> -> memref<128x32xf32, #tpu.memory_space<vmem_shared>>
      tpu.wait_dma2 semaphore(%run_scoped3A : memref<!tpu.dma_semaphore, #tpu.memory_space<semaphore_mem>>) src(%arg11 : memref<128x32xf32, #tpu.memory_space<vmem>>) dst(%dma_wait3A_264 : memref<128x32xf32, #tpu.memory_space<vmem_shared>>)
      tpu.yield
    }) : () -> ()
    %add3A_9 = arith.constant 384 : i32
    %add3A_10 = arith.addi %mul3A_2, %add3A_9 : i32
    "tpu.region"() ({
      %run_scoped3A = tpu.sem_alloc : memref<!tpu.dma_semaphore, #tpu.memory_space<semaphore_mem>>
      %dma_start3A_257 = arith.constant 0 : i32
      %dma_start3A_258 = tpu.memref_slice %arg12[%add3A_10, %dma_start3A_257] : memref<10240x32xf32, #tpu.memory_space<vmem_shared>> -> memref<128x32xf32, #tpu.memory_space<vmem_shared>>
      %dma_start3A_259 = arith.constant 0 : i32
      %dma_start3A_260 = tpu.memref_slice %arg12[%add3A_10, %dma_start3A_259] : memref<10240x32xf32, #tpu.memory_space<vmem_shared>> -> memref<128x32xf32, #tpu.memory_space<vmem_shared>>
      tpu.enqueue_dma source(%arg11 : memref<128x32xf32, #tpu.memory_space<vmem>>) target(%dma_start3A_260 : memref<128x32xf32, #tpu.memory_space<vmem_shared>>) target_semaphore(%run_scoped3A : memref<!tpu.dma_semaphore, #tpu.memory_space<semaphore_mem>>)
      %dma_wait3A_261 = arith.constant 0 : i32
      %dma_wait3A_262 = tpu.memref_slice %arg12[%add3A_10, %dma_wait3A_261] : memref<10240x32xf32, #tpu.memory_space<vmem_shared>> -> memref<128x32xf32, #tpu.memory_space<vmem_shared>>
      %dma_wait3A_263 = arith.constant 0 : i32
      %dma_wait3A_264 = tpu.memref_slice %arg12[%add3A_10, %dma_wait3A_263] : memref<10240x32xf32, #tpu.memory_space<vmem_shared>> -> memref<128x32xf32, #tpu.memory_space<vmem_shared>>
      tpu.wait_dma2 semaphore(%run_scoped3A : memref<!tpu.dma_semaphore, #tpu.memory_space<semaphore_mem>>) src(%arg11 : memref<128x32xf32, #tpu.memory_space<vmem>>) dst(%dma_wait3A_264 : memref<128x32xf32, #tpu.memory_space<vmem_shared>>)
      tpu.yield
    }) : () -> ()
    %add3A_11 = arith.constant 512 : i32
    %add3A_12 = arith.addi %mul3A_2, %add3A_11 : i32
    "tpu.region"() ({
      %run_scoped3A = tpu.sem_alloc : memref<!tpu.dma_semaphore, #tpu.memory_space<semaphore_mem>>
      %dma_start3A_257 = arith.constant 0 : i32
      %dma_start3A_258 = tpu.memref_slice %arg12[%add3A_12, %dma_start3A_257] : memref<10240x32xf32, #tpu.memory_space<vmem_shared>> -> memref<128x32xf32, #tpu.memory_space<vmem_shared>>
      %dma_start3A_259 = arith.constant 0 : i32
      %dma_start3A_260 = tpu.memref_slice %arg12[%add3A_12, %dma_start3A_259] : memref<10240x32xf32, #tpu.memory_space<vmem_shared>> -> memref<128x32xf32, #tpu.memory_space<vmem_shared>>
      tpu.enqueue_dma source(%arg11 : memref<128x32xf32, #tpu.memory_space<vmem>>) target(%dma_start3A_260 : memref<128x32xf32, #tpu.memory_space<vmem_shared>>) target_semaphore(%run_scoped3A : memref<!tpu.dma_semaphore, #tpu.memory_space<semaphore_mem>>)
      %dma_wait3A_261 = arith.constant 0 : i32
      %dma_wait3A_262 = tpu.memref_slice %arg12[%add3A_12, %dma_wait3A_261] : memref<10240x32xf32, #tpu.memory_space<vmem_shared>> -> memref<128x32xf32, #tpu.memory_space<vmem_shared>>
      %dma_wait3A_263 = arith.constant 0 : i32
      %dma_wait3A_264 = tpu.memref_slice %arg12[%add3A_12, %dma_wait3A_263] : memref<10240x32xf32, #tpu.memory_space<vmem_shared>> -> memref<128x32xf32, #tpu.memory_space<vmem_shared>>
      tpu.wait_dma2 semaphore(%run_scoped3A : memref<!tpu.dma_semaphore, #tpu.memory_space<semaphore_mem>>) src(%arg11 : memref<128x32xf32, #tpu.memory_space<vmem>>) dst(%dma_wait3A_264 : memref<128x32xf32, #tpu.memory_space<vmem_shared>>)
      tpu.yield
    }) : () -> ()
    %scan3A = arith.constant 0 : i32
    %scan3A_13 = arith.constant 80 : i32
    %scan3A_14 = arith.addi %scan3A, %scan3A_13 : i32
    %scan3A_15 = arith.constant 1 : i32
    scf.for %scan3A_257 = %scan3A to %scan3A_14 step %scan3A_15  : i32 {
      %mul3A_258 = arith.constant 1 : i32
      %mul3A_259 = arith.muli %scan3A_257, %mul3A_258 : i32
      %add3A_260 = arith.constant 0 : i32
      %add3A_261 = arith.addi %add3A_260, %mul3A_259 : i32
      %broadcast_in_dim3A_262 = arith.constant 0.000000e+00 : f32
      %broadcast_in_dim3A_263 = vector.broadcast %broadcast_in_dim3A_262 : f32 to vector<16xf32>
      %swap3A_264 = arith.index_cast %add3A_261 : i32 to index
      %swap3A_265 = arith.constant 0 : index
      %swap3A_266 = tpu.vector_load %arg22[%swap3A_264, %swap3A_265] {strides = array<i32>} : memref<80x128xf32, #tpu.memory_space<vmem>>, vector<16xf32>,
      tpu.vector_store %arg22[%swap3A_264, %swap3A_265], %broadcast_in_dim3A_263 {strides = array<i32>} : memref<80x128xf32, #tpu.memory_space<vmem>>, vector<16xf32>,
      %broadcast_in_dim3A_267 = arith.constant 0.000000e+00 : f32
      %broadcast_in_dim3A_268 = vector.broadcast %broadcast_in_dim3A_267 : f32 to vector<16xf32>
      %swap3A_269 = arith.index_cast %add3A_261 : i32 to index
      %swap3A_270 = arith.constant 16 : index
      %swap3A_271 = tpu.vector_load %arg22[%swap3A_269, %swap3A_270] {strides = array<i32>} : memref<80x128xf32, #tpu.memory_space<vmem>>, vector<16xf32>,
      tpu.vector_store %arg22[%swap3A_269, %swap3A_270], %broadcast_in_dim3A_268 {strides = array<i32>} : memref<80x128xf32, #tpu.memory_space<vmem>>, vector<16xf32>,
      %broadcast_in_dim3A_272 = arith.constant 0.000000e+00 : f32
      %broadcast_in_dim3A_273 = vector.broadcast %broadcast_in_dim3A_272 : f32 to vector<16xf32>
      %swap3A_274 = arith.index_cast %add3A_261 : i32 to index
      %swap3A_275 = arith.constant 32 : index
      %swap3A_276 = tpu.vector_load %arg22[%swap3A_274, %swap3A_275] {strides = array<i32>} : memref<80x128xf32, #tpu.memory_space<vmem>>, vector<16xf32>,
      tpu.vector_store %arg22[%swap3A_274, %swap3A_275], %broadcast_in_dim3A_273 {strides = array<i32>} : memref<80x128xf32, #tpu.memory_space<vmem>>, vector<16xf32>,
      %broadcast_in_dim3A_277 = arith.constant 0.000000e+00 : f32
      %broadcast_in_dim3A_278 = vector.broadcast %broadcast_in_dim3A_277 : f32 to vector<16xf32>
      %swap3A_279 = arith.index_cast %add3A_261 : i32 to index
      %swap3A_280 = arith.constant 48 : index
      %swap3A_281 = tpu.vector_load %arg22[%swap3A_279, %swap3A_280] {strides = array<i32>} : memref<80x128xf32, #tpu.memory_space<vmem>>, vector<16xf32>,
      tpu.vector_store %arg22[%swap3A_279, %swap3A_280], %broadcast_in_dim3A_278 {strides = array<i32>} : memref<80x128xf32, #tpu.memory_space<vmem>>, vector<16xf32>,
      %broadcast_in_dim3A_282 = arith.constant 0.000000e+00 : f32
      %broadcast_in_dim3A_283 = vector.broadcast %broadcast_in_dim3A_282 : f32 to vector<16xf32>
      %swap3A_284 = arith.index_cast %add3A_261 : i32 to index
      %swap3A_285 = arith.constant 64 : index
      %swap3A_286 = tpu.vector_load %arg22[%swap3A_284, %swap3A_285] {strides = array<i32>} : memref<80x128xf32, #tpu.memory_space<vmem>>, vector<16xf32>,
      tpu.vector_store %arg22[%swap3A_284, %swap3A_285], %broadcast_in_dim3A_283 {strides = array<i32>} : memref<80x128xf32, #tpu.memory_space<vmem>>, vector<16xf32>,
      %broadcast_in_dim3A_287 = arith.constant 0.000000e+00 : f32
      %broadcast_in_dim3A_288 = vector.broadcast %broadcast_in_dim3A_287 : f32 to vector<16xf32>
      %swap3A_289 = arith.index_cast %add3A_261 : i32 to index
      %swap3A_290 = arith.constant 80 : index
      %swap3A_291 = tpu.vector_load %arg22[%swap3A_289, %swap3A_290] {strides = array<i32>} : memref<80x128xf32, #tpu.memory_space<vmem>>, vector<16xf32>,
      tpu.vector_store %arg22[%swap3A_289, %swap3A_290], %broadcast_in_dim3A_288 {strides = array<i32>} : memref<80x128xf32, #tpu.memory_space<vmem>>, vector<16xf32>,
      %broadcast_in_dim3A_292 = arith.constant 0.000000e+00 : f32
      %broadcast_in_dim3A_293 = vector.broadcast %broadcast_in_dim3A_292 : f32 to vector<16xf32>
      %swap3A_294 = arith.index_cast %add3A_261 : i32 to index
      %swap3A_295 = arith.constant 96 : index
      %swap3A_296 = tpu.vector_load %arg22[%swap3A_294, %swap3A_295] {strides = array<i32>} : memref<80x128xf32, #tpu.memory_space<vmem>>, vector<16xf32>,
      tpu.vector_store %arg22[%swap3A_294, %swap3A_295], %broadcast_in_dim3A_293 {strides = array<i32>} : memref<80x128xf32, #tpu.memory_space<vmem>>, vector<16xf32>,
      %broadcast_in_dim3A_297 = arith.constant 0.000000e+00 : f32
      %broadcast_in_dim3A_298 = vector.broadcast %broadcast_in_dim3A_297 : f32 to vector<16xf32>
      %swap3A_299 = arith.index_cast %add3A_261 : i32 to index
      %swap3A_300 = arith.constant 112 : index
      %swap3A_301 = tpu.vector_load %arg22[%swap3A_299, %swap3A_300] {strides = array<i32>} : memref<80x128xf32, #tpu.memory_space<vmem>>, vector<16xf32>,
      tpu.vector_store %arg22[%swap3A_299, %swap3A_300], %broadcast_in_dim3A_298 {strides = array<i32>} : memref<80x128xf32, #tpu.memory_space<vmem>>, vector<16xf32>,
    }
    %scan3A_16 = arith.constant 80 : i32
    %iota3A = tpu.iota {dimensions = array<i32: 0>} : vector<16xi32>
    %add3A_17 = arith.constant 0 : i32
    %add3A_18 = vector.broadcast %add3A_17 : i32 to vector<16xi32>
    %add3A_19 = arith.addi %iota3A, %add3A_18 : vector<16xi32>
    %swap3A = arith.constant 0 : index
    %swap3A_20 = tpu.vector_load %arg23[%swap3A] {strides = array<i32>} : memref<80xi32, #tpu.memory_space<vmem>>, vector<16xi32>,
    tpu.vector_store %arg23[%swap3A], %add3A_19 {strides = array<i32>} : memref<80xi32, #tpu.memory_space<vmem>>, vector<16xi32>,
    %iota3A_21 = tpu.iota {dimensions = array<i32: 0>} : vector<16xi32>
    %add3A_22 = arith.constant 16 : i32
    %add3A_23 = vector.broadcast %add3A_22 : i32 to vector<16xi32>
    %add3A_24 = arith.addi %iota3A_21, %add3A_23 : vector<16xi32>
    %swap3A_25 = arith.constant 16 : index
    %swap3A_26 = tpu.vector_load %arg23[%swap3A_25] {strides = array<i32>} : memref<80xi32, #tpu.memory_space<vmem>>, vector<16xi32>,
    tpu.vector_store %arg23[%swap3A_25], %add3A_24 {strides = array<i32>} : memref<80xi32, #tpu.memory_space<vmem>>, vector<16xi32>,
    %iota3A_27 = tpu.iota {dimensions = array<i32: 0>} : vector<16xi32>
    %add3A_28 = arith.constant 32 : i32
    %add3A_29 = vector.broadcast %add3A_28 : i32 to vector<16xi32>
    %add3A_30 = arith.addi %iota3A_27, %add3A_29 : vector<16xi32>
    %swap3A_31 = arith.constant 32 : index
    %swap3A_32 = tpu.vector_load %arg23[%swap3A_31] {strides = array<i32>} : memref<80xi32, #tpu.memory_space<vmem>>, vector<16xi32>,
    tpu.vector_store %arg23[%swap3A_31], %add3A_30 {strides = array<i32>} : memref<80xi32, #tpu.memory_space<vmem>>, vector<16xi32>,
    %iota3A_33 = tpu.iota {dimensions = array<i32: 0>} : vector<16xi32>
    %add3A_34 = arith.constant 48 : i32
    %add3A_35 = vector.broadcast %add3A_34 : i32 to vector<16xi32>
    %add3A_36 = arith.addi %iota3A_33, %add3A_35 : vector<16xi32>
    %swap3A_37 = arith.constant 48 : index
    %swap3A_38 = tpu.vector_load %arg23[%swap3A_37] {strides = array<i32>} : memref<80xi32, #tpu.memory_space<vmem>>, vector<16xi32>,
    tpu.vector_store %arg23[%swap3A_37], %add3A_36 {strides = array<i32>} : memref<80xi32, #tpu.memory_space<vmem>>, vector<16xi32>,
    %iota3A_39 = tpu.iota {dimensions = array<i32: 0>} : vector<16xi32>
    %add3A_40 = arith.constant 64 : i32
    %add3A_41 = vector.broadcast %add3A_40 : i32 to vector<16xi32>
    %add3A_42 = arith.addi %iota3A_39, %add3A_41 : vector<16xi32>
    %swap3A_43 = arith.constant 64 : index
    %swap3A_44 = tpu.vector_load %arg23[%swap3A_43] {strides = array<i32>} : memref<80xi32, #tpu.memory_space<vmem>>, vector<16xi32>,
    tpu.vector_store %arg23[%swap3A_43], %add3A_42 {strides = array<i32>} : memref<80xi32, #tpu.memory_space<vmem>>, vector<16xi32>,
    %mul3A_45 = arith.constant 5 : i32
    %mul3A_46 = arith.muli %arg1, %mul3A_45 : i32
    "tpu.region"() ({
      %run_scoped3A = tpu.sem_alloc : memref<!tpu.dma_semaphore, #tpu.memory_space<semaphore_mem>>
      %dma_start3A_257 = arith.constant 0 : i32
      %dma_start3A_258 = arith.constant 0 : i32
      %dma_start3A_259 = tpu.memref_slice %arg22[%dma_start3A_257, %dma_start3A_258] : memref<80x128xf32, #tpu.memory_space<vmem>> -> memref<5x128xf32, #tpu.memory_space<vmem>>
      %dma_start3A_260 = arith.constant 0 : i32
      %dma_start3A_261 = tpu.memref_slice %arg24[%mul3A_46, %dma_start3A_260] : memref<80x128xf32, #tpu.memory_space<vmem_shared>> -> memref<5x128xf32, #tpu.memory_space<vmem_shared>>
      %dma_start3A_262 = arith.constant 0 : i32
      %dma_start3A_263 = tpu.memref_slice %arg24[%mul3A_46, %dma_start3A_262] : memref<80x128xf32, #tpu.memory_space<vmem_shared>> -> memref<5x128xf32, #tpu.memory_space<vmem_shared>>
      %dma_start3A_264 = arith.constant 0 : i32
      %dma_start3A_265 = arith.constant 0 : i32
      %dma_start3A_266 = tpu.memref_slice %arg22[%dma_start3A_264, %dma_start3A_265] : memref<80x128xf32, #tpu.memory_space<vmem>> -> memref<5x128xf32, #tpu.memory_space<vmem>>
      tpu.enqueue_dma source(%dma_start3A_266 : memref<5x128xf32, #tpu.memory_space<vmem>>) target(%dma_start3A_263 : memref<5x128xf32, #tpu.memory_space<vmem_shared>>) target_semaphore(%run_scoped3A : memref<!tpu.dma_semaphore, #tpu.memory_space<semaphore_mem>>)
      %dma_wait3A_267 = arith.constant 0 : i32
      %dma_wait3A_268 = arith.constant 0 : i32
      %dma_wait3A_269 = tpu.memref_slice %arg22[%dma_wait3A_267, %dma_wait3A_268] : memref<80x128xf32, #tpu.memory_space<vmem>> -> memref<5x128xf32, #tpu.memory_space<vmem>>
      %dma_wait3A_270 = arith.constant 0 : i32
      %dma_wait3A_271 = tpu.memref_slice %arg24[%mul3A_46, %dma_wait3A_270] : memref<80x128xf32, #tpu.memory_space<vmem_shared>> -> memref<5x128xf32, #tpu.memory_space<vmem_shared>>
      %dma_wait3A_272 = arith.constant 0 : i32
      %dma_wait3A_273 = tpu.memref_slice %arg24[%mul3A_46, %dma_wait3A_272] : memref<80x128xf32, #tpu.memory_space<vmem_shared>> -> memref<5x128xf32, #tpu.memory_space<vmem_shared>>
      %dma_wait3A_274 = arith.constant 0 : i32
      %dma_wait3A_275 = arith.constant 0 : i32
      %dma_wait3A_276 = tpu.memref_slice %arg22[%dma_wait3A_274, %dma_wait3A_275] : memref<80x128xf32, #tpu.memory_space<vmem>> -> memref<5x128xf32, #tpu.memory_space<vmem>>
      tpu.wait_dma2 semaphore(%run_scoped3A : memref<!tpu.dma_semaphore, #tpu.memory_space<semaphore_mem>>) src(%dma_wait3A_276 : memref<5x128xf32, #tpu.memory_space<vmem>>) dst(%dma_wait3A_273 : memref<5x128xf32, #tpu.memory_space<vmem_shared>>)
      tpu.yield
    }) : () -> ()
    %barrier3A = arith.constant 0 : index
    tpu.barrier barrier_id(%barrier3A)
    %dma_start3A = arith.constant 0 : i32
    %dma_start3A_47 = arith.constant 0 : i32
    %dma_start3A_48 = arith.constant 0 : i32
    %dma_start3A_49 = tpu.memref_slice %arg21[%dma_start3A, %dma_start3A_47, %dma_start3A_48] : memref<4x128x32xbf16, #tpu.memory_space<vmem>> -> memref<1x128x32xbf16, #tpu.memory_space<vmem>>
    %dma_start3A_50 = tpu.memref_squeeze %dma_start3A_49 : memref<1x128x32xbf16, #tpu.memory_space<vmem>> -> memref<128x32xbf16, #tpu.memory_space<vmem>>
    %dma_start3A_51 = arith.constant 0 : i32
    %dma_start3A_52 = tpu.memref_slice %arg8[%dma_start3A_51] : memref<10240xi32, #tpu.memory_space<vmem>> -> memref<128xi32, #tpu.memory_space<vmem>>
    %dma_start3A_53 = arith.constant 0 : i32
    %dma_start3A_54 = arith.constant 0 : i32
    %dma_start3A_55 = tpu.memref_slice %arg2[%dma_start3A_53, %dma_start3A_54] : memref<10240x32xbf16, #tpu.memory_space<hbm>> -> memref<10240x32xbf16, #tpu.memory_space<hbm>>
    tpu.enqueue_indirect_dma source(%dma_start3A_55 : memref<10240x32xbf16, #tpu.memory_space<hbm>>) target(%dma_start3A_50 : memref<128x32xbf16, #tpu.memory_space<vmem>>) offsets(%dma_start3A_52 : memref<128xi32, #tpu.memory_space<vmem>>) semaphore(%arg13 : memref<!tpu.dma_semaphore, #tpu.memory_space<semaphore_mem>>)
    %dma_start3A_56 = arith.constant 1 : i32
    %dma_start3A_57 = arith.constant 0 : i32
    %dma_start3A_58 = arith.constant 0 : i32
    %dma_start3A_59 = tpu.memref_slice %arg21[%dma_start3A_56, %dma_start3A_57, %dma_start3A_58] : memref<4x128x32xbf16, #tpu.memory_space<vmem>> -> memref<1x128x32xbf16, #tpu.memory_space<vmem>>
    %dma_start3A_60 = tpu.memref_squeeze %dma_start3A_59 : memref<1x128x32xbf16, #tpu.memory_space<vmem>> -> memref<128x32xbf16, #tpu.memory_space<vmem>>
    %dma_start3A_61 = arith.constant 128 : i32
    %dma_start3A_62 = tpu.memref_slice %arg8[%dma_start3A_61] : memref<10240xi32, #tpu.memory_space<vmem>> -> memref<128xi32, #tpu.memory_space<vmem>>
    %dma_start3A_63 = arith.constant 0 : i32
    %dma_start3A_64 = arith.constant 0 : i32
    %dma_start3A_65 = tpu.memref_slice %arg2[%dma_start3A_63, %dma_start3A_64] : memref<10240x32xbf16, #tpu.memory_space<hbm>> -> memref<10240x32xbf16, #tpu.memory_space<hbm>>
    tpu.enqueue_indirect_dma source(%dma_start3A_65 : memref<10240x32xbf16, #tpu.memory_space<hbm>>) target(%dma_start3A_60 : memref<128x32xbf16, #tpu.memory_space<vmem>>) offsets(%dma_start3A_62 : memref<128xi32, #tpu.memory_space<vmem>>) semaphore(%arg14 : memref<!tpu.dma_semaphore, #tpu.memory_space<semaphore_mem>>)
    %dma_start3A_66 = arith.constant 2 : i32
    %dma_start3A_67 = arith.constant 0 : i32
    %dma_start3A_68 = arith.constant 0 : i32
    %dma_start3A_69 = tpu.memref_slice %arg21[%dma_start3A_66, %dma_start3A_67, %dma_start3A_68] : memref<4x128x32xbf16, #tpu.memory_space<vmem>> -> memref<1x128x32xbf16, #tpu.memory_space<vmem>>
    %dma_start3A_70 = tpu.memref_squeeze %dma_start3A_69 : memref<1x128x32xbf16, #tpu.memory_space<vmem>> -> memref<128x32xbf16, #tpu.memory_space<vmem>>
    %dma_start3A_71 = arith.constant 256 : i32
    %dma_start3A_72 = tpu.memref_slice %arg8[%dma_start3A_71] : memref<10240xi32, #tpu.memory_space<vmem>> -> memref<128xi32, #tpu.memory_space<vmem>>
    %dma_start3A_73 = arith.constant 0 : i32
    %dma_start3A_74 = arith.constant 0 : i32
    %dma_start3A_75 = tpu.memref_slice %arg2[%dma_start3A_73, %dma_start3A_74] : memref<10240x32xbf16, #tpu.memory_space<hbm>> -> memref<10240x32xbf16, #tpu.memory_space<hbm>>
    tpu.enqueue_indirect_dma source(%dma_start3A_75 : memref<10240x32xbf16, #tpu.memory_space<hbm>>) target(%dma_start3A_70 : memref<128x32xbf16, #tpu.memory_space<vmem>>) offsets(%dma_start3A_72 : memref<128xi32, #tpu.memory_space<vmem>>) semaphore(%arg15 : memref<!tpu.dma_semaphore, #tpu.memory_space<semaphore_mem>>)
    %dma_start3A_76 = arith.constant 3 : i32
    %dma_start3A_77 = arith.constant 0 : i32
    %dma_start3A_78 = arith.constant 0 : i32
    %dma_start3A_79 = tpu.memref_slice %arg21[%dma_start3A_76, %dma_start3A_77, %dma_start3A_78] : memref<4x128x32xbf16, #tpu.memory_space<vmem>> -> memref<1x128x32xbf16, #tpu.memory_space<vmem>>
    %dma_start3A_80 = tpu.memref_squeeze %dma_start3A_79 : memref<1x128x32xbf16, #tpu.memory_space<vmem>> -> memref<128x32xbf16, #tpu.memory_space<vmem>>
    %dma_start3A_81 = arith.constant 384 : i32
    %dma_start3A_82 = tpu.memref_slice %arg8[%dma_start3A_81] : memref<10240xi32, #tpu.memory_space<vmem>> -> memref<128xi32, #tpu.memory_space<vmem>>
    %dma_start3A_83 = arith.constant 0 : i32
    %dma_start3A_84 = arith.constant 0 : i32
    %dma_start3A_85 = tpu.memref_slice %arg2[%dma_start3A_83, %dma_start3A_84] : memref<10240x32xbf16, #tpu.memory_space<hbm>> -> memref<10240x32xbf16, #tpu.memory_space<hbm>>
    tpu.enqueue_indirect_dma source(%dma_start3A_85 : memref<10240x32xbf16, #tpu.memory_space<hbm>>) target(%dma_start3A_80 : memref<128x32xbf16, #tpu.memory_space<vmem>>) offsets(%dma_start3A_82 : memref<128xi32, #tpu.memory_space<vmem>>) semaphore(%arg16 : memref<!tpu.dma_semaphore, #tpu.memory_space<semaphore_mem>>)
    %scan3A_86 = arith.constant 0 : i32
    %scan3A_87 = arith.constant 19 : i32
    %scan3A_88 = arith.addi %scan3A_86, %scan3A_87 : i32
    %scan3A_89 = arith.constant 1 : i32
    scf.for %scan3A_257 = %scan3A_86 to %scan3A_88 step %scan3A_89  : i32 {
      %mul3A_258 = arith.constant 2 : i32
      %mul3A_259 = arith.muli %scan3A_257, %mul3A_258 : i32
      %add3A_260 = arith.constant 0 : i32
      %add3A_261 = arith.addi %add3A_260, %mul3A_259 : i32
      %add3A_262 = arith.constant 0 : i32
      %add3A_263 = arith.addi %add3A_261, %add3A_262 : i32
      %mul3A_264 = arith.constant 2 : i32
      %mul3A_265 = arith.muli %add3A_263, %mul3A_264 : i32
      %dma_wait3A_266 = arith.constant 0 : i32
      %dma_wait3A_267 = arith.constant 0 : i32
      %dma_wait3A_268 = arith.constant 0 : i32
      %dma_wait3A_269 = tpu.memref_slice %arg21[%dma_wait3A_266, %dma_wait3A_267, %dma_wait3A_268] : memref<4x128x32xbf16, #tpu.memory_space<vmem>> -> memref<1x128x32xbf16, #tpu.memory_space<vmem>>
      %dma_wait3A_270 = tpu.memref_squeeze %dma_wait3A_269 : memref<1x128x32xbf16, #tpu.memory_space<vmem>> -> memref<128x32xbf16, #tpu.memory_space<vmem>>
      %dma_wait3A_271 = arith.constant 0 : i32
      %dma_wait3A_272 = tpu.memref_slice %arg8[%dma_wait3A_271] : memref<10240xi32, #tpu.memory_space<vmem>> -> memref<128xi32, #tpu.memory_space<vmem>>
      %dma_wait3A_273 = arith.constant 0 : i32
      %dma_wait3A_274 = arith.constant 0 : i32
      %dma_wait3A_275 = tpu.memref_slice %arg2[%dma_wait3A_273, %dma_wait3A_274] : memref<10240x32xbf16, #tpu.memory_space<hbm>> -> memref<10240x32xbf16, #tpu.memory_space<hbm>>
      tpu.wait_indirect_dma semaphore(%arg13 : memref<!tpu.dma_semaphore, #tpu.memory_space<semaphore_mem>>) src(%dma_wait3A_275 : memref<10240x32xbf16, #tpu.memory_space<hbm>>) dst(%dma_wait3A_270 : memref<128x32xbf16, #tpu.memory_space<vmem>>)
      %scan3A_276 = arith.constant 0 : i32
      %scan3A_277 = arith.constant 128 : i32
      %scan3A_278 = arith.addi %scan3A_276, %scan3A_277 : i32
      %scan3A_279 = arith.constant 1 : i32
      scf.for %scan3A_490 = %scan3A_276 to %scan3A_278 step %scan3A_279  : i32 {
        %mul3A_491 = arith.constant 1 : i32
        %mul3A_492 = arith.muli %scan3A_490, %mul3A_491 : i32
        %add3A_493 = arith.constant 0 : i32
        %add3A_494 = arith.addi %add3A_493, %mul3A_492 : i32
        %get3A = arith.constant 0 : i32
        %get3A_495 = arith.index_cast %get3A : i32 to index
        %get3A_496 = arith.index_cast %add3A_494 : i32 to index
        %get3A_497 = arith.constant 0 : index
        %get3A_498 = tpu.vector_load %arg21[%get3A_495, %get3A_496, %get3A_497] {strides = array<i32>} : memref<4x128x32xbf16, #tpu.memory_space<vmem>>, vector<32xbf16>,
        %unpack3A = tpu.unpack_subelements %get3A_498, 0 {pack_format = #tpu.pack_format<interleaved>} : vector<32xbf16> -> vector<16xf32>
        %unpack3A_499 = tpu.unpack_subelements %get3A_498, 1 {pack_format = #tpu.pack_format<interleaved>} : vector<32xbf16> -> vector<16xf32>
        %swap3A_500 = arith.constant 0 : i32
        %swap3A_501 = arith.index_cast %swap3A_500 : i32 to index
        %swap3A_502 = arith.index_cast %add3A_494 : i32 to index
        %swap3A_503 = arith.constant 0 : index
        %swap3A_504 = tpu.vector_load %arg10[%swap3A_501, %swap3A_502, %swap3A_503] {strides = array<i32>} : memref<4x128x32xf32, #tpu.memory_space<vmem>>, vector<16xf32>,
        tpu.vector_store %arg10[%swap3A_501, %swap3A_502, %swap3A_503], %unpack3A {strides = array<i32>} : memref<4x128x32xf32, #tpu.memory_space<vmem>>, vector<16xf32>,
        %swap3A_505 = arith.constant 0 : i32
        %swap3A_506 = arith.index_cast %swap3A_505 : i32 to index
        %swap3A_507 = arith.index_cast %add3A_494 : i32 to index
        %swap3A_508 = arith.constant 16 : index
        %swap3A_509 = tpu.vector_load %arg10[%swap3A_506, %swap3A_507, %swap3A_508] {strides = array<i32>} : memref<4x128x32xf32, #tpu.memory_space<vmem>>, vector<16xf32>,
        tpu.vector_store %arg10[%swap3A_506, %swap3A_507, %swap3A_508], %unpack3A_499 {strides = array<i32>} : memref<4x128x32xf32, #tpu.memory_space<vmem>>, vector<16xf32>,
      }
      %scan3A_280 = arith.constant 128 : i32
      %add3A_281 = arith.constant 0 : i32
      %add3A_282 = arith.addi %mul3A_265, %add3A_281 : i32
      %dma_start3A_283 = arith.constant 0 : i32
      %dma_start3A_284 = arith.constant 0 : i32
      %dma_start3A_285 = arith.constant 0 : i32
      %dma_start3A_286 = tpu.memref_slice %arg10[%dma_start3A_283, %dma_start3A_284, %dma_start3A_285] : memref<4x128x32xf32, #tpu.memory_space<vmem>> -> memref<1x128x32xf32, #tpu.memory_space<vmem>>
      %dma_start3A_287 = tpu.memref_squeeze %dma_start3A_286 : memref<1x128x32xf32, #tpu.memory_space<vmem>> -> memref<128x32xf32, #tpu.memory_space<vmem>>
      %dma_start3A_288 = arith.constant 0 : i32
      %dma_start3A_289 = tpu.memref_slice %arg9[%add3A_282, %dma_start3A_288] : memref<80x128xi32, #tpu.memory_space<vmem>> -> memref<1x128xi32, #tpu.memory_space<vmem>>
      %dma_start3A_290 = tpu.memref_squeeze %dma_start3A_289 : memref<1x128xi32, #tpu.memory_space<vmem>> -> memref<128xi32, #tpu.memory_space<vmem>>
      %dma_start3A_291 = arith.constant 0 : i32
      %dma_start3A_292 = arith.constant 0 : i32
      %dma_start3A_293 = tpu.memref_slice %arg12[%dma_start3A_291, %dma_start3A_292] : memref<10240x32xf32, #tpu.memory_space<vmem_shared>> -> memref<10240x32xf32, #tpu.memory_space<vmem_shared>>
      tpu.enqueue_indirect_dma source(%dma_start3A_287 : memref<128x32xf32, #tpu.memory_space<vmem>>) target(%dma_start3A_293 : memref<10240x32xf32, #tpu.memory_space<vmem_shared>>) offsets(%dma_start3A_290 : memref<128xi32, #tpu.memory_space<vmem>>) semaphore(%arg17 : memref<!tpu.dma_semaphore, #tpu.memory_space<semaphore_mem>>) {add = true}
      %dma_wait3A_294 = arith.constant 1 : i32
      %dma_wait3A_295 = arith.constant 0 : i32
      %dma_wait3A_296 = arith.constant 0 : i32
      %dma_wait3A_297 = tpu.memref_slice %arg21[%dma_wait3A_294, %dma_wait3A_295, %dma_wait3A_296] : memref<4x128x32xbf16, #tpu.memory_space<vmem>> -> memref<1x128x32xbf16, #tpu.memory_space<vmem>>
      %dma_wait3A_298 = tpu.memref_squeeze %dma_wait3A_297 : memref<1x128x32xbf16, #tpu.memory_space<vmem>> -> memref<128x32xbf16, #tpu.memory_space<vmem>>
      %dma_wait3A_299 = arith.constant 0 : i32
      %dma_wait3A_300 = tpu.memref_slice %arg8[%dma_wait3A_299] : memref<10240xi32, #tpu.memory_space<vmem>> -> memref<128xi32, #tpu.memory_space<vmem>>
      %dma_wait3A_301 = arith.constant 0 : i32
      %dma_wait3A_302 = arith.constant 0 : i32
      %dma_wait3A_303 = tpu.memref_slice %arg2[%dma_wait3A_301, %dma_wait3A_302] : memref<10240x32xbf16, #tpu.memory_space<hbm>> -> memref<10240x32xbf16, #tpu.memory_space<hbm>>
      tpu.wait_indirect_dma semaphore(%arg14 : memref<!tpu.dma_semaphore, #tpu.memory_space<semaphore_mem>>) src(%dma_wait3A_303 : memref<10240x32xbf16, #tpu.memory_space<hbm>>) dst(%dma_wait3A_298 : memref<128x32xbf16, #tpu.memory_space<vmem>>)
      %scan3A_304 = arith.constant 0 : i32
      %scan3A_305 = arith.constant 128 : i32
      %scan3A_306 = arith.addi %scan3A_304, %scan3A_305 : i32
      %scan3A_307 = arith.constant 1 : i32
      scf.for %scan3A_490 = %scan3A_304 to %scan3A_306 step %scan3A_307  : i32 {
        %mul3A_491 = arith.constant 1 : i32
        %mul3A_492 = arith.muli %scan3A_490, %mul3A_491 : i32
        %add3A_493 = arith.constant 0 : i32
        %add3A_494 = arith.addi %add3A_493, %mul3A_492 : i32
        %get3A = arith.constant 1 : i32
        %get3A_495 = arith.index_cast %get3A : i32 to index
        %get3A_496 = arith.index_cast %add3A_494 : i32 to index
        %get3A_497 = arith.constant 0 : index
        %get3A_498 = tpu.vector_load %arg21[%get3A_495, %get3A_496, %get3A_497] {strides = array<i32>} : memref<4x128x32xbf16, #tpu.memory_space<vmem>>, vector<32xbf16>,
        %unpack3A = tpu.unpack_subelements %get3A_498, 0 {pack_format = #tpu.pack_format<interleaved>} : vector<32xbf16> -> vector<16xf32>
        %unpack3A_499 = tpu.unpack_subelements %get3A_498, 1 {pack_format = #tpu.pack_format<interleaved>} : vector<32xbf16> -> vector<16xf32>
        %swap3A_500 = arith.constant 1 : i32
        %swap3A_501 = arith.index_cast %swap3A_500 : i32 to index
        %swap3A_502 = arith.index_cast %add3A_494 : i32 to index
        %swap3A_503 = arith.constant 0 : index
        %swap3A_504 = tpu.vector_load %arg10[%swap3A_501, %swap3A_502, %swap3A_503] {strides = array<i32>} : memref<4x128x32xf32, #tpu.memory_space<vmem>>, vector<16xf32>,
        tpu.vector_store %arg10[%swap3A_501, %swap3A_502, %swap3A_503], %unpack3A {strides = array<i32>} : memref<4x128x32xf32, #tpu.memory_space<vmem>>, vector<16xf32>,
        %swap3A_505 = arith.constant 1 : i32
        %swap3A_506 = arith.index_cast %swap3A_505 : i32 to index
        %swap3A_507 = arith.index_cast %add3A_494 : i32 to index
        %swap3A_508 = arith.constant 16 : index
        %swap3A_509 = tpu.vector_load %arg10[%swap3A_506, %swap3A_507, %swap3A_508] {strides = array<i32>} : memref<4x128x32xf32, #tpu.memory_space<vmem>>, vector<16xf32>,
        tpu.vector_store %arg10[%swap3A_506, %swap3A_507, %swap3A_508], %unpack3A_499 {strides = array<i32>} : memref<4x128x32xf32, #tpu.memory_space<vmem>>, vector<16xf32>,
      }
      %scan3A_308 = arith.constant 128 : i32
      %add3A_309 = arith.constant 1 : i32
      %add3A_310 = arith.addi %mul3A_265, %add3A_309 : i32
      %dma_start3A_311 = arith.constant 1 : i32
      %dma_start3A_312 = arith.constant 0 : i32
      %dma_start3A_313 = arith.constant 0 : i32
      %dma_start3A_314 = tpu.memref_slice %arg10[%dma_start3A_311, %dma_start3A_312, %dma_start3A_313] : memref<4x128x32xf32, #tpu.memory_space<vmem>> -> memref<1x128x32xf32, #tpu.memory_space<vmem>>
      %dma_start3A_315 = tpu.memref_squeeze %dma_start3A_314 : memref<1x128x32xf32, #tpu.memory_space<vmem>> -> memref<128x32xf32, #tpu.memory_space<vmem>>
      %dma_start3A_316 = arith.constant 0 : i32
      %dma_start3A_317 = tpu.memref_slice %arg9[%add3A_310, %dma_start3A_316] : memref<80x128xi32, #tpu.memory_space<vmem>> -> memref<1x128xi32, #tpu.memory_space<vmem>>
      %dma_start3A_318 = tpu.memref_squeeze %dma_start3A_317 : memref<1x128xi32, #tpu.memory_space<vmem>> -> memref<128xi32, #tpu.memory_space<vmem>>
      %dma_start3A_319 = arith.constant 0 : i32
      %dma_start3A_320 = arith.constant 0 : i32
      %dma_start3A_321 = tpu.memref_slice %arg12[%dma_start3A_319, %dma_start3A_320] : memref<10240x32xf32, #tpu.memory_space<vmem_shared>> -> memref<10240x32xf32, #tpu.memory_space<vmem_shared>>
      tpu.enqueue_indirect_dma source(%dma_start3A_315 : memref<128x32xf32, #tpu.memory_space<vmem>>) target(%dma_start3A_321 : memref<10240x32xf32, #tpu.memory_space<vmem_shared>>) offsets(%dma_start3A_318 : memref<128xi32, #tpu.memory_space<vmem>>) semaphore(%arg18 : memref<!tpu.dma_semaphore, #tpu.memory_space<semaphore_mem>>) {add = true}
      %dma_wait3A_322 = arith.constant 0 : i32
      %dma_wait3A_323 = arith.constant 0 : i32
      %dma_wait3A_324 = arith.constant 0 : i32
      %dma_wait3A_325 = arith.constant 0 : i32
      %dma_wait3A_326 = tpu.memref_slice %arg10[%dma_wait3A_322, %dma_wait3A_324, %dma_wait3A_325] : memref<4x128x32xf32, #tpu.memory_space<vmem>> -> memref<1x128x32xf32, #tpu.memory_space<vmem>>
      %dma_wait3A_327 = tpu.memref_squeeze %dma_wait3A_326 : memref<1x128x32xf32, #tpu.memory_space<vmem>> -> memref<128x32xf32, #tpu.memory_space<vmem>>
      %dma_wait3A_328 = arith.constant 0 : i32
      %dma_wait3A_329 = tpu.memref_slice %arg9[%dma_wait3A_323, %dma_wait3A_328] : memref<80x128xi32, #tpu.memory_space<vmem>> -> memref<1x128xi32, #tpu.memory_space<vmem>>
      %dma_wait3A_330 = tpu.memref_squeeze %dma_wait3A_329 : memref<1x128xi32, #tpu.memory_space<vmem>> -> memref<128xi32, #tpu.memory_space<vmem>>
      %dma_wait3A_331 = arith.constant 0 : i32
      %dma_wait3A_332 = arith.constant 0 : i32
      %dma_wait3A_333 = tpu.memref_slice %arg12[%dma_wait3A_331, %dma_wait3A_332] : memref<10240x32xf32, #tpu.memory_space<vmem_shared>> -> memref<10240x32xf32, #tpu.memory_space<vmem_shared>>
      tpu.wait_indirect_dma semaphore(%arg17 : memref<!tpu.dma_semaphore, #tpu.memory_space<semaphore_mem>>) src(%dma_wait3A_327 : memref<128x32xf32, #tpu.memory_space<vmem>>) dst(%dma_wait3A_333 : memref<10240x32xf32, #tpu.memory_space<vmem_shared>>)
      %add3A_334 = arith.constant 4 : i32
      %add3A_335 = arith.addi %mul3A_265, %add3A_334 : i32
      %add3A_336 = arith.constant 0 : i32
      %add3A_337 = arith.addi %add3A_335, %add3A_336 : i32
      %mul3A_338 = arith.constant 128 : i32
      %mul3A_339 = arith.muli %add3A_337, %mul3A_338 : i32
      %dma_start3A_340 = arith.constant 0 : i32
      %dma_start3A_341 = arith.constant 0 : i32
      %dma_start3A_342 = arith.constant 0 : i32
      %dma_start3A_343 = tpu.memref_slice %arg21[%dma_start3A_340, %dma_start3A_341, %dma_start3A_342] : memref<4x128x32xbf16, #tpu.memory_space<vmem>> -> memref<1x128x32xbf16, #tpu.memory_space<vmem>>
      %dma_start3A_344 = tpu.memref_squeeze %dma_start3A_343 : memref<1x128x32xbf16, #tpu.memory_space<vmem>> -> memref<128x32xbf16, #tpu.memory_space<vmem>>
      %dma_start3A_345 = tpu.memref_slice %arg8[%mul3A_339] : memref<10240xi32, #tpu.memory_space<vmem>> -> memref<128xi32, #tpu.memory_space<vmem>>
      %dma_start3A_346 = arith.constant 0 : i32
      %dma_start3A_347 = arith.constant 0 : i32
      %dma_start3A_348 = tpu.memref_slice %arg2[%dma_start3A_346, %dma_start3A_347] : memref<10240x32xbf16, #tpu.memory_space<hbm>> -> memref<10240x32xbf16, #tpu.memory_space<hbm>>
      tpu.enqueue_indirect_dma source(%dma_start3A_348 : memref<10240x32xbf16, #tpu.memory_space<hbm>>) target(%dma_start3A_344 : memref<128x32xbf16, #tpu.memory_space<vmem>>) offsets(%dma_start3A_345 : memref<128xi32, #tpu.memory_space<vmem>>) semaphore(%arg13 : memref<!tpu.dma_semaphore, #tpu.memory_space<semaphore_mem>>)
      %dma_wait3A_349 = arith.constant 1 : i32
      %dma_wait3A_350 = arith.constant 0 : i32
      %dma_wait3A_351 = arith.constant 0 : i32
      %dma_wait3A_352 = arith.constant 0 : i32
      %dma_wait3A_353 = tpu.memref_slice %arg10[%dma_wait3A_349, %dma_wait3A_351, %dma_wait3A_352] : memref<4x128x32xf32, #tpu.memory_space<vmem>> -> memref<1x128x32xf32, #tpu.memory_space<vmem>>
      %dma_wait3A_354 = tpu.memref_squeeze %dma_wait3A_353 : memref<1x128x32xf32, #tpu.memory_space<vmem>> -> memref<128x32xf32, #tpu.memory_space<vmem>>
      %dma_wait3A_355 = arith.constant 0 : i32
      %dma_wait3A_356 = tpu.memref_slice %arg9[%dma_wait3A_350, %dma_wait3A_355] : memref<80x128xi32, #tpu.memory_space<vmem>> -> memref<1x128xi32, #tpu.memory_space<vmem>>
      %dma_wait3A_357 = tpu.memref_squeeze %dma_wait3A_356 : memref<1x128xi32, #tpu.memory_space<vmem>> -> memref<128xi32, #tpu.memory_space<vmem>>
      %dma_wait3A_358 = arith.constant 0 : i32
      %dma_wait3A_359 = arith.constant 0 : i32
      %dma_wait3A_360 = tpu.memref_slice %arg12[%dma_wait3A_358, %dma_wait3A_359] : memref<10240x32xf32, #tpu.memory_space<vmem_shared>> -> memref<10240x32xf32, #tpu.memory_space<vmem_shared>>
      tpu.wait_indirect_dma semaphore(%arg18 : memref<!tpu.dma_semaphore, #tpu.memory_space<semaphore_mem>>) src(%dma_wait3A_354 : memref<128x32xf32, #tpu.memory_space<vmem>>) dst(%dma_wait3A_360 : memref<10240x32xf32, #tpu.memory_space<vmem_shared>>)
      %add3A_361 = arith.constant 4 : i32
      %add3A_362 = arith.addi %mul3A_265, %add3A_361 : i32
      %add3A_363 = arith.constant 1 : i32
      %add3A_364 = arith.addi %add3A_362, %add3A_363 : i32
      %mul3A_365 = arith.constant 128 : i32
      %mul3A_366 = arith.muli %add3A_364, %mul3A_365 : i32
      %dma_start3A_367 = arith.constant 1 : i32
      %dma_start3A_368 = arith.constant 0 : i32
      %dma_start3A_369 = arith.constant 0 : i32
      %dma_start3A_370 = tpu.memref_slice %arg21[%dma_start3A_367, %dma_start3A_368, %dma_start3A_369] : memref<4x128x32xbf16, #tpu.memory_space<vmem>> -> memref<1x128x32xbf16, #tpu.memory_space<vmem>>
      %dma_start3A_371 = tpu.memref_squeeze %dma_start3A_370 : memref<1x128x32xbf16, #tpu.memory_space<vmem>> -> memref<128x32xbf16, #tpu.memory_space<vmem>>
      %dma_start3A_372 = tpu.memref_slice %arg8[%mul3A_366] : memref<10240xi32, #tpu.memory_space<vmem>> -> memref<128xi32, #tpu.memory_space<vmem>>
      %dma_start3A_373 = arith.constant 0 : i32
      %dma_start3A_374 = arith.constant 0 : i32
      %dma_start3A_375 = tpu.memref_slice %arg2[%dma_start3A_373, %dma_start3A_374] : memref<10240x32xbf16, #tpu.memory_space<hbm>> -> memref<10240x32xbf16, #tpu.memory_space<hbm>>
      tpu.enqueue_indirect_dma source(%dma_start3A_375 : memref<10240x32xbf16, #tpu.memory_space<hbm>>) target(%dma_start3A_371 : memref<128x32xbf16, #tpu.memory_space<vmem>>) offsets(%dma_start3A_372 : memref<128xi32, #tpu.memory_space<vmem>>) semaphore(%arg14 : memref<!tpu.dma_semaphore, #tpu.memory_space<semaphore_mem>>)
      %add3A_376 = arith.constant 1 : i32
      %add3A_377 = arith.addi %add3A_261, %add3A_376 : i32
      %mul3A_378 = arith.constant 2 : i32
      %mul3A_379 = arith.muli %add3A_377, %mul3A_378 : i32
      %dma_wait3A_380 = arith.constant 2 : i32
      %dma_wait3A_381 = arith.constant 0 : i32
      %dma_wait3A_382 = arith.constant 0 : i32
      %dma_wait3A_383 = tpu.memref_slice %arg21[%dma_wait3A_380, %dma_wait3A_381, %dma_wait3A_382] : memref<4x128x32xbf16, #tpu.memory_space<vmem>> -> memref<1x128x32xbf16, #tpu.memory_space<vmem>>
      %dma_wait3A_384 = tpu.memref_squeeze %dma_wait3A_383 : memref<1x128x32xbf16, #tpu.memory_space<vmem>> -> memref<128x32xbf16, #tpu.memory_space<vmem>>
      %dma_wait3A_385 = arith.constant 0 : i32
      %dma_wait3A_386 = tpu.memref_slice %arg8[%dma_wait3A_385] : memref<10240xi32, #tpu.memory_space<vmem>> -> memref<128xi32, #tpu.memory_space<vmem>>
      %dma_wait3A_387 = arith.constant 0 : i32
      %dma_wait3A_388 = arith.constant 0 : i32
      %dma_wait3A_389 = tpu.memref_slice %arg2[%dma_wait3A_387, %dma_wait3A_388] : memref<10240x32xbf16, #tpu.memory_space<hbm>> -> memref<10240x32xbf16, #tpu.memory_space<hbm>>
      tpu.wait_indirect_dma semaphore(%arg15 : memref<!tpu.dma_semaphore, #tpu.memory_space<semaphore_mem>>) src(%dma_wait3A_389 : memref<10240x32xbf16, #tpu.memory_space<hbm>>) dst(%dma_wait3A_384 : memref<128x32xbf16, #tpu.memory_space<vmem>>)
      %scan3A_390 = arith.constant 0 : i32
      %scan3A_391 = arith.constant 128 : i32
      %scan3A_392 = arith.addi %scan3A_390, %scan3A_391 : i32
      %scan3A_393 = arith.constant 1 : i32
      scf.for %scan3A_490 = %scan3A_390 to %scan3A_392 step %scan3A_393  : i32 {
        %mul3A_491 = arith.constant 1 : i32
        %mul3A_492 = arith.muli %scan3A_490, %mul3A_491 : i32
        %add3A_493 = arith.constant 0 : i32
        %add3A_494 = arith.addi %add3A_493, %mul3A_492 : i32
        %get3A = arith.constant 2 : i32
        %get3A_495 = arith.index_cast %get3A : i32 to index
        %get3A_496 = arith.index_cast %add3A_494 : i32 to index
        %get3A_497 = arith.constant 0 : index
        %get3A_498 = tpu.vector_load %arg21[%get3A_495, %get3A_496, %get3A_497] {strides = array<i32>} : memref<4x128x32xbf16, #tpu.memory_space<vmem>>, vector<32xbf16>,
        %unpack3A = tpu.unpack_subelements %get3A_498, 0 {pack_format = #tpu.pack_format<interleaved>} : vector<32xbf16> -> vector<16xf32>
        %unpack3A_499 = tpu.unpack_subelements %get3A_498, 1 {pack_format = #tpu.pack_format<interleaved>} : vector<32xbf16> -> vector<16xf32>
        %swap3A_500 = arith.constant 2 : i32
        %swap3A_501 = arith.index_cast %swap3A_500 : i32 to index
        %swap3A_502 = arith.index_cast %add3A_494 : i32 to index
        %swap3A_503 = arith.constant 0 : index
        %swap3A_504 = tpu.vector_load %arg10[%swap3A_501, %swap3A_502, %swap3A_503] {strides = array<i32>} : memref<4x128x32xf32, #tpu.memory_space<vmem>>, vector<16xf32>,
        tpu.vector_store %arg10[%swap3A_501, %swap3A_502, %swap3A_503], %unpack3A {strides = array<i32>} : memref<4x128x32xf32, #tpu.memory_space<vmem>>, vector<16xf32>,
        %swap3A_505 = arith.constant 2 : i32
        %swap3A_506 = arith.index_cast %swap3A_505 : i32 to index
        %swap3A_507 = arith.index_cast %add3A_494 : i32 to index
        %swap3A_508 = arith.constant 16 : index
        %swap3A_509 = tpu.vector_load %arg10[%swap3A_506, %swap3A_507, %swap3A_508] {strides = array<i32>} : memref<4x128x32xf32, #tpu.memory_space<vmem>>, vector<16xf32>,
        tpu.vector_store %arg10[%swap3A_506, %swap3A_507, %swap3A_508], %unpack3A_499 {strides = array<i32>} : memref<4x128x32xf32, #tpu.memory_space<vmem>>, vector<16xf32>,
      }
      %scan3A_394 = arith.constant 128 : i32
      %add3A_395 = arith.constant 0 : i32
      %add3A_396 = arith.addi %mul3A_379, %add3A_395 : i32
      %dma_start3A_397 = arith.constant 2 : i32
      %dma_start3A_398 = arith.constant 0 : i32
      %dma_start3A_399 = arith.constant 0 : i32
      %dma_start3A_400 = tpu.memref_slice %arg10[%dma_start3A_397, %dma_start3A_398, %dma_start3A_399] : memref<4x128x32xf32, #tpu.memory_space<vmem>> -> memref<1x128x32xf32, #tpu.memory_space<vmem>>
      %dma_start3A_401 = tpu.memref_squeeze %dma_start3A_400 : memref<1x128x32xf32, #tpu.memory_space<vmem>> -> memref<128x32xf32, #tpu.memory_space<vmem>>
      %dma_start3A_402 = arith.constant 0 : i32
      %dma_start3A_403 = tpu.memref_slice %arg9[%add3A_396, %dma_start3A_402] : memref<80x128xi32, #tpu.memory_space<vmem>> -> memref<1x128xi32, #tpu.memory_space<vmem>>
      %dma_start3A_404 = tpu.memref_squeeze %dma_start3A_403 : memref<1x128xi32, #tpu.memory_space<vmem>> -> memref<128xi32, #tpu.memory_space<vmem>>
      %dma_start3A_405 = arith.constant 0 : i32
      %dma_start3A_406 = arith.constant 0 : i32
      %dma_start3A_407 = tpu.memref_slice %arg12[%dma_start3A_405, %dma_start3A_406] : memref<10240x32xf32, #tpu.memory_space<vmem_shared>> -> memref<10240x32xf32, #tpu.memory_space<vmem_shared>>
      tpu.enqueue_indirect_dma source(%dma_start3A_401 : memref<128x32xf32, #tpu.memory_space<vmem>>) target(%dma_start3A_407 : memref<10240x32xf32, #tpu.memory_space<vmem_shared>>) offsets(%dma_start3A_404 : memref<128xi32, #tpu.memory_space<vmem>>) semaphore(%arg19 : memref<!tpu.dma_semaphore, #tpu.memory_space<semaphore_mem>>) {add = true}
      %dma_wait3A_408 = arith.constant 3 : i32
      %dma_wait3A_409 = arith.constant 0 : i32
      %dma_wait3A_410 = arith.constant 0 : i32
      %dma_wait3A_411 = tpu.memref_slice %arg21[%dma_wait3A_408, %dma_wait3A_409, %dma_wait3A_410] : memref<4x128x32xbf16, #tpu.memory_space<vmem>> -> memref<1x128x32xbf16, #tpu.memory_space<vmem>>
      %dma_wait3A_412 = tpu.memref_squeeze %dma_wait3A_411 : memref<1x128x32xbf16, #tpu.memory_space<vmem>> -> memref<128x32xbf16, #tpu.memory_space<vmem>>
      %dma_wait3A_413 = arith.constant 0 : i32
      %dma_wait3A_414 = tpu.memref_slice %arg8[%dma_wait3A_413] : memref<10240xi32, #tpu.memory_space<vmem>> -> memref<128xi32, #tpu.memory_space<vmem>>
      %dma_wait3A_415 = arith.constant 0 : i32
      %dma_wait3A_416 = arith.constant 0 : i32
      %dma_wait3A_417 = tpu.memref_slice %arg2[%dma_wait3A_415, %dma_wait3A_416] : memref<10240x32xbf16, #tpu.memory_space<hbm>> -> memref<10240x32xbf16, #tpu.memory_space<hbm>>
      tpu.wait_indirect_dma semaphore(%arg16 : memref<!tpu.dma_semaphore, #tpu.memory_space<semaphore_mem>>) src(%dma_wait3A_417 : memref<10240x32xbf16, #tpu.memory_space<hbm>>) dst(%dma_wait3A_412 : memref<128x32xbf16, #tpu.memory_space<vmem>>)
      %scan3A_418 = arith.constant 0 : i32
      %scan3A_419 = arith.constant 128 : i32
      %scan3A_420 = arith.addi %scan3A_418, %scan3A_419 : i32
      %scan3A_421 = arith.constant 1 : i32
      scf.for %scan3A_490 = %scan3A_418 to %scan3A_420 step %scan3A_421  : i32 {
        %mul3A_491 = arith.constant 1 : i32
        %mul3A_492 = arith.muli %scan3A_490, %mul3A_491 : i32
        %add3A_493 = arith.constant 0 : i32
        %add3A_494 = arith.addi %add3A_493, %mul3A_492 : i32
        %get3A = arith.constant 3 : i32
        %get3A_495 = arith.index_cast %get3A : i32 to index
        %get3A_496 = arith.index_cast %add3A_494 : i32 to index
        %get3A_497 = arith.constant 0 : index
        %get3A_498 = tpu.vector_load %arg21[%get3A_495, %get3A_496, %get3A_497] {strides = array<i32>} : memref<4x128x32xbf16, #tpu.memory_space<vmem>>, vector<32xbf16>,
        %unpack3A = tpu.unpack_subelements %get3A_498, 0 {pack_format = #tpu.pack_format<interleaved>} : vector<32xbf16> -> vector<16xf32>
        %unpack3A_499 = tpu.unpack_subelements %get3A_498, 1 {pack_format = #tpu.pack_format<interleaved>} : vector<32xbf16> -> vector<16xf32>
        %swap3A_500 = arith.constant 3 : i32
        %swap3A_501 = arith.index_cast %swap3A_500 : i32 to index
        %swap3A_502 = arith.index_cast %add3A_494 : i32 to index
        %swap3A_503 = arith.constant 0 : index
        %swap3A_504 = tpu.vector_load %arg10[%swap3A_501, %swap3A_502, %swap3A_503] {strides = array<i32>} : memref<4x128x32xf32, #tpu.memory_space<vmem>>, vector<16xf32>,
        tpu.vector_store %arg10[%swap3A_501, %swap3A_502, %swap3A_503], %unpack3A {strides = array<i32>} : memref<4x128x32xf32, #tpu.memory_space<vmem>>, vector<16xf32>,
        %swap3A_505 = arith.constant 3 : i32
        %swap3A_506 = arith.index_cast %swap3A_505 : i32 to index
        %swap3A_507 = arith.index_cast %add3A_494 : i32 to index
        %swap3A_508 = arith.constant 16 : index
        %swap3A_509 = tpu.vector_load %arg10[%swap3A_506, %swap3A_507, %swap3A_508] {strides = array<i32>} : memref<4x128x32xf32, #tpu.memory_space<vmem>>, vector<16xf32>,
        tpu.vector_store %arg10[%swap3A_506, %swap3A_507, %swap3A_508], %unpack3A_499 {strides = array<i32>} : memref<4x128x32xf32, #tpu.memory_space<vmem>>, vector<16xf32>,
      }
      %scan3A_422 = arith.constant 128 : i32
      %add3A_423 = arith.constant 1 : i32
      %add3A_424 = arith.addi %mul3A_379, %add3A_423 : i32
      %dma_start3A_425 = arith.constant 3 : i32
      %dma_start3A_426 = arith.constant 0 : i32
      %dma_start3A_427 = arith.constant 0 : i32
      %dma_start3A_428 = tpu.memref_slice %arg10[%dma_start3A_425, %dma_start3A_426, %dma_start3A_427] : memref<4x128x32xf32, #tpu.memory_space<vmem>> -> memref<1x128x32xf32, #tpu.memory_space<vmem>>
      %dma_start3A_429 = tpu.memref_squeeze %dma_start3A_428 : memref<1x128x32xf32, #tpu.memory_space<vmem>> -> memref<128x32xf32, #tpu.memory_space<vmem>>
      %dma_start3A_430 = arith.constant 0 : i32
      %dma_start3A_431 = tpu.memref_slice %arg9[%add3A_424, %dma_start3A_430] : memref<80x128xi32, #tpu.memory_space<vmem>> -> memref<1x128xi32, #tpu.memory_space<vmem>>
      %dma_start3A_432 = tpu.memref_squeeze %dma_start3A_431 : memref<1x128xi32, #tpu.memory_space<vmem>> -> memref<128xi32, #tpu.memory_space<vmem>>
      %dma_start3A_433 = arith.constant 0 : i32
      %dma_start3A_434 = arith.constant 0 : i32
      %dma_start3A_435 = tpu.memref_slice %arg12[%dma_start3A_433, %dma_start3A_434] : memref<10240x32xf32, #tpu.memory_space<vmem_shared>> -> memref<10240x32xf32, #tpu.memory_space<vmem_shared>>
      tpu.enqueue_indirect_dma source(%dma_start3A_429 : memref<128x32xf32, #tpu.memory_space<vmem>>) target(%dma_start3A_435 : memref<10240x32xf32, #tpu.memory_space<vmem_shared>>) offsets(%dma_start3A_432 : memref<128xi32, #tpu.memory_space<vmem>>) semaphore(%arg20 : memref<!tpu.dma_semaphore, #tpu.memory_space<semaphore_mem>>) {add = true}
      %dma_wait3A_436 = arith.constant 2 : i32
      %dma_wait3A_437 = arith.constant 0 : i32
      %dma_wait3A_438 = arith.constant 0 : i32
      %dma_wait3A_439 = arith.constant 0 : i32
      %dma_wait3A_440 = tpu.memref_slice %arg10[%dma_wait3A_436, %dma_wait3A_438, %dma_wait3A_439] : memref<4x128x32xf32, #tpu.memory_space<vmem>> -> memref<1x128x32xf32, #tpu.memory_space<vmem>>
      %dma_wait3A_441 = tpu.memref_squeeze %dma_wait3A_440 : memref<1x128x32xf32, #tpu.memory_space<vmem>> -> memref<128x32xf32, #tpu.memory_space<vmem>>
      %dma_wait3A_442 = arith.constant 0 : i32
      %dma_wait3A_443 = tpu.memref_slice %arg9[%dma_wait3A_437, %dma_wait3A_442] : memref<80x128xi32, #tpu.memory_space<vmem>> -> memref<1x128xi32, #tpu.memory_space<vmem>>
      %dma_wait3A_444 = tpu.memref_squeeze %dma_wait3A_443 : memref<1x128xi32, #tpu.memory_space<vmem>> -> memref<128xi32, #tpu.memory_space<vmem>>
      %dma_wait3A_445 = arith.constant 0 : i32
      %dma_wait3A_446 = arith.constant 0 : i32
      %dma_wait3A_447 = tpu.memref_slice %arg12[%dma_wait3A_445, %dma_wait3A_446] : memref<10240x32xf32, #tpu.memory_space<vmem_shared>> -> memref<10240x32xf32, #tpu.memory_space<vmem_shared>>
      tpu.wait_indirect_dma semaphore(%arg19 : memref<!tpu.dma_semaphore, #tpu.memory_space<semaphore_mem>>) src(%dma_wait3A_441 : memref<128x32xf32, #tpu.memory_space<vmem>>) dst(%dma_wait3A_447 : memref<10240x32xf32, #tpu.memory_space<vmem_shared>>)
      %add3A_448 = arith.constant 4 : i32
      %add3A_449 = arith.addi %mul3A_379, %add3A_448 : i32
      %add3A_450 = arith.constant 0 : i32
      %add3A_451 = arith.addi %add3A_449, %add3A_450 : i32
      %mul3A_452 = arith.constant 128 : i32
      %mul3A_453 = arith.muli %add3A_451, %mul3A_452 : i32
      %dma_start3A_454 = arith.constant 2 : i32
      %dma_start3A_455 = arith.constant 0 : i32
      %dma_start3A_456 = arith.constant 0 : i32
      %dma_start3A_457 = tpu.memref_slice %arg21[%dma_start3A_454, %dma_start3A_455, %dma_start3A_456] : memref<4x128x32xbf16, #tpu.memory_space<vmem>> -> memref<1x128x32xbf16, #tpu.memory_space<vmem>>
      %dma_start3A_458 = tpu.memref_squeeze %dma_start3A_457 : memref<1x128x32xbf16, #tpu.memory_space<vmem>> -> memref<128x32xbf16, #tpu.memory_space<vmem>>
      %dma_start3A_459 = tpu.memref_slice %arg8[%mul3A_453] : memref<10240xi32, #tpu.memory_space<vmem>> -> memref<128xi32, #tpu.memory_space<vmem>>
      %dma_start3A_460 = arith.constant 0 : i32
      %dma_start3A_461 = arith.constant 0 : i32
      %dma_start3A_462 = tpu.memref_slice %arg2[%dma_start3A_460, %dma_start3A_461] : memref<10240x32xbf16, #tpu.memory_space<hbm>> -> memref<10240x32xbf16, #tpu.memory_space<hbm>>
      tpu.enqueue_indirect_dma source(%dma_start3A_462 : memref<10240x32xbf16, #tpu.memory_space<hbm>>) target(%dma_start3A_458 : memref<128x32xbf16, #tpu.memory_space<vmem>>) offsets(%dma_start3A_459 : memref<128xi32, #tpu.memory_space<vmem>>) semaphore(%arg15 : memref<!tpu.dma_semaphore, #tpu.memory_space<semaphore_mem>>)
      %dma_wait3A_463 = arith.constant 3 : i32
      %dma_wait3A_464 = arith.constant 0 : i32
      %dma_wait3A_465 = arith.constant 0 : i32
      %dma_wait3A_466 = arith.constant 0 : i32
      %dma_wait3A_467 = tpu.memref_slice %arg10[%dma_wait3A_463, %dma_wait3A_465, %dma_wait3A_466] : memref<4x128x32xf32, #tpu.memory_space<vmem>> -> memref<1x128x32xf32, #tpu.memory_space<vmem>>
      %dma_wait3A_468 = tpu.memref_squeeze %dma_wait3A_467 : memref<1x128x32xf32, #tpu.memory_space<vmem>> -> memref<128x32xf32, #tpu.memory_space<vmem>>
      %dma_wait3A_469 = arith.constant 0 : i32
      %dma_wait3A_470 = tpu.memref_slice %arg9[%dma_wait3A_464, %dma_wait3A_469] : memref<80x128xi32, #tpu.memory_space<vmem>> -> memref<1x128xi32, #tpu.memory_space<vmem>>
      %dma_wait3A_471 = tpu.memref_squeeze %dma_wait3A_470 : memref<1x128xi32, #tpu.memory_space<vmem>> -> memref<128xi32, #tpu.memory_space<vmem>>
      %dma_wait3A_472 = arith.constant 0 : i32
      %dma_wait3A_473 = arith.constant 0 : i32
      %dma_wait3A_474 = tpu.memref_slice %arg12[%dma_wait3A_472, %dma_wait3A_473] : memref<10240x32xf32, #tpu.memory_space<vmem_shared>> -> memref<10240x32xf32, #tpu.memory_space<vmem_shared>>
      tpu.wait_indirect_dma semaphore(%arg20 : memref<!tpu.dma_semaphore, #tpu.memory_space<semaphore_mem>>) src(%dma_wait3A_468 : memref<128x32xf32, #tpu.memory_space<vmem>>) dst(%dma_wait3A_474 : memref<10240x32xf32, #tpu.memory_space<vmem_shared>>)
      %add3A_475 = arith.constant 4 : i32
      %add3A_476 = arith.addi %mul3A_379, %add3A_475 : i32
      %add3A_477 = arith.constant 1 : i32
      %add3A_478 = arith.addi %add3A_476, %add3A_477 : i32
      %mul3A_479 = arith.constant 128 : i32
      %mul3A_480 = arith.muli %add3A_478, %mul3A_479 : i32
      %dma_start3A_481 = arith.constant 3 : i32
      %dma_start3A_482 = arith.constant 0 : i32
      %dma_start3A_483 = arith.constant 0 : i32
      %dma_start3A_484 = tpu.memref_slice %arg21[%dma_start3A_481, %dma_start3A_482, %dma_start3A_483] : memref<4x128x32xbf16, #tpu.memory_space<vmem>> -> memref<1x128x32xbf16, #tpu.memory_space<vmem>>
      %dma_start3A_485 = tpu.memref_squeeze %dma_start3A_484 : memref<1x128x32xbf16, #tpu.memory_space<vmem>> -> memref<128x32xbf16, #tpu.memory_space<vmem>>
      %dma_start3A_486 = tpu.memref_slice %arg8[%mul3A_480] : memref<10240xi32, #tpu.memory_space<vmem>> -> memref<128xi32, #tpu.memory_space<vmem>>
      %dma_start3A_487 = arith.constant 0 : i32
      %dma_start3A_488 = arith.constant 0 : i32
      %dma_start3A_489 = tpu.memref_slice %arg2[%dma_start3A_487, %dma_start3A_488] : memref<10240x32xbf16, #tpu.memory_space<hbm>> -> memref<10240x32xbf16, #tpu.memory_space<hbm>>
      tpu.enqueue_indirect_dma source(%dma_start3A_489 : memref<10240x32xbf16, #tpu.memory_space<hbm>>) target(%dma_start3A_485 : memref<128x32xbf16, #tpu.memory_space<vmem>>) offsets(%dma_start3A_486 : memref<128xi32, #tpu.memory_space<vmem>>) semaphore(%arg16 : memref<!tpu.dma_semaphore, #tpu.memory_space<semaphore_mem>>)
    }
    %scan3A_90 = arith.constant 19 : i32
    %dma_wait3A = arith.constant 0 : i32
    %dma_wait3A_91 = arith.constant 0 : i32
    %dma_wait3A_92 = arith.constant 0 : i32
    %dma_wait3A_93 = tpu.memref_slice %arg21[%dma_wait3A, %dma_wait3A_91, %dma_wait3A_92] : memref<4x128x32xbf16, #tpu.memory_space<vmem>> -> memref<1x128x32xbf16, #tpu.memory_space<vmem>>
    %dma_wait3A_94 = tpu.memref_squeeze %dma_wait3A_93 : memref<1x128x32xbf16, #tpu.memory_space<vmem>> -> memref<128x32xbf16, #tpu.memory_space<vmem>>
    %dma_wait3A_95 = arith.constant 0 : i32
    %dma_wait3A_96 = tpu.memref_slice %arg8[%dma_wait3A_95] : memref<10240xi32, #tpu.memory_space<vmem>> -> memref<128xi32, #tpu.memory_space<vmem>>
    %dma_wait3A_97 = arith.constant 0 : i32
    %dma_wait3A_98 = arith.constant 0 : i32
    %dma_wait3A_99 = tpu.memref_slice %arg2[%dma_wait3A_97, %dma_wait3A_98] : memref<10240x32xbf16, #tpu.memory_space<hbm>> -> memref<10240x32xbf16, #tpu.memory_space<hbm>>
    tpu.wait_indirect_dma semaphore(%arg13 : memref<!tpu.dma_semaphore, #tpu.memory_space<semaphore_mem>>) src(%dma_wait3A_99 : memref<10240x32xbf16, #tpu.memory_space<hbm>>) dst(%dma_wait3A_94 : memref<128x32xbf16, #tpu.memory_space<vmem>>)
    %scan3A_100 = arith.constant 0 : i32
    %scan3A_101 = arith.constant 128 : i32
    %scan3A_102 = arith.addi %scan3A_100, %scan3A_101 : i32
    %scan3A_103 = arith.constant 1 : i32
    scf.for %scan3A_257 = %scan3A_100 to %scan3A_102 step %scan3A_103  : i32 {
      %mul3A_258 = arith.constant 1 : i32
      %mul3A_259 = arith.muli %scan3A_257, %mul3A_258 : i32
      %add3A_260 = arith.constant 0 : i32
      %add3A_261 = arith.addi %add3A_260, %mul3A_259 : i32
      %get3A = arith.constant 0 : i32
      %get3A_262 = arith.index_cast %get3A : i32 to index
      %get3A_263 = arith.index_cast %add3A_261 : i32 to index
      %get3A_264 = arith.constant 0 : index
      %get3A_265 = tpu.vector_load %arg21[%get3A_262, %get3A_263, %get3A_264] {strides = array<i32>} : memref<4x128x32xbf16, #tpu.memory_space<vmem>>, vector<32xbf16>,
      %unpack3A = tpu.unpack_subelements %get3A_265, 0 {pack_format = #tpu.pack_format<interleaved>} : vector<32xbf16> -> vector<16xf32>
      %unpack3A_266 = tpu.unpack_subelements %get3A_265, 1 {pack_format = #tpu.pack_format<interleaved>} : vector<32xbf16> -> vector<16xf32>
      %swap3A_267 = arith.constant 0 : i32
      %swap3A_268 = arith.index_cast %swap3A_267 : i32 to index
      %swap3A_269 = arith.index_cast %add3A_261 : i32 to index
      %swap3A_270 = arith.constant 0 : index
      %swap3A_271 = tpu.vector_load %arg10[%swap3A_268, %swap3A_269, %swap3A_270] {strides = array<i32>} : memref<4x128x32xf32, #tpu.memory_space<vmem>>, vector<16xf32>,
      tpu.vector_store %arg10[%swap3A_268, %swap3A_269, %swap3A_270], %unpack3A {strides = array<i32>} : memref<4x128x32xf32, #tpu.memory_space<vmem>>, vector<16xf32>,
      %swap3A_272 = arith.constant 0 : i32
      %swap3A_273 = arith.index_cast %swap3A_272 : i32 to index
      %swap3A_274 = arith.index_cast %add3A_261 : i32 to index
      %swap3A_275 = arith.constant 16 : index
      %swap3A_276 = tpu.vector_load %arg10[%swap3A_273, %swap3A_274, %swap3A_275] {strides = array<i32>} : memref<4x128x32xf32, #tpu.memory_space<vmem>>, vector<16xf32>,
      tpu.vector_store %arg10[%swap3A_273, %swap3A_274, %swap3A_275], %unpack3A_266 {strides = array<i32>} : memref<4x128x32xf32, #tpu.memory_space<vmem>>, vector<16xf32>,
    }
    %scan3A_104 = arith.constant 128 : i32
    %dma_start3A_105 = arith.constant 0 : i32
    %dma_start3A_106 = arith.constant 76 : i32
    %dma_start3A_107 = arith.constant 0 : i32
    %dma_start3A_108 = arith.constant 0 : i32
    %dma_start3A_109 = tpu.memref_slice %arg10[%dma_start3A_105, %dma_start3A_107, %dma_start3A_108] : memref<4x128x32xf32, #tpu.memory_space<vmem>> -> memref<1x128x32xf32, #tpu.memory_space<vmem>>
    %dma_start3A_110 = tpu.memref_squeeze %dma_start3A_109 : memref<1x128x32xf32, #tpu.memory_space<vmem>> -> memref<128x32xf32, #tpu.memory_space<vmem>>
    %dma_start3A_111 = arith.constant 0 : i32
    %dma_start3A_112 = tpu.memref_slice %arg9[%dma_start3A_106, %dma_start3A_111] : memref<80x128xi32, #tpu.memory_space<vmem>> -> memref<1x128xi32, #tpu.memory_space<vmem>>
    %dma_start3A_113 = tpu.memref_squeeze %dma_start3A_112 : memref<1x128xi32, #tpu.memory_space<vmem>> -> memref<128xi32, #tpu.memory_space<vmem>>
    %dma_start3A_114 = arith.constant 0 : i32
    %dma_start3A_115 = arith.constant 0 : i32
    %dma_start3A_116 = tpu.memref_slice %arg12[%dma_start3A_114, %dma_start3A_115] : memref<10240x32xf32, #tpu.memory_space<vmem_shared>> -> memref<10240x32xf32, #tpu.memory_space<vmem_shared>>
    tpu.enqueue_indirect_dma source(%dma_start3A_110 : memref<128x32xf32, #tpu.memory_space<vmem>>) target(%dma_start3A_116 : memref<10240x32xf32, #tpu.memory_space<vmem_shared>>) offsets(%dma_start3A_113 : memref<128xi32, #tpu.memory_space<vmem>>) semaphore(%arg17 : memref<!tpu.dma_semaphore, #tpu.memory_space<semaphore_mem>>) {add = true}
    %dma_wait3A_117 = arith.constant 1 : i32
    %dma_wait3A_118 = arith.constant 0 : i32
    %dma_wait3A_119 = arith.constant 0 : i32
    %dma_wait3A_120 = tpu.memref_slice %arg21[%dma_wait3A_117, %dma_wait3A_118, %dma_wait3A_119] : memref<4x128x32xbf16, #tpu.memory_space<vmem>> -> memref<1x128x32xbf16, #tpu.memory_space<vmem>>
    %dma_wait3A_121 = tpu.memref_squeeze %dma_wait3A_120 : memref<1x128x32xbf16, #tpu.memory_space<vmem>> -> memref<128x32xbf16, #tpu.memory_space<vmem>>
    %dma_wait3A_122 = arith.constant 0 : i32
    %dma_wait3A_123 = tpu.memref_slice %arg8[%dma_wait3A_122] : memref<10240xi32, #tpu.memory_space<vmem>> -> memref<128xi32, #tpu.memory_space<vmem>>
    %dma_wait3A_124 = arith.constant 0 : i32
    %dma_wait3A_125 = arith.constant 0 : i32
    %dma_wait3A_126 = tpu.memref_slice %arg2[%dma_wait3A_124, %dma_wait3A_125] : memref<10240x32xbf16, #tpu.memory_space<hbm>> -> memref<10240x32xbf16, #tpu.memory_space<hbm>>
    tpu.wait_indirect_dma semaphore(%arg14 : memref<!tpu.dma_semaphore, #tpu.memory_space<semaphore_mem>>) src(%dma_wait3A_126 : memref<10240x32xbf16, #tpu.memory_space<hbm>>) dst(%dma_wait3A_121 : memref<128x32xbf16, #tpu.memory_space<vmem>>)
    %scan3A_127 = arith.constant 0 : i32
    %scan3A_128 = arith.constant 128 : i32
    %scan3A_129 = arith.addi %scan3A_127, %scan3A_128 : i32
    %scan3A_130 = arith.constant 1 : i32
    scf.for %scan3A_257 = %scan3A_127 to %scan3A_129 step %scan3A_130  : i32 {
      %mul3A_258 = arith.constant 1 : i32
      %mul3A_259 = arith.muli %scan3A_257, %mul3A_258 : i32
      %add3A_260 = arith.constant 0 : i32
      %add3A_261 = arith.addi %add3A_260, %mul3A_259 : i32
      %get3A = arith.constant 1 : i32
      %get3A_262 = arith.index_cast %get3A : i32 to index
      %get3A_263 = arith.index_cast %add3A_261 : i32 to index
      %get3A_264 = arith.constant 0 : index
      %get3A_265 = tpu.vector_load %arg21[%get3A_262, %get3A_263, %get3A_264] {strides = array<i32>} : memref<4x128x32xbf16, #tpu.memory_space<vmem>>, vector<32xbf16>,
      %unpack3A = tpu.unpack_subelements %get3A_265, 0 {pack_format = #tpu.pack_format<interleaved>} : vector<32xbf16> -> vector<16xf32>
      %unpack3A_266 = tpu.unpack_subelements %get3A_265, 1 {pack_format = #tpu.pack_format<interleaved>} : vector<32xbf16> -> vector<16xf32>
      %swap3A_267 = arith.constant 1 : i32
      %swap3A_268 = arith.index_cast %swap3A_267 : i32 to index
      %swap3A_269 = arith.index_cast %add3A_261 : i32 to index
      %swap3A_270 = arith.constant 0 : index
      %swap3A_271 = tpu.vector_load %arg10[%swap3A_268, %swap3A_269, %swap3A_270] {strides = array<i32>} : memref<4x128x32xf32, #tpu.memory_space<vmem>>, vector<16xf32>,
      tpu.vector_store %arg10[%swap3A_268, %swap3A_269, %swap3A_270], %unpack3A {strides = array<i32>} : memref<4x128x32xf32, #tpu.memory_space<vmem>>, vector<16xf32>,
      %swap3A_272 = arith.constant 1 : i32
      %swap3A_273 = arith.index_cast %swap3A_272 : i32 to index
      %swap3A_274 = arith.index_cast %add3A_261 : i32 to index
      %swap3A_275 = arith.constant 16 : index
      %swap3A_276 = tpu.vector_load %arg10[%swap3A_273, %swap3A_274, %swap3A_275] {strides = array<i32>} : memref<4x128x32xf32, #tpu.memory_space<vmem>>, vector<16xf32>,
      tpu.vector_store %arg10[%swap3A_273, %swap3A_274, %swap3A_275], %unpack3A_266 {strides = array<i32>} : memref<4x128x32xf32, #tpu.memory_space<vmem>>, vector<16xf32>,
    }
    %scan3A_131 = arith.constant 128 : i32
    %dma_start3A_132 = arith.constant 1 : i32
    %dma_start3A_133 = arith.constant 77 : i32
    %dma_start3A_134 = arith.constant 0 : i32
    %dma_start3A_135 = arith.constant 0 : i32
    %dma_start3A_136 = tpu.memref_slice %arg10[%dma_start3A_132, %dma_start3A_134, %dma_start3A_135] : memref<4x128x32xf32, #tpu.memory_space<vmem>> -> memref<1x128x32xf32, #tpu.memory_space<vmem>>
    %dma_start3A_137 = tpu.memref_squeeze %dma_start3A_136 : memref<1x128x32xf32, #tpu.memory_space<vmem>> -> memref<128x32xf32, #tpu.memory_space<vmem>>
    %dma_start3A_138 = arith.constant 0 : i32
    %dma_start3A_139 = tpu.memref_slice %arg9[%dma_start3A_133, %dma_start3A_138] : memref<80x128xi32, #tpu.memory_space<vmem>> -> memref<1x128xi32, #tpu.memory_space<vmem>>
    %dma_start3A_140 = tpu.memref_squeeze %dma_start3A_139 : memref<1x128xi32, #tpu.memory_space<vmem>> -> memref<128xi32, #tpu.memory_space<vmem>>
    %dma_start3A_141 = arith.constant 0 : i32
    %dma_start3A_142 = arith.constant 0 : i32
    %dma_start3A_143 = tpu.memref_slice %arg12[%dma_start3A_141, %dma_start3A_142] : memref<10240x32xf32, #tpu.memory_space<vmem_shared>> -> memref<10240x32xf32, #tpu.memory_space<vmem_shared>>
    tpu.enqueue_indirect_dma source(%dma_start3A_137 : memref<128x32xf32, #tpu.memory_space<vmem>>) target(%dma_start3A_143 : memref<10240x32xf32, #tpu.memory_space<vmem_shared>>) offsets(%dma_start3A_140 : memref<128xi32, #tpu.memory_space<vmem>>) semaphore(%arg18 : memref<!tpu.dma_semaphore, #tpu.memory_space<semaphore_mem>>) {add = true}
    %dma_wait3A_144 = arith.constant 0 : i32
    %dma_wait3A_145 = arith.constant 0 : i32
    %dma_wait3A_146 = arith.constant 0 : i32
    %dma_wait3A_147 = arith.constant 0 : i32
    %dma_wait3A_148 = tpu.memref_slice %arg10[%dma_wait3A_144, %dma_wait3A_146, %dma_wait3A_147] : memref<4x128x32xf32, #tpu.memory_space<vmem>> -> memref<1x128x32xf32, #tpu.memory_space<vmem>>
    %dma_wait3A_149 = tpu.memref_squeeze %dma_wait3A_148 : memref<1x128x32xf32, #tpu.memory_space<vmem>> -> memref<128x32xf32, #tpu.memory_space<vmem>>
    %dma_wait3A_150 = arith.constant 0 : i32
    %dma_wait3A_151 = tpu.memref_slice %arg9[%dma_wait3A_145, %dma_wait3A_150] : memref<80x128xi32, #tpu.memory_space<vmem>> -> memref<1x128xi32, #tpu.memory_space<vmem>>
    %dma_wait3A_152 = tpu.memref_squeeze %dma_wait3A_151 : memref<1x128xi32, #tpu.memory_space<vmem>> -> memref<128xi32, #tpu.memory_space<vmem>>
    %dma_wait3A_153 = arith.constant 0 : i32
    %dma_wait3A_154 = arith.constant 0 : i32
    %dma_wait3A_155 = tpu.memref_slice %arg12[%dma_wait3A_153, %dma_wait3A_154] : memref<10240x32xf32, #tpu.memory_space<vmem_shared>> -> memref<10240x32xf32, #tpu.memory_space<vmem_shared>>
    tpu.wait_indirect_dma semaphore(%arg17 : memref<!tpu.dma_semaphore, #tpu.memory_space<semaphore_mem>>) src(%dma_wait3A_149 : memref<128x32xf32, #tpu.memory_space<vmem>>) dst(%dma_wait3A_155 : memref<10240x32xf32, #tpu.memory_space<vmem_shared>>)
    %dma_wait3A_156 = arith.constant 1 : i32
    %dma_wait3A_157 = arith.constant 0 : i32
    %dma_wait3A_158 = arith.constant 0 : i32
    %dma_wait3A_159 = arith.constant 0 : i32
    %dma_wait3A_160 = tpu.memref_slice %arg10[%dma_wait3A_156, %dma_wait3A_158, %dma_wait3A_159] : memref<4x128x32xf32, #tpu.memory_space<vmem>> -> memref<1x128x32xf32, #tpu.memory_space<vmem>>
    %dma_wait3A_161 = tpu.memref_squeeze %dma_wait3A_160 : memref<1x128x32xf32, #tpu.memory_space<vmem>> -> memref<128x32xf32, #tpu.memory_space<vmem>>
    %dma_wait3A_162 = arith.constant 0 : i32
    %dma_wait3A_163 = tpu.memref_slice %arg9[%dma_wait3A_157, %dma_wait3A_162] : memref<80x128xi32, #tpu.memory_space<vmem>> -> memref<1x128xi32, #tpu.memory_space<vmem>>
    %dma_wait3A_164 = tpu.memref_squeeze %dma_wait3A_163 : memref<1x128xi32, #tpu.memory_space<vmem>> -> memref<128xi32, #tpu.memory_space<vmem>>
    %dma_wait3A_165 = arith.constant 0 : i32
    %dma_wait3A_166 = arith.constant 0 : i32
    %dma_wait3A_167 = tpu.memref_slice %arg12[%dma_wait3A_165, %dma_wait3A_166] : memref<10240x32xf32, #tpu.memory_space<vmem_shared>> -> memref<10240x32xf32, #tpu.memory_space<vmem_shared>>
    tpu.wait_indirect_dma semaphore(%arg18 : memref<!tpu.dma_semaphore, #tpu.memory_space<semaphore_mem>>) src(%dma_wait3A_161 : memref<128x32xf32, #tpu.memory_space<vmem>>) dst(%dma_wait3A_167 : memref<10240x32xf32, #tpu.memory_space<vmem_shared>>)
    %dma_wait3A_168 = arith.constant 2 : i32
    %dma_wait3A_169 = arith.constant 0 : i32
    %dma_wait3A_170 = arith.constant 0 : i32
    %dma_wait3A_171 = tpu.memref_slice %arg21[%dma_wait3A_168, %dma_wait3A_169, %dma_wait3A_170] : memref<4x128x32xbf16, #tpu.memory_space<vmem>> -> memref<1x128x32xbf16, #tpu.memory_space<vmem>>
    %dma_wait3A_172 = tpu.memref_squeeze %dma_wait3A_171 : memref<1x128x32xbf16, #tpu.memory_space<vmem>> -> memref<128x32xbf16, #tpu.memory_space<vmem>>
    %dma_wait3A_173 = arith.constant 0 : i32
    %dma_wait3A_174 = tpu.memref_slice %arg8[%dma_wait3A_173] : memref<10240xi32, #tpu.memory_space<vmem>> -> memref<128xi32, #tpu.memory_space<vmem>>
    %dma_wait3A_175 = arith.constant 0 : i32
    %dma_wait3A_176 = arith.constant 0 : i32
    %dma_wait3A_177 = tpu.memref_slice %arg2[%dma_wait3A_175, %dma_wait3A_176] : memref<10240x32xbf16, #tpu.memory_space<hbm>> -> memref<10240x32xbf16, #tpu.memory_space<hbm>>
    tpu.wait_indirect_dma semaphore(%arg15 : memref<!tpu.dma_semaphore, #tpu.memory_space<semaphore_mem>>) src(%dma_wait3A_177 : memref<10240x32xbf16, #tpu.memory_space<hbm>>) dst(%dma_wait3A_172 : memref<128x32xbf16, #tpu.memory_space<vmem>>)
    %scan3A_178 = arith.constant 0 : i32
    %scan3A_179 = arith.constant 128 : i32
    %scan3A_180 = arith.addi %scan3A_178, %scan3A_179 : i32
    %scan3A_181 = arith.constant 1 : i32
    scf.for %scan3A_257 = %scan3A_178 to %scan3A_180 step %scan3A_181  : i32 {
      %mul3A_258 = arith.constant 1 : i32
      %mul3A_259 = arith.muli %scan3A_257, %mul3A_258 : i32
      %add3A_260 = arith.constant 0 : i32
      %add3A_261 = arith.addi %add3A_260, %mul3A_259 : i32
      %get3A = arith.constant 2 : i32
      %get3A_262 = arith.index_cast %get3A : i32 to index
      %get3A_263 = arith.index_cast %add3A_261 : i32 to index
      %get3A_264 = arith.constant 0 : index
      %get3A_265 = tpu.vector_load %arg21[%get3A_262, %get3A_263, %get3A_264] {strides = array<i32>} : memref<4x128x32xbf16, #tpu.memory_space<vmem>>, vector<32xbf16>,
      %unpack3A = tpu.unpack_subelements %get3A_265, 0 {pack_format = #tpu.pack_format<interleaved>} : vector<32xbf16> -> vector<16xf32>
      %unpack3A_266 = tpu.unpack_subelements %get3A_265, 1 {pack_format = #tpu.pack_format<interleaved>} : vector<32xbf16> -> vector<16xf32>
      %swap3A_267 = arith.constant 2 : i32
      %swap3A_268 = arith.index_cast %swap3A_267 : i32 to index
      %swap3A_269 = arith.index_cast %add3A_261 : i32 to index
      %swap3A_270 = arith.constant 0 : index
      %swap3A_271 = tpu.vector_load %arg10[%swap3A_268, %swap3A_269, %swap3A_270] {strides = array<i32>} : memref<4x128x32xf32, #tpu.memory_space<vmem>>, vector<16xf32>,
      tpu.vector_store %arg10[%swap3A_268, %swap3A_269, %swap3A_270], %unpack3A {strides = array<i32>} : memref<4x128x32xf32, #tpu.memory_space<vmem>>, vector<16xf32>,
      %swap3A_272 = arith.constant 2 : i32
      %swap3A_273 = arith.index_cast %swap3A_272 : i32 to index
      %swap3A_274 = arith.index_cast %add3A_261 : i32 to index
      %swap3A_275 = arith.constant 16 : index
      %swap3A_276 = tpu.vector_load %arg10[%swap3A_273, %swap3A_274, %swap3A_275] {strides = array<i32>} : memref<4x128x32xf32, #tpu.memory_space<vmem>>, vector<16xf32>,
      tpu.vector_store %arg10[%swap3A_273, %swap3A_274, %swap3A_275], %unpack3A_266 {strides = array<i32>} : memref<4x128x32xf32, #tpu.memory_space<vmem>>, vector<16xf32>,
    }
    %scan3A_182 = arith.constant 128 : i32
    %dma_start3A_183 = arith.constant 2 : i32
    %dma_start3A_184 = arith.constant 78 : i32
    %dma_start3A_185 = arith.constant 0 : i32
    %dma_start3A_186 = arith.constant 0 : i32
    %dma_start3A_187 = tpu.memref_slice %arg10[%dma_start3A_183, %dma_start3A_185, %dma_start3A_186] : memref<4x128x32xf32, #tpu.memory_space<vmem>> -> memref<1x128x32xf32, #tpu.memory_space<vmem>>
    %dma_start3A_188 = tpu.memref_squeeze %dma_start3A_187 : memref<1x128x32xf32, #tpu.memory_space<vmem>> -> memref<128x32xf32, #tpu.memory_space<vmem>>
    %dma_start3A_189 = arith.constant 0 : i32
    %dma_start3A_190 = tpu.memref_slice %arg9[%dma_start3A_184, %dma_start3A_189] : memref<80x128xi32, #tpu.memory_space<vmem>> -> memref<1x128xi32, #tpu.memory_space<vmem>>
    %dma_start3A_191 = tpu.memref_squeeze %dma_start3A_190 : memref<1x128xi32, #tpu.memory_space<vmem>> -> memref<128xi32, #tpu.memory_space<vmem>>
    %dma_start3A_192 = arith.constant 0 : i32
    %dma_start3A_193 = arith.constant 0 : i32
    %dma_start3A_194 = tpu.memref_slice %arg12[%dma_start3A_192, %dma_start3A_193] : memref<10240x32xf32, #tpu.memory_space<vmem_shared>> -> memref<10240x32xf32, #tpu.memory_space<vmem_shared>>
    tpu.enqueue_indirect_dma source(%dma_start3A_188 : memref<128x32xf32, #tpu.memory_space<vmem>>) target(%dma_start3A_194 : memref<10240x32xf32, #tpu.memory_space<vmem_shared>>) offsets(%dma_start3A_191 : memref<128xi32, #tpu.memory_space<vmem>>) semaphore(%arg19 : memref<!tpu.dma_semaphore, #tpu.memory_space<semaphore_mem>>) {add = true}
    %dma_wait3A_195 = arith.constant 3 : i32
    %dma_wait3A_196 = arith.constant 0 : i32
    %dma_wait3A_197 = arith.constant 0 : i32
    %dma_wait3A_198 = tpu.memref_slice %arg21[%dma_wait3A_195, %dma_wait3A_196, %dma_wait3A_197] : memref<4x128x32xbf16, #tpu.memory_space<vmem>> -> memref<1x128x32xbf16, #tpu.memory_space<vmem>>
    %dma_wait3A_199 = tpu.memref_squeeze %dma_wait3A_198 : memref<1x128x32xbf16, #tpu.memory_space<vmem>> -> memref<128x32xbf16, #tpu.memory_space<vmem>>
    %dma_wait3A_200 = arith.constant 0 : i32
    %dma_wait3A_201 = tpu.memref_slice %arg8[%dma_wait3A_200] : memref<10240xi32, #tpu.memory_space<vmem>> -> memref<128xi32, #tpu.memory_space<vmem>>
    %dma_wait3A_202 = arith.constant 0 : i32
    %dma_wait3A_203 = arith.constant 0 : i32
    %dma_wait3A_204 = tpu.memref_slice %arg2[%dma_wait3A_202, %dma_wait3A_203] : memref<10240x32xbf16, #tpu.memory_space<hbm>> -> memref<10240x32xbf16, #tpu.memory_space<hbm>>
    tpu.wait_indirect_dma semaphore(%arg16 : memref<!tpu.dma_semaphore, #tpu.memory_space<semaphore_mem>>) src(%dma_wait3A_204 : memref<10240x32xbf16, #tpu.memory_space<hbm>>) dst(%dma_wait3A_199 : memref<128x32xbf16, #tpu.memory_space<vmem>>)
    %scan3A_205 = arith.constant 0 : i32
    %scan3A_206 = arith.constant 128 : i32
    %scan3A_207 = arith.addi %scan3A_205, %scan3A_206 : i32
    %scan3A_208 = arith.constant 1 : i32
    scf.for %scan3A_257 = %scan3A_205 to %scan3A_207 step %scan3A_208  : i32 {
      %mul3A_258 = arith.constant 1 : i32
      %mul3A_259 = arith.muli %scan3A_257, %mul3A_258 : i32
      %add3A_260 = arith.constant 0 : i32
      %add3A_261 = arith.addi %add3A_260, %mul3A_259 : i32
      %get3A = arith.constant 3 : i32
      %get3A_262 = arith.index_cast %get3A : i32 to index
      %get3A_263 = arith.index_cast %add3A_261 : i32 to index
      %get3A_264 = arith.constant 0 : index
      %get3A_265 = tpu.vector_load %arg21[%get3A_262, %get3A_263, %get3A_264] {strides = array<i32>} : memref<4x128x32xbf16, #tpu.memory_space<vmem>>, vector<32xbf16>,
      %unpack3A = tpu.unpack_subelements %get3A_265, 0 {pack_format = #tpu.pack_format<interleaved>} : vector<32xbf16> -> vector<16xf32>
      %unpack3A_266 = tpu.unpack_subelements %get3A_265, 1 {pack_format = #tpu.pack_format<interleaved>} : vector<32xbf16> -> vector<16xf32>
      %swap3A_267 = arith.constant 3 : i32
      %swap3A_268 = arith.index_cast %swap3A_267 : i32 to index
      %swap3A_269 = arith.index_cast %add3A_261 : i32 to index
      %swap3A_270 = arith.constant 0 : index
      %swap3A_271 = tpu.vector_load %arg10[%swap3A_268, %swap3A_269, %swap3A_270] {strides = array<i32>} : memref<4x128x32xf32, #tpu.memory_space<vmem>>, vector<16xf32>,
      tpu.vector_store %arg10[%swap3A_268, %swap3A_269, %swap3A_270], %unpack3A {strides = array<i32>} : memref<4x128x32xf32, #tpu.memory_space<vmem>>, vector<16xf32>,
      %swap3A_272 = arith.constant 3 : i32
      %swap3A_273 = arith.index_cast %swap3A_272 : i32 to index
      %swap3A_274 = arith.index_cast %add3A_261 : i32 to index
      %swap3A_275 = arith.constant 16 : index
      %swap3A_276 = tpu.vector_load %arg10[%swap3A_273, %swap3A_274, %swap3A_275] {strides = array<i32>} : memref<4x128x32xf32, #tpu.memory_space<vmem>>, vector<16xf32>,
      tpu.vector_store %arg10[%swap3A_273, %swap3A_274, %swap3A_275], %unpack3A_266 {strides = array<i32>} : memref<4x128x32xf32, #tpu.memory_space<vmem>>, vector<16xf32>,
    }
    %scan3A_209 = arith.constant 128 : i32
    %dma_start3A_210 = arith.constant 3 : i32
    %dma_start3A_211 = arith.constant 79 : i32
    %dma_start3A_212 = arith.constant 0 : i32
    %dma_start3A_213 = arith.constant 0 : i32
    %dma_start3A_214 = tpu.memref_slice %arg10[%dma_start3A_210, %dma_start3A_212, %dma_start3A_213] : memref<4x128x32xf32, #tpu.memory_space<vmem>> -> memref<1x128x32xf32, #tpu.memory_space<vmem>>
    %dma_start3A_215 = tpu.memref_squeeze %dma_start3A_214 : memref<1x128x32xf32, #tpu.memory_space<vmem>> -> memref<128x32xf32, #tpu.memory_space<vmem>>
    %dma_start3A_216 = arith.constant 0 : i32
    %dma_start3A_217 = tpu.memref_slice %arg9[%dma_start3A_211, %dma_start3A_216] : memref<80x128xi32, #tpu.memory_space<vmem>> -> memref<1x128xi32, #tpu.memory_space<vmem>>
    %dma_start3A_218 = tpu.memref_squeeze %dma_start3A_217 : memref<1x128xi32, #tpu.memory_space<vmem>> -> memref<128xi32, #tpu.memory_space<vmem>>
    %dma_start3A_219 = arith.constant 0 : i32
    %dma_start3A_220 = arith.constant 0 : i32
    %dma_start3A_221 = tpu.memref_slice %arg12[%dma_start3A_219, %dma_start3A_220] : memref<10240x32xf32, #tpu.memory_space<vmem_shared>> -> memref<10240x32xf32, #tpu.memory_space<vmem_shared>>
    tpu.enqueue_indirect_dma source(%dma_start3A_215 : memref<128x32xf32, #tpu.memory_space<vmem>>) target(%dma_start3A_221 : memref<10240x32xf32, #tpu.memory_space<vmem_shared>>) offsets(%dma_start3A_218 : memref<128xi32, #tpu.memory_space<vmem>>) semaphore(%arg20 : memref<!tpu.dma_semaphore, #tpu.memory_space<semaphore_mem>>) {add = true}
    %dma_wait3A_222 = arith.constant 2 : i32
    %dma_wait3A_223 = arith.constant 0 : i32
    %dma_wait3A_224 = arith.constant 0 : i32
    %dma_wait3A_225 = arith.constant 0 : i32
    %dma_wait3A_226 = tpu.memref_slice %arg10[%dma_wait3A_222, %dma_wait3A_224, %dma_wait3A_225] : memref<4x128x32xf32, #tpu.memory_space<vmem>> -> memref<1x128x32xf32, #tpu.memory_space<vmem>>
    %dma_wait3A_227 = tpu.memref_squeeze %dma_wait3A_226 : memref<1x128x32xf32, #tpu.memory_space<vmem>> -> memref<128x32xf32, #tpu.memory_space<vmem>>
    %dma_wait3A_228 = arith.constant 0 : i32
    %dma_wait3A_229 = tpu.memref_slice %arg9[%dma_wait3A_223, %dma_wait3A_228] : memref<80x128xi32, #tpu.memory_space<vmem>> -> memref<1x128xi32, #tpu.memory_space<vmem>>
    %dma_wait3A_230 = tpu.memref_squeeze %dma_wait3A_229 : memref<1x128xi32, #tpu.memory_space<vmem>> -> memref<128xi32, #tpu.memory_space<vmem>>
    %dma_wait3A_231 = arith.constant 0 : i32
    %dma_wait3A_232 = arith.constant 0 : i32
    %dma_wait3A_233 = tpu.memref_slice %arg12[%dma_wait3A_231, %dma_wait3A_232] : memref<10240x32xf32, #tpu.memory_space<vmem_shared>> -> memref<10240x32xf32, #tpu.memory_space<vmem_shared>>
    tpu.wait_indirect_dma semaphore(%arg19 : memref<!tpu.dma_semaphore, #tpu.memory_space<semaphore_mem>>) src(%dma_wait3A_227 : memref<128x32xf32, #tpu.memory_space<vmem>>) dst(%dma_wait3A_233 : memref<10240x32xf32, #tpu.memory_space<vmem_shared>>)
    %dma_wait3A_234 = arith.constant 3 : i32
    %dma_wait3A_235 = arith.constant 0 : i32
    %dma_wait3A_236 = arith.constant 0 : i32
    %dma_wait3A_237 = arith.constant 0 : i32
    %dma_wait3A_238 = tpu.memref_slice %arg10[%dma_wait3A_234, %dma_wait3A_236, %dma_wait3A_237] : memref<4x128x32xf32, #tpu.memory_space<vmem>> -> memref<1x128x32xf32, #tpu.memory_space<vmem>>
    %dma_wait3A_239 = tpu.memref_squeeze %dma_wait3A_238 : memref<1x128x32xf32, #tpu.memory_space<vmem>> -> memref<128x32xf32, #tpu.memory_space<vmem>>
    %dma_wait3A_240 = arith.constant 0 : i32
    %dma_wait3A_241 = tpu.memref_slice %arg9[%dma_wait3A_235, %dma_wait3A_240] : memref<80x128xi32, #tpu.memory_space<vmem>> -> memref<1x128xi32, #tpu.memory_space<vmem>>
    %dma_wait3A_242 = tpu.memref_squeeze %dma_wait3A_241 : memref<1x128xi32, #tpu.memory_space<vmem>> -> memref<128xi32, #tpu.memory_space<vmem>>
    %dma_wait3A_243 = arith.constant 0 : i32
    %dma_wait3A_244 = arith.constant 0 : i32
    %dma_wait3A_245 = tpu.memref_slice %arg12[%dma_wait3A_243, %dma_wait3A_244] : memref<10240x32xf32, #tpu.memory_space<vmem_shared>> -> memref<10240x32xf32, #tpu.memory_space<vmem_shared>>
    tpu.wait_indirect_dma semaphore(%arg20 : memref<!tpu.dma_semaphore, #tpu.memory_space<semaphore_mem>>) src(%dma_wait3A_239 : memref<128x32xf32, #tpu.memory_space<vmem>>) dst(%dma_wait3A_245 : memref<10240x32xf32, #tpu.memory_space<vmem_shared>>)
    %broadcast_in_dim3A = arith.constant 1.000000e+00 : f32
    %broadcast_in_dim3A_246 = vector.broadcast %broadcast_in_dim3A : f32 to vector<16xf32>
    %scan3A_247 = arith.constant 0 : i32
    %scan3A_248 = arith.constant 80 : i32
    %scan3A_249 = arith.addi %scan3A_247, %scan3A_248 : i32
    %scan3A_250 = arith.constant 1 : i32
    scf.for %scan3A_257 = %scan3A_247 to %scan3A_249 step %scan3A_250  : i32 {
      %mul3A_258 = arith.constant 1 : i32
      %mul3A_259 = arith.muli %scan3A_257, %mul3A_258 : i32
      %add3A_260 = arith.constant 0 : i32
      %add3A_261 = arith.addi %add3A_260, %mul3A_259 : i32
      %get3A = arith.index_cast %add3A_261 : i32 to index
      %get3A_262 = arith.constant 0 : index
      %get3A_263 = tpu.vector_load %arg9[%get3A, %get3A_262] {strides = array<i32>} : memref<80x128xi32, #tpu.memory_space<vmem>>, vector<16xi32>,
      %shift_right_logical3A = arith.constant 7 : i32
      %shift_right_logical3A_264 = vector.broadcast %shift_right_logical3A : i32 to vector<16xi32>
      %shift_right_logical3A_265 = arith.shrui %get3A_263, %shift_right_logical3A_264 : vector<16xi32>
      %and3A = arith.constant 127 : i32
      %and3A_266 = vector.broadcast %and3A : i32 to vector<16xi32>
      %and3A_267 = arith.andi %get3A_263, %and3A_266 : vector<16xi32>
      tpu.vector_store_idx %arg22[%shift_right_logical3A_265, %and3A_267], %broadcast_in_dim3A_246 {add = true} : memref<80x128xf32, #tpu.memory_space<vmem>>[vector<16xi32>, vector<16xi32>], vector<16xf32>,
      %get3A_268 = arith.index_cast %add3A_261 : i32 to index
      %get3A_269 = arith.constant 16 : index
      %get3A_270 = tpu.vector_load %arg9[%get3A_268, %get3A_269] {strides = array<i32>} : memref<80x128xi32, #tpu.memory_space<vmem>>, vector<16xi32>,
      %shift_right_logical3A_271 = arith.constant 7 : i32
      %shift_right_logical3A_272 = vector.broadcast %shift_right_logical3A_271 : i32 to vector<16xi32>
      %shift_right_logical3A_273 = arith.shrui %get3A_270, %shift_right_logical3A_272 : vector<16xi32>
      %and3A_274 = arith.constant 127 : i32
      %and3A_275 = vector.broadcast %and3A_274 : i32 to vector<16xi32>
      %and3A_276 = arith.andi %get3A_270, %and3A_275 : vector<16xi32>
      tpu.vector_store_idx %arg22[%shift_right_logical3A_273, %and3A_276], %broadcast_in_dim3A_246 {add = true} : memref<80x128xf32, #tpu.memory_space<vmem>>[vector<16xi32>, vector<16xi32>], vector<16xf32>,
      %get3A_277 = arith.index_cast %add3A_261 : i32 to index
      %get3A_278 = arith.constant 32 : index
      %get3A_279 = tpu.vector_load %arg9[%get3A_277, %get3A_278] {strides = array<i32>} : memref<80x128xi32, #tpu.memory_space<vmem>>, vector<16xi32>,
      %shift_right_logical3A_280 = arith.constant 7 : i32
      %shift_right_logical3A_281 = vector.broadcast %shift_right_logical3A_280 : i32 to vector<16xi32>
      %shift_right_logical3A_282 = arith.shrui %get3A_279, %shift_right_logical3A_281 : vector<16xi32>
      %and3A_283 = arith.constant 127 : i32
      %and3A_284 = vector.broadcast %and3A_283 : i32 to vector<16xi32>
      %and3A_285 = arith.andi %get3A_279, %and3A_284 : vector<16xi32>
      tpu.vector_store_idx %arg22[%shift_right_logical3A_282, %and3A_285], %broadcast_in_dim3A_246 {add = true} : memref<80x128xf32, #tpu.memory_space<vmem>>[vector<16xi32>, vector<16xi32>], vector<16xf32>,
      %get3A_286 = arith.index_cast %add3A_261 : i32 to index
      %get3A_287 = arith.constant 48 : index
      %get3A_288 = tpu.vector_load %arg9[%get3A_286, %get3A_287] {strides = array<i32>} : memref<80x128xi32, #tpu.memory_space<vmem>>, vector<16xi32>,
      %shift_right_logical3A_289 = arith.constant 7 : i32
      %shift_right_logical3A_290 = vector.broadcast %shift_right_logical3A_289 : i32 to vector<16xi32>
      %shift_right_logical3A_291 = arith.shrui %get3A_288, %shift_right_logical3A_290 : vector<16xi32>
      %and3A_292 = arith.constant 127 : i32
      %and3A_293 = vector.broadcast %and3A_292 : i32 to vector<16xi32>
      %and3A_294 = arith.andi %get3A_288, %and3A_293 : vector<16xi32>
      tpu.vector_store_idx %arg22[%shift_right_logical3A_291, %and3A_294], %broadcast_in_dim3A_246 {add = true} : memref<80x128xf32, #tpu.memory_space<vmem>>[vector<16xi32>, vector<16xi32>], vector<16xf32>,
      %get3A_295 = arith.index_cast %add3A_261 : i32 to index
      %get3A_296 = arith.constant 64 : index
      %get3A_297 = tpu.vector_load %arg9[%get3A_295, %get3A_296] {strides = array<i32>} : memref<80x128xi32, #tpu.memory_space<vmem>>, vector<16xi32>,
      %shift_right_logical3A_298 = arith.constant 7 : i32
      %shift_right_logical3A_299 = vector.broadcast %shift_right_logical3A_298 : i32 to vector<16xi32>
      %shift_right_logical3A_300 = arith.shrui %get3A_297, %shift_right_logical3A_299 : vector<16xi32>
      %and3A_301 = arith.constant 127 : i32
      %and3A_302 = vector.broadcast %and3A_301 : i32 to vector<16xi32>
      %and3A_303 = arith.andi %get3A_297, %and3A_302 : vector<16xi32>
      tpu.vector_store_idx %arg22[%shift_right_logical3A_300, %and3A_303], %broadcast_in_dim3A_246 {add = true} : memref<80x128xf32, #tpu.memory_space<vmem>>[vector<16xi32>, vector<16xi32>], vector<16xf32>,
      %get3A_304 = arith.index_cast %add3A_261 : i32 to index
      %get3A_305 = arith.constant 80 : index
      %get3A_306 = tpu.vector_load %arg9[%get3A_304, %get3A_305] {strides = array<i32>} : memref<80x128xi32, #tpu.memory_space<vmem>>, vector<16xi32>,
      %shift_right_logical3A_307 = arith.constant 7 : i32
      %shift_right_logical3A_308 = vector.broadcast %shift_right_logical3A_307 : i32 to vector<16xi32>
      %shift_right_logical3A_309 = arith.shrui %get3A_306, %shift_right_logical3A_308 : vector<16xi32>
      %and3A_310 = arith.constant 127 : i32
      %and3A_311 = vector.broadcast %and3A_310 : i32 to vector<16xi32>
      %and3A_312 = arith.andi %get3A_306, %and3A_311 : vector<16xi32>
      tpu.vector_store_idx %arg22[%shift_right_logical3A_309, %and3A_312], %broadcast_in_dim3A_246 {add = true} : memref<80x128xf32, #tpu.memory_space<vmem>>[vector<16xi32>, vector<16xi32>], vector<16xf32>,
      %get3A_313 = arith.index_cast %add3A_261 : i32 to index
      %get3A_314 = arith.constant 96 : index
      %get3A_315 = tpu.vector_load %arg9[%get3A_313, %get3A_314] {strides = array<i32>} : memref<80x128xi32, #tpu.memory_space<vmem>>, vector<16xi32>,
      %shift_right_logical3A_316 = arith.constant 7 : i32
      %shift_right_logical3A_317 = vector.broadcast %shift_right_logical3A_316 : i32 to vector<16xi32>
      %shift_right_logical3A_318 = arith.shrui %get3A_315, %shift_right_logical3A_317 : vector<16xi32>
      %and3A_319 = arith.constant 127 : i32
      %and3A_320 = vector.broadcast %and3A_319 : i32 to vector<16xi32>
      %and3A_321 = arith.andi %get3A_315, %and3A_320 : vector<16xi32>
      tpu.vector_store_idx %arg22[%shift_right_logical3A_318, %and3A_321], %broadcast_in_dim3A_246 {add = true} : memref<80x128xf32, #tpu.memory_space<vmem>>[vector<16xi32>, vector<16xi32>], vector<16xf32>,
      %get3A_322 = arith.index_cast %add3A_261 : i32 to index
      %get3A_323 = arith.constant 112 : index
      %get3A_324 = tpu.vector_load %arg9[%get3A_322, %get3A_323] {strides = array<i32>} : memref<80x128xi32, #tpu.memory_space<vmem>>, vector<16xi32>,
      %shift_right_logical3A_325 = arith.constant 7 : i32
      %shift_right_logical3A_326 = vector.broadcast %shift_right_logical3A_325 : i32 to vector<16xi32>
      %shift_right_logical3A_327 = arith.shrui %get3A_324, %shift_right_logical3A_326 : vector<16xi32>
      %and3A_328 = arith.constant 127 : i32
      %and3A_329 = vector.broadcast %and3A_328 : i32 to vector<16xi32>
      %and3A_330 = arith.andi %get3A_324, %and3A_329 : vector<16xi32>
      tpu.vector_store_idx %arg22[%shift_right_logical3A_327, %and3A_330], %broadcast_in_dim3A_246 {add = true} : memref<80x128xf32, #tpu.memory_space<vmem>>[vector<16xi32>, vector<16xi32>], vector<16xf32>,
    }
    %scan3A_251 = arith.constant 80 : i32
    "tpu.region"() ({
      %run_scoped3A = tpu.sem_alloc : memref<!tpu.dma_semaphore, #tpu.memory_space<semaphore_mem>>
      %dma_start3A_257 = arith.constant 0 : i32
      %dma_start3A_258 = arith.constant 0 : i32
      %dma_start3A_259 = tpu.memref_slice %arg24[%dma_start3A_257, %dma_start3A_258] : memref<80x128xf32, #tpu.memory_space<vmem_shared>> -> memref<80x128xf32, #tpu.memory_space<vmem_shared>>
      tpu.enqueue_indirect_dma source(%arg22 : memref<80x128xf32, #tpu.memory_space<vmem>>) target(%dma_start3A_259 : memref<80x128xf32, #tpu.memory_space<vmem_shared>>) offsets(%arg23 : memref<80xi32, #tpu.memory_space<vmem>>) semaphore(%run_scoped3A : memref<!tpu.dma_semaphore, #tpu.memory_space<semaphore_mem>>) {add = true}
      %dma_wait3A_260 = arith.constant 0 : i32
      %dma_wait3A_261 = arith.constant 0 : i32
      %dma_wait3A_262 = tpu.memref_slice %arg24[%dma_wait3A_260, %dma_wait3A_261] : memref<80x128xf32, #tpu.memory_space<vmem_shared>> -> memref<80x128xf32, #tpu.memory_space<vmem_shared>>
      tpu.wait_indirect_dma semaphore(%run_scoped3A : memref<!tpu.dma_semaphore, #tpu.memory_space<semaphore_mem>>) src(%arg22 : memref<80x128xf32, #tpu.memory_space<vmem>>) dst(%dma_wait3A_262 : memref<80x128xf32, #tpu.memory_space<vmem_shared>>)
      tpu.yield
    }) : () -> ()
    %barrier3A_252 = arith.constant 0 : index
    tpu.barrier barrier_id(%barrier3A_252)
    "tpu.region"() ({
      %run_scoped3A = tpu.sem_alloc : memref<!tpu.dma_semaphore, #tpu.memory_space<semaphore_mem>>
      %dma_start3A_257 = arith.constant 0 : i32
      %dma_start3A_258 = tpu.memref_slice %arg6[%arg0, %mul3A_2, %dma_start3A_257] : memref<2x10240x32xf32, #tpu.memory_space<hbm>> -> memref<1x640x32xf32, #tpu.memory_space<hbm>>
      %dma_start3A_259 = tpu.memref_squeeze %dma_start3A_258 : memref<1x640x32xf32, #tpu.memory_space<hbm>> -> memref<640x32xf32, #tpu.memory_space<hbm>>
      %dma_start3A_260 = arith.constant 0 : i32
      %dma_start3A_261 = tpu.memref_slice %arg12[%mul3A_2, %dma_start3A_260] : memref<10240x32xf32, #tpu.memory_space<vmem_shared>> -> memref<640x32xf32, #tpu.memory_space<vmem_shared>>
      tpu.enqueue_dma source(%dma_start3A_261 : memref<640x32xf32, #tpu.memory_space<vmem_shared>>) target(%dma_start3A_259 : memref<640x32xf32, #tpu.memory_space<hbm>>) target_semaphore(%run_scoped3A : memref<!tpu.dma_semaphore, #tpu.memory_space<semaphore_mem>>)
      %dma_wait3A_262 = arith.constant 0 : i32
      %dma_wait3A_263 = tpu.memref_slice %arg6[%arg0, %mul3A_2, %dma_wait3A_262] : memref<2x10240x32xf32, #tpu.memory_space<hbm>> -> memref<1x640x32xf32, #tpu.memory_space<hbm>>
      %dma_wait3A_264 = tpu.memref_squeeze %dma_wait3A_263 : memref<1x640x32xf32, #tpu.memory_space<hbm>> -> memref<640x32xf32, #tpu.memory_space<hbm>>
      %dma_wait3A_265 = arith.constant 0 : i32
      %dma_wait3A_266 = tpu.memref_slice %arg12[%mul3A_2, %dma_wait3A_265] : memref<10240x32xf32, #tpu.memory_space<vmem_shared>> -> memref<640x32xf32, #tpu.memory_space<vmem_shared>>
      tpu.wait_dma2 semaphore(%run_scoped3A : memref<!tpu.dma_semaphore, #tpu.memory_space<semaphore_mem>>) src(%dma_wait3A_266 : memref<640x32xf32, #tpu.memory_space<vmem_shared>>) dst(%dma_wait3A_264 : memref<640x32xf32, #tpu.memory_space<hbm>>)
      tpu.yield
    }) : () -> ()
    %mul3A_253 = arith.constant 5 : i32
    %mul3A_254 = arith.muli %arg1, %mul3A_253 : i32
    %mul3A_255 = arith.constant 5 : i32
    %mul3A_256 = arith.muli %arg1, %mul3A_255 : i32
    "tpu.region"() ({
      %run_scoped3A = tpu.sem_alloc : memref<!tpu.dma_semaphore, #tpu.memory_space<semaphore_mem>>
      %dma_start3A_257 = arith.constant 0 : i32
      %dma_start3A_258 = tpu.memref_slice %arg7[%arg0, %mul3A_256, %dma_start3A_257] : memref<2x80x128xf32, #tpu.memory_space<hbm>> -> memref<1x5x128xf32, #tpu.memory_space<hbm>>
      %dma_start3A_259 = tpu.memref_squeeze %dma_start3A_258 : memref<1x5x128xf32, #tpu.memory_space<hbm>> -> memref<5x128xf32, #tpu.memory_space<hbm>>
      %dma_start3A_260 = arith.constant 0 : i32
      %dma_start3A_261 = tpu.memref_slice %arg24[%mul3A_254, %dma_start3A_260] : memref<80x128xf32, #tpu.memory_space<vmem_shared>> -> memref<5x128xf32, #tpu.memory_space<vmem_shared>>
      tpu.enqueue_dma source(%dma_start3A_261 : memref<5x128xf32, #tpu.memory_space<vmem_shared>>) target(%dma_start3A_259 : memref<5x128xf32, #tpu.memory_space<hbm>>) target_semaphore(%run_scoped3A : memref<!tpu.dma_semaphore, #tpu.memory_space<semaphore_mem>>)
      %dma_wait3A_262 = arith.constant 0 : i32
      %dma_wait3A_263 = tpu.memref_slice %arg7[%arg0, %mul3A_256, %dma_wait3A_262] : memref<2x80x128xf32, #tpu.memory_space<hbm>> -> memref<1x5x128xf32, #tpu.memory_space<hbm>>
      %dma_wait3A_264 = tpu.memref_squeeze %dma_wait3A_263 : memref<1x5x128xf32, #tpu.memory_space<hbm>> -> memref<5x128xf32, #tpu.memory_space<hbm>>
      %dma_wait3A_265 = arith.constant 0 : i32
      %dma_wait3A_266 = tpu.memref_slice %arg24[%mul3A_254, %dma_wait3A_265] : memref<80x128xf32, #tpu.memory_space<vmem_shared>> -> memref<5x128xf32, #tpu.memory_space<vmem_shared>>
      tpu.wait_dma2 semaphore(%run_scoped3A : memref<!tpu.dma_semaphore, #tpu.memory_space<semaphore_mem>>) src(%dma_wait3A_266 : memref<5x128xf32, #tpu.memory_space<vmem_shared>>) dst(%dma_wait3A_264 : memref<5x128xf32, #tpu.memory_space<hbm>>)
      tpu.yield
    }) : () -> ()
    return
  }
}

#map = affine_map<(d0, d1) -> (0, 0)>
#map1 = affine_map<(d0, d1) -> (0, 0, 0)>
module attributes {stable_mosaic.version = 14 : i64} {
  func.func @body(%arg0: i32, %arg1: i32, %arg2: memref<10240x64xbf16, #tpu.memory_space<hbm>>, %arg3: memref<32x10240xi32, #tpu.memory_space<hbm>>, %arg4: memref<32x80x128xi32, #tpu.memory_space<hbm>>, %arg5: memref<128x64xf32, #tpu.memory_space<hbm>>, %arg6: memref<2x10240x64xf32, #tpu.memory_space<hbm>>, %arg7: memref<10240xi32, #tpu.memory_space<vmem>>, %arg8: memref<80x128xi32, #tpu.memory_space<vmem>>, %arg9: memref<4x128x64xf32, #tpu.memory_space<vmem>>, %arg10: memref<128x64xf32, #tpu.memory_space<vmem>>, %arg11: memref<10240x64xf32, #tpu.memory_space<vmem_shared>>, %arg12: memref<!tpu.dma_semaphore, #tpu.memory_space<semaphore_mem>>, %arg13: memref<!tpu.dma_semaphore, #tpu.memory_space<semaphore_mem>>, %arg14: memref<!tpu.dma_semaphore, #tpu.memory_space<semaphore_mem>>, %arg15: memref<!tpu.dma_semaphore, #tpu.memory_space<semaphore_mem>>, %arg16: memref<!tpu.dma_semaphore, #tpu.memory_space<semaphore_mem>>, %arg17: memref<!tpu.dma_semaphore, #tpu.memory_space<semaphore_mem>>, %arg18: memref<!tpu.dma_semaphore, #tpu.memory_space<semaphore_mem>>, %arg19: memref<!tpu.dma_semaphore, #tpu.memory_space<semaphore_mem>>, %arg20: memref<4x128x64xbf16, #tpu.memory_space<vmem>>) attributes {dimension_semantics = [#tpu.dimension_semantics<core_parallel>, #tpu.dimension_semantics<subcore_parallel>], iteration_bounds = array<i64: 2, 16>, scalar_prefetch = 0 : i64, scratch_operands = 14 : i64, tpu.core_type = #tpu.core_type<sc_vector_subcore>, window_params = [{transform_indices = #map}, {transform_indices = #map}, {transform_indices = #map1}, {transform_indices = #map}, {transform_indices = #map1}]} {
    %mul3A = arith.constant 16 : i32
    %mul3A_0 = arith.muli %arg0, %mul3A : i32
    %add3A = arith.addi %mul3A_0, %arg1 : i32
    %mul3A_1 = arith.constant 640 : i32
    %mul3A_2 = arith.muli %arg1, %mul3A_1 : i32
    "tpu.region"() ({
      %run_scoped3A = tpu.sem_alloc : memref<!tpu.dma_semaphore, #tpu.memory_space<semaphore_mem>>
      %dma_start3A_212 = arith.constant 0 : i32
      %dma_start3A_213 = tpu.memref_slice %arg3[%add3A, %dma_start3A_212] : memref<32x10240xi32, #tpu.memory_space<hbm>> -> memref<1x10240xi32, #tpu.memory_space<hbm>>
      %dma_start3A_214 = tpu.memref_squeeze %dma_start3A_213 : memref<1x10240xi32, #tpu.memory_space<hbm>> -> memref<10240xi32, #tpu.memory_space<hbm>>
      %dma_start3A_215 = arith.constant 0 : i32
      %dma_start3A_216 = tpu.memref_slice %arg3[%add3A, %dma_start3A_215] : memref<32x10240xi32, #tpu.memory_space<hbm>> -> memref<1x10240xi32, #tpu.memory_space<hbm>>
      %dma_start3A_217 = tpu.memref_squeeze %dma_start3A_216 : memref<1x10240xi32, #tpu.memory_space<hbm>> -> memref<10240xi32, #tpu.memory_space<hbm>>
      tpu.enqueue_dma source(%dma_start3A_217 : memref<10240xi32, #tpu.memory_space<hbm>>) target(%arg7 : memref<10240xi32, #tpu.memory_space<vmem>>) target_semaphore(%run_scoped3A : memref<!tpu.dma_semaphore, #tpu.memory_space<semaphore_mem>>)
      %dma_wait3A_218 = arith.constant 0 : i32
      %dma_wait3A_219 = tpu.memref_slice %arg3[%add3A, %dma_wait3A_218] : memref<32x10240xi32, #tpu.memory_space<hbm>> -> memref<1x10240xi32, #tpu.memory_space<hbm>>
      %dma_wait3A_220 = tpu.memref_squeeze %dma_wait3A_219 : memref<1x10240xi32, #tpu.memory_space<hbm>> -> memref<10240xi32, #tpu.memory_space<hbm>>
      %dma_wait3A_221 = arith.constant 0 : i32
      %dma_wait3A_222 = tpu.memref_slice %arg3[%add3A, %dma_wait3A_221] : memref<32x10240xi32, #tpu.memory_space<hbm>> -> memref<1x10240xi32, #tpu.memory_space<hbm>>
      %dma_wait3A_223 = tpu.memref_squeeze %dma_wait3A_222 : memref<1x10240xi32, #tpu.memory_space<hbm>> -> memref<10240xi32, #tpu.memory_space<hbm>>
      tpu.wait_dma2 semaphore(%run_scoped3A : memref<!tpu.dma_semaphore, #tpu.memory_space<semaphore_mem>>) src(%dma_wait3A_223 : memref<10240xi32, #tpu.memory_space<hbm>>) dst(%arg7 : memref<10240xi32, #tpu.memory_space<vmem>>)
      tpu.yield
    }) : () -> ()
    "tpu.region"() ({
      %run_scoped3A = tpu.sem_alloc : memref<!tpu.dma_semaphore, #tpu.memory_space<semaphore_mem>>
      %dma_start3A_212 = arith.constant 0 : i32
      %dma_start3A_213 = arith.constant 0 : i32
      %dma_start3A_214 = tpu.memref_slice %arg4[%add3A, %dma_start3A_212, %dma_start3A_213] : memref<32x80x128xi32, #tpu.memory_space<hbm>> -> memref<1x80x128xi32, #tpu.memory_space<hbm>>
      %dma_start3A_215 = tpu.memref_squeeze %dma_start3A_214 : memref<1x80x128xi32, #tpu.memory_space<hbm>> -> memref<80x128xi32, #tpu.memory_space<hbm>>
      %dma_start3A_216 = arith.constant 0 : i32
      %dma_start3A_217 = arith.constant 0 : i32
      %dma_start3A_218 = tpu.memref_slice %arg4[%add3A, %dma_start3A_216, %dma_start3A_217] : memref<32x80x128xi32, #tpu.memory_space<hbm>> -> memref<1x80x128xi32, #tpu.memory_space<hbm>>
      %dma_start3A_219 = tpu.memref_squeeze %dma_start3A_218 : memref<1x80x128xi32, #tpu.memory_space<hbm>> -> memref<80x128xi32, #tpu.memory_space<hbm>>
      tpu.enqueue_dma source(%dma_start3A_219 : memref<80x128xi32, #tpu.memory_space<hbm>>) target(%arg8 : memref<80x128xi32, #tpu.memory_space<vmem>>) target_semaphore(%run_scoped3A : memref<!tpu.dma_semaphore, #tpu.memory_space<semaphore_mem>>)
      %dma_wait3A_220 = arith.constant 0 : i32
      %dma_wait3A_221 = arith.constant 0 : i32
      %dma_wait3A_222 = tpu.memref_slice %arg4[%add3A, %dma_wait3A_220, %dma_wait3A_221] : memref<32x80x128xi32, #tpu.memory_space<hbm>> -> memref<1x80x128xi32, #tpu.memory_space<hbm>>
      %dma_wait3A_223 = tpu.memref_squeeze %dma_wait3A_222 : memref<1x80x128xi32, #tpu.memory_space<hbm>> -> memref<80x128xi32, #tpu.memory_space<hbm>>
      %dma_wait3A_224 = arith.constant 0 : i32
      %dma_wait3A_225 = arith.constant 0 : i32
      %dma_wait3A_226 = tpu.memref_slice %arg4[%add3A, %dma_wait3A_224, %dma_wait3A_225] : memref<32x80x128xi32, #tpu.memory_space<hbm>> -> memref<1x80x128xi32, #tpu.memory_space<hbm>>
      %dma_wait3A_227 = tpu.memref_squeeze %dma_wait3A_226 : memref<1x80x128xi32, #tpu.memory_space<hbm>> -> memref<80x128xi32, #tpu.memory_space<hbm>>
      tpu.wait_dma2 semaphore(%run_scoped3A : memref<!tpu.dma_semaphore, #tpu.memory_space<semaphore_mem>>) src(%dma_wait3A_227 : memref<80x128xi32, #tpu.memory_space<hbm>>) dst(%arg8 : memref<80x128xi32, #tpu.memory_space<vmem>>)
      tpu.yield
    }) : () -> ()
    "tpu.region"() ({
      %run_scoped3A = tpu.sem_alloc : memref<!tpu.dma_semaphore, #tpu.memory_space<semaphore_mem>>
      tpu.enqueue_dma source(%arg5 : memref<128x64xf32, #tpu.memory_space<hbm>>) target(%arg10 : memref<128x64xf32, #tpu.memory_space<vmem>>) target_semaphore(%run_scoped3A : memref<!tpu.dma_semaphore, #tpu.memory_space<semaphore_mem>>)
      tpu.wait_dma2 semaphore(%run_scoped3A : memref<!tpu.dma_semaphore, #tpu.memory_space<semaphore_mem>>) src(%arg5 : memref<128x64xf32, #tpu.memory_space<hbm>>) dst(%arg10 : memref<128x64xf32, #tpu.memory_space<vmem>>)
      tpu.yield
    }) : () -> ()
    %add3A_3 = arith.constant 0 : i32
    %add3A_4 = arith.addi %mul3A_2, %add3A_3 : i32
    "tpu.region"() ({
      %run_scoped3A = tpu.sem_alloc : memref<!tpu.dma_semaphore, #tpu.memory_space<semaphore_mem>>
      %dma_start3A_212 = arith.constant 0 : i32
      %dma_start3A_213 = tpu.memref_slice %arg11[%add3A_4, %dma_start3A_212] : memref<10240x64xf32, #tpu.memory_space<vmem_shared>> -> memref<128x64xf32, #tpu.memory_space<vmem_shared>>
      %dma_start3A_214 = arith.constant 0 : i32
      %dma_start3A_215 = tpu.memref_slice %arg11[%add3A_4, %dma_start3A_214] : memref<10240x64xf32, #tpu.memory_space<vmem_shared>> -> memref<128x64xf32, #tpu.memory_space<vmem_shared>>
      tpu.enqueue_dma source(%arg10 : memref<128x64xf32, #tpu.memory_space<vmem>>) target(%dma_start3A_215 : memref<128x64xf32, #tpu.memory_space<vmem_shared>>) target_semaphore(%run_scoped3A : memref<!tpu.dma_semaphore, #tpu.memory_space<semaphore_mem>>)
      %dma_wait3A_216 = arith.constant 0 : i32
      %dma_wait3A_217 = tpu.memref_slice %arg11[%add3A_4, %dma_wait3A_216] : memref<10240x64xf32, #tpu.memory_space<vmem_shared>> -> memref<128x64xf32, #tpu.memory_space<vmem_shared>>
      %dma_wait3A_218 = arith.constant 0 : i32
      %dma_wait3A_219 = tpu.memref_slice %arg11[%add3A_4, %dma_wait3A_218] : memref<10240x64xf32, #tpu.memory_space<vmem_shared>> -> memref<128x64xf32, #tpu.memory_space<vmem_shared>>
      tpu.wait_dma2 semaphore(%run_scoped3A : memref<!tpu.dma_semaphore, #tpu.memory_space<semaphore_mem>>) src(%arg10 : memref<128x64xf32, #tpu.memory_space<vmem>>) dst(%dma_wait3A_219 : memref<128x64xf32, #tpu.memory_space<vmem_shared>>)
      tpu.yield
    }) : () -> ()
    %add3A_5 = arith.constant 128 : i32
    %add3A_6 = arith.addi %mul3A_2, %add3A_5 : i32
    "tpu.region"() ({
      %run_scoped3A = tpu.sem_alloc : memref<!tpu.dma_semaphore, #tpu.memory_space<semaphore_mem>>
      %dma_start3A_212 = arith.constant 0 : i32
      %dma_start3A_213 = tpu.memref_slice %arg11[%add3A_6, %dma_start3A_212] : memref<10240x64xf32, #tpu.memory_space<vmem_shared>> -> memref<128x64xf32, #tpu.memory_space<vmem_shared>>
      %dma_start3A_214 = arith.constant 0 : i32
      %dma_start3A_215 = tpu.memref_slice %arg11[%add3A_6, %dma_start3A_214] : memref<10240x64xf32, #tpu.memory_space<vmem_shared>> -> memref<128x64xf32, #tpu.memory_space<vmem_shared>>
      tpu.enqueue_dma source(%arg10 : memref<128x64xf32, #tpu.memory_space<vmem>>) target(%dma_start3A_215 : memref<128x64xf32, #tpu.memory_space<vmem_shared>>) target_semaphore(%run_scoped3A : memref<!tpu.dma_semaphore, #tpu.memory_space<semaphore_mem>>)
      %dma_wait3A_216 = arith.constant 0 : i32
      %dma_wait3A_217 = tpu.memref_slice %arg11[%add3A_6, %dma_wait3A_216] : memref<10240x64xf32, #tpu.memory_space<vmem_shared>> -> memref<128x64xf32, #tpu.memory_space<vmem_shared>>
      %dma_wait3A_218 = arith.constant 0 : i32
      %dma_wait3A_219 = tpu.memref_slice %arg11[%add3A_6, %dma_wait3A_218] : memref<10240x64xf32, #tpu.memory_space<vmem_shared>> -> memref<128x64xf32, #tpu.memory_space<vmem_shared>>
      tpu.wait_dma2 semaphore(%run_scoped3A : memref<!tpu.dma_semaphore, #tpu.memory_space<semaphore_mem>>) src(%arg10 : memref<128x64xf32, #tpu.memory_space<vmem>>) dst(%dma_wait3A_219 : memref<128x64xf32, #tpu.memory_space<vmem_shared>>)
      tpu.yield
    }) : () -> ()
    %add3A_7 = arith.constant 256 : i32
    %add3A_8 = arith.addi %mul3A_2, %add3A_7 : i32
    "tpu.region"() ({
      %run_scoped3A = tpu.sem_alloc : memref<!tpu.dma_semaphore, #tpu.memory_space<semaphore_mem>>
      %dma_start3A_212 = arith.constant 0 : i32
      %dma_start3A_213 = tpu.memref_slice %arg11[%add3A_8, %dma_start3A_212] : memref<10240x64xf32, #tpu.memory_space<vmem_shared>> -> memref<128x64xf32, #tpu.memory_space<vmem_shared>>
      %dma_start3A_214 = arith.constant 0 : i32
      %dma_start3A_215 = tpu.memref_slice %arg11[%add3A_8, %dma_start3A_214] : memref<10240x64xf32, #tpu.memory_space<vmem_shared>> -> memref<128x64xf32, #tpu.memory_space<vmem_shared>>
      tpu.enqueue_dma source(%arg10 : memref<128x64xf32, #tpu.memory_space<vmem>>) target(%dma_start3A_215 : memref<128x64xf32, #tpu.memory_space<vmem_shared>>) target_semaphore(%run_scoped3A : memref<!tpu.dma_semaphore, #tpu.memory_space<semaphore_mem>>)
      %dma_wait3A_216 = arith.constant 0 : i32
      %dma_wait3A_217 = tpu.memref_slice %arg11[%add3A_8, %dma_wait3A_216] : memref<10240x64xf32, #tpu.memory_space<vmem_shared>> -> memref<128x64xf32, #tpu.memory_space<vmem_shared>>
      %dma_wait3A_218 = arith.constant 0 : i32
      %dma_wait3A_219 = tpu.memref_slice %arg11[%add3A_8, %dma_wait3A_218] : memref<10240x64xf32, #tpu.memory_space<vmem_shared>> -> memref<128x64xf32, #tpu.memory_space<vmem_shared>>
      tpu.wait_dma2 semaphore(%run_scoped3A : memref<!tpu.dma_semaphore, #tpu.memory_space<semaphore_mem>>) src(%arg10 : memref<128x64xf32, #tpu.memory_space<vmem>>) dst(%dma_wait3A_219 : memref<128x64xf32, #tpu.memory_space<vmem_shared>>)
      tpu.yield
    }) : () -> ()
    %add3A_9 = arith.constant 384 : i32
    %add3A_10 = arith.addi %mul3A_2, %add3A_9 : i32
    "tpu.region"() ({
      %run_scoped3A = tpu.sem_alloc : memref<!tpu.dma_semaphore, #tpu.memory_space<semaphore_mem>>
      %dma_start3A_212 = arith.constant 0 : i32
      %dma_start3A_213 = tpu.memref_slice %arg11[%add3A_10, %dma_start3A_212] : memref<10240x64xf32, #tpu.memory_space<vmem_shared>> -> memref<128x64xf32, #tpu.memory_space<vmem_shared>>
      %dma_start3A_214 = arith.constant 0 : i32
      %dma_start3A_215 = tpu.memref_slice %arg11[%add3A_10, %dma_start3A_214] : memref<10240x64xf32, #tpu.memory_space<vmem_shared>> -> memref<128x64xf32, #tpu.memory_space<vmem_shared>>
      tpu.enqueue_dma source(%arg10 : memref<128x64xf32, #tpu.memory_space<vmem>>) target(%dma_start3A_215 : memref<128x64xf32, #tpu.memory_space<vmem_shared>>) target_semaphore(%run_scoped3A : memref<!tpu.dma_semaphore, #tpu.memory_space<semaphore_mem>>)
      %dma_wait3A_216 = arith.constant 0 : i32
      %dma_wait3A_217 = tpu.memref_slice %arg11[%add3A_10, %dma_wait3A_216] : memref<10240x64xf32, #tpu.memory_space<vmem_shared>> -> memref<128x64xf32, #tpu.memory_space<vmem_shared>>
      %dma_wait3A_218 = arith.constant 0 : i32
      %dma_wait3A_219 = tpu.memref_slice %arg11[%add3A_10, %dma_wait3A_218] : memref<10240x64xf32, #tpu.memory_space<vmem_shared>> -> memref<128x64xf32, #tpu.memory_space<vmem_shared>>
      tpu.wait_dma2 semaphore(%run_scoped3A : memref<!tpu.dma_semaphore, #tpu.memory_space<semaphore_mem>>) src(%arg10 : memref<128x64xf32, #tpu.memory_space<vmem>>) dst(%dma_wait3A_219 : memref<128x64xf32, #tpu.memory_space<vmem_shared>>)
      tpu.yield
    }) : () -> ()
    %add3A_11 = arith.constant 512 : i32
    %add3A_12 = arith.addi %mul3A_2, %add3A_11 : i32
    "tpu.region"() ({
      %run_scoped3A = tpu.sem_alloc : memref<!tpu.dma_semaphore, #tpu.memory_space<semaphore_mem>>
      %dma_start3A_212 = arith.constant 0 : i32
      %dma_start3A_213 = tpu.memref_slice %arg11[%add3A_12, %dma_start3A_212] : memref<10240x64xf32, #tpu.memory_space<vmem_shared>> -> memref<128x64xf32, #tpu.memory_space<vmem_shared>>
      %dma_start3A_214 = arith.constant 0 : i32
      %dma_start3A_215 = tpu.memref_slice %arg11[%add3A_12, %dma_start3A_214] : memref<10240x64xf32, #tpu.memory_space<vmem_shared>> -> memref<128x64xf32, #tpu.memory_space<vmem_shared>>
      tpu.enqueue_dma source(%arg10 : memref<128x64xf32, #tpu.memory_space<vmem>>) target(%dma_start3A_215 : memref<128x64xf32, #tpu.memory_space<vmem_shared>>) target_semaphore(%run_scoped3A : memref<!tpu.dma_semaphore, #tpu.memory_space<semaphore_mem>>)
      %dma_wait3A_216 = arith.constant 0 : i32
      %dma_wait3A_217 = tpu.memref_slice %arg11[%add3A_12, %dma_wait3A_216] : memref<10240x64xf32, #tpu.memory_space<vmem_shared>> -> memref<128x64xf32, #tpu.memory_space<vmem_shared>>
      %dma_wait3A_218 = arith.constant 0 : i32
      %dma_wait3A_219 = tpu.memref_slice %arg11[%add3A_12, %dma_wait3A_218] : memref<10240x64xf32, #tpu.memory_space<vmem_shared>> -> memref<128x64xf32, #tpu.memory_space<vmem_shared>>
      tpu.wait_dma2 semaphore(%run_scoped3A : memref<!tpu.dma_semaphore, #tpu.memory_space<semaphore_mem>>) src(%arg10 : memref<128x64xf32, #tpu.memory_space<vmem>>) dst(%dma_wait3A_219 : memref<128x64xf32, #tpu.memory_space<vmem_shared>>)
      tpu.yield
    }) : () -> ()
    %barrier3A = arith.constant 0 : index
    tpu.barrier barrier_id(%barrier3A)
    %dma_start3A = arith.constant 0 : i32
    %dma_start3A_13 = arith.constant 0 : i32
    %dma_start3A_14 = arith.constant 0 : i32
    %dma_start3A_15 = tpu.memref_slice %arg20[%dma_start3A, %dma_start3A_13, %dma_start3A_14] : memref<4x128x64xbf16, #tpu.memory_space<vmem>> -> memref<1x128x64xbf16, #tpu.memory_space<vmem>>
    %dma_start3A_16 = tpu.memref_squeeze %dma_start3A_15 : memref<1x128x64xbf16, #tpu.memory_space<vmem>> -> memref<128x64xbf16, #tpu.memory_space<vmem>>
    %dma_start3A_17 = arith.constant 0 : i32
    %dma_start3A_18 = tpu.memref_slice %arg7[%dma_start3A_17] : memref<10240xi32, #tpu.memory_space<vmem>> -> memref<128xi32, #tpu.memory_space<vmem>>
    %dma_start3A_19 = arith.constant 0 : i32
    %dma_start3A_20 = arith.constant 0 : i32
    %dma_start3A_21 = tpu.memref_slice %arg2[%dma_start3A_19, %dma_start3A_20] : memref<10240x64xbf16, #tpu.memory_space<hbm>> -> memref<10240x64xbf16, #tpu.memory_space<hbm>>
    tpu.enqueue_indirect_dma source(%dma_start3A_21 : memref<10240x64xbf16, #tpu.memory_space<hbm>>) target(%dma_start3A_16 : memref<128x64xbf16, #tpu.memory_space<vmem>>) offsets(%dma_start3A_18 : memref<128xi32, #tpu.memory_space<vmem>>) semaphore(%arg12 : memref<!tpu.dma_semaphore, #tpu.memory_space<semaphore_mem>>)
    %dma_start3A_22 = arith.constant 1 : i32
    %dma_start3A_23 = arith.constant 0 : i32
    %dma_start3A_24 = arith.constant 0 : i32
    %dma_start3A_25 = tpu.memref_slice %arg20[%dma_start3A_22, %dma_start3A_23, %dma_start3A_24] : memref<4x128x64xbf16, #tpu.memory_space<vmem>> -> memref<1x128x64xbf16, #tpu.memory_space<vmem>>
    %dma_start3A_26 = tpu.memref_squeeze %dma_start3A_25 : memref<1x128x64xbf16, #tpu.memory_space<vmem>> -> memref<128x64xbf16, #tpu.memory_space<vmem>>
    %dma_start3A_27 = arith.constant 128 : i32
    %dma_start3A_28 = tpu.memref_slice %arg7[%dma_start3A_27] : memref<10240xi32, #tpu.memory_space<vmem>> -> memref<128xi32, #tpu.memory_space<vmem>>
    %dma_start3A_29 = arith.constant 0 : i32
    %dma_start3A_30 = arith.constant 0 : i32
    %dma_start3A_31 = tpu.memref_slice %arg2[%dma_start3A_29, %dma_start3A_30] : memref<10240x64xbf16, #tpu.memory_space<hbm>> -> memref<10240x64xbf16, #tpu.memory_space<hbm>>
    tpu.enqueue_indirect_dma source(%dma_start3A_31 : memref<10240x64xbf16, #tpu.memory_space<hbm>>) target(%dma_start3A_26 : memref<128x64xbf16, #tpu.memory_space<vmem>>) offsets(%dma_start3A_28 : memref<128xi32, #tpu.memory_space<vmem>>) semaphore(%arg13 : memref<!tpu.dma_semaphore, #tpu.memory_space<semaphore_mem>>)
    %dma_start3A_32 = arith.constant 2 : i32
    %dma_start3A_33 = arith.constant 0 : i32
    %dma_start3A_34 = arith.constant 0 : i32
    %dma_start3A_35 = tpu.memref_slice %arg20[%dma_start3A_32, %dma_start3A_33, %dma_start3A_34] : memref<4x128x64xbf16, #tpu.memory_space<vmem>> -> memref<1x128x64xbf16, #tpu.memory_space<vmem>>
    %dma_start3A_36 = tpu.memref_squeeze %dma_start3A_35 : memref<1x128x64xbf16, #tpu.memory_space<vmem>> -> memref<128x64xbf16, #tpu.memory_space<vmem>>
    %dma_start3A_37 = arith.constant 256 : i32
    %dma_start3A_38 = tpu.memref_slice %arg7[%dma_start3A_37] : memref<10240xi32, #tpu.memory_space<vmem>> -> memref<128xi32, #tpu.memory_space<vmem>>
    %dma_start3A_39 = arith.constant 0 : i32
    %dma_start3A_40 = arith.constant 0 : i32
    %dma_start3A_41 = tpu.memref_slice %arg2[%dma_start3A_39, %dma_start3A_40] : memref<10240x64xbf16, #tpu.memory_space<hbm>> -> memref<10240x64xbf16, #tpu.memory_space<hbm>>
    tpu.enqueue_indirect_dma source(%dma_start3A_41 : memref<10240x64xbf16, #tpu.memory_space<hbm>>) target(%dma_start3A_36 : memref<128x64xbf16, #tpu.memory_space<vmem>>) offsets(%dma_start3A_38 : memref<128xi32, #tpu.memory_space<vmem>>) semaphore(%arg14 : memref<!tpu.dma_semaphore, #tpu.memory_space<semaphore_mem>>)
    %dma_start3A_42 = arith.constant 3 : i32
    %dma_start3A_43 = arith.constant 0 : i32
    %dma_start3A_44 = arith.constant 0 : i32
    %dma_start3A_45 = tpu.memref_slice %arg20[%dma_start3A_42, %dma_start3A_43, %dma_start3A_44] : memref<4x128x64xbf16, #tpu.memory_space<vmem>> -> memref<1x128x64xbf16, #tpu.memory_space<vmem>>
    %dma_start3A_46 = tpu.memref_squeeze %dma_start3A_45 : memref<1x128x64xbf16, #tpu.memory_space<vmem>> -> memref<128x64xbf16, #tpu.memory_space<vmem>>
    %dma_start3A_47 = arith.constant 384 : i32
    %dma_start3A_48 = tpu.memref_slice %arg7[%dma_start3A_47] : memref<10240xi32, #tpu.memory_space<vmem>> -> memref<128xi32, #tpu.memory_space<vmem>>
    %dma_start3A_49 = arith.constant 0 : i32
    %dma_start3A_50 = arith.constant 0 : i32
    %dma_start3A_51 = tpu.memref_slice %arg2[%dma_start3A_49, %dma_start3A_50] : memref<10240x64xbf16, #tpu.memory_space<hbm>> -> memref<10240x64xbf16, #tpu.memory_space<hbm>>
    tpu.enqueue_indirect_dma source(%dma_start3A_51 : memref<10240x64xbf16, #tpu.memory_space<hbm>>) target(%dma_start3A_46 : memref<128x64xbf16, #tpu.memory_space<vmem>>) offsets(%dma_start3A_48 : memref<128xi32, #tpu.memory_space<vmem>>) semaphore(%arg15 : memref<!tpu.dma_semaphore, #tpu.memory_space<semaphore_mem>>)
    %scan3A = arith.constant 0 : i32
    %scan3A_52 = arith.constant 19 : i32
    %scan3A_53 = arith.addi %scan3A, %scan3A_52 : i32
    %scan3A_54 = arith.constant 1 : i32
    scf.for %scan3A_212 = %scan3A to %scan3A_53 step %scan3A_54  : i32 {
      %mul3A_213 = arith.constant 2 : i32
      %mul3A_214 = arith.muli %scan3A_212, %mul3A_213 : i32
      %add3A_215 = arith.constant 0 : i32
      %add3A_216 = arith.addi %add3A_215, %mul3A_214 : i32
      %add3A_217 = arith.constant 0 : i32
      %add3A_218 = arith.addi %add3A_216, %add3A_217 : i32
      %mul3A_219 = arith.constant 2 : i32
      %mul3A_220 = arith.muli %add3A_218, %mul3A_219 : i32
      %dma_wait3A_221 = arith.constant 0 : i32
      %dma_wait3A_222 = arith.constant 0 : i32
      %dma_wait3A_223 = arith.constant 0 : i32
      %dma_wait3A_224 = tpu.memref_slice %arg20[%dma_wait3A_221, %dma_wait3A_222, %dma_wait3A_223] : memref<4x128x64xbf16, #tpu.memory_space<vmem>> -> memref<1x128x64xbf16, #tpu.memory_space<vmem>>
      %dma_wait3A_225 = tpu.memref_squeeze %dma_wait3A_224 : memref<1x128x64xbf16, #tpu.memory_space<vmem>> -> memref<128x64xbf16, #tpu.memory_space<vmem>>
      %dma_wait3A_226 = arith.constant 0 : i32
      %dma_wait3A_227 = tpu.memref_slice %arg7[%dma_wait3A_226] : memref<10240xi32, #tpu.memory_space<vmem>> -> memref<128xi32, #tpu.memory_space<vmem>>
      %dma_wait3A_228 = arith.constant 0 : i32
      %dma_wait3A_229 = arith.constant 0 : i32
      %dma_wait3A_230 = tpu.memref_slice %arg2[%dma_wait3A_228, %dma_wait3A_229] : memref<10240x64xbf16, #tpu.memory_space<hbm>> -> memref<10240x64xbf16, #tpu.memory_space<hbm>>
      tpu.wait_indirect_dma semaphore(%arg12 : memref<!tpu.dma_semaphore, #tpu.memory_space<semaphore_mem>>) src(%dma_wait3A_230 : memref<10240x64xbf16, #tpu.memory_space<hbm>>) dst(%dma_wait3A_225 : memref<128x64xbf16, #tpu.memory_space<vmem>>)
      %scan3A_231 = arith.constant 0 : i32
      %scan3A_232 = arith.constant 128 : i32
      %scan3A_233 = arith.addi %scan3A_231, %scan3A_232 : i32
      %scan3A_234 = arith.constant 1 : i32
      scf.for %scan3A_445 = %scan3A_231 to %scan3A_233 step %scan3A_234  : i32 {
        %mul3A_446 = arith.constant 1 : i32
        %mul3A_447 = arith.muli %scan3A_445, %mul3A_446 : i32
        %add3A_448 = arith.constant 0 : i32
        %add3A_449 = arith.addi %add3A_448, %mul3A_447 : i32
        %get3A = arith.constant 0 : i32
        %get3A_450 = arith.index_cast %get3A : i32 to index
        %get3A_451 = arith.index_cast %add3A_449 : i32 to index
        %get3A_452 = arith.constant 0 : index
        %get3A_453 = tpu.vector_load %arg20[%get3A_450, %get3A_451, %get3A_452] {strides = array<i32>} : memref<4x128x64xbf16, #tpu.memory_space<vmem>>, vector<32xbf16>,
        %unpack3A = tpu.unpack_subelements %get3A_453, 0 {pack_format = #tpu.pack_format<interleaved>} : vector<32xbf16> -> vector<16xf32>
        %unpack3A_454 = tpu.unpack_subelements %get3A_453, 1 {pack_format = #tpu.pack_format<interleaved>} : vector<32xbf16> -> vector<16xf32>
        %swap3A = arith.constant 0 : i32
        %swap3A_455 = arith.index_cast %swap3A : i32 to index
        %swap3A_456 = arith.index_cast %add3A_449 : i32 to index
        %swap3A_457 = arith.constant 0 : index
        %swap3A_458 = tpu.vector_load %arg9[%swap3A_455, %swap3A_456, %swap3A_457] {strides = array<i32>} : memref<4x128x64xf32, #tpu.memory_space<vmem>>, vector<16xf32>,
        tpu.vector_store %arg9[%swap3A_455, %swap3A_456, %swap3A_457], %unpack3A {strides = array<i32>} : memref<4x128x64xf32, #tpu.memory_space<vmem>>, vector<16xf32>,
        %swap3A_459 = arith.constant 0 : i32
        %swap3A_460 = arith.index_cast %swap3A_459 : i32 to index
        %swap3A_461 = arith.index_cast %add3A_449 : i32 to index
        %swap3A_462 = arith.constant 16 : index
        %swap3A_463 = tpu.vector_load %arg9[%swap3A_460, %swap3A_461, %swap3A_462] {strides = array<i32>} : memref<4x128x64xf32, #tpu.memory_space<vmem>>, vector<16xf32>,
        tpu.vector_store %arg9[%swap3A_460, %swap3A_461, %swap3A_462], %unpack3A_454 {strides = array<i32>} : memref<4x128x64xf32, #tpu.memory_space<vmem>>, vector<16xf32>,
        %get3A_464 = arith.constant 0 : i32
        %get3A_465 = arith.index_cast %get3A_464 : i32 to index
        %get3A_466 = arith.index_cast %add3A_449 : i32 to index
        %get3A_467 = arith.constant 32 : index
        %get3A_468 = tpu.vector_load %arg20[%get3A_465, %get3A_466, %get3A_467] {strides = array<i32>} : memref<4x128x64xbf16, #tpu.memory_space<vmem>>, vector<32xbf16>,
        %unpack3A_469 = tpu.unpack_subelements %get3A_468, 0 {pack_format = #tpu.pack_format<interleaved>} : vector<32xbf16> -> vector<16xf32>
        %unpack3A_470 = tpu.unpack_subelements %get3A_468, 1 {pack_format = #tpu.pack_format<interleaved>} : vector<32xbf16> -> vector<16xf32>
        %swap3A_471 = arith.constant 0 : i32
        %swap3A_472 = arith.index_cast %swap3A_471 : i32 to index
        %swap3A_473 = arith.index_cast %add3A_449 : i32 to index
        %swap3A_474 = arith.constant 32 : index
        %swap3A_475 = tpu.vector_load %arg9[%swap3A_472, %swap3A_473, %swap3A_474] {strides = array<i32>} : memref<4x128x64xf32, #tpu.memory_space<vmem>>, vector<16xf32>,
        tpu.vector_store %arg9[%swap3A_472, %swap3A_473, %swap3A_474], %unpack3A_469 {strides = array<i32>} : memref<4x128x64xf32, #tpu.memory_space<vmem>>, vector<16xf32>,
        %swap3A_476 = arith.constant 0 : i32
        %swap3A_477 = arith.index_cast %swap3A_476 : i32 to index
        %swap3A_478 = arith.index_cast %add3A_449 : i32 to index
        %swap3A_479 = arith.constant 48 : index
        %swap3A_480 = tpu.vector_load %arg9[%swap3A_477, %swap3A_478, %swap3A_479] {strides = array<i32>} : memref<4x128x64xf32, #tpu.memory_space<vmem>>, vector<16xf32>,
        tpu.vector_store %arg9[%swap3A_477, %swap3A_478, %swap3A_479], %unpack3A_470 {strides = array<i32>} : memref<4x128x64xf32, #tpu.memory_space<vmem>>, vector<16xf32>,
      }
      %scan3A_235 = arith.constant 128 : i32
      %add3A_236 = arith.constant 0 : i32
      %add3A_237 = arith.addi %mul3A_220, %add3A_236 : i32
      %dma_start3A_238 = arith.constant 0 : i32
      %dma_start3A_239 = arith.constant 0 : i32
      %dma_start3A_240 = arith.constant 0 : i32
      %dma_start3A_241 = tpu.memref_slice %arg9[%dma_start3A_238, %dma_start3A_239, %dma_start3A_240] : memref<4x128x64xf32, #tpu.memory_space<vmem>> -> memref<1x128x64xf32, #tpu.memory_space<vmem>>
      %dma_start3A_242 = tpu.memref_squeeze %dma_start3A_241 : memref<1x128x64xf32, #tpu.memory_space<vmem>> -> memref<128x64xf32, #tpu.memory_space<vmem>>
      %dma_start3A_243 = arith.constant 0 : i32
      %dma_start3A_244 = tpu.memref_slice %arg8[%add3A_237, %dma_start3A_243] : memref<80x128xi32, #tpu.memory_space<vmem>> -> memref<1x128xi32, #tpu.memory_space<vmem>>
      %dma_start3A_245 = tpu.memref_squeeze %dma_start3A_244 : memref<1x128xi32, #tpu.memory_space<vmem>> -> memref<128xi32, #tpu.memory_space<vmem>>
      %dma_start3A_246 = arith.constant 0 : i32
      %dma_start3A_247 = arith.constant 0 : i32
      %dma_start3A_248 = tpu.memref_slice %arg11[%dma_start3A_246, %dma_start3A_247] : memref<10240x64xf32, #tpu.memory_space<vmem_shared>> -> memref<10240x64xf32, #tpu.memory_space<vmem_shared>>
      tpu.enqueue_indirect_dma source(%dma_start3A_242 : memref<128x64xf32, #tpu.memory_space<vmem>>) target(%dma_start3A_248 : memref<10240x64xf32, #tpu.memory_space<vmem_shared>>) offsets(%dma_start3A_245 : memref<128xi32, #tpu.memory_space<vmem>>) semaphore(%arg16 : memref<!tpu.dma_semaphore, #tpu.memory_space<semaphore_mem>>) {add = true}
      %dma_wait3A_249 = arith.constant 1 : i32
      %dma_wait3A_250 = arith.constant 0 : i32
      %dma_wait3A_251 = arith.constant 0 : i32
      %dma_wait3A_252 = tpu.memref_slice %arg20[%dma_wait3A_249, %dma_wait3A_250, %dma_wait3A_251] : memref<4x128x64xbf16, #tpu.memory_space<vmem>> -> memref<1x128x64xbf16, #tpu.memory_space<vmem>>
      %dma_wait3A_253 = tpu.memref_squeeze %dma_wait3A_252 : memref<1x128x64xbf16, #tpu.memory_space<vmem>> -> memref<128x64xbf16, #tpu.memory_space<vmem>>
      %dma_wait3A_254 = arith.constant 0 : i32
      %dma_wait3A_255 = tpu.memref_slice %arg7[%dma_wait3A_254] : memref<10240xi32, #tpu.memory_space<vmem>> -> memref<128xi32, #tpu.memory_space<vmem>>
      %dma_wait3A_256 = arith.constant 0 : i32
      %dma_wait3A_257 = arith.constant 0 : i32
      %dma_wait3A_258 = tpu.memref_slice %arg2[%dma_wait3A_256, %dma_wait3A_257] : memref<10240x64xbf16, #tpu.memory_space<hbm>> -> memref<10240x64xbf16, #tpu.memory_space<hbm>>
      tpu.wait_indirect_dma semaphore(%arg13 : memref<!tpu.dma_semaphore, #tpu.memory_space<semaphore_mem>>) src(%dma_wait3A_258 : memref<10240x64xbf16, #tpu.memory_space<hbm>>) dst(%dma_wait3A_253 : memref<128x64xbf16, #tpu.memory_space<vmem>>)
      %scan3A_259 = arith.constant 0 : i32
      %scan3A_260 = arith.constant 128 : i32
      %scan3A_261 = arith.addi %scan3A_259, %scan3A_260 : i32
      %scan3A_262 = arith.constant 1 : i32
      scf.for %scan3A_445 = %scan3A_259 to %scan3A_261 step %scan3A_262  : i32 {
        %mul3A_446 = arith.constant 1 : i32
        %mul3A_447 = arith.muli %scan3A_445, %mul3A_446 : i32
        %add3A_448 = arith.constant 0 : i32
        %add3A_449 = arith.addi %add3A_448, %mul3A_447 : i32
        %get3A = arith.constant 1 : i32
        %get3A_450 = arith.index_cast %get3A : i32 to index
        %get3A_451 = arith.index_cast %add3A_449 : i32 to index
        %get3A_452 = arith.constant 0 : index
        %get3A_453 = tpu.vector_load %arg20[%get3A_450, %get3A_451, %get3A_452] {strides = array<i32>} : memref<4x128x64xbf16, #tpu.memory_space<vmem>>, vector<32xbf16>,
        %unpack3A = tpu.unpack_subelements %get3A_453, 0 {pack_format = #tpu.pack_format<interleaved>} : vector<32xbf16> -> vector<16xf32>
        %unpack3A_454 = tpu.unpack_subelements %get3A_453, 1 {pack_format = #tpu.pack_format<interleaved>} : vector<32xbf16> -> vector<16xf32>
        %swap3A = arith.constant 1 : i32
        %swap3A_455 = arith.index_cast %swap3A : i32 to index
        %swap3A_456 = arith.index_cast %add3A_449 : i32 to index
        %swap3A_457 = arith.constant 0 : index
        %swap3A_458 = tpu.vector_load %arg9[%swap3A_455, %swap3A_456, %swap3A_457] {strides = array<i32>} : memref<4x128x64xf32, #tpu.memory_space<vmem>>, vector<16xf32>,
        tpu.vector_store %arg9[%swap3A_455, %swap3A_456, %swap3A_457], %unpack3A {strides = array<i32>} : memref<4x128x64xf32, #tpu.memory_space<vmem>>, vector<16xf32>,
        %swap3A_459 = arith.constant 1 : i32
        %swap3A_460 = arith.index_cast %swap3A_459 : i32 to index
        %swap3A_461 = arith.index_cast %add3A_449 : i32 to index
        %swap3A_462 = arith.constant 16 : index
        %swap3A_463 = tpu.vector_load %arg9[%swap3A_460, %swap3A_461, %swap3A_462] {strides = array<i32>} : memref<4x128x64xf32, #tpu.memory_space<vmem>>, vector<16xf32>,
        tpu.vector_store %arg9[%swap3A_460, %swap3A_461, %swap3A_462], %unpack3A_454 {strides = array<i32>} : memref<4x128x64xf32, #tpu.memory_space<vmem>>, vector<16xf32>,
        %get3A_464 = arith.constant 1 : i32
        %get3A_465 = arith.index_cast %get3A_464 : i32 to index
        %get3A_466 = arith.index_cast %add3A_449 : i32 to index
        %get3A_467 = arith.constant 32 : index
        %get3A_468 = tpu.vector_load %arg20[%get3A_465, %get3A_466, %get3A_467] {strides = array<i32>} : memref<4x128x64xbf16, #tpu.memory_space<vmem>>, vector<32xbf16>,
        %unpack3A_469 = tpu.unpack_subelements %get3A_468, 0 {pack_format = #tpu.pack_format<interleaved>} : vector<32xbf16> -> vector<16xf32>
        %unpack3A_470 = tpu.unpack_subelements %get3A_468, 1 {pack_format = #tpu.pack_format<interleaved>} : vector<32xbf16> -> vector<16xf32>
        %swap3A_471 = arith.constant 1 : i32
        %swap3A_472 = arith.index_cast %swap3A_471 : i32 to index
        %swap3A_473 = arith.index_cast %add3A_449 : i32 to index
        %swap3A_474 = arith.constant 32 : index
        %swap3A_475 = tpu.vector_load %arg9[%swap3A_472, %swap3A_473, %swap3A_474] {strides = array<i32>} : memref<4x128x64xf32, #tpu.memory_space<vmem>>, vector<16xf32>,
        tpu.vector_store %arg9[%swap3A_472, %swap3A_473, %swap3A_474], %unpack3A_469 {strides = array<i32>} : memref<4x128x64xf32, #tpu.memory_space<vmem>>, vector<16xf32>,
        %swap3A_476 = arith.constant 1 : i32
        %swap3A_477 = arith.index_cast %swap3A_476 : i32 to index
        %swap3A_478 = arith.index_cast %add3A_449 : i32 to index
        %swap3A_479 = arith.constant 48 : index
        %swap3A_480 = tpu.vector_load %arg9[%swap3A_477, %swap3A_478, %swap3A_479] {strides = array<i32>} : memref<4x128x64xf32, #tpu.memory_space<vmem>>, vector<16xf32>,
        tpu.vector_store %arg9[%swap3A_477, %swap3A_478, %swap3A_479], %unpack3A_470 {strides = array<i32>} : memref<4x128x64xf32, #tpu.memory_space<vmem>>, vector<16xf32>,
      }
      %scan3A_263 = arith.constant 128 : i32
      %add3A_264 = arith.constant 1 : i32
      %add3A_265 = arith.addi %mul3A_220, %add3A_264 : i32
      %dma_start3A_266 = arith.constant 1 : i32
      %dma_start3A_267 = arith.constant 0 : i32
      %dma_start3A_268 = arith.constant 0 : i32
      %dma_start3A_269 = tpu.memref_slice %arg9[%dma_start3A_266, %dma_start3A_267, %dma_start3A_268] : memref<4x128x64xf32, #tpu.memory_space<vmem>> -> memref<1x128x64xf32, #tpu.memory_space<vmem>>
      %dma_start3A_270 = tpu.memref_squeeze %dma_start3A_269 : memref<1x128x64xf32, #tpu.memory_space<vmem>> -> memref<128x64xf32, #tpu.memory_space<vmem>>
      %dma_start3A_271 = arith.constant 0 : i32
      %dma_start3A_272 = tpu.memref_slice %arg8[%add3A_265, %dma_start3A_271] : memref<80x128xi32, #tpu.memory_space<vmem>> -> memref<1x128xi32, #tpu.memory_space<vmem>>
      %dma_start3A_273 = tpu.memref_squeeze %dma_start3A_272 : memref<1x128xi32, #tpu.memory_space<vmem>> -> memref<128xi32, #tpu.memory_space<vmem>>
      %dma_start3A_274 = arith.constant 0 : i32
      %dma_start3A_275 = arith.constant 0 : i32
      %dma_start3A_276 = tpu.memref_slice %arg11[%dma_start3A_274, %dma_start3A_275] : memref<10240x64xf32, #tpu.memory_space<vmem_shared>> -> memref<10240x64xf32, #tpu.memory_space<vmem_shared>>
      tpu.enqueue_indirect_dma source(%dma_start3A_270 : memref<128x64xf32, #tpu.memory_space<vmem>>) target(%dma_start3A_276 : memref<10240x64xf32, #tpu.memory_space<vmem_shared>>) offsets(%dma_start3A_273 : memref<128xi32, #tpu.memory_space<vmem>>) semaphore(%arg17 : memref<!tpu.dma_semaphore, #tpu.memory_space<semaphore_mem>>) {add = true}
      %dma_wait3A_277 = arith.constant 0 : i32
      %dma_wait3A_278 = arith.constant 0 : i32
      %dma_wait3A_279 = arith.constant 0 : i32
      %dma_wait3A_280 = arith.constant 0 : i32
      %dma_wait3A_281 = tpu.memref_slice %arg9[%dma_wait3A_277, %dma_wait3A_279, %dma_wait3A_280] : memref<4x128x64xf32, #tpu.memory_space<vmem>> -> memref<1x128x64xf32, #tpu.memory_space<vmem>>
      %dma_wait3A_282 = tpu.memref_squeeze %dma_wait3A_281 : memref<1x128x64xf32, #tpu.memory_space<vmem>> -> memref<128x64xf32, #tpu.memory_space<vmem>>
      %dma_wait3A_283 = arith.constant 0 : i32
      %dma_wait3A_284 = tpu.memref_slice %arg8[%dma_wait3A_278, %dma_wait3A_283] : memref<80x128xi32, #tpu.memory_space<vmem>> -> memref<1x128xi32, #tpu.memory_space<vmem>>
      %dma_wait3A_285 = tpu.memref_squeeze %dma_wait3A_284 : memref<1x128xi32, #tpu.memory_space<vmem>> -> memref<128xi32, #tpu.memory_space<vmem>>
      %dma_wait3A_286 = arith.constant 0 : i32
      %dma_wait3A_287 = arith.constant 0 : i32
      %dma_wait3A_288 = tpu.memref_slice %arg11[%dma_wait3A_286, %dma_wait3A_287] : memref<10240x64xf32, #tpu.memory_space<vmem_shared>> -> memref<10240x64xf32, #tpu.memory_space<vmem_shared>>
      tpu.wait_indirect_dma semaphore(%arg16 : memref<!tpu.dma_semaphore, #tpu.memory_space<semaphore_mem>>) src(%dma_wait3A_282 : memref<128x64xf32, #tpu.memory_space<vmem>>) dst(%dma_wait3A_288 : memref<10240x64xf32, #tpu.memory_space<vmem_shared>>)
      %add3A_289 = arith.constant 4 : i32
      %add3A_290 = arith.addi %mul3A_220, %add3A_289 : i32
      %add3A_291 = arith.constant 0 : i32
      %add3A_292 = arith.addi %add3A_290, %add3A_291 : i32
      %mul3A_293 = arith.constant 128 : i32
      %mul3A_294 = arith.muli %add3A_292, %mul3A_293 : i32
      %dma_start3A_295 = arith.constant 0 : i32
      %dma_start3A_296 = arith.constant 0 : i32
      %dma_start3A_297 = arith.constant 0 : i32
      %dma_start3A_298 = tpu.memref_slice %arg20[%dma_start3A_295, %dma_start3A_296, %dma_start3A_297] : memref<4x128x64xbf16, #tpu.memory_space<vmem>> -> memref<1x128x64xbf16, #tpu.memory_space<vmem>>
      %dma_start3A_299 = tpu.memref_squeeze %dma_start3A_298 : memref<1x128x64xbf16, #tpu.memory_space<vmem>> -> memref<128x64xbf16, #tpu.memory_space<vmem>>
      %dma_start3A_300 = tpu.memref_slice %arg7[%mul3A_294] : memref<10240xi32, #tpu.memory_space<vmem>> -> memref<128xi32, #tpu.memory_space<vmem>>
      %dma_start3A_301 = arith.constant 0 : i32
      %dma_start3A_302 = arith.constant 0 : i32
      %dma_start3A_303 = tpu.memref_slice %arg2[%dma_start3A_301, %dma_start3A_302] : memref<10240x64xbf16, #tpu.memory_space<hbm>> -> memref<10240x64xbf16, #tpu.memory_space<hbm>>
      tpu.enqueue_indirect_dma source(%dma_start3A_303 : memref<10240x64xbf16, #tpu.memory_space<hbm>>) target(%dma_start3A_299 : memref<128x64xbf16, #tpu.memory_space<vmem>>) offsets(%dma_start3A_300 : memref<128xi32, #tpu.memory_space<vmem>>) semaphore(%arg12 : memref<!tpu.dma_semaphore, #tpu.memory_space<semaphore_mem>>)
      %dma_wait3A_304 = arith.constant 1 : i32
      %dma_wait3A_305 = arith.constant 0 : i32
      %dma_wait3A_306 = arith.constant 0 : i32
      %dma_wait3A_307 = arith.constant 0 : i32
      %dma_wait3A_308 = tpu.memref_slice %arg9[%dma_wait3A_304, %dma_wait3A_306, %dma_wait3A_307] : memref<4x128x64xf32, #tpu.memory_space<vmem>> -> memref<1x128x64xf32, #tpu.memory_space<vmem>>
      %dma_wait3A_309 = tpu.memref_squeeze %dma_wait3A_308 : memref<1x128x64xf32, #tpu.memory_space<vmem>> -> memref<128x64xf32, #tpu.memory_space<vmem>>
      %dma_wait3A_310 = arith.constant 0 : i32
      %dma_wait3A_311 = tpu.memref_slice %arg8[%dma_wait3A_305, %dma_wait3A_310] : memref<80x128xi32, #tpu.memory_space<vmem>> -> memref<1x128xi32, #tpu.memory_space<vmem>>
      %dma_wait3A_312 = tpu.memref_squeeze %dma_wait3A_311 : memref<1x128xi32, #tpu.memory_space<vmem>> -> memref<128xi32, #tpu.memory_space<vmem>>
      %dma_wait3A_313 = arith.constant 0 : i32
      %dma_wait3A_314 = arith.constant 0 : i32
      %dma_wait3A_315 = tpu.memref_slice %arg11[%dma_wait3A_313, %dma_wait3A_314] : memref<10240x64xf32, #tpu.memory_space<vmem_shared>> -> memref<10240x64xf32, #tpu.memory_space<vmem_shared>>
      tpu.wait_indirect_dma semaphore(%arg17 : memref<!tpu.dma_semaphore, #tpu.memory_space<semaphore_mem>>) src(%dma_wait3A_309 : memref<128x64xf32, #tpu.memory_space<vmem>>) dst(%dma_wait3A_315 : memref<10240x64xf32, #tpu.memory_space<vmem_shared>>)
      %add3A_316 = arith.constant 4 : i32
      %add3A_317 = arith.addi %mul3A_220, %add3A_316 : i32
      %add3A_318 = arith.constant 1 : i32
      %add3A_319 = arith.addi %add3A_317, %add3A_318 : i32
      %mul3A_320 = arith.constant 128 : i32
      %mul3A_321 = arith.muli %add3A_319, %mul3A_320 : i32
      %dma_start3A_322 = arith.constant 1 : i32
      %dma_start3A_323 = arith.constant 0 : i32
      %dma_start3A_324 = arith.constant 0 : i32
      %dma_start3A_325 = tpu.memref_slice %arg20[%dma_start3A_322, %dma_start3A_323, %dma_start3A_324] : memref<4x128x64xbf16, #tpu.memory_space<vmem>> -> memref<1x128x64xbf16, #tpu.memory_space<vmem>>
      %dma_start3A_326 = tpu.memref_squeeze %dma_start3A_325 : memref<1x128x64xbf16, #tpu.memory_space<vmem>> -> memref<128x64xbf16, #tpu.memory_space<vmem>>
      %dma_start3A_327 = tpu.memref_slice %arg7[%mul3A_321] : memref<10240xi32, #tpu.memory_space<vmem>> -> memref<128xi32, #tpu.memory_space<vmem>>
      %dma_start3A_328 = arith.constant 0 : i32
      %dma_start3A_329 = arith.constant 0 : i32
      %dma_start3A_330 = tpu.memref_slice %arg2[%dma_start3A_328, %dma_start3A_329] : memref<10240x64xbf16, #tpu.memory_space<hbm>> -> memref<10240x64xbf16, #tpu.memory_space<hbm>>
      tpu.enqueue_indirect_dma source(%dma_start3A_330 : memref<10240x64xbf16, #tpu.memory_space<hbm>>) target(%dma_start3A_326 : memref<128x64xbf16, #tpu.memory_space<vmem>>) offsets(%dma_start3A_327 : memref<128xi32, #tpu.memory_space<vmem>>) semaphore(%arg13 : memref<!tpu.dma_semaphore, #tpu.memory_space<semaphore_mem>>)
      %add3A_331 = arith.constant 1 : i32
      %add3A_332 = arith.addi %add3A_216, %add3A_331 : i32
      %mul3A_333 = arith.constant 2 : i32
      %mul3A_334 = arith.muli %add3A_332, %mul3A_333 : i32
      %dma_wait3A_335 = arith.constant 2 : i32
      %dma_wait3A_336 = arith.constant 0 : i32
      %dma_wait3A_337 = arith.constant 0 : i32
      %dma_wait3A_338 = tpu.memref_slice %arg20[%dma_wait3A_335, %dma_wait3A_336, %dma_wait3A_337] : memref<4x128x64xbf16, #tpu.memory_space<vmem>> -> memref<1x128x64xbf16, #tpu.memory_space<vmem>>
      %dma_wait3A_339 = tpu.memref_squeeze %dma_wait3A_338 : memref<1x128x64xbf16, #tpu.memory_space<vmem>> -> memref<128x64xbf16, #tpu.memory_space<vmem>>
      %dma_wait3A_340 = arith.constant 0 : i32
      %dma_wait3A_341 = tpu.memref_slice %arg7[%dma_wait3A_340] : memref<10240xi32, #tpu.memory_space<vmem>> -> memref<128xi32, #tpu.memory_space<vmem>>
      %dma_wait3A_342 = arith.constant 0 : i32
      %dma_wait3A_343 = arith.constant 0 : i32
      %dma_wait3A_344 = tpu.memref_slice %arg2[%dma_wait3A_342, %dma_wait3A_343] : memref<10240x64xbf16, #tpu.memory_space<hbm>> -> memref<10240x64xbf16, #tpu.memory_space<hbm>>
      tpu.wait_indirect_dma semaphore(%arg14 : memref<!tpu.dma_semaphore, #tpu.memory_space<semaphore_mem>>) src(%dma_wait3A_344 : memref<10240x64xbf16, #tpu.memory_space<hbm>>) dst(%dma_wait3A_339 : memref<128x64xbf16, #tpu.memory_space<vmem>>)
      %scan3A_345 = arith.constant 0 : i32
      %scan3A_346 = arith.constant 128 : i32
      %scan3A_347 = arith.addi %scan3A_345, %scan3A_346 : i32
      %scan3A_348 = arith.constant 1 : i32
      scf.for %scan3A_445 = %scan3A_345 to %scan3A_347 step %scan3A_348  : i32 {
        %mul3A_446 = arith.constant 1 : i32
        %mul3A_447 = arith.muli %scan3A_445, %mul3A_446 : i32
        %add3A_448 = arith.constant 0 : i32
        %add3A_449 = arith.addi %add3A_448, %mul3A_447 : i32
        %get3A = arith.constant 2 : i32
        %get3A_450 = arith.index_cast %get3A : i32 to index
        %get3A_451 = arith.index_cast %add3A_449 : i32 to index
        %get3A_452 = arith.constant 0 : index
        %get3A_453 = tpu.vector_load %arg20[%get3A_450, %get3A_451, %get3A_452] {strides = array<i32>} : memref<4x128x64xbf16, #tpu.memory_space<vmem>>, vector<32xbf16>,
        %unpack3A = tpu.unpack_subelements %get3A_453, 0 {pack_format = #tpu.pack_format<interleaved>} : vector<32xbf16> -> vector<16xf32>
        %unpack3A_454 = tpu.unpack_subelements %get3A_453, 1 {pack_format = #tpu.pack_format<interleaved>} : vector<32xbf16> -> vector<16xf32>
        %swap3A = arith.constant 2 : i32
        %swap3A_455 = arith.index_cast %swap3A : i32 to index
        %swap3A_456 = arith.index_cast %add3A_449 : i32 to index
        %swap3A_457 = arith.constant 0 : index
        %swap3A_458 = tpu.vector_load %arg9[%swap3A_455, %swap3A_456, %swap3A_457] {strides = array<i32>} : memref<4x128x64xf32, #tpu.memory_space<vmem>>, vector<16xf32>,
        tpu.vector_store %arg9[%swap3A_455, %swap3A_456, %swap3A_457], %unpack3A {strides = array<i32>} : memref<4x128x64xf32, #tpu.memory_space<vmem>>, vector<16xf32>,
        %swap3A_459 = arith.constant 2 : i32
        %swap3A_460 = arith.index_cast %swap3A_459 : i32 to index
        %swap3A_461 = arith.index_cast %add3A_449 : i32 to index
        %swap3A_462 = arith.constant 16 : index
        %swap3A_463 = tpu.vector_load %arg9[%swap3A_460, %swap3A_461, %swap3A_462] {strides = array<i32>} : memref<4x128x64xf32, #tpu.memory_space<vmem>>, vector<16xf32>,
        tpu.vector_store %arg9[%swap3A_460, %swap3A_461, %swap3A_462], %unpack3A_454 {strides = array<i32>} : memref<4x128x64xf32, #tpu.memory_space<vmem>>, vector<16xf32>,
        %get3A_464 = arith.constant 2 : i32
        %get3A_465 = arith.index_cast %get3A_464 : i32 to index
        %get3A_466 = arith.index_cast %add3A_449 : i32 to index
        %get3A_467 = arith.constant 32 : index
        %get3A_468 = tpu.vector_load %arg20[%get3A_465, %get3A_466, %get3A_467] {strides = array<i32>} : memref<4x128x64xbf16, #tpu.memory_space<vmem>>, vector<32xbf16>,
        %unpack3A_469 = tpu.unpack_subelements %get3A_468, 0 {pack_format = #tpu.pack_format<interleaved>} : vector<32xbf16> -> vector<16xf32>
        %unpack3A_470 = tpu.unpack_subelements %get3A_468, 1 {pack_format = #tpu.pack_format<interleaved>} : vector<32xbf16> -> vector<16xf32>
        %swap3A_471 = arith.constant 2 : i32
        %swap3A_472 = arith.index_cast %swap3A_471 : i32 to index
        %swap3A_473 = arith.index_cast %add3A_449 : i32 to index
        %swap3A_474 = arith.constant 32 : index
        %swap3A_475 = tpu.vector_load %arg9[%swap3A_472, %swap3A_473, %swap3A_474] {strides = array<i32>} : memref<4x128x64xf32, #tpu.memory_space<vmem>>, vector<16xf32>,
        tpu.vector_store %arg9[%swap3A_472, %swap3A_473, %swap3A_474], %unpack3A_469 {strides = array<i32>} : memref<4x128x64xf32, #tpu.memory_space<vmem>>, vector<16xf32>,
        %swap3A_476 = arith.constant 2 : i32
        %swap3A_477 = arith.index_cast %swap3A_476 : i32 to index
        %swap3A_478 = arith.index_cast %add3A_449 : i32 to index
        %swap3A_479 = arith.constant 48 : index
        %swap3A_480 = tpu.vector_load %arg9[%swap3A_477, %swap3A_478, %swap3A_479] {strides = array<i32>} : memref<4x128x64xf32, #tpu.memory_space<vmem>>, vector<16xf32>,
        tpu.vector_store %arg9[%swap3A_477, %swap3A_478, %swap3A_479], %unpack3A_470 {strides = array<i32>} : memref<4x128x64xf32, #tpu.memory_space<vmem>>, vector<16xf32>,
      }
      %scan3A_349 = arith.constant 128 : i32
      %add3A_350 = arith.constant 0 : i32
      %add3A_351 = arith.addi %mul3A_334, %add3A_350 : i32
      %dma_start3A_352 = arith.constant 2 : i32
      %dma_start3A_353 = arith.constant 0 : i32
      %dma_start3A_354 = arith.constant 0 : i32
      %dma_start3A_355 = tpu.memref_slice %arg9[%dma_start3A_352, %dma_start3A_353, %dma_start3A_354] : memref<4x128x64xf32, #tpu.memory_space<vmem>> -> memref<1x128x64xf32, #tpu.memory_space<vmem>>
      %dma_start3A_356 = tpu.memref_squeeze %dma_start3A_355 : memref<1x128x64xf32, #tpu.memory_space<vmem>> -> memref<128x64xf32, #tpu.memory_space<vmem>>
      %dma_start3A_357 = arith.constant 0 : i32
      %dma_start3A_358 = tpu.memref_slice %arg8[%add3A_351, %dma_start3A_357] : memref<80x128xi32, #tpu.memory_space<vmem>> -> memref<1x128xi32, #tpu.memory_space<vmem>>
      %dma_start3A_359 = tpu.memref_squeeze %dma_start3A_358 : memref<1x128xi32, #tpu.memory_space<vmem>> -> memref<128xi32, #tpu.memory_space<vmem>>
      %dma_start3A_360 = arith.constant 0 : i32
      %dma_start3A_361 = arith.constant 0 : i32
      %dma_start3A_362 = tpu.memref_slice %arg11[%dma_start3A_360, %dma_start3A_361] : memref<10240x64xf32, #tpu.memory_space<vmem_shared>> -> memref<10240x64xf32, #tpu.memory_space<vmem_shared>>
      tpu.enqueue_indirect_dma source(%dma_start3A_356 : memref<128x64xf32, #tpu.memory_space<vmem>>) target(%dma_start3A_362 : memref<10240x64xf32, #tpu.memory_space<vmem_shared>>) offsets(%dma_start3A_359 : memref<128xi32, #tpu.memory_space<vmem>>) semaphore(%arg18 : memref<!tpu.dma_semaphore, #tpu.memory_space<semaphore_mem>>) {add = true}
      %dma_wait3A_363 = arith.constant 3 : i32
      %dma_wait3A_364 = arith.constant 0 : i32
      %dma_wait3A_365 = arith.constant 0 : i32
      %dma_wait3A_366 = tpu.memref_slice %arg20[%dma_wait3A_363, %dma_wait3A_364, %dma_wait3A_365] : memref<4x128x64xbf16, #tpu.memory_space<vmem>> -> memref<1x128x64xbf16, #tpu.memory_space<vmem>>
      %dma_wait3A_367 = tpu.memref_squeeze %dma_wait3A_366 : memref<1x128x64xbf16, #tpu.memory_space<vmem>> -> memref<128x64xbf16, #tpu.memory_space<vmem>>
      %dma_wait3A_368 = arith.constant 0 : i32
      %dma_wait3A_369 = tpu.memref_slice %arg7[%dma_wait3A_368] : memref<10240xi32, #tpu.memory_space<vmem>> -> memref<128xi32, #tpu.memory_space<vmem>>
      %dma_wait3A_370 = arith.constant 0 : i32
      %dma_wait3A_371 = arith.constant 0 : i32
      %dma_wait3A_372 = tpu.memref_slice %arg2[%dma_wait3A_370, %dma_wait3A_371] : memref<10240x64xbf16, #tpu.memory_space<hbm>> -> memref<10240x64xbf16, #tpu.memory_space<hbm>>
      tpu.wait_indirect_dma semaphore(%arg15 : memref<!tpu.dma_semaphore, #tpu.memory_space<semaphore_mem>>) src(%dma_wait3A_372 : memref<10240x64xbf16, #tpu.memory_space<hbm>>) dst(%dma_wait3A_367 : memref<128x64xbf16, #tpu.memory_space<vmem>>)
      %scan3A_373 = arith.constant 0 : i32
      %scan3A_374 = arith.constant 128 : i32
      %scan3A_375 = arith.addi %scan3A_373, %scan3A_374 : i32
      %scan3A_376 = arith.constant 1 : i32
      scf.for %scan3A_445 = %scan3A_373 to %scan3A_375 step %scan3A_376  : i32 {
        %mul3A_446 = arith.constant 1 : i32
        %mul3A_447 = arith.muli %scan3A_445, %mul3A_446 : i32
        %add3A_448 = arith.constant 0 : i32
        %add3A_449 = arith.addi %add3A_448, %mul3A_447 : i32
        %get3A = arith.constant 3 : i32
        %get3A_450 = arith.index_cast %get3A : i32 to index
        %get3A_451 = arith.index_cast %add3A_449 : i32 to index
        %get3A_452 = arith.constant 0 : index
        %get3A_453 = tpu.vector_load %arg20[%get3A_450, %get3A_451, %get3A_452] {strides = array<i32>} : memref<4x128x64xbf16, #tpu.memory_space<vmem>>, vector<32xbf16>,
        %unpack3A = tpu.unpack_subelements %get3A_453, 0 {pack_format = #tpu.pack_format<interleaved>} : vector<32xbf16> -> vector<16xf32>
        %unpack3A_454 = tpu.unpack_subelements %get3A_453, 1 {pack_format = #tpu.pack_format<interleaved>} : vector<32xbf16> -> vector<16xf32>
        %swap3A = arith.constant 3 : i32
        %swap3A_455 = arith.index_cast %swap3A : i32 to index
        %swap3A_456 = arith.index_cast %add3A_449 : i32 to index
        %swap3A_457 = arith.constant 0 : index
        %swap3A_458 = tpu.vector_load %arg9[%swap3A_455, %swap3A_456, %swap3A_457] {strides = array<i32>} : memref<4x128x64xf32, #tpu.memory_space<vmem>>, vector<16xf32>,
        tpu.vector_store %arg9[%swap3A_455, %swap3A_456, %swap3A_457], %unpack3A {strides = array<i32>} : memref<4x128x64xf32, #tpu.memory_space<vmem>>, vector<16xf32>,
        %swap3A_459 = arith.constant 3 : i32
        %swap3A_460 = arith.index_cast %swap3A_459 : i32 to index
        %swap3A_461 = arith.index_cast %add3A_449 : i32 to index
        %swap3A_462 = arith.constant 16 : index
        %swap3A_463 = tpu.vector_load %arg9[%swap3A_460, %swap3A_461, %swap3A_462] {strides = array<i32>} : memref<4x128x64xf32, #tpu.memory_space<vmem>>, vector<16xf32>,
        tpu.vector_store %arg9[%swap3A_460, %swap3A_461, %swap3A_462], %unpack3A_454 {strides = array<i32>} : memref<4x128x64xf32, #tpu.memory_space<vmem>>, vector<16xf32>,
        %get3A_464 = arith.constant 3 : i32
        %get3A_465 = arith.index_cast %get3A_464 : i32 to index
        %get3A_466 = arith.index_cast %add3A_449 : i32 to index
        %get3A_467 = arith.constant 32 : index
        %get3A_468 = tpu.vector_load %arg20[%get3A_465, %get3A_466, %get3A_467] {strides = array<i32>} : memref<4x128x64xbf16, #tpu.memory_space<vmem>>, vector<32xbf16>,
        %unpack3A_469 = tpu.unpack_subelements %get3A_468, 0 {pack_format = #tpu.pack_format<interleaved>} : vector<32xbf16> -> vector<16xf32>
        %unpack3A_470 = tpu.unpack_subelements %get3A_468, 1 {pack_format = #tpu.pack_format<interleaved>} : vector<32xbf16> -> vector<16xf32>
        %swap3A_471 = arith.constant 3 : i32
        %swap3A_472 = arith.index_cast %swap3A_471 : i32 to index
        %swap3A_473 = arith.index_cast %add3A_449 : i32 to index
        %swap3A_474 = arith.constant 32 : index
        %swap3A_475 = tpu.vector_load %arg9[%swap3A_472, %swap3A_473, %swap3A_474] {strides = array<i32>} : memref<4x128x64xf32, #tpu.memory_space<vmem>>, vector<16xf32>,
        tpu.vector_store %arg9[%swap3A_472, %swap3A_473, %swap3A_474], %unpack3A_469 {strides = array<i32>} : memref<4x128x64xf32, #tpu.memory_space<vmem>>, vector<16xf32>,
        %swap3A_476 = arith.constant 3 : i32
        %swap3A_477 = arith.index_cast %swap3A_476 : i32 to index
        %swap3A_478 = arith.index_cast %add3A_449 : i32 to index
        %swap3A_479 = arith.constant 48 : index
        %swap3A_480 = tpu.vector_load %arg9[%swap3A_477, %swap3A_478, %swap3A_479] {strides = array<i32>} : memref<4x128x64xf32, #tpu.memory_space<vmem>>, vector<16xf32>,
        tpu.vector_store %arg9[%swap3A_477, %swap3A_478, %swap3A_479], %unpack3A_470 {strides = array<i32>} : memref<4x128x64xf32, #tpu.memory_space<vmem>>, vector<16xf32>,
      }
      %scan3A_377 = arith.constant 128 : i32
      %add3A_378 = arith.constant 1 : i32
      %add3A_379 = arith.addi %mul3A_334, %add3A_378 : i32
      %dma_start3A_380 = arith.constant 3 : i32
      %dma_start3A_381 = arith.constant 0 : i32
      %dma_start3A_382 = arith.constant 0 : i32
      %dma_start3A_383 = tpu.memref_slice %arg9[%dma_start3A_380, %dma_start3A_381, %dma_start3A_382] : memref<4x128x64xf32, #tpu.memory_space<vmem>> -> memref<1x128x64xf32, #tpu.memory_space<vmem>>
      %dma_start3A_384 = tpu.memref_squeeze %dma_start3A_383 : memref<1x128x64xf32, #tpu.memory_space<vmem>> -> memref<128x64xf32, #tpu.memory_space<vmem>>
      %dma_start3A_385 = arith.constant 0 : i32
      %dma_start3A_386 = tpu.memref_slice %arg8[%add3A_379, %dma_start3A_385] : memref<80x128xi32, #tpu.memory_space<vmem>> -> memref<1x128xi32, #tpu.memory_space<vmem>>
      %dma_start3A_387 = tpu.memref_squeeze %dma_start3A_386 : memref<1x128xi32, #tpu.memory_space<vmem>> -> memref<128xi32, #tpu.memory_space<vmem>>
      %dma_start3A_388 = arith.constant 0 : i32
      %dma_start3A_389 = arith.constant 0 : i32
      %dma_start3A_390 = tpu.memref_slice %arg11[%dma_start3A_388, %dma_start3A_389] : memref<10240x64xf32, #tpu.memory_space<vmem_shared>> -> memref<10240x64xf32, #tpu.memory_space<vmem_shared>>
      tpu.enqueue_indirect_dma source(%dma_start3A_384 : memref<128x64xf32, #tpu.memory_space<vmem>>) target(%dma_start3A_390 : memref<10240x64xf32, #tpu.memory_space<vmem_shared>>) offsets(%dma_start3A_387 : memref<128xi32, #tpu.memory_space<vmem>>) semaphore(%arg19 : memref<!tpu.dma_semaphore, #tpu.memory_space<semaphore_mem>>) {add = true}
      %dma_wait3A_391 = arith.constant 2 : i32
      %dma_wait3A_392 = arith.constant 0 : i32
      %dma_wait3A_393 = arith.constant 0 : i32
      %dma_wait3A_394 = arith.constant 0 : i32
      %dma_wait3A_395 = tpu.memref_slice %arg9[%dma_wait3A_391, %dma_wait3A_393, %dma_wait3A_394] : memref<4x128x64xf32, #tpu.memory_space<vmem>> -> memref<1x128x64xf32, #tpu.memory_space<vmem>>
      %dma_wait3A_396 = tpu.memref_squeeze %dma_wait3A_395 : memref<1x128x64xf32, #tpu.memory_space<vmem>> -> memref<128x64xf32, #tpu.memory_space<vmem>>
      %dma_wait3A_397 = arith.constant 0 : i32
      %dma_wait3A_398 = tpu.memref_slice %arg8[%dma_wait3A_392, %dma_wait3A_397] : memref<80x128xi32, #tpu.memory_space<vmem>> -> memref<1x128xi32, #tpu.memory_space<vmem>>
      %dma_wait3A_399 = tpu.memref_squeeze %dma_wait3A_398 : memref<1x128xi32, #tpu.memory_space<vmem>> -> memref<128xi32, #tpu.memory_space<vmem>>
      %dma_wait3A_400 = arith.constant 0 : i32
      %dma_wait3A_401 = arith.constant 0 : i32
      %dma_wait3A_402 = tpu.memref_slice %arg11[%dma_wait3A_400, %dma_wait3A_401] : memref<10240x64xf32, #tpu.memory_space<vmem_shared>> -> memref<10240x64xf32, #tpu.memory_space<vmem_shared>>
      tpu.wait_indirect_dma semaphore(%arg18 : memref<!tpu.dma_semaphore, #tpu.memory_space<semaphore_mem>>) src(%dma_wait3A_396 : memref<128x64xf32, #tpu.memory_space<vmem>>) dst(%dma_wait3A_402 : memref<10240x64xf32, #tpu.memory_space<vmem_shared>>)
      %add3A_403 = arith.constant 4 : i32
      %add3A_404 = arith.addi %mul3A_334, %add3A_403 : i32
      %add3A_405 = arith.constant 0 : i32
      %add3A_406 = arith.addi %add3A_404, %add3A_405 : i32
      %mul3A_407 = arith.constant 128 : i32
      %mul3A_408 = arith.muli %add3A_406, %mul3A_407 : i32
      %dma_start3A_409 = arith.constant 2 : i32
      %dma_start3A_410 = arith.constant 0 : i32
      %dma_start3A_411 = arith.constant 0 : i32
      %dma_start3A_412 = tpu.memref_slice %arg20[%dma_start3A_409, %dma_start3A_410, %dma_start3A_411] : memref<4x128x64xbf16, #tpu.memory_space<vmem>> -> memref<1x128x64xbf16, #tpu.memory_space<vmem>>
      %dma_start3A_413 = tpu.memref_squeeze %dma_start3A_412 : memref<1x128x64xbf16, #tpu.memory_space<vmem>> -> memref<128x64xbf16, #tpu.memory_space<vmem>>
      %dma_start3A_414 = tpu.memref_slice %arg7[%mul3A_408] : memref<10240xi32, #tpu.memory_space<vmem>> -> memref<128xi32, #tpu.memory_space<vmem>>
      %dma_start3A_415 = arith.constant 0 : i32
      %dma_start3A_416 = arith.constant 0 : i32
      %dma_start3A_417 = tpu.memref_slice %arg2[%dma_start3A_415, %dma_start3A_416] : memref<10240x64xbf16, #tpu.memory_space<hbm>> -> memref<10240x64xbf16, #tpu.memory_space<hbm>>
      tpu.enqueue_indirect_dma source(%dma_start3A_417 : memref<10240x64xbf16, #tpu.memory_space<hbm>>) target(%dma_start3A_413 : memref<128x64xbf16, #tpu.memory_space<vmem>>) offsets(%dma_start3A_414 : memref<128xi32, #tpu.memory_space<vmem>>) semaphore(%arg14 : memref<!tpu.dma_semaphore, #tpu.memory_space<semaphore_mem>>)
      %dma_wait3A_418 = arith.constant 3 : i32
      %dma_wait3A_419 = arith.constant 0 : i32
      %dma_wait3A_420 = arith.constant 0 : i32
      %dma_wait3A_421 = arith.constant 0 : i32
      %dma_wait3A_422 = tpu.memref_slice %arg9[%dma_wait3A_418, %dma_wait3A_420, %dma_wait3A_421] : memref<4x128x64xf32, #tpu.memory_space<vmem>> -> memref<1x128x64xf32, #tpu.memory_space<vmem>>
      %dma_wait3A_423 = tpu.memref_squeeze %dma_wait3A_422 : memref<1x128x64xf32, #tpu.memory_space<vmem>> -> memref<128x64xf32, #tpu.memory_space<vmem>>
      %dma_wait3A_424 = arith.constant 0 : i32
      %dma_wait3A_425 = tpu.memref_slice %arg8[%dma_wait3A_419, %dma_wait3A_424] : memref<80x128xi32, #tpu.memory_space<vmem>> -> memref<1x128xi32, #tpu.memory_space<vmem>>
      %dma_wait3A_426 = tpu.memref_squeeze %dma_wait3A_425 : memref<1x128xi32, #tpu.memory_space<vmem>> -> memref<128xi32, #tpu.memory_space<vmem>>
      %dma_wait3A_427 = arith.constant 0 : i32
      %dma_wait3A_428 = arith.constant 0 : i32
      %dma_wait3A_429 = tpu.memref_slice %arg11[%dma_wait3A_427, %dma_wait3A_428] : memref<10240x64xf32, #tpu.memory_space<vmem_shared>> -> memref<10240x64xf32, #tpu.memory_space<vmem_shared>>
      tpu.wait_indirect_dma semaphore(%arg19 : memref<!tpu.dma_semaphore, #tpu.memory_space<semaphore_mem>>) src(%dma_wait3A_423 : memref<128x64xf32, #tpu.memory_space<vmem>>) dst(%dma_wait3A_429 : memref<10240x64xf32, #tpu.memory_space<vmem_shared>>)
      %add3A_430 = arith.constant 4 : i32
      %add3A_431 = arith.addi %mul3A_334, %add3A_430 : i32
      %add3A_432 = arith.constant 1 : i32
      %add3A_433 = arith.addi %add3A_431, %add3A_432 : i32
      %mul3A_434 = arith.constant 128 : i32
      %mul3A_435 = arith.muli %add3A_433, %mul3A_434 : i32
      %dma_start3A_436 = arith.constant 3 : i32
      %dma_start3A_437 = arith.constant 0 : i32
      %dma_start3A_438 = arith.constant 0 : i32
      %dma_start3A_439 = tpu.memref_slice %arg20[%dma_start3A_436, %dma_start3A_437, %dma_start3A_438] : memref<4x128x64xbf16, #tpu.memory_space<vmem>> -> memref<1x128x64xbf16, #tpu.memory_space<vmem>>
      %dma_start3A_440 = tpu.memref_squeeze %dma_start3A_439 : memref<1x128x64xbf16, #tpu.memory_space<vmem>> -> memref<128x64xbf16, #tpu.memory_space<vmem>>
      %dma_start3A_441 = tpu.memref_slice %arg7[%mul3A_435] : memref<10240xi32, #tpu.memory_space<vmem>> -> memref<128xi32, #tpu.memory_space<vmem>>
      %dma_start3A_442 = arith.constant 0 : i32
      %dma_start3A_443 = arith.constant 0 : i32
      %dma_start3A_444 = tpu.memref_slice %arg2[%dma_start3A_442, %dma_start3A_443] : memref<10240x64xbf16, #tpu.memory_space<hbm>> -> memref<10240x64xbf16, #tpu.memory_space<hbm>>
      tpu.enqueue_indirect_dma source(%dma_start3A_444 : memref<10240x64xbf16, #tpu.memory_space<hbm>>) target(%dma_start3A_440 : memref<128x64xbf16, #tpu.memory_space<vmem>>) offsets(%dma_start3A_441 : memref<128xi32, #tpu.memory_space<vmem>>) semaphore(%arg15 : memref<!tpu.dma_semaphore, #tpu.memory_space<semaphore_mem>>)
    }
    %scan3A_55 = arith.constant 19 : i32
    %dma_wait3A = arith.constant 0 : i32
    %dma_wait3A_56 = arith.constant 0 : i32
    %dma_wait3A_57 = arith.constant 0 : i32
    %dma_wait3A_58 = tpu.memref_slice %arg20[%dma_wait3A, %dma_wait3A_56, %dma_wait3A_57] : memref<4x128x64xbf16, #tpu.memory_space<vmem>> -> memref<1x128x64xbf16, #tpu.memory_space<vmem>>
    %dma_wait3A_59 = tpu.memref_squeeze %dma_wait3A_58 : memref<1x128x64xbf16, #tpu.memory_space<vmem>> -> memref<128x64xbf16, #tpu.memory_space<vmem>>
    %dma_wait3A_60 = arith.constant 0 : i32
    %dma_wait3A_61 = tpu.memref_slice %arg7[%dma_wait3A_60] : memref<10240xi32, #tpu.memory_space<vmem>> -> memref<128xi32, #tpu.memory_space<vmem>>
    %dma_wait3A_62 = arith.constant 0 : i32
    %dma_wait3A_63 = arith.constant 0 : i32
    %dma_wait3A_64 = tpu.memref_slice %arg2[%dma_wait3A_62, %dma_wait3A_63] : memref<10240x64xbf16, #tpu.memory_space<hbm>> -> memref<10240x64xbf16, #tpu.memory_space<hbm>>
    tpu.wait_indirect_dma semaphore(%arg12 : memref<!tpu.dma_semaphore, #tpu.memory_space<semaphore_mem>>) src(%dma_wait3A_64 : memref<10240x64xbf16, #tpu.memory_space<hbm>>) dst(%dma_wait3A_59 : memref<128x64xbf16, #tpu.memory_space<vmem>>)
    %scan3A_65 = arith.constant 0 : i32
    %scan3A_66 = arith.constant 128 : i32
    %scan3A_67 = arith.addi %scan3A_65, %scan3A_66 : i32
    %scan3A_68 = arith.constant 1 : i32
    scf.for %scan3A_212 = %scan3A_65 to %scan3A_67 step %scan3A_68  : i32 {
      %mul3A_213 = arith.constant 1 : i32
      %mul3A_214 = arith.muli %scan3A_212, %mul3A_213 : i32
      %add3A_215 = arith.constant 0 : i32
      %add3A_216 = arith.addi %add3A_215, %mul3A_214 : i32
      %get3A = arith.constant 0 : i32
      %get3A_217 = arith.index_cast %get3A : i32 to index
      %get3A_218 = arith.index_cast %add3A_216 : i32 to index
      %get3A_219 = arith.constant 0 : index
      %get3A_220 = tpu.vector_load %arg20[%get3A_217, %get3A_218, %get3A_219] {strides = array<i32>} : memref<4x128x64xbf16, #tpu.memory_space<vmem>>, vector<32xbf16>,
      %unpack3A = tpu.unpack_subelements %get3A_220, 0 {pack_format = #tpu.pack_format<interleaved>} : vector<32xbf16> -> vector<16xf32>
      %unpack3A_221 = tpu.unpack_subelements %get3A_220, 1 {pack_format = #tpu.pack_format<interleaved>} : vector<32xbf16> -> vector<16xf32>
      %swap3A = arith.constant 0 : i32
      %swap3A_222 = arith.index_cast %swap3A : i32 to index
      %swap3A_223 = arith.index_cast %add3A_216 : i32 to index
      %swap3A_224 = arith.constant 0 : index
      %swap3A_225 = tpu.vector_load %arg9[%swap3A_222, %swap3A_223, %swap3A_224] {strides = array<i32>} : memref<4x128x64xf32, #tpu.memory_space<vmem>>, vector<16xf32>,
      tpu.vector_store %arg9[%swap3A_222, %swap3A_223, %swap3A_224], %unpack3A {strides = array<i32>} : memref<4x128x64xf32, #tpu.memory_space<vmem>>, vector<16xf32>,
      %swap3A_226 = arith.constant 0 : i32
      %swap3A_227 = arith.index_cast %swap3A_226 : i32 to index
      %swap3A_228 = arith.index_cast %add3A_216 : i32 to index
      %swap3A_229 = arith.constant 16 : index
      %swap3A_230 = tpu.vector_load %arg9[%swap3A_227, %swap3A_228, %swap3A_229] {strides = array<i32>} : memref<4x128x64xf32, #tpu.memory_space<vmem>>, vector<16xf32>,
      tpu.vector_store %arg9[%swap3A_227, %swap3A_228, %swap3A_229], %unpack3A_221 {strides = array<i32>} : memref<4x128x64xf32, #tpu.memory_space<vmem>>, vector<16xf32>,
      %get3A_231 = arith.constant 0 : i32
      %get3A_232 = arith.index_cast %get3A_231 : i32 to index
      %get3A_233 = arith.index_cast %add3A_216 : i32 to index
      %get3A_234 = arith.constant 32 : index
      %get3A_235 = tpu.vector_load %arg20[%get3A_232, %get3A_233, %get3A_234] {strides = array<i32>} : memref<4x128x64xbf16, #tpu.memory_space<vmem>>, vector<32xbf16>,
      %unpack3A_236 = tpu.unpack_subelements %get3A_235, 0 {pack_format = #tpu.pack_format<interleaved>} : vector<32xbf16> -> vector<16xf32>
      %unpack3A_237 = tpu.unpack_subelements %get3A_235, 1 {pack_format = #tpu.pack_format<interleaved>} : vector<32xbf16> -> vector<16xf32>
      %swap3A_238 = arith.constant 0 : i32
      %swap3A_239 = arith.index_cast %swap3A_238 : i32 to index
      %swap3A_240 = arith.index_cast %add3A_216 : i32 to index
      %swap3A_241 = arith.constant 32 : index
      %swap3A_242 = tpu.vector_load %arg9[%swap3A_239, %swap3A_240, %swap3A_241] {strides = array<i32>} : memref<4x128x64xf32, #tpu.memory_space<vmem>>, vector<16xf32>,
      tpu.vector_store %arg9[%swap3A_239, %swap3A_240, %swap3A_241], %unpack3A_236 {strides = array<i32>} : memref<4x128x64xf32, #tpu.memory_space<vmem>>, vector<16xf32>,
      %swap3A_243 = arith.constant 0 : i32
      %swap3A_244 = arith.index_cast %swap3A_243 : i32 to index
      %swap3A_245 = arith.index_cast %add3A_216 : i32 to index
      %swap3A_246 = arith.constant 48 : index
      %swap3A_247 = tpu.vector_load %arg9[%swap3A_244, %swap3A_245, %swap3A_246] {strides = array<i32>} : memref<4x128x64xf32, #tpu.memory_space<vmem>>, vector<16xf32>,
      tpu.vector_store %arg9[%swap3A_244, %swap3A_245, %swap3A_246], %unpack3A_237 {strides = array<i32>} : memref<4x128x64xf32, #tpu.memory_space<vmem>>, vector<16xf32>,
    }
    %scan3A_69 = arith.constant 128 : i32
    %dma_start3A_70 = arith.constant 0 : i32
    %dma_start3A_71 = arith.constant 76 : i32
    %dma_start3A_72 = arith.constant 0 : i32
    %dma_start3A_73 = arith.constant 0 : i32
    %dma_start3A_74 = tpu.memref_slice %arg9[%dma_start3A_70, %dma_start3A_72, %dma_start3A_73] : memref<4x128x64xf32, #tpu.memory_space<vmem>> -> memref<1x128x64xf32, #tpu.memory_space<vmem>>
    %dma_start3A_75 = tpu.memref_squeeze %dma_start3A_74 : memref<1x128x64xf32, #tpu.memory_space<vmem>> -> memref<128x64xf32, #tpu.memory_space<vmem>>
    %dma_start3A_76 = arith.constant 0 : i32
    %dma_start3A_77 = tpu.memref_slice %arg8[%dma_start3A_71, %dma_start3A_76] : memref<80x128xi32, #tpu.memory_space<vmem>> -> memref<1x128xi32, #tpu.memory_space<vmem>>
    %dma_start3A_78 = tpu.memref_squeeze %dma_start3A_77 : memref<1x128xi32, #tpu.memory_space<vmem>> -> memref<128xi32, #tpu.memory_space<vmem>>
    %dma_start3A_79 = arith.constant 0 : i32
    %dma_start3A_80 = arith.constant 0 : i32
    %dma_start3A_81 = tpu.memref_slice %arg11[%dma_start3A_79, %dma_start3A_80] : memref<10240x64xf32, #tpu.memory_space<vmem_shared>> -> memref<10240x64xf32, #tpu.memory_space<vmem_shared>>
    tpu.enqueue_indirect_dma source(%dma_start3A_75 : memref<128x64xf32, #tpu.memory_space<vmem>>) target(%dma_start3A_81 : memref<10240x64xf32, #tpu.memory_space<vmem_shared>>) offsets(%dma_start3A_78 : memref<128xi32, #tpu.memory_space<vmem>>) semaphore(%arg16 : memref<!tpu.dma_semaphore, #tpu.memory_space<semaphore_mem>>) {add = true}
    %dma_wait3A_82 = arith.constant 1 : i32
    %dma_wait3A_83 = arith.constant 0 : i32
    %dma_wait3A_84 = arith.constant 0 : i32
    %dma_wait3A_85 = tpu.memref_slice %arg20[%dma_wait3A_82, %dma_wait3A_83, %dma_wait3A_84] : memref<4x128x64xbf16, #tpu.memory_space<vmem>> -> memref<1x128x64xbf16, #tpu.memory_space<vmem>>
    %dma_wait3A_86 = tpu.memref_squeeze %dma_wait3A_85 : memref<1x128x64xbf16, #tpu.memory_space<vmem>> -> memref<128x64xbf16, #tpu.memory_space<vmem>>
    %dma_wait3A_87 = arith.constant 0 : i32
    %dma_wait3A_88 = tpu.memref_slice %arg7[%dma_wait3A_87] : memref<10240xi32, #tpu.memory_space<vmem>> -> memref<128xi32, #tpu.memory_space<vmem>>
    %dma_wait3A_89 = arith.constant 0 : i32
    %dma_wait3A_90 = arith.constant 0 : i32
    %dma_wait3A_91 = tpu.memref_slice %arg2[%dma_wait3A_89, %dma_wait3A_90] : memref<10240x64xbf16, #tpu.memory_space<hbm>> -> memref<10240x64xbf16, #tpu.memory_space<hbm>>
    tpu.wait_indirect_dma semaphore(%arg13 : memref<!tpu.dma_semaphore, #tpu.memory_space<semaphore_mem>>) src(%dma_wait3A_91 : memref<10240x64xbf16, #tpu.memory_space<hbm>>) dst(%dma_wait3A_86 : memref<128x64xbf16, #tpu.memory_space<vmem>>)
    %scan3A_92 = arith.constant 0 : i32
    %scan3A_93 = arith.constant 128 : i32
    %scan3A_94 = arith.addi %scan3A_92, %scan3A_93 : i32
    %scan3A_95 = arith.constant 1 : i32
    scf.for %scan3A_212 = %scan3A_92 to %scan3A_94 step %scan3A_95  : i32 {
      %mul3A_213 = arith.constant 1 : i32
      %mul3A_214 = arith.muli %scan3A_212, %mul3A_213 : i32
      %add3A_215 = arith.constant 0 : i32
      %add3A_216 = arith.addi %add3A_215, %mul3A_214 : i32
      %get3A = arith.constant 1 : i32
      %get3A_217 = arith.index_cast %get3A : i32 to index
      %get3A_218 = arith.index_cast %add3A_216 : i32 to index
      %get3A_219 = arith.constant 0 : index
      %get3A_220 = tpu.vector_load %arg20[%get3A_217, %get3A_218, %get3A_219] {strides = array<i32>} : memref<4x128x64xbf16, #tpu.memory_space<vmem>>, vector<32xbf16>,
      %unpack3A = tpu.unpack_subelements %get3A_220, 0 {pack_format = #tpu.pack_format<interleaved>} : vector<32xbf16> -> vector<16xf32>
      %unpack3A_221 = tpu.unpack_subelements %get3A_220, 1 {pack_format = #tpu.pack_format<interleaved>} : vector<32xbf16> -> vector<16xf32>
      %swap3A = arith.constant 1 : i32
      %swap3A_222 = arith.index_cast %swap3A : i32 to index
      %swap3A_223 = arith.index_cast %add3A_216 : i32 to index
      %swap3A_224 = arith.constant 0 : index
      %swap3A_225 = tpu.vector_load %arg9[%swap3A_222, %swap3A_223, %swap3A_224] {strides = array<i32>} : memref<4x128x64xf32, #tpu.memory_space<vmem>>, vector<16xf32>,
      tpu.vector_store %arg9[%swap3A_222, %swap3A_223, %swap3A_224], %unpack3A {strides = array<i32>} : memref<4x128x64xf32, #tpu.memory_space<vmem>>, vector<16xf32>,
      %swap3A_226 = arith.constant 1 : i32
      %swap3A_227 = arith.index_cast %swap3A_226 : i32 to index
      %swap3A_228 = arith.index_cast %add3A_216 : i32 to index
      %swap3A_229 = arith.constant 16 : index
      %swap3A_230 = tpu.vector_load %arg9[%swap3A_227, %swap3A_228, %swap3A_229] {strides = array<i32>} : memref<4x128x64xf32, #tpu.memory_space<vmem>>, vector<16xf32>,
      tpu.vector_store %arg9[%swap3A_227, %swap3A_228, %swap3A_229], %unpack3A_221 {strides = array<i32>} : memref<4x128x64xf32, #tpu.memory_space<vmem>>, vector<16xf32>,
      %get3A_231 = arith.constant 1 : i32
      %get3A_232 = arith.index_cast %get3A_231 : i32 to index
      %get3A_233 = arith.index_cast %add3A_216 : i32 to index
      %get3A_234 = arith.constant 32 : index
      %get3A_235 = tpu.vector_load %arg20[%get3A_232, %get3A_233, %get3A_234] {strides = array<i32>} : memref<4x128x64xbf16, #tpu.memory_space<vmem>>, vector<32xbf16>,
      %unpack3A_236 = tpu.unpack_subelements %get3A_235, 0 {pack_format = #tpu.pack_format<interleaved>} : vector<32xbf16> -> vector<16xf32>
      %unpack3A_237 = tpu.unpack_subelements %get3A_235, 1 {pack_format = #tpu.pack_format<interleaved>} : vector<32xbf16> -> vector<16xf32>
      %swap3A_238 = arith.constant 1 : i32
      %swap3A_239 = arith.index_cast %swap3A_238 : i32 to index
      %swap3A_240 = arith.index_cast %add3A_216 : i32 to index
      %swap3A_241 = arith.constant 32 : index
      %swap3A_242 = tpu.vector_load %arg9[%swap3A_239, %swap3A_240, %swap3A_241] {strides = array<i32>} : memref<4x128x64xf32, #tpu.memory_space<vmem>>, vector<16xf32>,
      tpu.vector_store %arg9[%swap3A_239, %swap3A_240, %swap3A_241], %unpack3A_236 {strides = array<i32>} : memref<4x128x64xf32, #tpu.memory_space<vmem>>, vector<16xf32>,
      %swap3A_243 = arith.constant 1 : i32
      %swap3A_244 = arith.index_cast %swap3A_243 : i32 to index
      %swap3A_245 = arith.index_cast %add3A_216 : i32 to index
      %swap3A_246 = arith.constant 48 : index
      %swap3A_247 = tpu.vector_load %arg9[%swap3A_244, %swap3A_245, %swap3A_246] {strides = array<i32>} : memref<4x128x64xf32, #tpu.memory_space<vmem>>, vector<16xf32>,
      tpu.vector_store %arg9[%swap3A_244, %swap3A_245, %swap3A_246], %unpack3A_237 {strides = array<i32>} : memref<4x128x64xf32, #tpu.memory_space<vmem>>, vector<16xf32>,
    }
    %scan3A_96 = arith.constant 128 : i32
    %dma_start3A_97 = arith.constant 1 : i32
    %dma_start3A_98 = arith.constant 77 : i32
    %dma_start3A_99 = arith.constant 0 : i32
    %dma_start3A_100 = arith.constant 0 : i32
    %dma_start3A_101 = tpu.memref_slice %arg9[%dma_start3A_97, %dma_start3A_99, %dma_start3A_100] : memref<4x128x64xf32, #tpu.memory_space<vmem>> -> memref<1x128x64xf32, #tpu.memory_space<vmem>>
    %dma_start3A_102 = tpu.memref_squeeze %dma_start3A_101 : memref<1x128x64xf32, #tpu.memory_space<vmem>> -> memref<128x64xf32, #tpu.memory_space<vmem>>
    %dma_start3A_103 = arith.constant 0 : i32
    %dma_start3A_104 = tpu.memref_slice %arg8[%dma_start3A_98, %dma_start3A_103] : memref<80x128xi32, #tpu.memory_space<vmem>> -> memref<1x128xi32, #tpu.memory_space<vmem>>
    %dma_start3A_105 = tpu.memref_squeeze %dma_start3A_104 : memref<1x128xi32, #tpu.memory_space<vmem>> -> memref<128xi32, #tpu.memory_space<vmem>>
    %dma_start3A_106 = arith.constant 0 : i32
    %dma_start3A_107 = arith.constant 0 : i32
    %dma_start3A_108 = tpu.memref_slice %arg11[%dma_start3A_106, %dma_start3A_107] : memref<10240x64xf32, #tpu.memory_space<vmem_shared>> -> memref<10240x64xf32, #tpu.memory_space<vmem_shared>>
    tpu.enqueue_indirect_dma source(%dma_start3A_102 : memref<128x64xf32, #tpu.memory_space<vmem>>) target(%dma_start3A_108 : memref<10240x64xf32, #tpu.memory_space<vmem_shared>>) offsets(%dma_start3A_105 : memref<128xi32, #tpu.memory_space<vmem>>) semaphore(%arg17 : memref<!tpu.dma_semaphore, #tpu.memory_space<semaphore_mem>>) {add = true}
    %dma_wait3A_109 = arith.constant 0 : i32
    %dma_wait3A_110 = arith.constant 0 : i32
    %dma_wait3A_111 = arith.constant 0 : i32
    %dma_wait3A_112 = arith.constant 0 : i32
    %dma_wait3A_113 = tpu.memref_slice %arg9[%dma_wait3A_109, %dma_wait3A_111, %dma_wait3A_112] : memref<4x128x64xf32, #tpu.memory_space<vmem>> -> memref<1x128x64xf32, #tpu.memory_space<vmem>>
    %dma_wait3A_114 = tpu.memref_squeeze %dma_wait3A_113 : memref<1x128x64xf32, #tpu.memory_space<vmem>> -> memref<128x64xf32, #tpu.memory_space<vmem>>
    %dma_wait3A_115 = arith.constant 0 : i32
    %dma_wait3A_116 = tpu.memref_slice %arg8[%dma_wait3A_110, %dma_wait3A_115] : memref<80x128xi32, #tpu.memory_space<vmem>> -> memref<1x128xi32, #tpu.memory_space<vmem>>
    %dma_wait3A_117 = tpu.memref_squeeze %dma_wait3A_116 : memref<1x128xi32, #tpu.memory_space<vmem>> -> memref<128xi32, #tpu.memory_space<vmem>>
    %dma_wait3A_118 = arith.constant 0 : i32
    %dma_wait3A_119 = arith.constant 0 : i32
    %dma_wait3A_120 = tpu.memref_slice %arg11[%dma_wait3A_118, %dma_wait3A_119] : memref<10240x64xf32, #tpu.memory_space<vmem_shared>> -> memref<10240x64xf32, #tpu.memory_space<vmem_shared>>
    tpu.wait_indirect_dma semaphore(%arg16 : memref<!tpu.dma_semaphore, #tpu.memory_space<semaphore_mem>>) src(%dma_wait3A_114 : memref<128x64xf32, #tpu.memory_space<vmem>>) dst(%dma_wait3A_120 : memref<10240x64xf32, #tpu.memory_space<vmem_shared>>)
    %dma_wait3A_121 = arith.constant 1 : i32
    %dma_wait3A_122 = arith.constant 0 : i32
    %dma_wait3A_123 = arith.constant 0 : i32
    %dma_wait3A_124 = arith.constant 0 : i32
    %dma_wait3A_125 = tpu.memref_slice %arg9[%dma_wait3A_121, %dma_wait3A_123, %dma_wait3A_124] : memref<4x128x64xf32, #tpu.memory_space<vmem>> -> memref<1x128x64xf32, #tpu.memory_space<vmem>>
    %dma_wait3A_126 = tpu.memref_squeeze %dma_wait3A_125 : memref<1x128x64xf32, #tpu.memory_space<vmem>> -> memref<128x64xf32, #tpu.memory_space<vmem>>
    %dma_wait3A_127 = arith.constant 0 : i32
    %dma_wait3A_128 = tpu.memref_slice %arg8[%dma_wait3A_122, %dma_wait3A_127] : memref<80x128xi32, #tpu.memory_space<vmem>> -> memref<1x128xi32, #tpu.memory_space<vmem>>
    %dma_wait3A_129 = tpu.memref_squeeze %dma_wait3A_128 : memref<1x128xi32, #tpu.memory_space<vmem>> -> memref<128xi32, #tpu.memory_space<vmem>>
    %dma_wait3A_130 = arith.constant 0 : i32
    %dma_wait3A_131 = arith.constant 0 : i32
    %dma_wait3A_132 = tpu.memref_slice %arg11[%dma_wait3A_130, %dma_wait3A_131] : memref<10240x64xf32, #tpu.memory_space<vmem_shared>> -> memref<10240x64xf32, #tpu.memory_space<vmem_shared>>
    tpu.wait_indirect_dma semaphore(%arg17 : memref<!tpu.dma_semaphore, #tpu.memory_space<semaphore_mem>>) src(%dma_wait3A_126 : memref<128x64xf32, #tpu.memory_space<vmem>>) dst(%dma_wait3A_132 : memref<10240x64xf32, #tpu.memory_space<vmem_shared>>)
    %dma_wait3A_133 = arith.constant 2 : i32
    %dma_wait3A_134 = arith.constant 0 : i32
    %dma_wait3A_135 = arith.constant 0 : i32
    %dma_wait3A_136 = tpu.memref_slice %arg20[%dma_wait3A_133, %dma_wait3A_134, %dma_wait3A_135] : memref<4x128x64xbf16, #tpu.memory_space<vmem>> -> memref<1x128x64xbf16, #tpu.memory_space<vmem>>
    %dma_wait3A_137 = tpu.memref_squeeze %dma_wait3A_136 : memref<1x128x64xbf16, #tpu.memory_space<vmem>> -> memref<128x64xbf16, #tpu.memory_space<vmem>>
    %dma_wait3A_138 = arith.constant 0 : i32
    %dma_wait3A_139 = tpu.memref_slice %arg7[%dma_wait3A_138] : memref<10240xi32, #tpu.memory_space<vmem>> -> memref<128xi32, #tpu.memory_space<vmem>>
    %dma_wait3A_140 = arith.constant 0 : i32
    %dma_wait3A_141 = arith.constant 0 : i32
    %dma_wait3A_142 = tpu.memref_slice %arg2[%dma_wait3A_140, %dma_wait3A_141] : memref<10240x64xbf16, #tpu.memory_space<hbm>> -> memref<10240x64xbf16, #tpu.memory_space<hbm>>
    tpu.wait_indirect_dma semaphore(%arg14 : memref<!tpu.dma_semaphore, #tpu.memory_space<semaphore_mem>>) src(%dma_wait3A_142 : memref<10240x64xbf16, #tpu.memory_space<hbm>>) dst(%dma_wait3A_137 : memref<128x64xbf16, #tpu.memory_space<vmem>>)
    %scan3A_143 = arith.constant 0 : i32
    %scan3A_144 = arith.constant 128 : i32
    %scan3A_145 = arith.addi %scan3A_143, %scan3A_144 : i32
    %scan3A_146 = arith.constant 1 : i32
    scf.for %scan3A_212 = %scan3A_143 to %scan3A_145 step %scan3A_146  : i32 {
      %mul3A_213 = arith.constant 1 : i32
      %mul3A_214 = arith.muli %scan3A_212, %mul3A_213 : i32
      %add3A_215 = arith.constant 0 : i32
      %add3A_216 = arith.addi %add3A_215, %mul3A_214 : i32
      %get3A = arith.constant 2 : i32
      %get3A_217 = arith.index_cast %get3A : i32 to index
      %get3A_218 = arith.index_cast %add3A_216 : i32 to index
      %get3A_219 = arith.constant 0 : index
      %get3A_220 = tpu.vector_load %arg20[%get3A_217, %get3A_218, %get3A_219] {strides = array<i32>} : memref<4x128x64xbf16, #tpu.memory_space<vmem>>, vector<32xbf16>,
      %unpack3A = tpu.unpack_subelements %get3A_220, 0 {pack_format = #tpu.pack_format<interleaved>} : vector<32xbf16> -> vector<16xf32>
      %unpack3A_221 = tpu.unpack_subelements %get3A_220, 1 {pack_format = #tpu.pack_format<interleaved>} : vector<32xbf16> -> vector<16xf32>
      %swap3A = arith.constant 2 : i32
      %swap3A_222 = arith.index_cast %swap3A : i32 to index
      %swap3A_223 = arith.index_cast %add3A_216 : i32 to index
      %swap3A_224 = arith.constant 0 : index
      %swap3A_225 = tpu.vector_load %arg9[%swap3A_222, %swap3A_223, %swap3A_224] {strides = array<i32>} : memref<4x128x64xf32, #tpu.memory_space<vmem>>, vector<16xf32>,
      tpu.vector_store %arg9[%swap3A_222, %swap3A_223, %swap3A_224], %unpack3A {strides = array<i32>} : memref<4x128x64xf32, #tpu.memory_space<vmem>>, vector<16xf32>,
      %swap3A_226 = arith.constant 2 : i32
      %swap3A_227 = arith.index_cast %swap3A_226 : i32 to index
      %swap3A_228 = arith.index_cast %add3A_216 : i32 to index
      %swap3A_229 = arith.constant 16 : index
      %swap3A_230 = tpu.vector_load %arg9[%swap3A_227, %swap3A_228, %swap3A_229] {strides = array<i32>} : memref<4x128x64xf32, #tpu.memory_space<vmem>>, vector<16xf32>,
      tpu.vector_store %arg9[%swap3A_227, %swap3A_228, %swap3A_229], %unpack3A_221 {strides = array<i32>} : memref<4x128x64xf32, #tpu.memory_space<vmem>>, vector<16xf32>,
      %get3A_231 = arith.constant 2 : i32
      %get3A_232 = arith.index_cast %get3A_231 : i32 to index
      %get3A_233 = arith.index_cast %add3A_216 : i32 to index
      %get3A_234 = arith.constant 32 : index
      %get3A_235 = tpu.vector_load %arg20[%get3A_232, %get3A_233, %get3A_234] {strides = array<i32>} : memref<4x128x64xbf16, #tpu.memory_space<vmem>>, vector<32xbf16>,
      %unpack3A_236 = tpu.unpack_subelements %get3A_235, 0 {pack_format = #tpu.pack_format<interleaved>} : vector<32xbf16> -> vector<16xf32>
      %unpack3A_237 = tpu.unpack_subelements %get3A_235, 1 {pack_format = #tpu.pack_format<interleaved>} : vector<32xbf16> -> vector<16xf32>
      %swap3A_238 = arith.constant 2 : i32
      %swap3A_239 = arith.index_cast %swap3A_238 : i32 to index
      %swap3A_240 = arith.index_cast %add3A_216 : i32 to index
      %swap3A_241 = arith.constant 32 : index
      %swap3A_242 = tpu.vector_load %arg9[%swap3A_239, %swap3A_240, %swap3A_241] {strides = array<i32>} : memref<4x128x64xf32, #tpu.memory_space<vmem>>, vector<16xf32>,
      tpu.vector_store %arg9[%swap3A_239, %swap3A_240, %swap3A_241], %unpack3A_236 {strides = array<i32>} : memref<4x128x64xf32, #tpu.memory_space<vmem>>, vector<16xf32>,
      %swap3A_243 = arith.constant 2 : i32
      %swap3A_244 = arith.index_cast %swap3A_243 : i32 to index
      %swap3A_245 = arith.index_cast %add3A_216 : i32 to index
      %swap3A_246 = arith.constant 48 : index
      %swap3A_247 = tpu.vector_load %arg9[%swap3A_244, %swap3A_245, %swap3A_246] {strides = array<i32>} : memref<4x128x64xf32, #tpu.memory_space<vmem>>, vector<16xf32>,
      tpu.vector_store %arg9[%swap3A_244, %swap3A_245, %swap3A_246], %unpack3A_237 {strides = array<i32>} : memref<4x128x64xf32, #tpu.memory_space<vmem>>, vector<16xf32>,
    }
    %scan3A_147 = arith.constant 128 : i32
    %dma_start3A_148 = arith.constant 2 : i32
    %dma_start3A_149 = arith.constant 78 : i32
    %dma_start3A_150 = arith.constant 0 : i32
    %dma_start3A_151 = arith.constant 0 : i32
    %dma_start3A_152 = tpu.memref_slice %arg9[%dma_start3A_148, %dma_start3A_150, %dma_start3A_151] : memref<4x128x64xf32, #tpu.memory_space<vmem>> -> memref<1x128x64xf32, #tpu.memory_space<vmem>>
    %dma_start3A_153 = tpu.memref_squeeze %dma_start3A_152 : memref<1x128x64xf32, #tpu.memory_space<vmem>> -> memref<128x64xf32, #tpu.memory_space<vmem>>
    %dma_start3A_154 = arith.constant 0 : i32
    %dma_start3A_155 = tpu.memref_slice %arg8[%dma_start3A_149, %dma_start3A_154] : memref<80x128xi32, #tpu.memory_space<vmem>> -> memref<1x128xi32, #tpu.memory_space<vmem>>
    %dma_start3A_156 = tpu.memref_squeeze %dma_start3A_155 : memref<1x128xi32, #tpu.memory_space<vmem>> -> memref<128xi32, #tpu.memory_space<vmem>>
    %dma_start3A_157 = arith.constant 0 : i32
    %dma_start3A_158 = arith.constant 0 : i32
    %dma_start3A_159 = tpu.memref_slice %arg11[%dma_start3A_157, %dma_start3A_158] : memref<10240x64xf32, #tpu.memory_space<vmem_shared>> -> memref<10240x64xf32, #tpu.memory_space<vmem_shared>>
    tpu.enqueue_indirect_dma source(%dma_start3A_153 : memref<128x64xf32, #tpu.memory_space<vmem>>) target(%dma_start3A_159 : memref<10240x64xf32, #tpu.memory_space<vmem_shared>>) offsets(%dma_start3A_156 : memref<128xi32, #tpu.memory_space<vmem>>) semaphore(%arg18 : memref<!tpu.dma_semaphore, #tpu.memory_space<semaphore_mem>>) {add = true}
    %dma_wait3A_160 = arith.constant 3 : i32
    %dma_wait3A_161 = arith.constant 0 : i32
    %dma_wait3A_162 = arith.constant 0 : i32
    %dma_wait3A_163 = tpu.memref_slice %arg20[%dma_wait3A_160, %dma_wait3A_161, %dma_wait3A_162] : memref<4x128x64xbf16, #tpu.memory_space<vmem>> -> memref<1x128x64xbf16, #tpu.memory_space<vmem>>
    %dma_wait3A_164 = tpu.memref_squeeze %dma_wait3A_163 : memref<1x128x64xbf16, #tpu.memory_space<vmem>> -> memref<128x64xbf16, #tpu.memory_space<vmem>>
    %dma_wait3A_165 = arith.constant 0 : i32
    %dma_wait3A_166 = tpu.memref_slice %arg7[%dma_wait3A_165] : memref<10240xi32, #tpu.memory_space<vmem>> -> memref<128xi32, #tpu.memory_space<vmem>>
    %dma_wait3A_167 = arith.constant 0 : i32
    %dma_wait3A_168 = arith.constant 0 : i32
    %dma_wait3A_169 = tpu.memref_slice %arg2[%dma_wait3A_167, %dma_wait3A_168] : memref<10240x64xbf16, #tpu.memory_space<hbm>> -> memref<10240x64xbf16, #tpu.memory_space<hbm>>
    tpu.wait_indirect_dma semaphore(%arg15 : memref<!tpu.dma_semaphore, #tpu.memory_space<semaphore_mem>>) src(%dma_wait3A_169 : memref<10240x64xbf16, #tpu.memory_space<hbm>>) dst(%dma_wait3A_164 : memref<128x64xbf16, #tpu.memory_space<vmem>>)
    %scan3A_170 = arith.constant 0 : i32
    %scan3A_171 = arith.constant 128 : i32
    %scan3A_172 = arith.addi %scan3A_170, %scan3A_171 : i32
    %scan3A_173 = arith.constant 1 : i32
    scf.for %scan3A_212 = %scan3A_170 to %scan3A_172 step %scan3A_173  : i32 {
      %mul3A_213 = arith.constant 1 : i32
      %mul3A_214 = arith.muli %scan3A_212, %mul3A_213 : i32
      %add3A_215 = arith.constant 0 : i32
      %add3A_216 = arith.addi %add3A_215, %mul3A_214 : i32
      %get3A = arith.constant 3 : i32
      %get3A_217 = arith.index_cast %get3A : i32 to index
      %get3A_218 = arith.index_cast %add3A_216 : i32 to index
      %get3A_219 = arith.constant 0 : index
      %get3A_220 = tpu.vector_load %arg20[%get3A_217, %get3A_218, %get3A_219] {strides = array<i32>} : memref<4x128x64xbf16, #tpu.memory_space<vmem>>, vector<32xbf16>,
      %unpack3A = tpu.unpack_subelements %get3A_220, 0 {pack_format = #tpu.pack_format<interleaved>} : vector<32xbf16> -> vector<16xf32>
      %unpack3A_221 = tpu.unpack_subelements %get3A_220, 1 {pack_format = #tpu.pack_format<interleaved>} : vector<32xbf16> -> vector<16xf32>
      %swap3A = arith.constant 3 : i32
      %swap3A_222 = arith.index_cast %swap3A : i32 to index
      %swap3A_223 = arith.index_cast %add3A_216 : i32 to index
      %swap3A_224 = arith.constant 0 : index
      %swap3A_225 = tpu.vector_load %arg9[%swap3A_222, %swap3A_223, %swap3A_224] {strides = array<i32>} : memref<4x128x64xf32, #tpu.memory_space<vmem>>, vector<16xf32>,
      tpu.vector_store %arg9[%swap3A_222, %swap3A_223, %swap3A_224], %unpack3A {strides = array<i32>} : memref<4x128x64xf32, #tpu.memory_space<vmem>>, vector<16xf32>,
      %swap3A_226 = arith.constant 3 : i32
      %swap3A_227 = arith.index_cast %swap3A_226 : i32 to index
      %swap3A_228 = arith.index_cast %add3A_216 : i32 to index
      %swap3A_229 = arith.constant 16 : index
      %swap3A_230 = tpu.vector_load %arg9[%swap3A_227, %swap3A_228, %swap3A_229] {strides = array<i32>} : memref<4x128x64xf32, #tpu.memory_space<vmem>>, vector<16xf32>,
      tpu.vector_store %arg9[%swap3A_227, %swap3A_228, %swap3A_229], %unpack3A_221 {strides = array<i32>} : memref<4x128x64xf32, #tpu.memory_space<vmem>>, vector<16xf32>,
      %get3A_231 = arith.constant 3 : i32
      %get3A_232 = arith.index_cast %get3A_231 : i32 to index
      %get3A_233 = arith.index_cast %add3A_216 : i32 to index
      %get3A_234 = arith.constant 32 : index
      %get3A_235 = tpu.vector_load %arg20[%get3A_232, %get3A_233, %get3A_234] {strides = array<i32>} : memref<4x128x64xbf16, #tpu.memory_space<vmem>>, vector<32xbf16>,
      %unpack3A_236 = tpu.unpack_subelements %get3A_235, 0 {pack_format = #tpu.pack_format<interleaved>} : vector<32xbf16> -> vector<16xf32>
      %unpack3A_237 = tpu.unpack_subelements %get3A_235, 1 {pack_format = #tpu.pack_format<interleaved>} : vector<32xbf16> -> vector<16xf32>
      %swap3A_238 = arith.constant 3 : i32
      %swap3A_239 = arith.index_cast %swap3A_238 : i32 to index
      %swap3A_240 = arith.index_cast %add3A_216 : i32 to index
      %swap3A_241 = arith.constant 32 : index
      %swap3A_242 = tpu.vector_load %arg9[%swap3A_239, %swap3A_240, %swap3A_241] {strides = array<i32>} : memref<4x128x64xf32, #tpu.memory_space<vmem>>, vector<16xf32>,
      tpu.vector_store %arg9[%swap3A_239, %swap3A_240, %swap3A_241], %unpack3A_236 {strides = array<i32>} : memref<4x128x64xf32, #tpu.memory_space<vmem>>, vector<16xf32>,
      %swap3A_243 = arith.constant 3 : i32
      %swap3A_244 = arith.index_cast %swap3A_243 : i32 to index
      %swap3A_245 = arith.index_cast %add3A_216 : i32 to index
      %swap3A_246 = arith.constant 48 : index
      %swap3A_247 = tpu.vector_load %arg9[%swap3A_244, %swap3A_245, %swap3A_246] {strides = array<i32>} : memref<4x128x64xf32, #tpu.memory_space<vmem>>, vector<16xf32>,
      tpu.vector_store %arg9[%swap3A_244, %swap3A_245, %swap3A_246], %unpack3A_237 {strides = array<i32>} : memref<4x128x64xf32, #tpu.memory_space<vmem>>, vector<16xf32>,
    }
    %scan3A_174 = arith.constant 128 : i32
    %dma_start3A_175 = arith.constant 3 : i32
    %dma_start3A_176 = arith.constant 79 : i32
    %dma_start3A_177 = arith.constant 0 : i32
    %dma_start3A_178 = arith.constant 0 : i32
    %dma_start3A_179 = tpu.memref_slice %arg9[%dma_start3A_175, %dma_start3A_177, %dma_start3A_178] : memref<4x128x64xf32, #tpu.memory_space<vmem>> -> memref<1x128x64xf32, #tpu.memory_space<vmem>>
    %dma_start3A_180 = tpu.memref_squeeze %dma_start3A_179 : memref<1x128x64xf32, #tpu.memory_space<vmem>> -> memref<128x64xf32, #tpu.memory_space<vmem>>
    %dma_start3A_181 = arith.constant 0 : i32
    %dma_start3A_182 = tpu.memref_slice %arg8[%dma_start3A_176, %dma_start3A_181] : memref<80x128xi32, #tpu.memory_space<vmem>> -> memref<1x128xi32, #tpu.memory_space<vmem>>
    %dma_start3A_183 = tpu.memref_squeeze %dma_start3A_182 : memref<1x128xi32, #tpu.memory_space<vmem>> -> memref<128xi32, #tpu.memory_space<vmem>>
    %dma_start3A_184 = arith.constant 0 : i32
    %dma_start3A_185 = arith.constant 0 : i32
    %dma_start3A_186 = tpu.memref_slice %arg11[%dma_start3A_184, %dma_start3A_185] : memref<10240x64xf32, #tpu.memory_space<vmem_shared>> -> memref<10240x64xf32, #tpu.memory_space<vmem_shared>>
    tpu.enqueue_indirect_dma source(%dma_start3A_180 : memref<128x64xf32, #tpu.memory_space<vmem>>) target(%dma_start3A_186 : memref<10240x64xf32, #tpu.memory_space<vmem_shared>>) offsets(%dma_start3A_183 : memref<128xi32, #tpu.memory_space<vmem>>) semaphore(%arg19 : memref<!tpu.dma_semaphore, #tpu.memory_space<semaphore_mem>>) {add = true}
    %dma_wait3A_187 = arith.constant 2 : i32
    %dma_wait3A_188 = arith.constant 0 : i32
    %dma_wait3A_189 = arith.constant 0 : i32
    %dma_wait3A_190 = arith.constant 0 : i32
    %dma_wait3A_191 = tpu.memref_slice %arg9[%dma_wait3A_187, %dma_wait3A_189, %dma_wait3A_190] : memref<4x128x64xf32, #tpu.memory_space<vmem>> -> memref<1x128x64xf32, #tpu.memory_space<vmem>>
    %dma_wait3A_192 = tpu.memref_squeeze %dma_wait3A_191 : memref<1x128x64xf32, #tpu.memory_space<vmem>> -> memref<128x64xf32, #tpu.memory_space<vmem>>
    %dma_wait3A_193 = arith.constant 0 : i32
    %dma_wait3A_194 = tpu.memref_slice %arg8[%dma_wait3A_188, %dma_wait3A_193] : memref<80x128xi32, #tpu.memory_space<vmem>> -> memref<1x128xi32, #tpu.memory_space<vmem>>
    %dma_wait3A_195 = tpu.memref_squeeze %dma_wait3A_194 : memref<1x128xi32, #tpu.memory_space<vmem>> -> memref<128xi32, #tpu.memory_space<vmem>>
    %dma_wait3A_196 = arith.constant 0 : i32
    %dma_wait3A_197 = arith.constant 0 : i32
    %dma_wait3A_198 = tpu.memref_slice %arg11[%dma_wait3A_196, %dma_wait3A_197] : memref<10240x64xf32, #tpu.memory_space<vmem_shared>> -> memref<10240x64xf32, #tpu.memory_space<vmem_shared>>
    tpu.wait_indirect_dma semaphore(%arg18 : memref<!tpu.dma_semaphore, #tpu.memory_space<semaphore_mem>>) src(%dma_wait3A_192 : memref<128x64xf32, #tpu.memory_space<vmem>>) dst(%dma_wait3A_198 : memref<10240x64xf32, #tpu.memory_space<vmem_shared>>)
    %dma_wait3A_199 = arith.constant 3 : i32
    %dma_wait3A_200 = arith.constant 0 : i32
    %dma_wait3A_201 = arith.constant 0 : i32
    %dma_wait3A_202 = arith.constant 0 : i32
    %dma_wait3A_203 = tpu.memref_slice %arg9[%dma_wait3A_199, %dma_wait3A_201, %dma_wait3A_202] : memref<4x128x64xf32, #tpu.memory_space<vmem>> -> memref<1x128x64xf32, #tpu.memory_space<vmem>>
    %dma_wait3A_204 = tpu.memref_squeeze %dma_wait3A_203 : memref<1x128x64xf32, #tpu.memory_space<vmem>> -> memref<128x64xf32, #tpu.memory_space<vmem>>
    %dma_wait3A_205 = arith.constant 0 : i32
    %dma_wait3A_206 = tpu.memref_slice %arg8[%dma_wait3A_200, %dma_wait3A_205] : memref<80x128xi32, #tpu.memory_space<vmem>> -> memref<1x128xi32, #tpu.memory_space<vmem>>
    %dma_wait3A_207 = tpu.memref_squeeze %dma_wait3A_206 : memref<1x128xi32, #tpu.memory_space<vmem>> -> memref<128xi32, #tpu.memory_space<vmem>>
    %dma_wait3A_208 = arith.constant 0 : i32
    %dma_wait3A_209 = arith.constant 0 : i32
    %dma_wait3A_210 = tpu.memref_slice %arg11[%dma_wait3A_208, %dma_wait3A_209] : memref<10240x64xf32, #tpu.memory_space<vmem_shared>> -> memref<10240x64xf32, #tpu.memory_space<vmem_shared>>
    tpu.wait_indirect_dma semaphore(%arg19 : memref<!tpu.dma_semaphore, #tpu.memory_space<semaphore_mem>>) src(%dma_wait3A_204 : memref<128x64xf32, #tpu.memory_space<vmem>>) dst(%dma_wait3A_210 : memref<10240x64xf32, #tpu.memory_space<vmem_shared>>)
    %barrier3A_211 = arith.constant 0 : index
    tpu.barrier barrier_id(%barrier3A_211)
    "tpu.region"() ({
      %run_scoped3A = tpu.sem_alloc : memref<!tpu.dma_semaphore, #tpu.memory_space<semaphore_mem>>
      %dma_start3A_212 = arith.constant 0 : i32
      %dma_start3A_213 = tpu.memref_slice %arg6[%arg0, %mul3A_2, %dma_start3A_212] : memref<2x10240x64xf32, #tpu.memory_space<hbm>> -> memref<1x640x64xf32, #tpu.memory_space<hbm>>
      %dma_start3A_214 = tpu.memref_squeeze %dma_start3A_213 : memref<1x640x64xf32, #tpu.memory_space<hbm>> -> memref<640x64xf32, #tpu.memory_space<hbm>>
      %dma_start3A_215 = arith.constant 0 : i32
      %dma_start3A_216 = tpu.memref_slice %arg11[%mul3A_2, %dma_start3A_215] : memref<10240x64xf32, #tpu.memory_space<vmem_shared>> -> memref<640x64xf32, #tpu.memory_space<vmem_shared>>
      tpu.enqueue_dma source(%dma_start3A_216 : memref<640x64xf32, #tpu.memory_space<vmem_shared>>) target(%dma_start3A_214 : memref<640x64xf32, #tpu.memory_space<hbm>>) target_semaphore(%run_scoped3A : memref<!tpu.dma_semaphore, #tpu.memory_space<semaphore_mem>>)
      %dma_wait3A_217 = arith.constant 0 : i32
      %dma_wait3A_218 = tpu.memref_slice %arg6[%arg0, %mul3A_2, %dma_wait3A_217] : memref<2x10240x64xf32, #tpu.memory_space<hbm>> -> memref<1x640x64xf32, #tpu.memory_space<hbm>>
      %dma_wait3A_219 = tpu.memref_squeeze %dma_wait3A_218 : memref<1x640x64xf32, #tpu.memory_space<hbm>> -> memref<640x64xf32, #tpu.memory_space<hbm>>
      %dma_wait3A_220 = arith.constant 0 : i32
      %dma_wait3A_221 = tpu.memref_slice %arg11[%mul3A_2, %dma_wait3A_220] : memref<10240x64xf32, #tpu.memory_space<vmem_shared>> -> memref<640x64xf32, #tpu.memory_space<vmem_shared>>
      tpu.wait_dma2 semaphore(%run_scoped3A : memref<!tpu.dma_semaphore, #tpu.memory_space<semaphore_mem>>) src(%dma_wait3A_221 : memref<640x64xf32, #tpu.memory_space<vmem_shared>>) dst(%dma_wait3A_219 : memref<640x64xf32, #tpu.memory_space<hbm>>)
      tpu.yield
    }) : () -> ()
    return
  }
}

#map = affine_map<(d0, d1) -> (0, 0)>
#map1 = affine_map<(d0, d1) -> (0, 0, 0)>
module attributes {stable_mosaic.version = 14 : i64} {
  func.func @body(%arg0: i32, %arg1: i32, %arg2: memref<10240x64xbf16, #tpu.memory_space<hbm>>, %arg3: memref<32x10240xi32, #tpu.memory_space<hbm>>, %arg4: memref<32x80x128xi32, #tpu.memory_space<hbm>>, %arg5: memref<128x64xf32, #tpu.memory_space<hbm>>, %arg6: memref<2x10240x64xf32, #tpu.memory_space<hbm>>, %arg7: memref<10240xi32, #tpu.memory_space<vmem>>, %arg8: memref<80x128xi32, #tpu.memory_space<vmem>>, %arg9: memref<4x128x64xf32, #tpu.memory_space<vmem>>, %arg10: memref<128x64xf32, #tpu.memory_space<vmem>>, %arg11: memref<10240x64xf32, #tpu.memory_space<vmem_shared>>, %arg12: memref<!tpu.dma_semaphore, #tpu.memory_space<semaphore_mem>>, %arg13: memref<!tpu.dma_semaphore, #tpu.memory_space<semaphore_mem>>, %arg14: memref<!tpu.dma_semaphore, #tpu.memory_space<semaphore_mem>>, %arg15: memref<!tpu.dma_semaphore, #tpu.memory_space<semaphore_mem>>, %arg16: memref<!tpu.dma_semaphore, #tpu.memory_space<semaphore_mem>>, %arg17: memref<!tpu.dma_semaphore, #tpu.memory_space<semaphore_mem>>, %arg18: memref<!tpu.dma_semaphore, #tpu.memory_space<semaphore_mem>>, %arg19: memref<!tpu.dma_semaphore, #tpu.memory_space<semaphore_mem>>, %arg20: memref<4x128x64xbf16, #tpu.memory_space<vmem>>) attributes {dimension_semantics = [#tpu.dimension_semantics<core_parallel>, #tpu.dimension_semantics<subcore_parallel>], iteration_bounds = array<i64: 2, 16>, scalar_prefetch = 0 : i64, scratch_operands = 14 : i64, tpu.core_type = #tpu.core_type<sc_vector_subcore>, window_params = [{transform_indices = #map}, {transform_indices = #map}, {transform_indices = #map1}, {transform_indices = #map}, {transform_indices = #map1}]} {
    %mul3A = arith.constant 16 : i32
    %mul3A_0 = arith.muli %arg0, %mul3A : i32
    %add3A = arith.addi %mul3A_0, %arg1 : i32
    %mul3A_1 = arith.constant 640 : i32
    %mul3A_2 = arith.muli %arg1, %mul3A_1 : i32
    "tpu.region"() ({
      %run_scoped3A = tpu.sem_alloc : memref<!tpu.dma_semaphore, #tpu.memory_space<semaphore_mem>>
      %dma_start3A_212 = arith.constant 0 : i32
      %dma_start3A_213 = tpu.memref_slice %arg3[%add3A, %dma_start3A_212] : memref<32x10240xi32, #tpu.memory_space<hbm>> -> memref<1x10240xi32, #tpu.memory_space<hbm>>
      %dma_start3A_214 = tpu.memref_squeeze %dma_start3A_213 : memref<1x10240xi32, #tpu.memory_space<hbm>> -> memref<10240xi32, #tpu.memory_space<hbm>>
      %dma_start3A_215 = arith.constant 0 : i32
      %dma_start3A_216 = tpu.memref_slice %arg3[%add3A, %dma_start3A_215] : memref<32x10240xi32, #tpu.memory_space<hbm>> -> memref<1x10240xi32, #tpu.memory_space<hbm>>
      %dma_start3A_217 = tpu.memref_squeeze %dma_start3A_216 : memref<1x10240xi32, #tpu.memory_space<hbm>> -> memref<10240xi32, #tpu.memory_space<hbm>>
      tpu.enqueue_dma source(%dma_start3A_217 : memref<10240xi32, #tpu.memory_space<hbm>>) target(%arg7 : memref<10240xi32, #tpu.memory_space<vmem>>) target_semaphore(%run_scoped3A : memref<!tpu.dma_semaphore, #tpu.memory_space<semaphore_mem>>)
      %dma_wait3A_218 = arith.constant 0 : i32
      %dma_wait3A_219 = tpu.memref_slice %arg3[%add3A, %dma_wait3A_218] : memref<32x10240xi32, #tpu.memory_space<hbm>> -> memref<1x10240xi32, #tpu.memory_space<hbm>>
      %dma_wait3A_220 = tpu.memref_squeeze %dma_wait3A_219 : memref<1x10240xi32, #tpu.memory_space<hbm>> -> memref<10240xi32, #tpu.memory_space<hbm>>
      %dma_wait3A_221 = arith.constant 0 : i32
      %dma_wait3A_222 = tpu.memref_slice %arg3[%add3A, %dma_wait3A_221] : memref<32x10240xi32, #tpu.memory_space<hbm>> -> memref<1x10240xi32, #tpu.memory_space<hbm>>
      %dma_wait3A_223 = tpu.memref_squeeze %dma_wait3A_222 : memref<1x10240xi32, #tpu.memory_space<hbm>> -> memref<10240xi32, #tpu.memory_space<hbm>>
      tpu.wait_dma2 semaphore(%run_scoped3A : memref<!tpu.dma_semaphore, #tpu.memory_space<semaphore_mem>>) src(%dma_wait3A_223 : memref<10240xi32, #tpu.memory_space<hbm>>) dst(%arg7 : memref<10240xi32, #tpu.memory_space<vmem>>)
      tpu.yield
    }) : () -> ()
    "tpu.region"() ({
      %run_scoped3A = tpu.sem_alloc : memref<!tpu.dma_semaphore, #tpu.memory_space<semaphore_mem>>
      %dma_start3A_212 = arith.constant 0 : i32
      %dma_start3A_213 = arith.constant 0 : i32
      %dma_start3A_214 = tpu.memref_slice %arg4[%add3A, %dma_start3A_212, %dma_start3A_213] : memref<32x80x128xi32, #tpu.memory_space<hbm>> -> memref<1x80x128xi32, #tpu.memory_space<hbm>>
      %dma_start3A_215 = tpu.memref_squeeze %dma_start3A_214 : memref<1x80x128xi32, #tpu.memory_space<hbm>> -> memref<80x128xi32, #tpu.memory_space<hbm>>
      %dma_start3A_216 = arith.constant 0 : i32
      %dma_start3A_217 = arith.constant 0 : i32
      %dma_start3A_218 = tpu.memref_slice %arg4[%add3A, %dma_start3A_216, %dma_start3A_217] : memref<32x80x128xi32, #tpu.memory_space<hbm>> -> memref<1x80x128xi32, #tpu.memory_space<hbm>>
      %dma_start3A_219 = tpu.memref_squeeze %dma_start3A_218 : memref<1x80x128xi32, #tpu.memory_space<hbm>> -> memref<80x128xi32, #tpu.memory_space<hbm>>
      tpu.enqueue_dma source(%dma_start3A_219 : memref<80x128xi32, #tpu.memory_space<hbm>>) target(%arg8 : memref<80x128xi32, #tpu.memory_space<vmem>>) target_semaphore(%run_scoped3A : memref<!tpu.dma_semaphore, #tpu.memory_space<semaphore_mem>>)
      %dma_wait3A_220 = arith.constant 0 : i32
      %dma_wait3A_221 = arith.constant 0 : i32
      %dma_wait3A_222 = tpu.memref_slice %arg4[%add3A, %dma_wait3A_220, %dma_wait3A_221] : memref<32x80x128xi32, #tpu.memory_space<hbm>> -> memref<1x80x128xi32, #tpu.memory_space<hbm>>
      %dma_wait3A_223 = tpu.memref_squeeze %dma_wait3A_222 : memref<1x80x128xi32, #tpu.memory_space<hbm>> -> memref<80x128xi32, #tpu.memory_space<hbm>>
      %dma_wait3A_224 = arith.constant 0 : i32
      %dma_wait3A_225 = arith.constant 0 : i32
      %dma_wait3A_226 = tpu.memref_slice %arg4[%add3A, %dma_wait3A_224, %dma_wait3A_225] : memref<32x80x128xi32, #tpu.memory_space<hbm>> -> memref<1x80x128xi32, #tpu.memory_space<hbm>>
      %dma_wait3A_227 = tpu.memref_squeeze %dma_wait3A_226 : memref<1x80x128xi32, #tpu.memory_space<hbm>> -> memref<80x128xi32, #tpu.memory_space<hbm>>
      tpu.wait_dma2 semaphore(%run_scoped3A : memref<!tpu.dma_semaphore, #tpu.memory_space<semaphore_mem>>) src(%dma_wait3A_227 : memref<80x128xi32, #tpu.memory_space<hbm>>) dst(%arg8 : memref<80x128xi32, #tpu.memory_space<vmem>>)
      tpu.yield
    }) : () -> ()
    "tpu.region"() ({
      %run_scoped3A = tpu.sem_alloc : memref<!tpu.dma_semaphore, #tpu.memory_space<semaphore_mem>>
      tpu.enqueue_dma source(%arg5 : memref<128x64xf32, #tpu.memory_space<hbm>>) target(%arg10 : memref<128x64xf32, #tpu.memory_space<vmem>>) target_semaphore(%run_scoped3A : memref<!tpu.dma_semaphore, #tpu.memory_space<semaphore_mem>>)
      tpu.wait_dma2 semaphore(%run_scoped3A : memref<!tpu.dma_semaphore, #tpu.memory_space<semaphore_mem>>) src(%arg5 : memref<128x64xf32, #tpu.memory_space<hbm>>) dst(%arg10 : memref<128x64xf32, #tpu.memory_space<vmem>>)
      tpu.yield
    }) : () -> ()
    %add3A_3 = arith.constant 0 : i32
    %add3A_4 = arith.addi %mul3A_2, %add3A_3 : i32
    "tpu.region"() ({
      %run_scoped3A = tpu.sem_alloc : memref<!tpu.dma_semaphore, #tpu.memory_space<semaphore_mem>>
      %dma_start3A_212 = arith.constant 0 : i32
      %dma_start3A_213 = tpu.memref_slice %arg11[%add3A_4, %dma_start3A_212] : memref<10240x64xf32, #tpu.memory_space<vmem_shared>> -> memref<128x64xf32, #tpu.memory_space<vmem_shared>>
      %dma_start3A_214 = arith.constant 0 : i32
      %dma_start3A_215 = tpu.memref_slice %arg11[%add3A_4, %dma_start3A_214] : memref<10240x64xf32, #tpu.memory_space<vmem_shared>> -> memref<128x64xf32, #tpu.memory_space<vmem_shared>>
      tpu.enqueue_dma source(%arg10 : memref<128x64xf32, #tpu.memory_space<vmem>>) target(%dma_start3A_215 : memref<128x64xf32, #tpu.memory_space<vmem_shared>>) target_semaphore(%run_scoped3A : memref<!tpu.dma_semaphore, #tpu.memory_space<semaphore_mem>>)
      %dma_wait3A_216 = arith.constant 0 : i32
      %dma_wait3A_217 = tpu.memref_slice %arg11[%add3A_4, %dma_wait3A_216] : memref<10240x64xf32, #tpu.memory_space<vmem_shared>> -> memref<128x64xf32, #tpu.memory_space<vmem_shared>>
      %dma_wait3A_218 = arith.constant 0 : i32
      %dma_wait3A_219 = tpu.memref_slice %arg11[%add3A_4, %dma_wait3A_218] : memref<10240x64xf32, #tpu.memory_space<vmem_shared>> -> memref<128x64xf32, #tpu.memory_space<vmem_shared>>
      tpu.wait_dma2 semaphore(%run_scoped3A : memref<!tpu.dma_semaphore, #tpu.memory_space<semaphore_mem>>) src(%arg10 : memref<128x64xf32, #tpu.memory_space<vmem>>) dst(%dma_wait3A_219 : memref<128x64xf32, #tpu.memory_space<vmem_shared>>)
      tpu.yield
    }) : () -> ()
    %add3A_5 = arith.constant 128 : i32
    %add3A_6 = arith.addi %mul3A_2, %add3A_5 : i32
    "tpu.region"() ({
      %run_scoped3A = tpu.sem_alloc : memref<!tpu.dma_semaphore, #tpu.memory_space<semaphore_mem>>
      %dma_start3A_212 = arith.constant 0 : i32
      %dma_start3A_213 = tpu.memref_slice %arg11[%add3A_6, %dma_start3A_212] : memref<10240x64xf32, #tpu.memory_space<vmem_shared>> -> memref<128x64xf32, #tpu.memory_space<vmem_shared>>
      %dma_start3A_214 = arith.constant 0 : i32
      %dma_start3A_215 = tpu.memref_slice %arg11[%add3A_6, %dma_start3A_214] : memref<10240x64xf32, #tpu.memory_space<vmem_shared>> -> memref<128x64xf32, #tpu.memory_space<vmem_shared>>
      tpu.enqueue_dma source(%arg10 : memref<128x64xf32, #tpu.memory_space<vmem>>) target(%dma_start3A_215 : memref<128x64xf32, #tpu.memory_space<vmem_shared>>) target_semaphore(%run_scoped3A : memref<!tpu.dma_semaphore, #tpu.memory_space<semaphore_mem>>)
      %dma_wait3A_216 = arith.constant 0 : i32
      %dma_wait3A_217 = tpu.memref_slice %arg11[%add3A_6, %dma_wait3A_216] : memref<10240x64xf32, #tpu.memory_space<vmem_shared>> -> memref<128x64xf32, #tpu.memory_space<vmem_shared>>
      %dma_wait3A_218 = arith.constant 0 : i32
      %dma_wait3A_219 = tpu.memref_slice %arg11[%add3A_6, %dma_wait3A_218] : memref<10240x64xf32, #tpu.memory_space<vmem_shared>> -> memref<128x64xf32, #tpu.memory_space<vmem_shared>>
      tpu.wait_dma2 semaphore(%run_scoped3A : memref<!tpu.dma_semaphore, #tpu.memory_space<semaphore_mem>>) src(%arg10 : memref<128x64xf32, #tpu.memory_space<vmem>>) dst(%dma_wait3A_219 : memref<128x64xf32, #tpu.memory_space<vmem_shared>>)
      tpu.yield
    }) : () -> ()
    %add3A_7 = arith.constant 256 : i32
    %add3A_8 = arith.addi %mul3A_2, %add3A_7 : i32
    "tpu.region"() ({
      %run_scoped3A = tpu.sem_alloc : memref<!tpu.dma_semaphore, #tpu.memory_space<semaphore_mem>>
      %dma_start3A_212 = arith.constant 0 : i32
      %dma_start3A_213 = tpu.memref_slice %arg11[%add3A_8, %dma_start3A_212] : memref<10240x64xf32, #tpu.memory_space<vmem_shared>> -> memref<128x64xf32, #tpu.memory_space<vmem_shared>>
      %dma_start3A_214 = arith.constant 0 : i32
      %dma_start3A_215 = tpu.memref_slice %arg11[%add3A_8, %dma_start3A_214] : memref<10240x64xf32, #tpu.memory_space<vmem_shared>> -> memref<128x64xf32, #tpu.memory_space<vmem_shared>>
      tpu.enqueue_dma source(%arg10 : memref<128x64xf32, #tpu.memory_space<vmem>>) target(%dma_start3A_215 : memref<128x64xf32, #tpu.memory_space<vmem_shared>>) target_semaphore(%run_scoped3A : memref<!tpu.dma_semaphore, #tpu.memory_space<semaphore_mem>>)
      %dma_wait3A_216 = arith.constant 0 : i32
      %dma_wait3A_217 = tpu.memref_slice %arg11[%add3A_8, %dma_wait3A_216] : memref<10240x64xf32, #tpu.memory_space<vmem_shared>> -> memref<128x64xf32, #tpu.memory_space<vmem_shared>>
      %dma_wait3A_218 = arith.constant 0 : i32
      %dma_wait3A_219 = tpu.memref_slice %arg11[%add3A_8, %dma_wait3A_218] : memref<10240x64xf32, #tpu.memory_space<vmem_shared>> -> memref<128x64xf32, #tpu.memory_space<vmem_shared>>
      tpu.wait_dma2 semaphore(%run_scoped3A : memref<!tpu.dma_semaphore, #tpu.memory_space<semaphore_mem>>) src(%arg10 : memref<128x64xf32, #tpu.memory_space<vmem>>) dst(%dma_wait3A_219 : memref<128x64xf32, #tpu.memory_space<vmem_shared>>)
      tpu.yield
    }) : () -> ()
    %add3A_9 = arith.constant 384 : i32
    %add3A_10 = arith.addi %mul3A_2, %add3A_9 : i32
    "tpu.region"() ({
      %run_scoped3A = tpu.sem_alloc : memref<!tpu.dma_semaphore, #tpu.memory_space<semaphore_mem>>
      %dma_start3A_212 = arith.constant 0 : i32
      %dma_start3A_213 = tpu.memref_slice %arg11[%add3A_10, %dma_start3A_212] : memref<10240x64xf32, #tpu.memory_space<vmem_shared>> -> memref<128x64xf32, #tpu.memory_space<vmem_shared>>
      %dma_start3A_214 = arith.constant 0 : i32
      %dma_start3A_215 = tpu.memref_slice %arg11[%add3A_10, %dma_start3A_214] : memref<10240x64xf32, #tpu.memory_space<vmem_shared>> -> memref<128x64xf32, #tpu.memory_space<vmem_shared>>
      tpu.enqueue_dma source(%arg10 : memref<128x64xf32, #tpu.memory_space<vmem>>) target(%dma_start3A_215 : memref<128x64xf32, #tpu.memory_space<vmem_shared>>) target_semaphore(%run_scoped3A : memref<!tpu.dma_semaphore, #tpu.memory_space<semaphore_mem>>)
      %dma_wait3A_216 = arith.constant 0 : i32
      %dma_wait3A_217 = tpu.memref_slice %arg11[%add3A_10, %dma_wait3A_216] : memref<10240x64xf32, #tpu.memory_space<vmem_shared>> -> memref<128x64xf32, #tpu.memory_space<vmem_shared>>
      %dma_wait3A_218 = arith.constant 0 : i32
      %dma_wait3A_219 = tpu.memref_slice %arg11[%add3A_10, %dma_wait3A_218] : memref<10240x64xf32, #tpu.memory_space<vmem_shared>> -> memref<128x64xf32, #tpu.memory_space<vmem_shared>>
      tpu.wait_dma2 semaphore(%run_scoped3A : memref<!tpu.dma_semaphore, #tpu.memory_space<semaphore_mem>>) src(%arg10 : memref<128x64xf32, #tpu.memory_space<vmem>>) dst(%dma_wait3A_219 : memref<128x64xf32, #tpu.memory_space<vmem_shared>>)
      tpu.yield
    }) : () -> ()
    %add3A_11 = arith.constant 512 : i32
    %add3A_12 = arith.addi %mul3A_2, %add3A_11 : i32
    "tpu.region"() ({
      %run_scoped3A = tpu.sem_alloc : memref<!tpu.dma_semaphore, #tpu.memory_space<semaphore_mem>>
      %dma_start3A_212 = arith.constant 0 : i32
      %dma_start3A_213 = tpu.memref_slice %arg11[%add3A_12, %dma_start3A_212] : memref<10240x64xf32, #tpu.memory_space<vmem_shared>> -> memref<128x64xf32, #tpu.memory_space<vmem_shared>>
      %dma_start3A_214 = arith.constant 0 : i32
      %dma_start3A_215 = tpu.memref_slice %arg11[%add3A_12, %dma_start3A_214] : memref<10240x64xf32, #tpu.memory_space<vmem_shared>> -> memref<128x64xf32, #tpu.memory_space<vmem_shared>>
      tpu.enqueue_dma source(%arg10 : memref<128x64xf32, #tpu.memory_space<vmem>>) target(%dma_start3A_215 : memref<128x64xf32, #tpu.memory_space<vmem_shared>>) target_semaphore(%run_scoped3A : memref<!tpu.dma_semaphore, #tpu.memory_space<semaphore_mem>>)
      %dma_wait3A_216 = arith.constant 0 : i32
      %dma_wait3A_217 = tpu.memref_slice %arg11[%add3A_12, %dma_wait3A_216] : memref<10240x64xf32, #tpu.memory_space<vmem_shared>> -> memref<128x64xf32, #tpu.memory_space<vmem_shared>>
      %dma_wait3A_218 = arith.constant 0 : i32
      %dma_wait3A_219 = tpu.memref_slice %arg11[%add3A_12, %dma_wait3A_218] : memref<10240x64xf32, #tpu.memory_space<vmem_shared>> -> memref<128x64xf32, #tpu.memory_space<vmem_shared>>
      tpu.wait_dma2 semaphore(%run_scoped3A : memref<!tpu.dma_semaphore, #tpu.memory_space<semaphore_mem>>) src(%arg10 : memref<128x64xf32, #tpu.memory_space<vmem>>) dst(%dma_wait3A_219 : memref<128x64xf32, #tpu.memory_space<vmem_shared>>)
      tpu.yield
    }) : () -> ()
    %barrier3A = arith.constant 0 : index
    tpu.barrier barrier_id(%barrier3A)
    %dma_start3A = arith.constant 0 : i32
    %dma_start3A_13 = arith.constant 0 : i32
    %dma_start3A_14 = arith.constant 0 : i32
    %dma_start3A_15 = tpu.memref_slice %arg20[%dma_start3A, %dma_start3A_13, %dma_start3A_14] : memref<4x128x64xbf16, #tpu.memory_space<vmem>> -> memref<1x128x64xbf16, #tpu.memory_space<vmem>>
    %dma_start3A_16 = tpu.memref_squeeze %dma_start3A_15 : memref<1x128x64xbf16, #tpu.memory_space<vmem>> -> memref<128x64xbf16, #tpu.memory_space<vmem>>
    %dma_start3A_17 = arith.constant 0 : i32
    %dma_start3A_18 = tpu.memref_slice %arg7[%dma_start3A_17] : memref<10240xi32, #tpu.memory_space<vmem>> -> memref<128xi32, #tpu.memory_space<vmem>>
    %dma_start3A_19 = arith.constant 0 : i32
    %dma_start3A_20 = arith.constant 0 : i32
    %dma_start3A_21 = tpu.memref_slice %arg2[%dma_start3A_19, %dma_start3A_20] : memref<10240x64xbf16, #tpu.memory_space<hbm>> -> memref<10240x64xbf16, #tpu.memory_space<hbm>>
    tpu.enqueue_indirect_dma source(%dma_start3A_21 : memref<10240x64xbf16, #tpu.memory_space<hbm>>) target(%dma_start3A_16 : memref<128x64xbf16, #tpu.memory_space<vmem>>) offsets(%dma_start3A_18 : memref<128xi32, #tpu.memory_space<vmem>>) semaphore(%arg12 : memref<!tpu.dma_semaphore, #tpu.memory_space<semaphore_mem>>)
    %dma_start3A_22 = arith.constant 1 : i32
    %dma_start3A_23 = arith.constant 0 : i32
    %dma_start3A_24 = arith.constant 0 : i32
    %dma_start3A_25 = tpu.memref_slice %arg20[%dma_start3A_22, %dma_start3A_23, %dma_start3A_24] : memref<4x128x64xbf16, #tpu.memory_space<vmem>> -> memref<1x128x64xbf16, #tpu.memory_space<vmem>>
    %dma_start3A_26 = tpu.memref_squeeze %dma_start3A_25 : memref<1x128x64xbf16, #tpu.memory_space<vmem>> -> memref<128x64xbf16, #tpu.memory_space<vmem>>
    %dma_start3A_27 = arith.constant 128 : i32
    %dma_start3A_28 = tpu.memref_slice %arg7[%dma_start3A_27] : memref<10240xi32, #tpu.memory_space<vmem>> -> memref<128xi32, #tpu.memory_space<vmem>>
    %dma_start3A_29 = arith.constant 0 : i32
    %dma_start3A_30 = arith.constant 0 : i32
    %dma_start3A_31 = tpu.memref_slice %arg2[%dma_start3A_29, %dma_start3A_30] : memref<10240x64xbf16, #tpu.memory_space<hbm>> -> memref<10240x64xbf16, #tpu.memory_space<hbm>>
    tpu.enqueue_indirect_dma source(%dma_start3A_31 : memref<10240x64xbf16, #tpu.memory_space<hbm>>) target(%dma_start3A_26 : memref<128x64xbf16, #tpu.memory_space<vmem>>) offsets(%dma_start3A_28 : memref<128xi32, #tpu.memory_space<vmem>>) semaphore(%arg13 : memref<!tpu.dma_semaphore, #tpu.memory_space<semaphore_mem>>)
    %dma_start3A_32 = arith.constant 2 : i32
    %dma_start3A_33 = arith.constant 0 : i32
    %dma_start3A_34 = arith.constant 0 : i32
    %dma_start3A_35 = tpu.memref_slice %arg20[%dma_start3A_32, %dma_start3A_33, %dma_start3A_34] : memref<4x128x64xbf16, #tpu.memory_space<vmem>> -> memref<1x128x64xbf16, #tpu.memory_space<vmem>>
    %dma_start3A_36 = tpu.memref_squeeze %dma_start3A_35 : memref<1x128x64xbf16, #tpu.memory_space<vmem>> -> memref<128x64xbf16, #tpu.memory_space<vmem>>
    %dma_start3A_37 = arith.constant 256 : i32
    %dma_start3A_38 = tpu.memref_slice %arg7[%dma_start3A_37] : memref<10240xi32, #tpu.memory_space<vmem>> -> memref<128xi32, #tpu.memory_space<vmem>>
    %dma_start3A_39 = arith.constant 0 : i32
    %dma_start3A_40 = arith.constant 0 : i32
    %dma_start3A_41 = tpu.memref_slice %arg2[%dma_start3A_39, %dma_start3A_40] : memref<10240x64xbf16, #tpu.memory_space<hbm>> -> memref<10240x64xbf16, #tpu.memory_space<hbm>>
    tpu.enqueue_indirect_dma source(%dma_start3A_41 : memref<10240x64xbf16, #tpu.memory_space<hbm>>) target(%dma_start3A_36 : memref<128x64xbf16, #tpu.memory_space<vmem>>) offsets(%dma_start3A_38 : memref<128xi32, #tpu.memory_space<vmem>>) semaphore(%arg14 : memref<!tpu.dma_semaphore, #tpu.memory_space<semaphore_mem>>)
    %dma_start3A_42 = arith.constant 3 : i32
    %dma_start3A_43 = arith.constant 0 : i32
    %dma_start3A_44 = arith.constant 0 : i32
    %dma_start3A_45 = tpu.memref_slice %arg20[%dma_start3A_42, %dma_start3A_43, %dma_start3A_44] : memref<4x128x64xbf16, #tpu.memory_space<vmem>> -> memref<1x128x64xbf16, #tpu.memory_space<vmem>>
    %dma_start3A_46 = tpu.memref_squeeze %dma_start3A_45 : memref<1x128x64xbf16, #tpu.memory_space<vmem>> -> memref<128x64xbf16, #tpu.memory_space<vmem>>
    %dma_start3A_47 = arith.constant 384 : i32
    %dma_start3A_48 = tpu.memref_slice %arg7[%dma_start3A_47] : memref<10240xi32, #tpu.memory_space<vmem>> -> memref<128xi32, #tpu.memory_space<vmem>>
    %dma_start3A_49 = arith.constant 0 : i32
    %dma_start3A_50 = arith.constant 0 : i32
    %dma_start3A_51 = tpu.memref_slice %arg2[%dma_start3A_49, %dma_start3A_50] : memref<10240x64xbf16, #tpu.memory_space<hbm>> -> memref<10240x64xbf16, #tpu.memory_space<hbm>>
    tpu.enqueue_indirect_dma source(%dma_start3A_51 : memref<10240x64xbf16, #tpu.memory_space<hbm>>) target(%dma_start3A_46 : memref<128x64xbf16, #tpu.memory_space<vmem>>) offsets(%dma_start3A_48 : memref<128xi32, #tpu.memory_space<vmem>>) semaphore(%arg15 : memref<!tpu.dma_semaphore, #tpu.memory_space<semaphore_mem>>)
    %scan3A = arith.constant 0 : i32
    %scan3A_52 = arith.constant 19 : i32
    %scan3A_53 = arith.addi %scan3A, %scan3A_52 : i32
    %scan3A_54 = arith.constant 1 : i32
    scf.for %scan3A_212 = %scan3A to %scan3A_53 step %scan3A_54  : i32 {
      %mul3A_213 = arith.constant 2 : i32
      %mul3A_214 = arith.muli %scan3A_212, %mul3A_213 : i32
      %add3A_215 = arith.constant 0 : i32
      %add3A_216 = arith.addi %add3A_215, %mul3A_214 : i32
      %add3A_217 = arith.constant 0 : i32
      %add3A_218 = arith.addi %add3A_216, %add3A_217 : i32
      %mul3A_219 = arith.constant 2 : i32
      %mul3A_220 = arith.muli %add3A_218, %mul3A_219 : i32
      %dma_wait3A_221 = arith.constant 0 : i32
      %dma_wait3A_222 = arith.constant 0 : i32
      %dma_wait3A_223 = arith.constant 0 : i32
      %dma_wait3A_224 = tpu.memref_slice %arg20[%dma_wait3A_221, %dma_wait3A_222, %dma_wait3A_223] : memref<4x128x64xbf16, #tpu.memory_space<vmem>> -> memref<1x128x64xbf16, #tpu.memory_space<vmem>>
      %dma_wait3A_225 = tpu.memref_squeeze %dma_wait3A_224 : memref<1x128x64xbf16, #tpu.memory_space<vmem>> -> memref<128x64xbf16, #tpu.memory_space<vmem>>
      %dma_wait3A_226 = arith.constant 0 : i32
      %dma_wait3A_227 = tpu.memref_slice %arg7[%dma_wait3A_226] : memref<10240xi32, #tpu.memory_space<vmem>> -> memref<128xi32, #tpu.memory_space<vmem>>
      %dma_wait3A_228 = arith.constant 0 : i32
      %dma_wait3A_229 = arith.constant 0 : i32
      %dma_wait3A_230 = tpu.memref_slice %arg2[%dma_wait3A_228, %dma_wait3A_229] : memref<10240x64xbf16, #tpu.memory_space<hbm>> -> memref<10240x64xbf16, #tpu.memory_space<hbm>>
      tpu.wait_indirect_dma semaphore(%arg12 : memref<!tpu.dma_semaphore, #tpu.memory_space<semaphore_mem>>) src(%dma_wait3A_230 : memref<10240x64xbf16, #tpu.memory_space<hbm>>) dst(%dma_wait3A_225 : memref<128x64xbf16, #tpu.memory_space<vmem>>)
      %scan3A_231 = arith.constant 0 : i32
      %scan3A_232 = arith.constant 128 : i32
      %scan3A_233 = arith.addi %scan3A_231, %scan3A_232 : i32
      %scan3A_234 = arith.constant 1 : i32
      scf.for %scan3A_445 = %scan3A_231 to %scan3A_233 step %scan3A_234  : i32 {
        %mul3A_446 = arith.constant 1 : i32
        %mul3A_447 = arith.muli %scan3A_445, %mul3A_446 : i32
        %add3A_448 = arith.constant 0 : i32
        %add3A_449 = arith.addi %add3A_448, %mul3A_447 : i32
        %get3A = arith.constant 0 : i32
        %get3A_450 = arith.index_cast %get3A : i32 to index
        %get3A_451 = arith.index_cast %add3A_449 : i32 to index
        %get3A_452 = arith.constant 0 : index
        %get3A_453 = tpu.vector_load %arg20[%get3A_450, %get3A_451, %get3A_452] {strides = array<i32>} : memref<4x128x64xbf16, #tpu.memory_space<vmem>>, vector<32xbf16>,
        %unpack3A = tpu.unpack_subelements %get3A_453, 0 {pack_format = #tpu.pack_format<interleaved>} : vector<32xbf16> -> vector<16xf32>
        %unpack3A_454 = tpu.unpack_subelements %get3A_453, 1 {pack_format = #tpu.pack_format<interleaved>} : vector<32xbf16> -> vector<16xf32>
        %swap3A = arith.constant 0 : i32
        %swap3A_455 = arith.index_cast %swap3A : i32 to index
        %swap3A_456 = arith.index_cast %add3A_449 : i32 to index
        %swap3A_457 = arith.constant 0 : index
        %swap3A_458 = tpu.vector_load %arg9[%swap3A_455, %swap3A_456, %swap3A_457] {strides = array<i32>} : memref<4x128x64xf32, #tpu.memory_space<vmem>>, vector<16xf32>,
        tpu.vector_store %arg9[%swap3A_455, %swap3A_456, %swap3A_457], %unpack3A {strides = array<i32>} : memref<4x128x64xf32, #tpu.memory_space<vmem>>, vector<16xf32>,
        %swap3A_459 = arith.constant 0 : i32
        %swap3A_460 = arith.index_cast %swap3A_459 : i32 to index
        %swap3A_461 = arith.index_cast %add3A_449 : i32 to index
        %swap3A_462 = arith.constant 16 : index
        %swap3A_463 = tpu.vector_load %arg9[%swap3A_460, %swap3A_461, %swap3A_462] {strides = array<i32>} : memref<4x128x64xf32, #tpu.memory_space<vmem>>, vector<16xf32>,
        tpu.vector_store %arg9[%swap3A_460, %swap3A_461, %swap3A_462], %unpack3A_454 {strides = array<i32>} : memref<4x128x64xf32, #tpu.memory_space<vmem>>, vector<16xf32>,
        %get3A_464 = arith.constant 0 : i32
        %get3A_465 = arith.index_cast %get3A_464 : i32 to index
        %get3A_466 = arith.index_cast %add3A_449 : i32 to index
        %get3A_467 = arith.constant 32 : index
        %get3A_468 = tpu.vector_load %arg20[%get3A_465, %get3A_466, %get3A_467] {strides = array<i32>} : memref<4x128x64xbf16, #tpu.memory_space<vmem>>, vector<32xbf16>,
        %unpack3A_469 = tpu.unpack_subelements %get3A_468, 0 {pack_format = #tpu.pack_format<interleaved>} : vector<32xbf16> -> vector<16xf32>
        %unpack3A_470 = tpu.unpack_subelements %get3A_468, 1 {pack_format = #tpu.pack_format<interleaved>} : vector<32xbf16> -> vector<16xf32>
        %swap3A_471 = arith.constant 0 : i32
        %swap3A_472 = arith.index_cast %swap3A_471 : i32 to index
        %swap3A_473 = arith.index_cast %add3A_449 : i32 to index
        %swap3A_474 = arith.constant 32 : index
        %swap3A_475 = tpu.vector_load %arg9[%swap3A_472, %swap3A_473, %swap3A_474] {strides = array<i32>} : memref<4x128x64xf32, #tpu.memory_space<vmem>>, vector<16xf32>,
        tpu.vector_store %arg9[%swap3A_472, %swap3A_473, %swap3A_474], %unpack3A_469 {strides = array<i32>} : memref<4x128x64xf32, #tpu.memory_space<vmem>>, vector<16xf32>,
        %swap3A_476 = arith.constant 0 : i32
        %swap3A_477 = arith.index_cast %swap3A_476 : i32 to index
        %swap3A_478 = arith.index_cast %add3A_449 : i32 to index
        %swap3A_479 = arith.constant 48 : index
        %swap3A_480 = tpu.vector_load %arg9[%swap3A_477, %swap3A_478, %swap3A_479] {strides = array<i32>} : memref<4x128x64xf32, #tpu.memory_space<vmem>>, vector<16xf32>,
        tpu.vector_store %arg9[%swap3A_477, %swap3A_478, %swap3A_479], %unpack3A_470 {strides = array<i32>} : memref<4x128x64xf32, #tpu.memory_space<vmem>>, vector<16xf32>,
      }
      %scan3A_235 = arith.constant 128 : i32
      %add3A_236 = arith.constant 0 : i32
      %add3A_237 = arith.addi %mul3A_220, %add3A_236 : i32
      %dma_start3A_238 = arith.constant 0 : i32
      %dma_start3A_239 = arith.constant 0 : i32
      %dma_start3A_240 = arith.constant 0 : i32
      %dma_start3A_241 = tpu.memref_slice %arg9[%dma_start3A_238, %dma_start3A_239, %dma_start3A_240] : memref<4x128x64xf32, #tpu.memory_space<vmem>> -> memref<1x128x64xf32, #tpu.memory_space<vmem>>
      %dma_start3A_242 = tpu.memref_squeeze %dma_start3A_241 : memref<1x128x64xf32, #tpu.memory_space<vmem>> -> memref<128x64xf32, #tpu.memory_space<vmem>>
      %dma_start3A_243 = arith.constant 0 : i32
      %dma_start3A_244 = tpu.memref_slice %arg8[%add3A_237, %dma_start3A_243] : memref<80x128xi32, #tpu.memory_space<vmem>> -> memref<1x128xi32, #tpu.memory_space<vmem>>
      %dma_start3A_245 = tpu.memref_squeeze %dma_start3A_244 : memref<1x128xi32, #tpu.memory_space<vmem>> -> memref<128xi32, #tpu.memory_space<vmem>>
      %dma_start3A_246 = arith.constant 0 : i32
      %dma_start3A_247 = arith.constant 0 : i32
      %dma_start3A_248 = tpu.memref_slice %arg11[%dma_start3A_246, %dma_start3A_247] : memref<10240x64xf32, #tpu.memory_space<vmem_shared>> -> memref<10240x64xf32, #tpu.memory_space<vmem_shared>>
      tpu.enqueue_indirect_dma source(%dma_start3A_242 : memref<128x64xf32, #tpu.memory_space<vmem>>) target(%dma_start3A_248 : memref<10240x64xf32, #tpu.memory_space<vmem_shared>>) offsets(%dma_start3A_245 : memref<128xi32, #tpu.memory_space<vmem>>) semaphore(%arg16 : memref<!tpu.dma_semaphore, #tpu.memory_space<semaphore_mem>>) {add = true}
      %dma_wait3A_249 = arith.constant 1 : i32
      %dma_wait3A_250 = arith.constant 0 : i32
      %dma_wait3A_251 = arith.constant 0 : i32
      %dma_wait3A_252 = tpu.memref_slice %arg20[%dma_wait3A_249, %dma_wait3A_250, %dma_wait3A_251] : memref<4x128x64xbf16, #tpu.memory_space<vmem>> -> memref<1x128x64xbf16, #tpu.memory_space<vmem>>
      %dma_wait3A_253 = tpu.memref_squeeze %dma_wait3A_252 : memref<1x128x64xbf16, #tpu.memory_space<vmem>> -> memref<128x64xbf16, #tpu.memory_space<vmem>>
      %dma_wait3A_254 = arith.constant 0 : i32
      %dma_wait3A_255 = tpu.memref_slice %arg7[%dma_wait3A_254] : memref<10240xi32, #tpu.memory_space<vmem>> -> memref<128xi32, #tpu.memory_space<vmem>>
      %dma_wait3A_256 = arith.constant 0 : i32
      %dma_wait3A_257 = arith.constant 0 : i32
      %dma_wait3A_258 = tpu.memref_slice %arg2[%dma_wait3A_256, %dma_wait3A_257] : memref<10240x64xbf16, #tpu.memory_space<hbm>> -> memref<10240x64xbf16, #tpu.memory_space<hbm>>
      tpu.wait_indirect_dma semaphore(%arg13 : memref<!tpu.dma_semaphore, #tpu.memory_space<semaphore_mem>>) src(%dma_wait3A_258 : memref<10240x64xbf16, #tpu.memory_space<hbm>>) dst(%dma_wait3A_253 : memref<128x64xbf16, #tpu.memory_space<vmem>>)
      %scan3A_259 = arith.constant 0 : i32
      %scan3A_260 = arith.constant 128 : i32
      %scan3A_261 = arith.addi %scan3A_259, %scan3A_260 : i32
      %scan3A_262 = arith.constant 1 : i32
      scf.for %scan3A_445 = %scan3A_259 to %scan3A_261 step %scan3A_262  : i32 {
        %mul3A_446 = arith.constant 1 : i32
        %mul3A_447 = arith.muli %scan3A_445, %mul3A_446 : i32
        %add3A_448 = arith.constant 0 : i32
        %add3A_449 = arith.addi %add3A_448, %mul3A_447 : i32
        %get3A = arith.constant 1 : i32
        %get3A_450 = arith.index_cast %get3A : i32 to index
        %get3A_451 = arith.index_cast %add3A_449 : i32 to index
        %get3A_452 = arith.constant 0 : index
        %get3A_453 = tpu.vector_load %arg20[%get3A_450, %get3A_451, %get3A_452] {strides = array<i32>} : memref<4x128x64xbf16, #tpu.memory_space<vmem>>, vector<32xbf16>,
        %unpack3A = tpu.unpack_subelements %get3A_453, 0 {pack_format = #tpu.pack_format<interleaved>} : vector<32xbf16> -> vector<16xf32>
        %unpack3A_454 = tpu.unpack_subelements %get3A_453, 1 {pack_format = #tpu.pack_format<interleaved>} : vector<32xbf16> -> vector<16xf32>
        %swap3A = arith.constant 1 : i32
        %swap3A_455 = arith.index_cast %swap3A : i32 to index
        %swap3A_456 = arith.index_cast %add3A_449 : i32 to index
        %swap3A_457 = arith.constant 0 : index
        %swap3A_458 = tpu.vector_load %arg9[%swap3A_455, %swap3A_456, %swap3A_457] {strides = array<i32>} : memref<4x128x64xf32, #tpu.memory_space<vmem>>, vector<16xf32>,
        tpu.vector_store %arg9[%swap3A_455, %swap3A_456, %swap3A_457], %unpack3A {strides = array<i32>} : memref<4x128x64xf32, #tpu.memory_space<vmem>>, vector<16xf32>,
        %swap3A_459 = arith.constant 1 : i32
        %swap3A_460 = arith.index_cast %swap3A_459 : i32 to index
        %swap3A_461 = arith.index_cast %add3A_449 : i32 to index
        %swap3A_462 = arith.constant 16 : index
        %swap3A_463 = tpu.vector_load %arg9[%swap3A_460, %swap3A_461, %swap3A_462] {strides = array<i32>} : memref<4x128x64xf32, #tpu.memory_space<vmem>>, vector<16xf32>,
        tpu.vector_store %arg9[%swap3A_460, %swap3A_461, %swap3A_462], %unpack3A_454 {strides = array<i32>} : memref<4x128x64xf32, #tpu.memory_space<vmem>>, vector<16xf32>,
        %get3A_464 = arith.constant 1 : i32
        %get3A_465 = arith.index_cast %get3A_464 : i32 to index
        %get3A_466 = arith.index_cast %add3A_449 : i32 to index
        %get3A_467 = arith.constant 32 : index
        %get3A_468 = tpu.vector_load %arg20[%get3A_465, %get3A_466, %get3A_467] {strides = array<i32>} : memref<4x128x64xbf16, #tpu.memory_space<vmem>>, vector<32xbf16>,
        %unpack3A_469 = tpu.unpack_subelements %get3A_468, 0 {pack_format = #tpu.pack_format<interleaved>} : vector<32xbf16> -> vector<16xf32>
        %unpack3A_470 = tpu.unpack_subelements %get3A_468, 1 {pack_format = #tpu.pack_format<interleaved>} : vector<32xbf16> -> vector<16xf32>
        %swap3A_471 = arith.constant 1 : i32
        %swap3A_472 = arith.index_cast %swap3A_471 : i32 to index
        %swap3A_473 = arith.index_cast %add3A_449 : i32 to index
        %swap3A_474 = arith.constant 32 : index
        %swap3A_475 = tpu.vector_load %arg9[%swap3A_472, %swap3A_473, %swap3A_474] {strides = array<i32>} : memref<4x128x64xf32, #tpu.memory_space<vmem>>, vector<16xf32>,
        tpu.vector_store %arg9[%swap3A_472, %swap3A_473, %swap3A_474], %unpack3A_469 {strides = array<i32>} : memref<4x128x64xf32, #tpu.memory_space<vmem>>, vector<16xf32>,
        %swap3A_476 = arith.constant 1 : i32
        %swap3A_477 = arith.index_cast %swap3A_476 : i32 to index
        %swap3A_478 = arith.index_cast %add3A_449 : i32 to index
        %swap3A_479 = arith.constant 48 : index
        %swap3A_480 = tpu.vector_load %arg9[%swap3A_477, %swap3A_478, %swap3A_479] {strides = array<i32>} : memref<4x128x64xf32, #tpu.memory_space<vmem>>, vector<16xf32>,
        tpu.vector_store %arg9[%swap3A_477, %swap3A_478, %swap3A_479], %unpack3A_470 {strides = array<i32>} : memref<4x128x64xf32, #tpu.memory_space<vmem>>, vector<16xf32>,
      }
      %scan3A_263 = arith.constant 128 : i32
      %add3A_264 = arith.constant 1 : i32
      %add3A_265 = arith.addi %mul3A_220, %add3A_264 : i32
      %dma_start3A_266 = arith.constant 1 : i32
      %dma_start3A_267 = arith.constant 0 : i32
      %dma_start3A_268 = arith.constant 0 : i32
      %dma_start3A_269 = tpu.memref_slice %arg9[%dma_start3A_266, %dma_start3A_267, %dma_start3A_268] : memref<4x128x64xf32, #tpu.memory_space<vmem>> -> memref<1x128x64xf32, #tpu.memory_space<vmem>>
      %dma_start3A_270 = tpu.memref_squeeze %dma_start3A_269 : memref<1x128x64xf32, #tpu.memory_space<vmem>> -> memref<128x64xf32, #tpu.memory_space<vmem>>
      %dma_start3A_271 = arith.constant 0 : i32
      %dma_start3A_272 = tpu.memref_slice %arg8[%add3A_265, %dma_start3A_271] : memref<80x128xi32, #tpu.memory_space<vmem>> -> memref<1x128xi32, #tpu.memory_space<vmem>>
      %dma_start3A_273 = tpu.memref_squeeze %dma_start3A_272 : memref<1x128xi32, #tpu.memory_space<vmem>> -> memref<128xi32, #tpu.memory_space<vmem>>
      %dma_start3A_274 = arith.constant 0 : i32
      %dma_start3A_275 = arith.constant 0 : i32
      %dma_start3A_276 = tpu.memref_slice %arg11[%dma_start3A_274, %dma_start3A_275] : memref<10240x64xf32, #tpu.memory_space<vmem_shared>> -> memref<10240x64xf32, #tpu.memory_space<vmem_shared>>
      tpu.enqueue_indirect_dma source(%dma_start3A_270 : memref<128x64xf32, #tpu.memory_space<vmem>>) target(%dma_start3A_276 : memref<10240x64xf32, #tpu.memory_space<vmem_shared>>) offsets(%dma_start3A_273 : memref<128xi32, #tpu.memory_space<vmem>>) semaphore(%arg17 : memref<!tpu.dma_semaphore, #tpu.memory_space<semaphore_mem>>) {add = true}
      %dma_wait3A_277 = arith.constant 0 : i32
      %dma_wait3A_278 = arith.constant 0 : i32
      %dma_wait3A_279 = arith.constant 0 : i32
      %dma_wait3A_280 = arith.constant 0 : i32
      %dma_wait3A_281 = tpu.memref_slice %arg9[%dma_wait3A_277, %dma_wait3A_279, %dma_wait3A_280] : memref<4x128x64xf32, #tpu.memory_space<vmem>> -> memref<1x128x64xf32, #tpu.memory_space<vmem>>
      %dma_wait3A_282 = tpu.memref_squeeze %dma_wait3A_281 : memref<1x128x64xf32, #tpu.memory_space<vmem>> -> memref<128x64xf32, #tpu.memory_space<vmem>>
      %dma_wait3A_283 = arith.constant 0 : i32
      %dma_wait3A_284 = tpu.memref_slice %arg8[%dma_wait3A_278, %dma_wait3A_283] : memref<80x128xi32, #tpu.memory_space<vmem>> -> memref<1x128xi32, #tpu.memory_space<vmem>>
      %dma_wait3A_285 = tpu.memref_squeeze %dma_wait3A_284 : memref<1x128xi32, #tpu.memory_space<vmem>> -> memref<128xi32, #tpu.memory_space<vmem>>
      %dma_wait3A_286 = arith.constant 0 : i32
      %dma_wait3A_287 = arith.constant 0 : i32
      %dma_wait3A_288 = tpu.memref_slice %arg11[%dma_wait3A_286, %dma_wait3A_287] : memref<10240x64xf32, #tpu.memory_space<vmem_shared>> -> memref<10240x64xf32, #tpu.memory_space<vmem_shared>>
      tpu.wait_indirect_dma semaphore(%arg16 : memref<!tpu.dma_semaphore, #tpu.memory_space<semaphore_mem>>) src(%dma_wait3A_282 : memref<128x64xf32, #tpu.memory_space<vmem>>) dst(%dma_wait3A_288 : memref<10240x64xf32, #tpu.memory_space<vmem_shared>>)
      %add3A_289 = arith.constant 4 : i32
      %add3A_290 = arith.addi %mul3A_220, %add3A_289 : i32
      %add3A_291 = arith.constant 0 : i32
      %add3A_292 = arith.addi %add3A_290, %add3A_291 : i32
      %mul3A_293 = arith.constant 128 : i32
      %mul3A_294 = arith.muli %add3A_292, %mul3A_293 : i32
      %dma_start3A_295 = arith.constant 0 : i32
      %dma_start3A_296 = arith.constant 0 : i32
      %dma_start3A_297 = arith.constant 0 : i32
      %dma_start3A_298 = tpu.memref_slice %arg20[%dma_start3A_295, %dma_start3A_296, %dma_start3A_297] : memref<4x128x64xbf16, #tpu.memory_space<vmem>> -> memref<1x128x64xbf16, #tpu.memory_space<vmem>>
      %dma_start3A_299 = tpu.memref_squeeze %dma_start3A_298 : memref<1x128x64xbf16, #tpu.memory_space<vmem>> -> memref<128x64xbf16, #tpu.memory_space<vmem>>
      %dma_start3A_300 = tpu.memref_slice %arg7[%mul3A_294] : memref<10240xi32, #tpu.memory_space<vmem>> -> memref<128xi32, #tpu.memory_space<vmem>>
      %dma_start3A_301 = arith.constant 0 : i32
      %dma_start3A_302 = arith.constant 0 : i32
      %dma_start3A_303 = tpu.memref_slice %arg2[%dma_start3A_301, %dma_start3A_302] : memref<10240x64xbf16, #tpu.memory_space<hbm>> -> memref<10240x64xbf16, #tpu.memory_space<hbm>>
      tpu.enqueue_indirect_dma source(%dma_start3A_303 : memref<10240x64xbf16, #tpu.memory_space<hbm>>) target(%dma_start3A_299 : memref<128x64xbf16, #tpu.memory_space<vmem>>) offsets(%dma_start3A_300 : memref<128xi32, #tpu.memory_space<vmem>>) semaphore(%arg12 : memref<!tpu.dma_semaphore, #tpu.memory_space<semaphore_mem>>)
      %dma_wait3A_304 = arith.constant 1 : i32
      %dma_wait3A_305 = arith.constant 0 : i32
      %dma_wait3A_306 = arith.constant 0 : i32
      %dma_wait3A_307 = arith.constant 0 : i32
      %dma_wait3A_308 = tpu.memref_slice %arg9[%dma_wait3A_304, %dma_wait3A_306, %dma_wait3A_307] : memref<4x128x64xf32, #tpu.memory_space<vmem>> -> memref<1x128x64xf32, #tpu.memory_space<vmem>>
      %dma_wait3A_309 = tpu.memref_squeeze %dma_wait3A_308 : memref<1x128x64xf32, #tpu.memory_space<vmem>> -> memref<128x64xf32, #tpu.memory_space<vmem>>
      %dma_wait3A_310 = arith.constant 0 : i32
      %dma_wait3A_311 = tpu.memref_slice %arg8[%dma_wait3A_305, %dma_wait3A_310] : memref<80x128xi32, #tpu.memory_space<vmem>> -> memref<1x128xi32, #tpu.memory_space<vmem>>
      %dma_wait3A_312 = tpu.memref_squeeze %dma_wait3A_311 : memref<1x128xi32, #tpu.memory_space<vmem>> -> memref<128xi32, #tpu.memory_space<vmem>>
      %dma_wait3A_313 = arith.constant 0 : i32
      %dma_wait3A_314 = arith.constant 0 : i32
      %dma_wait3A_315 = tpu.memref_slice %arg11[%dma_wait3A_313, %dma_wait3A_314] : memref<10240x64xf32, #tpu.memory_space<vmem_shared>> -> memref<10240x64xf32, #tpu.memory_space<vmem_shared>>
      tpu.wait_indirect_dma semaphore(%arg17 : memref<!tpu.dma_semaphore, #tpu.memory_space<semaphore_mem>>) src(%dma_wait3A_309 : memref<128x64xf32, #tpu.memory_space<vmem>>) dst(%dma_wait3A_315 : memref<10240x64xf32, #tpu.memory_space<vmem_shared>>)
      %add3A_316 = arith.constant 4 : i32
      %add3A_317 = arith.addi %mul3A_220, %add3A_316 : i32
      %add3A_318 = arith.constant 1 : i32
      %add3A_319 = arith.addi %add3A_317, %add3A_318 : i32
      %mul3A_320 = arith.constant 128 : i32
      %mul3A_321 = arith.muli %add3A_319, %mul3A_320 : i32
      %dma_start3A_322 = arith.constant 1 : i32
      %dma_start3A_323 = arith.constant 0 : i32
      %dma_start3A_324 = arith.constant 0 : i32
      %dma_start3A_325 = tpu.memref_slice %arg20[%dma_start3A_322, %dma_start3A_323, %dma_start3A_324] : memref<4x128x64xbf16, #tpu.memory_space<vmem>> -> memref<1x128x64xbf16, #tpu.memory_space<vmem>>
      %dma_start3A_326 = tpu.memref_squeeze %dma_start3A_325 : memref<1x128x64xbf16, #tpu.memory_space<vmem>> -> memref<128x64xbf16, #tpu.memory_space<vmem>>
      %dma_start3A_327 = tpu.memref_slice %arg7[%mul3A_321] : memref<10240xi32, #tpu.memory_space<vmem>> -> memref<128xi32, #tpu.memory_space<vmem>>
      %dma_start3A_328 = arith.constant 0 : i32
      %dma_start3A_329 = arith.constant 0 : i32
      %dma_start3A_330 = tpu.memref_slice %arg2[%dma_start3A_328, %dma_start3A_329] : memref<10240x64xbf16, #tpu.memory_space<hbm>> -> memref<10240x64xbf16, #tpu.memory_space<hbm>>
      tpu.enqueue_indirect_dma source(%dma_start3A_330 : memref<10240x64xbf16, #tpu.memory_space<hbm>>) target(%dma_start3A_326 : memref<128x64xbf16, #tpu.memory_space<vmem>>) offsets(%dma_start3A_327 : memref<128xi32, #tpu.memory_space<vmem>>) semaphore(%arg13 : memref<!tpu.dma_semaphore, #tpu.memory_space<semaphore_mem>>)
      %add3A_331 = arith.constant 1 : i32
      %add3A_332 = arith.addi %add3A_216, %add3A_331 : i32
      %mul3A_333 = arith.constant 2 : i32
      %mul3A_334 = arith.muli %add3A_332, %mul3A_333 : i32
      %dma_wait3A_335 = arith.constant 2 : i32
      %dma_wait3A_336 = arith.constant 0 : i32
      %dma_wait3A_337 = arith.constant 0 : i32
      %dma_wait3A_338 = tpu.memref_slice %arg20[%dma_wait3A_335, %dma_wait3A_336, %dma_wait3A_337] : memref<4x128x64xbf16, #tpu.memory_space<vmem>> -> memref<1x128x64xbf16, #tpu.memory_space<vmem>>
      %dma_wait3A_339 = tpu.memref_squeeze %dma_wait3A_338 : memref<1x128x64xbf16, #tpu.memory_space<vmem>> -> memref<128x64xbf16, #tpu.memory_space<vmem>>
      %dma_wait3A_340 = arith.constant 0 : i32
      %dma_wait3A_341 = tpu.memref_slice %arg7[%dma_wait3A_340] : memref<10240xi32, #tpu.memory_space<vmem>> -> memref<128xi32, #tpu.memory_space<vmem>>
      %dma_wait3A_342 = arith.constant 0 : i32
      %dma_wait3A_343 = arith.constant 0 : i32
      %dma_wait3A_344 = tpu.memref_slice %arg2[%dma_wait3A_342, %dma_wait3A_343] : memref<10240x64xbf16, #tpu.memory_space<hbm>> -> memref<10240x64xbf16, #tpu.memory_space<hbm>>
      tpu.wait_indirect_dma semaphore(%arg14 : memref<!tpu.dma_semaphore, #tpu.memory_space<semaphore_mem>>) src(%dma_wait3A_344 : memref<10240x64xbf16, #tpu.memory_space<hbm>>) dst(%dma_wait3A_339 : memref<128x64xbf16, #tpu.memory_space<vmem>>)
      %scan3A_345 = arith.constant 0 : i32
      %scan3A_346 = arith.constant 128 : i32
      %scan3A_347 = arith.addi %scan3A_345, %scan3A_346 : i32
      %scan3A_348 = arith.constant 1 : i32
      scf.for %scan3A_445 = %scan3A_345 to %scan3A_347 step %scan3A_348  : i32 {
        %mul3A_446 = arith.constant 1 : i32
        %mul3A_447 = arith.muli %scan3A_445, %mul3A_446 : i32
        %add3A_448 = arith.constant 0 : i32
        %add3A_449 = arith.addi %add3A_448, %mul3A_447 : i32
        %get3A = arith.constant 2 : i32
        %get3A_450 = arith.index_cast %get3A : i32 to index
        %get3A_451 = arith.index_cast %add3A_449 : i32 to index
        %get3A_452 = arith.constant 0 : index
        %get3A_453 = tpu.vector_load %arg20[%get3A_450, %get3A_451, %get3A_452] {strides = array<i32>} : memref<4x128x64xbf16, #tpu.memory_space<vmem>>, vector<32xbf16>,
        %unpack3A = tpu.unpack_subelements %get3A_453, 0 {pack_format = #tpu.pack_format<interleaved>} : vector<32xbf16> -> vector<16xf32>
        %unpack3A_454 = tpu.unpack_subelements %get3A_453, 1 {pack_format = #tpu.pack_format<interleaved>} : vector<32xbf16> -> vector<16xf32>
        %swap3A = arith.constant 2 : i32
        %swap3A_455 = arith.index_cast %swap3A : i32 to index
        %swap3A_456 = arith.index_cast %add3A_449 : i32 to index
        %swap3A_457 = arith.constant 0 : index
        %swap3A_458 = tpu.vector_load %arg9[%swap3A_455, %swap3A_456, %swap3A_457] {strides = array<i32>} : memref<4x128x64xf32, #tpu.memory_space<vmem>>, vector<16xf32>,
        tpu.vector_store %arg9[%swap3A_455, %swap3A_456, %swap3A_457], %unpack3A {strides = array<i32>} : memref<4x128x64xf32, #tpu.memory_space<vmem>>, vector<16xf32>,
        %swap3A_459 = arith.constant 2 : i32
        %swap3A_460 = arith.index_cast %swap3A_459 : i32 to index
        %swap3A_461 = arith.index_cast %add3A_449 : i32 to index
        %swap3A_462 = arith.constant 16 : index
        %swap3A_463 = tpu.vector_load %arg9[%swap3A_460, %swap3A_461, %swap3A_462] {strides = array<i32>} : memref<4x128x64xf32, #tpu.memory_space<vmem>>, vector<16xf32>,
        tpu.vector_store %arg9[%swap3A_460, %swap3A_461, %swap3A_462], %unpack3A_454 {strides = array<i32>} : memref<4x128x64xf32, #tpu.memory_space<vmem>>, vector<16xf32>,
        %get3A_464 = arith.constant 2 : i32
        %get3A_465 = arith.index_cast %get3A_464 : i32 to index
        %get3A_466 = arith.index_cast %add3A_449 : i32 to index
        %get3A_467 = arith.constant 32 : index
        %get3A_468 = tpu.vector_load %arg20[%get3A_465, %get3A_466, %get3A_467] {strides = array<i32>} : memref<4x128x64xbf16, #tpu.memory_space<vmem>>, vector<32xbf16>,
        %unpack3A_469 = tpu.unpack_subelements %get3A_468, 0 {pack_format = #tpu.pack_format<interleaved>} : vector<32xbf16> -> vector<16xf32>
        %unpack3A_470 = tpu.unpack_subelements %get3A_468, 1 {pack_format = #tpu.pack_format<interleaved>} : vector<32xbf16> -> vector<16xf32>
        %swap3A_471 = arith.constant 2 : i32
        %swap3A_472 = arith.index_cast %swap3A_471 : i32 to index
        %swap3A_473 = arith.index_cast %add3A_449 : i32 to index
        %swap3A_474 = arith.constant 32 : index
        %swap3A_475 = tpu.vector_load %arg9[%swap3A_472, %swap3A_473, %swap3A_474] {strides = array<i32>} : memref<4x128x64xf32, #tpu.memory_space<vmem>>, vector<16xf32>,
        tpu.vector_store %arg9[%swap3A_472, %swap3A_473, %swap3A_474], %unpack3A_469 {strides = array<i32>} : memref<4x128x64xf32, #tpu.memory_space<vmem>>, vector<16xf32>,
        %swap3A_476 = arith.constant 2 : i32
        %swap3A_477 = arith.index_cast %swap3A_476 : i32 to index
        %swap3A_478 = arith.index_cast %add3A_449 : i32 to index
        %swap3A_479 = arith.constant 48 : index
        %swap3A_480 = tpu.vector_load %arg9[%swap3A_477, %swap3A_478, %swap3A_479] {strides = array<i32>} : memref<4x128x64xf32, #tpu.memory_space<vmem>>, vector<16xf32>,
        tpu.vector_store %arg9[%swap3A_477, %swap3A_478, %swap3A_479], %unpack3A_470 {strides = array<i32>} : memref<4x128x64xf32, #tpu.memory_space<vmem>>, vector<16xf32>,
      }
      %scan3A_349 = arith.constant 128 : i32
      %add3A_350 = arith.constant 0 : i32
      %add3A_351 = arith.addi %mul3A_334, %add3A_350 : i32
      %dma_start3A_352 = arith.constant 2 : i32
      %dma_start3A_353 = arith.constant 0 : i32
      %dma_start3A_354 = arith.constant 0 : i32
      %dma_start3A_355 = tpu.memref_slice %arg9[%dma_start3A_352, %dma_start3A_353, %dma_start3A_354] : memref<4x128x64xf32, #tpu.memory_space<vmem>> -> memref<1x128x64xf32, #tpu.memory_space<vmem>>
      %dma_start3A_356 = tpu.memref_squeeze %dma_start3A_355 : memref<1x128x64xf32, #tpu.memory_space<vmem>> -> memref<128x64xf32, #tpu.memory_space<vmem>>
      %dma_start3A_357 = arith.constant 0 : i32
      %dma_start3A_358 = tpu.memref_slice %arg8[%add3A_351, %dma_start3A_357] : memref<80x128xi32, #tpu.memory_space<vmem>> -> memref<1x128xi32, #tpu.memory_space<vmem>>
      %dma_start3A_359 = tpu.memref_squeeze %dma_start3A_358 : memref<1x128xi32, #tpu.memory_space<vmem>> -> memref<128xi32, #tpu.memory_space<vmem>>
      %dma_start3A_360 = arith.constant 0 : i32
      %dma_start3A_361 = arith.constant 0 : i32
      %dma_start3A_362 = tpu.memref_slice %arg11[%dma_start3A_360, %dma_start3A_361] : memref<10240x64xf32, #tpu.memory_space<vmem_shared>> -> memref<10240x64xf32, #tpu.memory_space<vmem_shared>>
      tpu.enqueue_indirect_dma source(%dma_start3A_356 : memref<128x64xf32, #tpu.memory_space<vmem>>) target(%dma_start3A_362 : memref<10240x64xf32, #tpu.memory_space<vmem_shared>>) offsets(%dma_start3A_359 : memref<128xi32, #tpu.memory_space<vmem>>) semaphore(%arg18 : memref<!tpu.dma_semaphore, #tpu.memory_space<semaphore_mem>>) {add = true}
      %dma_wait3A_363 = arith.constant 3 : i32
      %dma_wait3A_364 = arith.constant 0 : i32
      %dma_wait3A_365 = arith.constant 0 : i32
      %dma_wait3A_366 = tpu.memref_slice %arg20[%dma_wait3A_363, %dma_wait3A_364, %dma_wait3A_365] : memref<4x128x64xbf16, #tpu.memory_space<vmem>> -> memref<1x128x64xbf16, #tpu.memory_space<vmem>>
      %dma_wait3A_367 = tpu.memref_squeeze %dma_wait3A_366 : memref<1x128x64xbf16, #tpu.memory_space<vmem>> -> memref<128x64xbf16, #tpu.memory_space<vmem>>
      %dma_wait3A_368 = arith.constant 0 : i32
      %dma_wait3A_369 = tpu.memref_slice %arg7[%dma_wait3A_368] : memref<10240xi32, #tpu.memory_space<vmem>> -> memref<128xi32, #tpu.memory_space<vmem>>
      %dma_wait3A_370 = arith.constant 0 : i32
      %dma_wait3A_371 = arith.constant 0 : i32
      %dma_wait3A_372 = tpu.memref_slice %arg2[%dma_wait3A_370, %dma_wait3A_371] : memref<10240x64xbf16, #tpu.memory_space<hbm>> -> memref<10240x64xbf16, #tpu.memory_space<hbm>>
      tpu.wait_indirect_dma semaphore(%arg15 : memref<!tpu.dma_semaphore, #tpu.memory_space<semaphore_mem>>) src(%dma_wait3A_372 : memref<10240x64xbf16, #tpu.memory_space<hbm>>) dst(%dma_wait3A_367 : memref<128x64xbf16, #tpu.memory_space<vmem>>)
      %scan3A_373 = arith.constant 0 : i32
      %scan3A_374 = arith.constant 128 : i32
      %scan3A_375 = arith.addi %scan3A_373, %scan3A_374 : i32
      %scan3A_376 = arith.constant 1 : i32
      scf.for %scan3A_445 = %scan3A_373 to %scan3A_375 step %scan3A_376  : i32 {
        %mul3A_446 = arith.constant 1 : i32
        %mul3A_447 = arith.muli %scan3A_445, %mul3A_446 : i32
        %add3A_448 = arith.constant 0 : i32
        %add3A_449 = arith.addi %add3A_448, %mul3A_447 : i32
        %get3A = arith.constant 3 : i32
        %get3A_450 = arith.index_cast %get3A : i32 to index
        %get3A_451 = arith.index_cast %add3A_449 : i32 to index
        %get3A_452 = arith.constant 0 : index
        %get3A_453 = tpu.vector_load %arg20[%get3A_450, %get3A_451, %get3A_452] {strides = array<i32>} : memref<4x128x64xbf16, #tpu.memory_space<vmem>>, vector<32xbf16>,
        %unpack3A = tpu.unpack_subelements %get3A_453, 0 {pack_format = #tpu.pack_format<interleaved>} : vector<32xbf16> -> vector<16xf32>
        %unpack3A_454 = tpu.unpack_subelements %get3A_453, 1 {pack_format = #tpu.pack_format<interleaved>} : vector<32xbf16> -> vector<16xf32>
        %swap3A = arith.constant 3 : i32
        %swap3A_455 = arith.index_cast %swap3A : i32 to index
        %swap3A_456 = arith.index_cast %add3A_449 : i32 to index
        %swap3A_457 = arith.constant 0 : index
        %swap3A_458 = tpu.vector_load %arg9[%swap3A_455, %swap3A_456, %swap3A_457] {strides = array<i32>} : memref<4x128x64xf32, #tpu.memory_space<vmem>>, vector<16xf32>,
        tpu.vector_store %arg9[%swap3A_455, %swap3A_456, %swap3A_457], %unpack3A {strides = array<i32>} : memref<4x128x64xf32, #tpu.memory_space<vmem>>, vector<16xf32>,
        %swap3A_459 = arith.constant 3 : i32
        %swap3A_460 = arith.index_cast %swap3A_459 : i32 to index
        %swap3A_461 = arith.index_cast %add3A_449 : i32 to index
        %swap3A_462 = arith.constant 16 : index
        %swap3A_463 = tpu.vector_load %arg9[%swap3A_460, %swap3A_461, %swap3A_462] {strides = array<i32>} : memref<4x128x64xf32, #tpu.memory_space<vmem>>, vector<16xf32>,
        tpu.vector_store %arg9[%swap3A_460, %swap3A_461, %swap3A_462], %unpack3A_454 {strides = array<i32>} : memref<4x128x64xf32, #tpu.memory_space<vmem>>, vector<16xf32>,
        %get3A_464 = arith.constant 3 : i32
        %get3A_465 = arith.index_cast %get3A_464 : i32 to index
        %get3A_466 = arith.index_cast %add3A_449 : i32 to index
        %get3A_467 = arith.constant 32 : index
        %get3A_468 = tpu.vector_load %arg20[%get3A_465, %get3A_466, %get3A_467] {strides = array<i32>} : memref<4x128x64xbf16, #tpu.memory_space<vmem>>, vector<32xbf16>,
        %unpack3A_469 = tpu.unpack_subelements %get3A_468, 0 {pack_format = #tpu.pack_format<interleaved>} : vector<32xbf16> -> vector<16xf32>
        %unpack3A_470 = tpu.unpack_subelements %get3A_468, 1 {pack_format = #tpu.pack_format<interleaved>} : vector<32xbf16> -> vector<16xf32>
        %swap3A_471 = arith.constant 3 : i32
        %swap3A_472 = arith.index_cast %swap3A_471 : i32 to index
        %swap3A_473 = arith.index_cast %add3A_449 : i32 to index
        %swap3A_474 = arith.constant 32 : index
        %swap3A_475 = tpu.vector_load %arg9[%swap3A_472, %swap3A_473, %swap3A_474] {strides = array<i32>} : memref<4x128x64xf32, #tpu.memory_space<vmem>>, vector<16xf32>,
        tpu.vector_store %arg9[%swap3A_472, %swap3A_473, %swap3A_474], %unpack3A_469 {strides = array<i32>} : memref<4x128x64xf32, #tpu.memory_space<vmem>>, vector<16xf32>,
        %swap3A_476 = arith.constant 3 : i32
        %swap3A_477 = arith.index_cast %swap3A_476 : i32 to index
        %swap3A_478 = arith.index_cast %add3A_449 : i32 to index
        %swap3A_479 = arith.constant 48 : index
        %swap3A_480 = tpu.vector_load %arg9[%swap3A_477, %swap3A_478, %swap3A_479] {strides = array<i32>} : memref<4x128x64xf32, #tpu.memory_space<vmem>>, vector<16xf32>,
        tpu.vector_store %arg9[%swap3A_477, %swap3A_478, %swap3A_479], %unpack3A_470 {strides = array<i32>} : memref<4x128x64xf32, #tpu.memory_space<vmem>>, vector<16xf32>,
      }
      %scan3A_377 = arith.constant 128 : i32
      %add3A_378 = arith.constant 1 : i32
      %add3A_379 = arith.addi %mul3A_334, %add3A_378 : i32
      %dma_start3A_380 = arith.constant 3 : i32
      %dma_start3A_381 = arith.constant 0 : i32
      %dma_start3A_382 = arith.constant 0 : i32
      %dma_start3A_383 = tpu.memref_slice %arg9[%dma_start3A_380, %dma_start3A_381, %dma_start3A_382] : memref<4x128x64xf32, #tpu.memory_space<vmem>> -> memref<1x128x64xf32, #tpu.memory_space<vmem>>
      %dma_start3A_384 = tpu.memref_squeeze %dma_start3A_383 : memref<1x128x64xf32, #tpu.memory_space<vmem>> -> memref<128x64xf32, #tpu.memory_space<vmem>>
      %dma_start3A_385 = arith.constant 0 : i32
      %dma_start3A_386 = tpu.memref_slice %arg8[%add3A_379, %dma_start3A_385] : memref<80x128xi32, #tpu.memory_space<vmem>> -> memref<1x128xi32, #tpu.memory_space<vmem>>
      %dma_start3A_387 = tpu.memref_squeeze %dma_start3A_386 : memref<1x128xi32, #tpu.memory_space<vmem>> -> memref<128xi32, #tpu.memory_space<vmem>>
      %dma_start3A_388 = arith.constant 0 : i32
      %dma_start3A_389 = arith.constant 0 : i32
      %dma_start3A_390 = tpu.memref_slice %arg11[%dma_start3A_388, %dma_start3A_389] : memref<10240x64xf32, #tpu.memory_space<vmem_shared>> -> memref<10240x64xf32, #tpu.memory_space<vmem_shared>>
      tpu.enqueue_indirect_dma source(%dma_start3A_384 : memref<128x64xf32, #tpu.memory_space<vmem>>) target(%dma_start3A_390 : memref<10240x64xf32, #tpu.memory_space<vmem_shared>>) offsets(%dma_start3A_387 : memref<128xi32, #tpu.memory_space<vmem>>) semaphore(%arg19 : memref<!tpu.dma_semaphore, #tpu.memory_space<semaphore_mem>>) {add = true}
      %dma_wait3A_391 = arith.constant 2 : i32
      %dma_wait3A_392 = arith.constant 0 : i32
      %dma_wait3A_393 = arith.constant 0 : i32
      %dma_wait3A_394 = arith.constant 0 : i32
      %dma_wait3A_395 = tpu.memref_slice %arg9[%dma_wait3A_391, %dma_wait3A_393, %dma_wait3A_394] : memref<4x128x64xf32, #tpu.memory_space<vmem>> -> memref<1x128x64xf32, #tpu.memory_space<vmem>>
      %dma_wait3A_396 = tpu.memref_squeeze %dma_wait3A_395 : memref<1x128x64xf32, #tpu.memory_space<vmem>> -> memref<128x64xf32, #tpu.memory_space<vmem>>
      %dma_wait3A_397 = arith.constant 0 : i32
      %dma_wait3A_398 = tpu.memref_slice %arg8[%dma_wait3A_392, %dma_wait3A_397] : memref<80x128xi32, #tpu.memory_space<vmem>> -> memref<1x128xi32, #tpu.memory_space<vmem>>
      %dma_wait3A_399 = tpu.memref_squeeze %dma_wait3A_398 : memref<1x128xi32, #tpu.memory_space<vmem>> -> memref<128xi32, #tpu.memory_space<vmem>>
      %dma_wait3A_400 = arith.constant 0 : i32
      %dma_wait3A_401 = arith.constant 0 : i32
      %dma_wait3A_402 = tpu.memref_slice %arg11[%dma_wait3A_400, %dma_wait3A_401] : memref<10240x64xf32, #tpu.memory_space<vmem_shared>> -> memref<10240x64xf32, #tpu.memory_space<vmem_shared>>
      tpu.wait_indirect_dma semaphore(%arg18 : memref<!tpu.dma_semaphore, #tpu.memory_space<semaphore_mem>>) src(%dma_wait3A_396 : memref<128x64xf32, #tpu.memory_space<vmem>>) dst(%dma_wait3A_402 : memref<10240x64xf32, #tpu.memory_space<vmem_shared>>)
      %add3A_403 = arith.constant 4 : i32
      %add3A_404 = arith.addi %mul3A_334, %add3A_403 : i32
      %add3A_405 = arith.constant 0 : i32
      %add3A_406 = arith.addi %add3A_404, %add3A_405 : i32
      %mul3A_407 = arith.constant 128 : i32
      %mul3A_408 = arith.muli %add3A_406, %mul3A_407 : i32
      %dma_start3A_409 = arith.constant 2 : i32
      %dma_start3A_410 = arith.constant 0 : i32
      %dma_start3A_411 = arith.constant 0 : i32
      %dma_start3A_412 = tpu.memref_slice %arg20[%dma_start3A_409, %dma_start3A_410, %dma_start3A_411] : memref<4x128x64xbf16, #tpu.memory_space<vmem>> -> memref<1x128x64xbf16, #tpu.memory_space<vmem>>
      %dma_start3A_413 = tpu.memref_squeeze %dma_start3A_412 : memref<1x128x64xbf16, #tpu.memory_space<vmem>> -> memref<128x64xbf16, #tpu.memory_space<vmem>>
      %dma_start3A_414 = tpu.memref_slice %arg7[%mul3A_408] : memref<10240xi32, #tpu.memory_space<vmem>> -> memref<128xi32, #tpu.memory_space<vmem>>
      %dma_start3A_415 = arith.constant 0 : i32
      %dma_start3A_416 = arith.constant 0 : i32
      %dma_start3A_417 = tpu.memref_slice %arg2[%dma_start3A_415, %dma_start3A_416] : memref<10240x64xbf16, #tpu.memory_space<hbm>> -> memref<10240x64xbf16, #tpu.memory_space<hbm>>
      tpu.enqueue_indirect_dma source(%dma_start3A_417 : memref<10240x64xbf16, #tpu.memory_space<hbm>>) target(%dma_start3A_413 : memref<128x64xbf16, #tpu.memory_space<vmem>>) offsets(%dma_start3A_414 : memref<128xi32, #tpu.memory_space<vmem>>) semaphore(%arg14 : memref<!tpu.dma_semaphore, #tpu.memory_space<semaphore_mem>>)
      %dma_wait3A_418 = arith.constant 3 : i32
      %dma_wait3A_419 = arith.constant 0 : i32
      %dma_wait3A_420 = arith.constant 0 : i32
      %dma_wait3A_421 = arith.constant 0 : i32
      %dma_wait3A_422 = tpu.memref_slice %arg9[%dma_wait3A_418, %dma_wait3A_420, %dma_wait3A_421] : memref<4x128x64xf32, #tpu.memory_space<vmem>> -> memref<1x128x64xf32, #tpu.memory_space<vmem>>
      %dma_wait3A_423 = tpu.memref_squeeze %dma_wait3A_422 : memref<1x128x64xf32, #tpu.memory_space<vmem>> -> memref<128x64xf32, #tpu.memory_space<vmem>>
      %dma_wait3A_424 = arith.constant 0 : i32
      %dma_wait3A_425 = tpu.memref_slice %arg8[%dma_wait3A_419, %dma_wait3A_424] : memref<80x128xi32, #tpu.memory_space<vmem>> -> memref<1x128xi32, #tpu.memory_space<vmem>>
      %dma_wait3A_426 = tpu.memref_squeeze %dma_wait3A_425 : memref<1x128xi32, #tpu.memory_space<vmem>> -> memref<128xi32, #tpu.memory_space<vmem>>
      %dma_wait3A_427 = arith.constant 0 : i32
      %dma_wait3A_428 = arith.constant 0 : i32
      %dma_wait3A_429 = tpu.memref_slice %arg11[%dma_wait3A_427, %dma_wait3A_428] : memref<10240x64xf32, #tpu.memory_space<vmem_shared>> -> memref<10240x64xf32, #tpu.memory_space<vmem_shared>>
      tpu.wait_indirect_dma semaphore(%arg19 : memref<!tpu.dma_semaphore, #tpu.memory_space<semaphore_mem>>) src(%dma_wait3A_423 : memref<128x64xf32, #tpu.memory_space<vmem>>) dst(%dma_wait3A_429 : memref<10240x64xf32, #tpu.memory_space<vmem_shared>>)
      %add3A_430 = arith.constant 4 : i32
      %add3A_431 = arith.addi %mul3A_334, %add3A_430 : i32
      %add3A_432 = arith.constant 1 : i32
      %add3A_433 = arith.addi %add3A_431, %add3A_432 : i32
      %mul3A_434 = arith.constant 128 : i32
      %mul3A_435 = arith.muli %add3A_433, %mul3A_434 : i32
      %dma_start3A_436 = arith.constant 3 : i32
      %dma_start3A_437 = arith.constant 0 : i32
      %dma_start3A_438 = arith.constant 0 : i32
      %dma_start3A_439 = tpu.memref_slice %arg20[%dma_start3A_436, %dma_start3A_437, %dma_start3A_438] : memref<4x128x64xbf16, #tpu.memory_space<vmem>> -> memref<1x128x64xbf16, #tpu.memory_space<vmem>>
      %dma_start3A_440 = tpu.memref_squeeze %dma_start3A_439 : memref<1x128x64xbf16, #tpu.memory_space<vmem>> -> memref<128x64xbf16, #tpu.memory_space<vmem>>
      %dma_start3A_441 = tpu.memref_slice %arg7[%mul3A_435] : memref<10240xi32, #tpu.memory_space<vmem>> -> memref<128xi32, #tpu.memory_space<vmem>>
      %dma_start3A_442 = arith.constant 0 : i32
      %dma_start3A_443 = arith.constant 0 : i32
      %dma_start3A_444 = tpu.memref_slice %arg2[%dma_start3A_442, %dma_start3A_443] : memref<10240x64xbf16, #tpu.memory_space<hbm>> -> memref<10240x64xbf16, #tpu.memory_space<hbm>>
      tpu.enqueue_indirect_dma source(%dma_start3A_444 : memref<10240x64xbf16, #tpu.memory_space<hbm>>) target(%dma_start3A_440 : memref<128x64xbf16, #tpu.memory_space<vmem>>) offsets(%dma_start3A_441 : memref<128xi32, #tpu.memory_space<vmem>>) semaphore(%arg15 : memref<!tpu.dma_semaphore, #tpu.memory_space<semaphore_mem>>)
    }
    %scan3A_55 = arith.constant 19 : i32
    %dma_wait3A = arith.constant 0 : i32
    %dma_wait3A_56 = arith.constant 0 : i32
    %dma_wait3A_57 = arith.constant 0 : i32
    %dma_wait3A_58 = tpu.memref_slice %arg20[%dma_wait3A, %dma_wait3A_56, %dma_wait3A_57] : memref<4x128x64xbf16, #tpu.memory_space<vmem>> -> memref<1x128x64xbf16, #tpu.memory_space<vmem>>
    %dma_wait3A_59 = tpu.memref_squeeze %dma_wait3A_58 : memref<1x128x64xbf16, #tpu.memory_space<vmem>> -> memref<128x64xbf16, #tpu.memory_space<vmem>>
    %dma_wait3A_60 = arith.constant 0 : i32
    %dma_wait3A_61 = tpu.memref_slice %arg7[%dma_wait3A_60] : memref<10240xi32, #tpu.memory_space<vmem>> -> memref<128xi32, #tpu.memory_space<vmem>>
    %dma_wait3A_62 = arith.constant 0 : i32
    %dma_wait3A_63 = arith.constant 0 : i32
    %dma_wait3A_64 = tpu.memref_slice %arg2[%dma_wait3A_62, %dma_wait3A_63] : memref<10240x64xbf16, #tpu.memory_space<hbm>> -> memref<10240x64xbf16, #tpu.memory_space<hbm>>
    tpu.wait_indirect_dma semaphore(%arg12 : memref<!tpu.dma_semaphore, #tpu.memory_space<semaphore_mem>>) src(%dma_wait3A_64 : memref<10240x64xbf16, #tpu.memory_space<hbm>>) dst(%dma_wait3A_59 : memref<128x64xbf16, #tpu.memory_space<vmem>>)
    %scan3A_65 = arith.constant 0 : i32
    %scan3A_66 = arith.constant 128 : i32
    %scan3A_67 = arith.addi %scan3A_65, %scan3A_66 : i32
    %scan3A_68 = arith.constant 1 : i32
    scf.for %scan3A_212 = %scan3A_65 to %scan3A_67 step %scan3A_68  : i32 {
      %mul3A_213 = arith.constant 1 : i32
      %mul3A_214 = arith.muli %scan3A_212, %mul3A_213 : i32
      %add3A_215 = arith.constant 0 : i32
      %add3A_216 = arith.addi %add3A_215, %mul3A_214 : i32
      %get3A = arith.constant 0 : i32
      %get3A_217 = arith.index_cast %get3A : i32 to index
      %get3A_218 = arith.index_cast %add3A_216 : i32 to index
      %get3A_219 = arith.constant 0 : index
      %get3A_220 = tpu.vector_load %arg20[%get3A_217, %get3A_218, %get3A_219] {strides = array<i32>} : memref<4x128x64xbf16, #tpu.memory_space<vmem>>, vector<32xbf16>,
      %unpack3A = tpu.unpack_subelements %get3A_220, 0 {pack_format = #tpu.pack_format<interleaved>} : vector<32xbf16> -> vector<16xf32>
      %unpack3A_221 = tpu.unpack_subelements %get3A_220, 1 {pack_format = #tpu.pack_format<interleaved>} : vector<32xbf16> -> vector<16xf32>
      %swap3A = arith.constant 0 : i32
      %swap3A_222 = arith.index_cast %swap3A : i32 to index
      %swap3A_223 = arith.index_cast %add3A_216 : i32 to index
      %swap3A_224 = arith.constant 0 : index
      %swap3A_225 = tpu.vector_load %arg9[%swap3A_222, %swap3A_223, %swap3A_224] {strides = array<i32>} : memref<4x128x64xf32, #tpu.memory_space<vmem>>, vector<16xf32>,
      tpu.vector_store %arg9[%swap3A_222, %swap3A_223, %swap3A_224], %unpack3A {strides = array<i32>} : memref<4x128x64xf32, #tpu.memory_space<vmem>>, vector<16xf32>,
      %swap3A_226 = arith.constant 0 : i32
      %swap3A_227 = arith.index_cast %swap3A_226 : i32 to index
      %swap3A_228 = arith.index_cast %add3A_216 : i32 to index
      %swap3A_229 = arith.constant 16 : index
      %swap3A_230 = tpu.vector_load %arg9[%swap3A_227, %swap3A_228, %swap3A_229] {strides = array<i32>} : memref<4x128x64xf32, #tpu.memory_space<vmem>>, vector<16xf32>,
      tpu.vector_store %arg9[%swap3A_227, %swap3A_228, %swap3A_229], %unpack3A_221 {strides = array<i32>} : memref<4x128x64xf32, #tpu.memory_space<vmem>>, vector<16xf32>,
      %get3A_231 = arith.constant 0 : i32
      %get3A_232 = arith.index_cast %get3A_231 : i32 to index
      %get3A_233 = arith.index_cast %add3A_216 : i32 to index
      %get3A_234 = arith.constant 32 : index
      %get3A_235 = tpu.vector_load %arg20[%get3A_232, %get3A_233, %get3A_234] {strides = array<i32>} : memref<4x128x64xbf16, #tpu.memory_space<vmem>>, vector<32xbf16>,
      %unpack3A_236 = tpu.unpack_subelements %get3A_235, 0 {pack_format = #tpu.pack_format<interleaved>} : vector<32xbf16> -> vector<16xf32>
      %unpack3A_237 = tpu.unpack_subelements %get3A_235, 1 {pack_format = #tpu.pack_format<interleaved>} : vector<32xbf16> -> vector<16xf32>
      %swap3A_238 = arith.constant 0 : i32
      %swap3A_239 = arith.index_cast %swap3A_238 : i32 to index
      %swap3A_240 = arith.index_cast %add3A_216 : i32 to index
      %swap3A_241 = arith.constant 32 : index
      %swap3A_242 = tpu.vector_load %arg9[%swap3A_239, %swap3A_240, %swap3A_241] {strides = array<i32>} : memref<4x128x64xf32, #tpu.memory_space<vmem>>, vector<16xf32>,
      tpu.vector_store %arg9[%swap3A_239, %swap3A_240, %swap3A_241], %unpack3A_236 {strides = array<i32>} : memref<4x128x64xf32, #tpu.memory_space<vmem>>, vector<16xf32>,
      %swap3A_243 = arith.constant 0 : i32
      %swap3A_244 = arith.index_cast %swap3A_243 : i32 to index
      %swap3A_245 = arith.index_cast %add3A_216 : i32 to index
      %swap3A_246 = arith.constant 48 : index
      %swap3A_247 = tpu.vector_load %arg9[%swap3A_244, %swap3A_245, %swap3A_246] {strides = array<i32>} : memref<4x128x64xf32, #tpu.memory_space<vmem>>, vector<16xf32>,
      tpu.vector_store %arg9[%swap3A_244, %swap3A_245, %swap3A_246], %unpack3A_237 {strides = array<i32>} : memref<4x128x64xf32, #tpu.memory_space<vmem>>, vector<16xf32>,
    }
    %scan3A_69 = arith.constant 128 : i32
    %dma_start3A_70 = arith.constant 0 : i32
    %dma_start3A_71 = arith.constant 76 : i32
    %dma_start3A_72 = arith.constant 0 : i32
    %dma_start3A_73 = arith.constant 0 : i32
    %dma_start3A_74 = tpu.memref_slice %arg9[%dma_start3A_70, %dma_start3A_72, %dma_start3A_73] : memref<4x128x64xf32, #tpu.memory_space<vmem>> -> memref<1x128x64xf32, #tpu.memory_space<vmem>>
    %dma_start3A_75 = tpu.memref_squeeze %dma_start3A_74 : memref<1x128x64xf32, #tpu.memory_space<vmem>> -> memref<128x64xf32, #tpu.memory_space<vmem>>
    %dma_start3A_76 = arith.constant 0 : i32
    %dma_start3A_77 = tpu.memref_slice %arg8[%dma_start3A_71, %dma_start3A_76] : memref<80x128xi32, #tpu.memory_space<vmem>> -> memref<1x128xi32, #tpu.memory_space<vmem>>
    %dma_start3A_78 = tpu.memref_squeeze %dma_start3A_77 : memref<1x128xi32, #tpu.memory_space<vmem>> -> memref<128xi32, #tpu.memory_space<vmem>>
    %dma_start3A_79 = arith.constant 0 : i32
    %dma_start3A_80 = arith.constant 0 : i32
    %dma_start3A_81 = tpu.memref_slice %arg11[%dma_start3A_79, %dma_start3A_80] : memref<10240x64xf32, #tpu.memory_space<vmem_shared>> -> memref<10240x64xf32, #tpu.memory_space<vmem_shared>>
    tpu.enqueue_indirect_dma source(%dma_start3A_75 : memref<128x64xf32, #tpu.memory_space<vmem>>) target(%dma_start3A_81 : memref<10240x64xf32, #tpu.memory_space<vmem_shared>>) offsets(%dma_start3A_78 : memref<128xi32, #tpu.memory_space<vmem>>) semaphore(%arg16 : memref<!tpu.dma_semaphore, #tpu.memory_space<semaphore_mem>>) {add = true}
    %dma_wait3A_82 = arith.constant 1 : i32
    %dma_wait3A_83 = arith.constant 0 : i32
    %dma_wait3A_84 = arith.constant 0 : i32
    %dma_wait3A_85 = tpu.memref_slice %arg20[%dma_wait3A_82, %dma_wait3A_83, %dma_wait3A_84] : memref<4x128x64xbf16, #tpu.memory_space<vmem>> -> memref<1x128x64xbf16, #tpu.memory_space<vmem>>
    %dma_wait3A_86 = tpu.memref_squeeze %dma_wait3A_85 : memref<1x128x64xbf16, #tpu.memory_space<vmem>> -> memref<128x64xbf16, #tpu.memory_space<vmem>>
    %dma_wait3A_87 = arith.constant 0 : i32
    %dma_wait3A_88 = tpu.memref_slice %arg7[%dma_wait3A_87] : memref<10240xi32, #tpu.memory_space<vmem>> -> memref<128xi32, #tpu.memory_space<vmem>>
    %dma_wait3A_89 = arith.constant 0 : i32
    %dma_wait3A_90 = arith.constant 0 : i32
    %dma_wait3A_91 = tpu.memref_slice %arg2[%dma_wait3A_89, %dma_wait3A_90] : memref<10240x64xbf16, #tpu.memory_space<hbm>> -> memref<10240x64xbf16, #tpu.memory_space<hbm>>
    tpu.wait_indirect_dma semaphore(%arg13 : memref<!tpu.dma_semaphore, #tpu.memory_space<semaphore_mem>>) src(%dma_wait3A_91 : memref<10240x64xbf16, #tpu.memory_space<hbm>>) dst(%dma_wait3A_86 : memref<128x64xbf16, #tpu.memory_space<vmem>>)
    %scan3A_92 = arith.constant 0 : i32
    %scan3A_93 = arith.constant 128 : i32
    %scan3A_94 = arith.addi %scan3A_92, %scan3A_93 : i32
    %scan3A_95 = arith.constant 1 : i32
    scf.for %scan3A_212 = %scan3A_92 to %scan3A_94 step %scan3A_95  : i32 {
      %mul3A_213 = arith.constant 1 : i32
      %mul3A_214 = arith.muli %scan3A_212, %mul3A_213 : i32
      %add3A_215 = arith.constant 0 : i32
      %add3A_216 = arith.addi %add3A_215, %mul3A_214 : i32
      %get3A = arith.constant 1 : i32
      %get3A_217 = arith.index_cast %get3A : i32 to index
      %get3A_218 = arith.index_cast %add3A_216 : i32 to index
      %get3A_219 = arith.constant 0 : index
      %get3A_220 = tpu.vector_load %arg20[%get3A_217, %get3A_218, %get3A_219] {strides = array<i32>} : memref<4x128x64xbf16, #tpu.memory_space<vmem>>, vector<32xbf16>,
      %unpack3A = tpu.unpack_subelements %get3A_220, 0 {pack_format = #tpu.pack_format<interleaved>} : vector<32xbf16> -> vector<16xf32>
      %unpack3A_221 = tpu.unpack_subelements %get3A_220, 1 {pack_format = #tpu.pack_format<interleaved>} : vector<32xbf16> -> vector<16xf32>
      %swap3A = arith.constant 1 : i32
      %swap3A_222 = arith.index_cast %swap3A : i32 to index
      %swap3A_223 = arith.index_cast %add3A_216 : i32 to index
      %swap3A_224 = arith.constant 0 : index
      %swap3A_225 = tpu.vector_load %arg9[%swap3A_222, %swap3A_223, %swap3A_224] {strides = array<i32>} : memref<4x128x64xf32, #tpu.memory_space<vmem>>, vector<16xf32>,
      tpu.vector_store %arg9[%swap3A_222, %swap3A_223, %swap3A_224], %unpack3A {strides = array<i32>} : memref<4x128x64xf32, #tpu.memory_space<vmem>>, vector<16xf32>,
      %swap3A_226 = arith.constant 1 : i32
      %swap3A_227 = arith.index_cast %swap3A_226 : i32 to index
      %swap3A_228 = arith.index_cast %add3A_216 : i32 to index
      %swap3A_229 = arith.constant 16 : index
      %swap3A_230 = tpu.vector_load %arg9[%swap3A_227, %swap3A_228, %swap3A_229] {strides = array<i32>} : memref<4x128x64xf32, #tpu.memory_space<vmem>>, vector<16xf32>,
      tpu.vector_store %arg9[%swap3A_227, %swap3A_228, %swap3A_229], %unpack3A_221 {strides = array<i32>} : memref<4x128x64xf32, #tpu.memory_space<vmem>>, vector<16xf32>,
      %get3A_231 = arith.constant 1 : i32
      %get3A_232 = arith.index_cast %get3A_231 : i32 to index
      %get3A_233 = arith.index_cast %add3A_216 : i32 to index
      %get3A_234 = arith.constant 32 : index
      %get3A_235 = tpu.vector_load %arg20[%get3A_232, %get3A_233, %get3A_234] {strides = array<i32>} : memref<4x128x64xbf16, #tpu.memory_space<vmem>>, vector<32xbf16>,
      %unpack3A_236 = tpu.unpack_subelements %get3A_235, 0 {pack_format = #tpu.pack_format<interleaved>} : vector<32xbf16> -> vector<16xf32>
      %unpack3A_237 = tpu.unpack_subelements %get3A_235, 1 {pack_format = #tpu.pack_format<interleaved>} : vector<32xbf16> -> vector<16xf32>
      %swap3A_238 = arith.constant 1 : i32
      %swap3A_239 = arith.index_cast %swap3A_238 : i32 to index
      %swap3A_240 = arith.index_cast %add3A_216 : i32 to index
      %swap3A_241 = arith.constant 32 : index
      %swap3A_242 = tpu.vector_load %arg9[%swap3A_239, %swap3A_240, %swap3A_241] {strides = array<i32>} : memref<4x128x64xf32, #tpu.memory_space<vmem>>, vector<16xf32>,
      tpu.vector_store %arg9[%swap3A_239, %swap3A_240, %swap3A_241], %unpack3A_236 {strides = array<i32>} : memref<4x128x64xf32, #tpu.memory_space<vmem>>, vector<16xf32>,
      %swap3A_243 = arith.constant 1 : i32
      %swap3A_244 = arith.index_cast %swap3A_243 : i32 to index
      %swap3A_245 = arith.index_cast %add3A_216 : i32 to index
      %swap3A_246 = arith.constant 48 : index
      %swap3A_247 = tpu.vector_load %arg9[%swap3A_244, %swap3A_245, %swap3A_246] {strides = array<i32>} : memref<4x128x64xf32, #tpu.memory_space<vmem>>, vector<16xf32>,
      tpu.vector_store %arg9[%swap3A_244, %swap3A_245, %swap3A_246], %unpack3A_237 {strides = array<i32>} : memref<4x128x64xf32, #tpu.memory_space<vmem>>, vector<16xf32>,
    }
    %scan3A_96 = arith.constant 128 : i32
    %dma_start3A_97 = arith.constant 1 : i32
    %dma_start3A_98 = arith.constant 77 : i32
    %dma_start3A_99 = arith.constant 0 : i32
    %dma_start3A_100 = arith.constant 0 : i32
    %dma_start3A_101 = tpu.memref_slice %arg9[%dma_start3A_97, %dma_start3A_99, %dma_start3A_100] : memref<4x128x64xf32, #tpu.memory_space<vmem>> -> memref<1x128x64xf32, #tpu.memory_space<vmem>>
    %dma_start3A_102 = tpu.memref_squeeze %dma_start3A_101 : memref<1x128x64xf32, #tpu.memory_space<vmem>> -> memref<128x64xf32, #tpu.memory_space<vmem>>
    %dma_start3A_103 = arith.constant 0 : i32
    %dma_start3A_104 = tpu.memref_slice %arg8[%dma_start3A_98, %dma_start3A_103] : memref<80x128xi32, #tpu.memory_space<vmem>> -> memref<1x128xi32, #tpu.memory_space<vmem>>
    %dma_start3A_105 = tpu.memref_squeeze %dma_start3A_104 : memref<1x128xi32, #tpu.memory_space<vmem>> -> memref<128xi32, #tpu.memory_space<vmem>>
    %dma_start3A_106 = arith.constant 0 : i32
    %dma_start3A_107 = arith.constant 0 : i32
    %dma_start3A_108 = tpu.memref_slice %arg11[%dma_start3A_106, %dma_start3A_107] : memref<10240x64xf32, #tpu.memory_space<vmem_shared>> -> memref<10240x64xf32, #tpu.memory_space<vmem_shared>>
    tpu.enqueue_indirect_dma source(%dma_start3A_102 : memref<128x64xf32, #tpu.memory_space<vmem>>) target(%dma_start3A_108 : memref<10240x64xf32, #tpu.memory_space<vmem_shared>>) offsets(%dma_start3A_105 : memref<128xi32, #tpu.memory_space<vmem>>) semaphore(%arg17 : memref<!tpu.dma_semaphore, #tpu.memory_space<semaphore_mem>>) {add = true}
    %dma_wait3A_109 = arith.constant 0 : i32
    %dma_wait3A_110 = arith.constant 0 : i32
    %dma_wait3A_111 = arith.constant 0 : i32
    %dma_wait3A_112 = arith.constant 0 : i32
    %dma_wait3A_113 = tpu.memref_slice %arg9[%dma_wait3A_109, %dma_wait3A_111, %dma_wait3A_112] : memref<4x128x64xf32, #tpu.memory_space<vmem>> -> memref<1x128x64xf32, #tpu.memory_space<vmem>>
    %dma_wait3A_114 = tpu.memref_squeeze %dma_wait3A_113 : memref<1x128x64xf32, #tpu.memory_space<vmem>> -> memref<128x64xf32, #tpu.memory_space<vmem>>
    %dma_wait3A_115 = arith.constant 0 : i32
    %dma_wait3A_116 = tpu.memref_slice %arg8[%dma_wait3A_110, %dma_wait3A_115] : memref<80x128xi32, #tpu.memory_space<vmem>> -> memref<1x128xi32, #tpu.memory_space<vmem>>
    %dma_wait3A_117 = tpu.memref_squeeze %dma_wait3A_116 : memref<1x128xi32, #tpu.memory_space<vmem>> -> memref<128xi32, #tpu.memory_space<vmem>>
    %dma_wait3A_118 = arith.constant 0 : i32
    %dma_wait3A_119 = arith.constant 0 : i32
    %dma_wait3A_120 = tpu.memref_slice %arg11[%dma_wait3A_118, %dma_wait3A_119] : memref<10240x64xf32, #tpu.memory_space<vmem_shared>> -> memref<10240x64xf32, #tpu.memory_space<vmem_shared>>
    tpu.wait_indirect_dma semaphore(%arg16 : memref<!tpu.dma_semaphore, #tpu.memory_space<semaphore_mem>>) src(%dma_wait3A_114 : memref<128x64xf32, #tpu.memory_space<vmem>>) dst(%dma_wait3A_120 : memref<10240x64xf32, #tpu.memory_space<vmem_shared>>)
    %dma_wait3A_121 = arith.constant 1 : i32
    %dma_wait3A_122 = arith.constant 0 : i32
    %dma_wait3A_123 = arith.constant 0 : i32
    %dma_wait3A_124 = arith.constant 0 : i32
    %dma_wait3A_125 = tpu.memref_slice %arg9[%dma_wait3A_121, %dma_wait3A_123, %dma_wait3A_124] : memref<4x128x64xf32, #tpu.memory_space<vmem>> -> memref<1x128x64xf32, #tpu.memory_space<vmem>>
    %dma_wait3A_126 = tpu.memref_squeeze %dma_wait3A_125 : memref<1x128x64xf32, #tpu.memory_space<vmem>> -> memref<128x64xf32, #tpu.memory_space<vmem>>
    %dma_wait3A_127 = arith.constant 0 : i32
    %dma_wait3A_128 = tpu.memref_slice %arg8[%dma_wait3A_122, %dma_wait3A_127] : memref<80x128xi32, #tpu.memory_space<vmem>> -> memref<1x128xi32, #tpu.memory_space<vmem>>
    %dma_wait3A_129 = tpu.memref_squeeze %dma_wait3A_128 : memref<1x128xi32, #tpu.memory_space<vmem>> -> memref<128xi32, #tpu.memory_space<vmem>>
    %dma_wait3A_130 = arith.constant 0 : i32
    %dma_wait3A_131 = arith.constant 0 : i32
    %dma_wait3A_132 = tpu.memref_slice %arg11[%dma_wait3A_130, %dma_wait3A_131] : memref<10240x64xf32, #tpu.memory_space<vmem_shared>> -> memref<10240x64xf32, #tpu.memory_space<vmem_shared>>
    tpu.wait_indirect_dma semaphore(%arg17 : memref<!tpu.dma_semaphore, #tpu.memory_space<semaphore_mem>>) src(%dma_wait3A_126 : memref<128x64xf32, #tpu.memory_space<vmem>>) dst(%dma_wait3A_132 : memref<10240x64xf32, #tpu.memory_space<vmem_shared>>)
    %dma_wait3A_133 = arith.constant 2 : i32
    %dma_wait3A_134 = arith.constant 0 : i32
    %dma_wait3A_135 = arith.constant 0 : i32
    %dma_wait3A_136 = tpu.memref_slice %arg20[%dma_wait3A_133, %dma_wait3A_134, %dma_wait3A_135] : memref<4x128x64xbf16, #tpu.memory_space<vmem>> -> memref<1x128x64xbf16, #tpu.memory_space<vmem>>
    %dma_wait3A_137 = tpu.memref_squeeze %dma_wait3A_136 : memref<1x128x64xbf16, #tpu.memory_space<vmem>> -> memref<128x64xbf16, #tpu.memory_space<vmem>>
    %dma_wait3A_138 = arith.constant 0 : i32
    %dma_wait3A_139 = tpu.memref_slice %arg7[%dma_wait3A_138] : memref<10240xi32, #tpu.memory_space<vmem>> -> memref<128xi32, #tpu.memory_space<vmem>>
    %dma_wait3A_140 = arith.constant 0 : i32
    %dma_wait3A_141 = arith.constant 0 : i32
    %dma_wait3A_142 = tpu.memref_slice %arg2[%dma_wait3A_140, %dma_wait3A_141] : memref<10240x64xbf16, #tpu.memory_space<hbm>> -> memref<10240x64xbf16, #tpu.memory_space<hbm>>
    tpu.wait_indirect_dma semaphore(%arg14 : memref<!tpu.dma_semaphore, #tpu.memory_space<semaphore_mem>>) src(%dma_wait3A_142 : memref<10240x64xbf16, #tpu.memory_space<hbm>>) dst(%dma_wait3A_137 : memref<128x64xbf16, #tpu.memory_space<vmem>>)
    %scan3A_143 = arith.constant 0 : i32
    %scan3A_144 = arith.constant 128 : i32
    %scan3A_145 = arith.addi %scan3A_143, %scan3A_144 : i32
    %scan3A_146 = arith.constant 1 : i32
    scf.for %scan3A_212 = %scan3A_143 to %scan3A_145 step %scan3A_146  : i32 {
      %mul3A_213 = arith.constant 1 : i32
      %mul3A_214 = arith.muli %scan3A_212, %mul3A_213 : i32
      %add3A_215 = arith.constant 0 : i32
      %add3A_216 = arith.addi %add3A_215, %mul3A_214 : i32
      %get3A = arith.constant 2 : i32
      %get3A_217 = arith.index_cast %get3A : i32 to index
      %get3A_218 = arith.index_cast %add3A_216 : i32 to index
      %get3A_219 = arith.constant 0 : index
      %get3A_220 = tpu.vector_load %arg20[%get3A_217, %get3A_218, %get3A_219] {strides = array<i32>} : memref<4x128x64xbf16, #tpu.memory_space<vmem>>, vector<32xbf16>,
      %unpack3A = tpu.unpack_subelements %get3A_220, 0 {pack_format = #tpu.pack_format<interleaved>} : vector<32xbf16> -> vector<16xf32>
      %unpack3A_221 = tpu.unpack_subelements %get3A_220, 1 {pack_format = #tpu.pack_format<interleaved>} : vector<32xbf16> -> vector<16xf32>
      %swap3A = arith.constant 2 : i32
      %swap3A_222 = arith.index_cast %swap3A : i32 to index
      %swap3A_223 = arith.index_cast %add3A_216 : i32 to index
      %swap3A_224 = arith.constant 0 : index
      %swap3A_225 = tpu.vector_load %arg9[%swap3A_222, %swap3A_223, %swap3A_224] {strides = array<i32>} : memref<4x128x64xf32, #tpu.memory_space<vmem>>, vector<16xf32>,
      tpu.vector_store %arg9[%swap3A_222, %swap3A_223, %swap3A_224], %unpack3A {strides = array<i32>} : memref<4x128x64xf32, #tpu.memory_space<vmem>>, vector<16xf32>,
      %swap3A_226 = arith.constant 2 : i32
      %swap3A_227 = arith.index_cast %swap3A_226 : i32 to index
      %swap3A_228 = arith.index_cast %add3A_216 : i32 to index
      %swap3A_229 = arith.constant 16 : index
      %swap3A_230 = tpu.vector_load %arg9[%swap3A_227, %swap3A_228, %swap3A_229] {strides = array<i32>} : memref<4x128x64xf32, #tpu.memory_space<vmem>>, vector<16xf32>,
      tpu.vector_store %arg9[%swap3A_227, %swap3A_228, %swap3A_229], %unpack3A_221 {strides = array<i32>} : memref<4x128x64xf32, #tpu.memory_space<vmem>>, vector<16xf32>,
      %get3A_231 = arith.constant 2 : i32
      %get3A_232 = arith.index_cast %get3A_231 : i32 to index
      %get3A_233 = arith.index_cast %add3A_216 : i32 to index
      %get3A_234 = arith.constant 32 : index
      %get3A_235 = tpu.vector_load %arg20[%get3A_232, %get3A_233, %get3A_234] {strides = array<i32>} : memref<4x128x64xbf16, #tpu.memory_space<vmem>>, vector<32xbf16>,
      %unpack3A_236 = tpu.unpack_subelements %get3A_235, 0 {pack_format = #tpu.pack_format<interleaved>} : vector<32xbf16> -> vector<16xf32>
      %unpack3A_237 = tpu.unpack_subelements %get3A_235, 1 {pack_format = #tpu.pack_format<interleaved>} : vector<32xbf16> -> vector<16xf32>
      %swap3A_238 = arith.constant 2 : i32
      %swap3A_239 = arith.index_cast %swap3A_238 : i32 to index
      %swap3A_240 = arith.index_cast %add3A_216 : i32 to index
      %swap3A_241 = arith.constant 32 : index
      %swap3A_242 = tpu.vector_load %arg9[%swap3A_239, %swap3A_240, %swap3A_241] {strides = array<i32>} : memref<4x128x64xf32, #tpu.memory_space<vmem>>, vector<16xf32>,
      tpu.vector_store %arg9[%swap3A_239, %swap3A_240, %swap3A_241], %unpack3A_236 {strides = array<i32>} : memref<4x128x64xf32, #tpu.memory_space<vmem>>, vector<16xf32>,
      %swap3A_243 = arith.constant 2 : i32
      %swap3A_244 = arith.index_cast %swap3A_243 : i32 to index
      %swap3A_245 = arith.index_cast %add3A_216 : i32 to index
      %swap3A_246 = arith.constant 48 : index
      %swap3A_247 = tpu.vector_load %arg9[%swap3A_244, %swap3A_245, %swap3A_246] {strides = array<i32>} : memref<4x128x64xf32, #tpu.memory_space<vmem>>, vector<16xf32>,
      tpu.vector_store %arg9[%swap3A_244, %swap3A_245, %swap3A_246], %unpack3A_237 {strides = array<i32>} : memref<4x128x64xf32, #tpu.memory_space<vmem>>, vector<16xf32>,
    }
    %scan3A_147 = arith.constant 128 : i32
    %dma_start3A_148 = arith.constant 2 : i32
    %dma_start3A_149 = arith.constant 78 : i32
    %dma_start3A_150 = arith.constant 0 : i32
    %dma_start3A_151 = arith.constant 0 : i32
    %dma_start3A_152 = tpu.memref_slice %arg9[%dma_start3A_148, %dma_start3A_150, %dma_start3A_151] : memref<4x128x64xf32, #tpu.memory_space<vmem>> -> memref<1x128x64xf32, #tpu.memory_space<vmem>>
    %dma_start3A_153 = tpu.memref_squeeze %dma_start3A_152 : memref<1x128x64xf32, #tpu.memory_space<vmem>> -> memref<128x64xf32, #tpu.memory_space<vmem>>
    %dma_start3A_154 = arith.constant 0 : i32
    %dma_start3A_155 = tpu.memref_slice %arg8[%dma_start3A_149, %dma_start3A_154] : memref<80x128xi32, #tpu.memory_space<vmem>> -> memref<1x128xi32, #tpu.memory_space<vmem>>
    %dma_start3A_156 = tpu.memref_squeeze %dma_start3A_155 : memref<1x128xi32, #tpu.memory_space<vmem>> -> memref<128xi32, #tpu.memory_space<vmem>>
    %dma_start3A_157 = arith.constant 0 : i32
    %dma_start3A_158 = arith.constant 0 : i32
    %dma_start3A_159 = tpu.memref_slice %arg11[%dma_start3A_157, %dma_start3A_158] : memref<10240x64xf32, #tpu.memory_space<vmem_shared>> -> memref<10240x64xf32, #tpu.memory_space<vmem_shared>>
    tpu.enqueue_indirect_dma source(%dma_start3A_153 : memref<128x64xf32, #tpu.memory_space<vmem>>) target(%dma_start3A_159 : memref<10240x64xf32, #tpu.memory_space<vmem_shared>>) offsets(%dma_start3A_156 : memref<128xi32, #tpu.memory_space<vmem>>) semaphore(%arg18 : memref<!tpu.dma_semaphore, #tpu.memory_space<semaphore_mem>>) {add = true}
    %dma_wait3A_160 = arith.constant 3 : i32
    %dma_wait3A_161 = arith.constant 0 : i32
    %dma_wait3A_162 = arith.constant 0 : i32
    %dma_wait3A_163 = tpu.memref_slice %arg20[%dma_wait3A_160, %dma_wait3A_161, %dma_wait3A_162] : memref<4x128x64xbf16, #tpu.memory_space<vmem>> -> memref<1x128x64xbf16, #tpu.memory_space<vmem>>
    %dma_wait3A_164 = tpu.memref_squeeze %dma_wait3A_163 : memref<1x128x64xbf16, #tpu.memory_space<vmem>> -> memref<128x64xbf16, #tpu.memory_space<vmem>>
    %dma_wait3A_165 = arith.constant 0 : i32
    %dma_wait3A_166 = tpu.memref_slice %arg7[%dma_wait3A_165] : memref<10240xi32, #tpu.memory_space<vmem>> -> memref<128xi32, #tpu.memory_space<vmem>>
    %dma_wait3A_167 = arith.constant 0 : i32
    %dma_wait3A_168 = arith.constant 0 : i32
    %dma_wait3A_169 = tpu.memref_slice %arg2[%dma_wait3A_167, %dma_wait3A_168] : memref<10240x64xbf16, #tpu.memory_space<hbm>> -> memref<10240x64xbf16, #tpu.memory_space<hbm>>
    tpu.wait_indirect_dma semaphore(%arg15 : memref<!tpu.dma_semaphore, #tpu.memory_space<semaphore_mem>>) src(%dma_wait3A_169 : memref<10240x64xbf16, #tpu.memory_space<hbm>>) dst(%dma_wait3A_164 : memref<128x64xbf16, #tpu.memory_space<vmem>>)
    %scan3A_170 = arith.constant 0 : i32
    %scan3A_171 = arith.constant 128 : i32
    %scan3A_172 = arith.addi %scan3A_170, %scan3A_171 : i32
    %scan3A_173 = arith.constant 1 : i32
    scf.for %scan3A_212 = %scan3A_170 to %scan3A_172 step %scan3A_173  : i32 {
      %mul3A_213 = arith.constant 1 : i32
      %mul3A_214 = arith.muli %scan3A_212, %mul3A_213 : i32
      %add3A_215 = arith.constant 0 : i32
      %add3A_216 = arith.addi %add3A_215, %mul3A_214 : i32
      %get3A = arith.constant 3 : i32
      %get3A_217 = arith.index_cast %get3A : i32 to index
      %get3A_218 = arith.index_cast %add3A_216 : i32 to index
      %get3A_219 = arith.constant 0 : index
      %get3A_220 = tpu.vector_load %arg20[%get3A_217, %get3A_218, %get3A_219] {strides = array<i32>} : memref<4x128x64xbf16, #tpu.memory_space<vmem>>, vector<32xbf16>,
      %unpack3A = tpu.unpack_subelements %get3A_220, 0 {pack_format = #tpu.pack_format<interleaved>} : vector<32xbf16> -> vector<16xf32>
      %unpack3A_221 = tpu.unpack_subelements %get3A_220, 1 {pack_format = #tpu.pack_format<interleaved>} : vector<32xbf16> -> vector<16xf32>
      %swap3A = arith.constant 3 : i32
      %swap3A_222 = arith.index_cast %swap3A : i32 to index
      %swap3A_223 = arith.index_cast %add3A_216 : i32 to index
      %swap3A_224 = arith.constant 0 : index
      %swap3A_225 = tpu.vector_load %arg9[%swap3A_222, %swap3A_223, %swap3A_224] {strides = array<i32>} : memref<4x128x64xf32, #tpu.memory_space<vmem>>, vector<16xf32>,
      tpu.vector_store %arg9[%swap3A_222, %swap3A_223, %swap3A_224], %unpack3A {strides = array<i32>} : memref<4x128x64xf32, #tpu.memory_space<vmem>>, vector<16xf32>,
      %swap3A_226 = arith.constant 3 : i32
      %swap3A_227 = arith.index_cast %swap3A_226 : i32 to index
      %swap3A_228 = arith.index_cast %add3A_216 : i32 to index
      %swap3A_229 = arith.constant 16 : index
      %swap3A_230 = tpu.vector_load %arg9[%swap3A_227, %swap3A_228, %swap3A_229] {strides = array<i32>} : memref<4x128x64xf32, #tpu.memory_space<vmem>>, vector<16xf32>,
      tpu.vector_store %arg9[%swap3A_227, %swap3A_228, %swap3A_229], %unpack3A_221 {strides = array<i32>} : memref<4x128x64xf32, #tpu.memory_space<vmem>>, vector<16xf32>,
      %get3A_231 = arith.constant 3 : i32
      %get3A_232 = arith.index_cast %get3A_231 : i32 to index
      %get3A_233 = arith.index_cast %add3A_216 : i32 to index
      %get3A_234 = arith.constant 32 : index
      %get3A_235 = tpu.vector_load %arg20[%get3A_232, %get3A_233, %get3A_234] {strides = array<i32>} : memref<4x128x64xbf16, #tpu.memory_space<vmem>>, vector<32xbf16>,
      %unpack3A_236 = tpu.unpack_subelements %get3A_235, 0 {pack_format = #tpu.pack_format<interleaved>} : vector<32xbf16> -> vector<16xf32>
      %unpack3A_237 = tpu.unpack_subelements %get3A_235, 1 {pack_format = #tpu.pack_format<interleaved>} : vector<32xbf16> -> vector<16xf32>
      %swap3A_238 = arith.constant 3 : i32
      %swap3A_239 = arith.index_cast %swap3A_238 : i32 to index
      %swap3A_240 = arith.index_cast %add3A_216 : i32 to index
      %swap3A_241 = arith.constant 32 : index
      %swap3A_242 = tpu.vector_load %arg9[%swap3A_239, %swap3A_240, %swap3A_241] {strides = array<i32>} : memref<4x128x64xf32, #tpu.memory_space<vmem>>, vector<16xf32>,
      tpu.vector_store %arg9[%swap3A_239, %swap3A_240, %swap3A_241], %unpack3A_236 {strides = array<i32>} : memref<4x128x64xf32, #tpu.memory_space<vmem>>, vector<16xf32>,
      %swap3A_243 = arith.constant 3 : i32
      %swap3A_244 = arith.index_cast %swap3A_243 : i32 to index
      %swap3A_245 = arith.index_cast %add3A_216 : i32 to index
      %swap3A_246 = arith.constant 48 : index
      %swap3A_247 = tpu.vector_load %arg9[%swap3A_244, %swap3A_245, %swap3A_246] {strides = array<i32>} : memref<4x128x64xf32, #tpu.memory_space<vmem>>, vector<16xf32>,
      tpu.vector_store %arg9[%swap3A_244, %swap3A_245, %swap3A_246], %unpack3A_237 {strides = array<i32>} : memref<4x128x64xf32, #tpu.memory_space<vmem>>, vector<16xf32>,
    }
    %scan3A_174 = arith.constant 128 : i32
    %dma_start3A_175 = arith.constant 3 : i32
    %dma_start3A_176 = arith.constant 79 : i32
    %dma_start3A_177 = arith.constant 0 : i32
    %dma_start3A_178 = arith.constant 0 : i32
    %dma_start3A_179 = tpu.memref_slice %arg9[%dma_start3A_175, %dma_start3A_177, %dma_start3A_178] : memref<4x128x64xf32, #tpu.memory_space<vmem>> -> memref<1x128x64xf32, #tpu.memory_space<vmem>>
    %dma_start3A_180 = tpu.memref_squeeze %dma_start3A_179 : memref<1x128x64xf32, #tpu.memory_space<vmem>> -> memref<128x64xf32, #tpu.memory_space<vmem>>
    %dma_start3A_181 = arith.constant 0 : i32
    %dma_start3A_182 = tpu.memref_slice %arg8[%dma_start3A_176, %dma_start3A_181] : memref<80x128xi32, #tpu.memory_space<vmem>> -> memref<1x128xi32, #tpu.memory_space<vmem>>
    %dma_start3A_183 = tpu.memref_squeeze %dma_start3A_182 : memref<1x128xi32, #tpu.memory_space<vmem>> -> memref<128xi32, #tpu.memory_space<vmem>>
    %dma_start3A_184 = arith.constant 0 : i32
    %dma_start3A_185 = arith.constant 0 : i32
    %dma_start3A_186 = tpu.memref_slice %arg11[%dma_start3A_184, %dma_start3A_185] : memref<10240x64xf32, #tpu.memory_space<vmem_shared>> -> memref<10240x64xf32, #tpu.memory_space<vmem_shared>>
    tpu.enqueue_indirect_dma source(%dma_start3A_180 : memref<128x64xf32, #tpu.memory_space<vmem>>) target(%dma_start3A_186 : memref<10240x64xf32, #tpu.memory_space<vmem_shared>>) offsets(%dma_start3A_183 : memref<128xi32, #tpu.memory_space<vmem>>) semaphore(%arg19 : memref<!tpu.dma_semaphore, #tpu.memory_space<semaphore_mem>>) {add = true}
    %dma_wait3A_187 = arith.constant 2 : i32
    %dma_wait3A_188 = arith.constant 0 : i32
    %dma_wait3A_189 = arith.constant 0 : i32
    %dma_wait3A_190 = arith.constant 0 : i32
    %dma_wait3A_191 = tpu.memref_slice %arg9[%dma_wait3A_187, %dma_wait3A_189, %dma_wait3A_190] : memref<4x128x64xf32, #tpu.memory_space<vmem>> -> memref<1x128x64xf32, #tpu.memory_space<vmem>>
    %dma_wait3A_192 = tpu.memref_squeeze %dma_wait3A_191 : memref<1x128x64xf32, #tpu.memory_space<vmem>> -> memref<128x64xf32, #tpu.memory_space<vmem>>
    %dma_wait3A_193 = arith.constant 0 : i32
    %dma_wait3A_194 = tpu.memref_slice %arg8[%dma_wait3A_188, %dma_wait3A_193] : memref<80x128xi32, #tpu.memory_space<vmem>> -> memref<1x128xi32, #tpu.memory_space<vmem>>
    %dma_wait3A_195 = tpu.memref_squeeze %dma_wait3A_194 : memref<1x128xi32, #tpu.memory_space<vmem>> -> memref<128xi32, #tpu.memory_space<vmem>>
    %dma_wait3A_196 = arith.constant 0 : i32
    %dma_wait3A_197 = arith.constant 0 : i32
    %dma_wait3A_198 = tpu.memref_slice %arg11[%dma_wait3A_196, %dma_wait3A_197] : memref<10240x64xf32, #tpu.memory_space<vmem_shared>> -> memref<10240x64xf32, #tpu.memory_space<vmem_shared>>
    tpu.wait_indirect_dma semaphore(%arg18 : memref<!tpu.dma_semaphore, #tpu.memory_space<semaphore_mem>>) src(%dma_wait3A_192 : memref<128x64xf32, #tpu.memory_space<vmem>>) dst(%dma_wait3A_198 : memref<10240x64xf32, #tpu.memory_space<vmem_shared>>)
    %dma_wait3A_199 = arith.constant 3 : i32
    %dma_wait3A_200 = arith.constant 0 : i32
    %dma_wait3A_201 = arith.constant 0 : i32
    %dma_wait3A_202 = arith.constant 0 : i32
    %dma_wait3A_203 = tpu.memref_slice %arg9[%dma_wait3A_199, %dma_wait3A_201, %dma_wait3A_202] : memref<4x128x64xf32, #tpu.memory_space<vmem>> -> memref<1x128x64xf32, #tpu.memory_space<vmem>>
    %dma_wait3A_204 = tpu.memref_squeeze %dma_wait3A_203 : memref<1x128x64xf32, #tpu.memory_space<vmem>> -> memref<128x64xf32, #tpu.memory_space<vmem>>
    %dma_wait3A_205 = arith.constant 0 : i32
    %dma_wait3A_206 = tpu.memref_slice %arg8[%dma_wait3A_200, %dma_wait3A_205] : memref<80x128xi32, #tpu.memory_space<vmem>> -> memref<1x128xi32, #tpu.memory_space<vmem>>
    %dma_wait3A_207 = tpu.memref_squeeze %dma_wait3A_206 : memref<1x128xi32, #tpu.memory_space<vmem>> -> memref<128xi32, #tpu.memory_space<vmem>>
    %dma_wait3A_208 = arith.constant 0 : i32
    %dma_wait3A_209 = arith.constant 0 : i32
    %dma_wait3A_210 = tpu.memref_slice %arg11[%dma_wait3A_208, %dma_wait3A_209] : memref<10240x64xf32, #tpu.memory_space<vmem_shared>> -> memref<10240x64xf32, #tpu.memory_space<vmem_shared>>
    tpu.wait_indirect_dma semaphore(%arg19 : memref<!tpu.dma_semaphore, #tpu.memory_space<semaphore_mem>>) src(%dma_wait3A_204 : memref<128x64xf32, #tpu.memory_space<vmem>>) dst(%dma_wait3A_210 : memref<10240x64xf32, #tpu.memory_space<vmem_shared>>)
    %barrier3A_211 = arith.constant 0 : index
    tpu.barrier barrier_id(%barrier3A_211)
    "tpu.region"() ({
      %run_scoped3A = tpu.sem_alloc : memref<!tpu.dma_semaphore, #tpu.memory_space<semaphore_mem>>
      %dma_start3A_212 = arith.constant 0 : i32
      %dma_start3A_213 = tpu.memref_slice %arg6[%arg0, %mul3A_2, %dma_start3A_212] : memref<2x10240x64xf32, #tpu.memory_space<hbm>> -> memref<1x640x64xf32, #tpu.memory_space<hbm>>
      %dma_start3A_214 = tpu.memref_squeeze %dma_start3A_213 : memref<1x640x64xf32, #tpu.memory_space<hbm>> -> memref<640x64xf32, #tpu.memory_space<hbm>>
      %dma_start3A_215 = arith.constant 0 : i32
      %dma_start3A_216 = tpu.memref_slice %arg11[%mul3A_2, %dma_start3A_215] : memref<10240x64xf32, #tpu.memory_space<vmem_shared>> -> memref<640x64xf32, #tpu.memory_space<vmem_shared>>
      tpu.enqueue_dma source(%dma_start3A_216 : memref<640x64xf32, #tpu.memory_space<vmem_shared>>) target(%dma_start3A_214 : memref<640x64xf32, #tpu.memory_space<hbm>>) target_semaphore(%run_scoped3A : memref<!tpu.dma_semaphore, #tpu.memory_space<semaphore_mem>>)
      %dma_wait3A_217 = arith.constant 0 : i32
      %dma_wait3A_218 = tpu.memref_slice %arg6[%arg0, %mul3A_2, %dma_wait3A_217] : memref<2x10240x64xf32, #tpu.memory_space<hbm>> -> memref<1x640x64xf32, #tpu.memory_space<hbm>>
      %dma_wait3A_219 = tpu.memref_squeeze %dma_wait3A_218 : memref<1x640x64xf32, #tpu.memory_space<hbm>> -> memref<640x64xf32, #tpu.memory_space<hbm>>
      %dma_wait3A_220 = arith.constant 0 : i32
      %dma_wait3A_221 = tpu.memref_slice %arg11[%mul3A_2, %dma_wait3A_220] : memref<10240x64xf32, #tpu.memory_space<vmem_shared>> -> memref<640x64xf32, #tpu.memory_space<vmem_shared>>
      tpu.wait_dma2 semaphore(%run_scoped3A : memref<!tpu.dma_semaphore, #tpu.memory_space<semaphore_mem>>) src(%dma_wait3A_221 : memref<640x64xf32, #tpu.memory_space<vmem_shared>>) dst(%dma_wait3A_219 : memref<640x64xf32, #tpu.memory_space<hbm>>)
      tpu.yield
    }) : () -> ()
    return
  }
}

module attributes {stable_mosaic.version = 14 : i64} {
  func.func @_stage_in_body(%arg0: i32, %arg1: memref<2048x128xf32, #tpu.memory_space<vmem>>, %arg2: memref<128x32xf32, #tpu.memory_space<vmem>>, %arg3: memref<128x32xf32, #tpu.memory_space<vmem>>, %arg4: memref<2048x32xf32, #tpu.memory_space<vmem>>, %arg5: memref<2048x32xf32, #tpu.memory_space<vmem>>) attributes {dimension_semantics = [#tpu.dimension_semantics<arbitrary>], iteration_bounds = array<i64: 5>, scalar_prefetch = 0 : i64, scratch_operands = 0 : i64, tpu.core_type = #tpu.core_type<tc>, window_params = [{transform_indices = @transform_0, window_bounds = array<i64: 2048, 128>}, {pipeline_mode = #tpu.pipeline_mode<synchronous>, transform_indices = @transform_1, window_bounds = array<i64: 128, 32>}, {pipeline_mode = #tpu.pipeline_mode<synchronous>, transform_indices = @transform_2, window_bounds = array<i64: 128, 32>}, {transform_indices = @transform_3, window_bounds = array<i64: 2048, 32>}, {transform_indices = @transform_4, window_bounds = array<i64: 2048, 32>}]} {
    %get3A = arith.constant 0 : index
    %get3A_0 = arith.constant 0 : index
    %get3A_1 = vector.load %arg1[%get3A, %get3A_0] : memref<2048x128xf32, #tpu.memory_space<vmem>>, vector<2048x128xf32>
    %get3A_2 = arith.constant 0 : index
    %get3A_3 = arith.constant 0 : index
    %get3A_4 = vector.load %arg2[%get3A_2, %get3A_3] : memref<128x32xf32, #tpu.memory_space<vmem>>, vector<128x32xf32>
    %dot_general3A = arith.constant dense<0.000000e+00> : vector<2048x32xf32>
    %dot_general3A_5 = tpu.matmul %get3A_1, %get3A_4, %dot_general3A {dimension_numbers = #tpu.dot_dimension_numbers<[1], [0], [0], [1], [0, 0, 1, 1], [], []>, transpose_lhs_hint = false} : vector<2048x128xf32>, vector<128x32xf32>, vector<2048x32xf32> -> vector<2048x32xf32>
    %swap3A = arith.constant 0 : index
    %swap3A_6 = arith.constant 0 : index
    %swap3A_7 = vector.load %arg4[%swap3A, %swap3A_6] : memref<2048x32xf32, #tpu.memory_space<vmem>>, vector<2048x32xf32>
    tpu.vector_store %arg4[%swap3A, %swap3A_6], %dot_general3A_5 {strides = array<i32>} : memref<2048x32xf32, #tpu.memory_space<vmem>>, vector<2048x32xf32>,
    %get3A_8 = arith.constant 0 : index
    %get3A_9 = arith.constant 0 : index
    %get3A_10 = vector.load %arg3[%get3A_8, %get3A_9] : memref<128x32xf32, #tpu.memory_space<vmem>>, vector<128x32xf32>
    %dot_general3A_11 = arith.constant dense<0.000000e+00> : vector<2048x32xf32>
    %dot_general3A_12 = tpu.matmul %get3A_1, %get3A_10, %dot_general3A_11 {dimension_numbers = #tpu.dot_dimension_numbers<[1], [0], [0], [1], [0, 0, 1, 1], [], []>, transpose_lhs_hint = false} : vector<2048x128xf32>, vector<128x32xf32>, vector<2048x32xf32> -> vector<2048x32xf32>
    %swap3A_13 = arith.constant 0 : index
    %swap3A_14 = arith.constant 0 : index
    %swap3A_15 = vector.load %arg5[%swap3A_13, %swap3A_14] : memref<2048x32xf32, #tpu.memory_space<vmem>>, vector<2048x32xf32>
    tpu.vector_store %arg5[%swap3A_13, %swap3A_14], %dot_general3A_12 {strides = array<i32>} : memref<2048x32xf32, #tpu.memory_space<vmem>>, vector<2048x32xf32>,
    return
  }
  func.func @transform_0(%arg0: i32) -> (i32, i32) {
    %c0_i32 = arith.constant 0 : i32
    %c0_i32_0 = arith.constant 0 : i32
    return %arg0, %c0_i32 : i32, i32
  }
  func.func @transform_1(%arg0: i32) -> (i32, i32) {
    %c0_i32 = arith.constant 0 : i32
    %c0_i32_0 = arith.constant 0 : i32
    %c0_i32_1 = arith.constant 0 : i32
    return %c0_i32, %c0_i32_0 : i32, i32
  }
  func.func @transform_2(%arg0: i32) -> (i32, i32) {
    %c0_i32 = arith.constant 0 : i32
    %c0_i32_0 = arith.constant 0 : i32
    %c0_i32_1 = arith.constant 0 : i32
    return %c0_i32, %c0_i32_0 : i32, i32
  }
  func.func @transform_3(%arg0: i32) -> (i32, i32) {
    %c0_i32 = arith.constant 0 : i32
    %c0_i32_0 = arith.constant 0 : i32
    return %arg0, %c0_i32 : i32, i32
  }
  func.func @transform_4(%arg0: i32) -> (i32, i32) {
    %c0_i32 = arith.constant 0 : i32
    %c0_i32_0 = arith.constant 0 : i32
    return %arg0, %c0_i32 : i32, i32
  }
}

module attributes {stable_mosaic.version = 14 : i64} {
  func.func @_stage_mid_body(%arg0: i32, %arg1: memref<2048x32xf32, #tpu.memory_space<vmem>>, %arg2: memref<2048x32xf32, #tpu.memory_space<vmem>>, %arg3: memref<2048x1xf32, #tpu.memory_space<vmem>>, %arg4: memref<2048x1xf32, #tpu.memory_space<vmem>>, %arg5: memref<2048x32xf32, #tpu.memory_space<vmem>>, %arg6: memref<1x32xf32, #tpu.memory_space<vmem>>, %arg7: memref<32x48xf32, #tpu.memory_space<vmem>>, %arg8: memref<32x48xf32, #tpu.memory_space<vmem>>, %arg9: memref<2048x48xf32, #tpu.memory_space<vmem>>, %arg10: memref<2048x48xf32, #tpu.memory_space<vmem>>) attributes {dimension_semantics = [#tpu.dimension_semantics<arbitrary>], iteration_bounds = array<i64: 5>, scalar_prefetch = 0 : i64, scratch_operands = 0 : i64, tpu.core_type = #tpu.core_type<tc>, window_params = [{transform_indices = @transform_0, window_bounds = array<i64: 2048, 32>}, {transform_indices = @transform_1, window_bounds = array<i64: 2048, 32>}, {transform_indices = @transform_2, window_bounds = array<i64: 2048, 1>}, {transform_indices = @transform_3, window_bounds = array<i64: 2048, 1>}, {transform_indices = @transform_4, window_bounds = array<i64: 2048, 32>}, {pipeline_mode = #tpu.pipeline_mode<synchronous>, transform_indices = @transform_5, window_bounds = array<i64: 1, 32>}, {pipeline_mode = #tpu.pipeline_mode<synchronous>, transform_indices = @transform_6, window_bounds = array<i64: 32, 48>}, {pipeline_mode = #tpu.pipeline_mode<synchronous>, transform_indices = @transform_7, window_bounds = array<i64: 32, 48>}, {transform_indices = @transform_8, window_bounds = array<i64: 2048, 48>}, {transform_indices = @transform_9, window_bounds = array<i64: 2048, 48>}]} {
    %get3A = arith.constant 0 : index
    %get3A_0 = arith.constant 0 : index
    %get3A_1 = vector.load %arg3[%get3A, %get3A_0] : memref<2048x1xf32, #tpu.memory_space<vmem>>, vector<2048x1xf32>
    %get3A_2 = arith.constant 0 : index
    %get3A_3 = arith.constant 0 : index
    %get3A_4 = vector.load %arg4[%get3A_2, %get3A_3] : memref<2048x1xf32, #tpu.memory_space<vmem>>, vector<2048x1xf32>
    %add3A = arith.addf %get3A_1, %get3A_4 : vector<2048x1xf32>
    %max3A = arith.constant 1.000000e+00 : f32
    %max3A_5 = vector.broadcast %max3A : f32 to vector<2048x1xf32>
    %max3A_6 = arith.maximumf %add3A, %max3A_5 : vector<2048x1xf32>
    %get3A_7 = arith.constant 0 : index
    %get3A_8 = arith.constant 0 : index
    %get3A_9 = vector.load %arg1[%get3A_7, %get3A_8] : memref<2048x32xf32, #tpu.memory_space<vmem>>, vector<2048x32xf32>
    %get3A_10 = arith.constant 0 : index
    %get3A_11 = arith.constant 0 : index
    %get3A_12 = vector.load %arg2[%get3A_10, %get3A_11] : memref<2048x32xf32, #tpu.memory_space<vmem>>, vector<2048x32xf32>
    %add3A_13 = arith.addf %get3A_9, %get3A_12 : vector<2048x32xf32>
    %div3A = vector.broadcast %max3A_6 : vector<2048x1xf32> to vector<2048x32xf32>
    %div3A_14 = arith.divf %add3A_13, %div3A : vector<2048x32xf32>
    %get3A_15 = arith.constant 0 : index
    %get3A_16 = arith.constant 0 : index
    %get3A_17 = vector.load %arg6[%get3A_15, %get3A_16] : memref<1x32xf32, #tpu.memory_space<vmem>>, vector<1x32xf32>
    %add3A_18 = vector.broadcast %get3A_17 : vector<1x32xf32> to vector<2048x32xf32>
    %add3A_19 = arith.addf %div3A_14, %add3A_18 : vector<2048x32xf32>
    %get3A_20 = arith.constant 0 : index
    %get3A_21 = arith.constant 0 : index
    %get3A_22 = vector.load %arg5[%get3A_20, %get3A_21] : memref<2048x32xf32, #tpu.memory_space<vmem>>, vector<2048x32xf32>
    %add3A_23 = arith.addf %add3A_19, %get3A_22 : vector<2048x32xf32>
    %max3A_24 = arith.constant 0.000000e+00 : f32
    %max3A_25 = vector.broadcast %max3A_24 : f32 to vector<2048x32xf32>
    %max3A_26 = arith.maximumf %add3A_23, %max3A_25 : vector<2048x32xf32>
    %get3A_27 = arith.constant 0 : index
    %get3A_28 = arith.constant 0 : index
    %get3A_29 = vector.load %arg7[%get3A_27, %get3A_28] : memref<32x48xf32, #tpu.memory_space<vmem>>, vector<32x48xf32>
    %dot_general3A = arith.constant dense<0.000000e+00> : vector<2048x48xf32>
    %dot_general3A_30 = tpu.matmul %max3A_26, %get3A_29, %dot_general3A {dimension_numbers = #tpu.dot_dimension_numbers<[1], [0], [0], [1], [0, 0, 1, 1], [], []>, transpose_lhs_hint = false} : vector<2048x32xf32>, vector<32x48xf32>, vector<2048x48xf32> -> vector<2048x48xf32>
    %swap3A = arith.constant 0 : index
    %swap3A_31 = arith.constant 0 : index
    %swap3A_32 = vector.load %arg9[%swap3A, %swap3A_31] : memref<2048x48xf32, #tpu.memory_space<vmem>>, vector<2048x48xf32>
    tpu.vector_store %arg9[%swap3A, %swap3A_31], %dot_general3A_30 {strides = array<i32>} : memref<2048x48xf32, #tpu.memory_space<vmem>>, vector<2048x48xf32>,
    %get3A_33 = arith.constant 0 : index
    %get3A_34 = arith.constant 0 : index
    %get3A_35 = vector.load %arg8[%get3A_33, %get3A_34] : memref<32x48xf32, #tpu.memory_space<vmem>>, vector<32x48xf32>
    %dot_general3A_36 = arith.constant dense<0.000000e+00> : vector<2048x48xf32>
    %dot_general3A_37 = tpu.matmul %max3A_26, %get3A_35, %dot_general3A_36 {dimension_numbers = #tpu.dot_dimension_numbers<[1], [0], [0], [1], [0, 0, 1, 1], [], []>, transpose_lhs_hint = false} : vector<2048x32xf32>, vector<32x48xf32>, vector<2048x48xf32> -> vector<2048x48xf32>
    %swap3A_38 = arith.constant 0 : index
    %swap3A_39 = arith.constant 0 : index
    %swap3A_40 = vector.load %arg10[%swap3A_38, %swap3A_39] : memref<2048x48xf32, #tpu.memory_space<vmem>>, vector<2048x48xf32>
    tpu.vector_store %arg10[%swap3A_38, %swap3A_39], %dot_general3A_37 {strides = array<i32>} : memref<2048x48xf32, #tpu.memory_space<vmem>>, vector<2048x48xf32>,
    return
  }
  func.func @transform_0(%arg0: i32) -> (i32, i32) {
    %c0_i32 = arith.constant 0 : i32
    %c0_i32_0 = arith.constant 0 : i32
    return %arg0, %c0_i32 : i32, i32
  }
  func.func @transform_1(%arg0: i32) -> (i32, i32) {
    %c0_i32 = arith.constant 0 : i32
    %c0_i32_0 = arith.constant 0 : i32
    return %arg0, %c0_i32 : i32, i32
  }
  func.func @transform_2(%arg0: i32) -> (i32, i32) {
    %c0_i32 = arith.constant 0 : i32
    %c0_i32_0 = arith.constant 0 : i32
    return %arg0, %c0_i32 : i32, i32
  }
  func.func @transform_3(%arg0: i32) -> (i32, i32) {
    %c0_i32 = arith.constant 0 : i32
    %c0_i32_0 = arith.constant 0 : i32
    return %arg0, %c0_i32 : i32, i32
  }
  func.func @transform_4(%arg0: i32) -> (i32, i32) {
    %c0_i32 = arith.constant 0 : i32
    %c0_i32_0 = arith.constant 0 : i32
    return %arg0, %c0_i32 : i32, i32
  }
  func.func @transform_5(%arg0: i32) -> (i32, i32) {
    %c0_i32 = arith.constant 0 : i32
    %c0_i32_0 = arith.constant 0 : i32
    %c0_i32_1 = arith.constant 0 : i32
    return %c0_i32, %c0_i32_0 : i32, i32
  }
  func.func @transform_6(%arg0: i32) -> (i32, i32) {
    %c0_i32 = arith.constant 0 : i32
    %c0_i32_0 = arith.constant 0 : i32
    %c0_i32_1 = arith.constant 0 : i32
    return %c0_i32, %c0_i32_0 : i32, i32
  }
  func.func @transform_7(%arg0: i32) -> (i32, i32) {
    %c0_i32 = arith.constant 0 : i32
    %c0_i32_0 = arith.constant 0 : i32
    %c0_i32_1 = arith.constant 0 : i32
    return %c0_i32, %c0_i32_0 : i32, i32
  }
  func.func @transform_8(%arg0: i32) -> (i32, i32) {
    %c0_i32 = arith.constant 0 : i32
    %c0_i32_0 = arith.constant 0 : i32
    return %arg0, %c0_i32 : i32, i32
  }
  func.func @transform_9(%arg0: i32) -> (i32, i32) {
    %c0_i32 = arith.constant 0 : i32
    %c0_i32_0 = arith.constant 0 : i32
    return %arg0, %c0_i32 : i32, i32
  }
}

module attributes {stable_mosaic.version = 14 : i64} {
  func.func @_stage_mid_body(%arg0: i32, %arg1: memref<2048x48xf32, #tpu.memory_space<vmem>>, %arg2: memref<2048x48xf32, #tpu.memory_space<vmem>>, %arg3: memref<2048x1xf32, #tpu.memory_space<vmem>>, %arg4: memref<2048x1xf32, #tpu.memory_space<vmem>>, %arg5: memref<2048x48xf32, #tpu.memory_space<vmem>>, %arg6: memref<1x48xf32, #tpu.memory_space<vmem>>, %arg7: memref<48x64xf32, #tpu.memory_space<vmem>>, %arg8: memref<48x64xf32, #tpu.memory_space<vmem>>, %arg9: memref<2048x64xf32, #tpu.memory_space<vmem>>, %arg10: memref<2048x64xf32, #tpu.memory_space<vmem>>) attributes {dimension_semantics = [#tpu.dimension_semantics<arbitrary>], iteration_bounds = array<i64: 5>, scalar_prefetch = 0 : i64, scratch_operands = 0 : i64, tpu.core_type = #tpu.core_type<tc>, window_params = [{transform_indices = @transform_0, window_bounds = array<i64: 2048, 48>}, {transform_indices = @transform_1, window_bounds = array<i64: 2048, 48>}, {transform_indices = @transform_2, window_bounds = array<i64: 2048, 1>}, {transform_indices = @transform_3, window_bounds = array<i64: 2048, 1>}, {transform_indices = @transform_4, window_bounds = array<i64: 2048, 48>}, {pipeline_mode = #tpu.pipeline_mode<synchronous>, transform_indices = @transform_5, window_bounds = array<i64: 1, 48>}, {pipeline_mode = #tpu.pipeline_mode<synchronous>, transform_indices = @transform_6, window_bounds = array<i64: 48, 64>}, {pipeline_mode = #tpu.pipeline_mode<synchronous>, transform_indices = @transform_7, window_bounds = array<i64: 48, 64>}, {transform_indices = @transform_8, window_bounds = array<i64: 2048, 64>}, {transform_indices = @transform_9, window_bounds = array<i64: 2048, 64>}]} {
    %get3A = arith.constant 0 : index
    %get3A_0 = arith.constant 0 : index
    %get3A_1 = vector.load %arg3[%get3A, %get3A_0] : memref<2048x1xf32, #tpu.memory_space<vmem>>, vector<2048x1xf32>
    %get3A_2 = arith.constant 0 : index
    %get3A_3 = arith.constant 0 : index
    %get3A_4 = vector.load %arg4[%get3A_2, %get3A_3] : memref<2048x1xf32, #tpu.memory_space<vmem>>, vector<2048x1xf32>
    %add3A = arith.addf %get3A_1, %get3A_4 : vector<2048x1xf32>
    %max3A = arith.constant 1.000000e+00 : f32
    %max3A_5 = vector.broadcast %max3A : f32 to vector<2048x1xf32>
    %max3A_6 = arith.maximumf %add3A, %max3A_5 : vector<2048x1xf32>
    %get3A_7 = arith.constant 0 : index
    %get3A_8 = arith.constant 0 : index
    %get3A_9 = vector.load %arg1[%get3A_7, %get3A_8] : memref<2048x48xf32, #tpu.memory_space<vmem>>, vector<2048x48xf32>
    %get3A_10 = arith.constant 0 : index
    %get3A_11 = arith.constant 0 : index
    %get3A_12 = vector.load %arg2[%get3A_10, %get3A_11] : memref<2048x48xf32, #tpu.memory_space<vmem>>, vector<2048x48xf32>
    %add3A_13 = arith.addf %get3A_9, %get3A_12 : vector<2048x48xf32>
    %div3A = vector.broadcast %max3A_6 : vector<2048x1xf32> to vector<2048x48xf32>
    %div3A_14 = arith.divf %add3A_13, %div3A : vector<2048x48xf32>
    %get3A_15 = arith.constant 0 : index
    %get3A_16 = arith.constant 0 : index
    %get3A_17 = vector.load %arg6[%get3A_15, %get3A_16] : memref<1x48xf32, #tpu.memory_space<vmem>>, vector<1x48xf32>
    %add3A_18 = vector.broadcast %get3A_17 : vector<1x48xf32> to vector<2048x48xf32>
    %add3A_19 = arith.addf %div3A_14, %add3A_18 : vector<2048x48xf32>
    %get3A_20 = arith.constant 0 : index
    %get3A_21 = arith.constant 0 : index
    %get3A_22 = vector.load %arg5[%get3A_20, %get3A_21] : memref<2048x48xf32, #tpu.memory_space<vmem>>, vector<2048x48xf32>
    %add3A_23 = arith.addf %add3A_19, %get3A_22 : vector<2048x48xf32>
    %max3A_24 = arith.constant 0.000000e+00 : f32
    %max3A_25 = vector.broadcast %max3A_24 : f32 to vector<2048x48xf32>
    %max3A_26 = arith.maximumf %add3A_23, %max3A_25 : vector<2048x48xf32>
    %get3A_27 = arith.constant 0 : index
    %get3A_28 = arith.constant 0 : index
    %get3A_29 = vector.load %arg7[%get3A_27, %get3A_28] : memref<48x64xf32, #tpu.memory_space<vmem>>, vector<48x64xf32>
    %dot_general3A = arith.constant dense<0.000000e+00> : vector<2048x64xf32>
    %dot_general3A_30 = tpu.matmul %max3A_26, %get3A_29, %dot_general3A {dimension_numbers = #tpu.dot_dimension_numbers<[1], [0], [0], [1], [0, 0, 1, 1], [], []>, transpose_lhs_hint = false} : vector<2048x48xf32>, vector<48x64xf32>, vector<2048x64xf32> -> vector<2048x64xf32>
    %swap3A = arith.constant 0 : index
    %swap3A_31 = arith.constant 0 : index
    %swap3A_32 = vector.load %arg9[%swap3A, %swap3A_31] : memref<2048x64xf32, #tpu.memory_space<vmem>>, vector<2048x64xf32>
    tpu.vector_store %arg9[%swap3A, %swap3A_31], %dot_general3A_30 {strides = array<i32>} : memref<2048x64xf32, #tpu.memory_space<vmem>>, vector<2048x64xf32>,
    %get3A_33 = arith.constant 0 : index
    %get3A_34 = arith.constant 0 : index
    %get3A_35 = vector.load %arg8[%get3A_33, %get3A_34] : memref<48x64xf32, #tpu.memory_space<vmem>>, vector<48x64xf32>
    %dot_general3A_36 = arith.constant dense<0.000000e+00> : vector<2048x64xf32>
    %dot_general3A_37 = tpu.matmul %max3A_26, %get3A_35, %dot_general3A_36 {dimension_numbers = #tpu.dot_dimension_numbers<[1], [0], [0], [1], [0, 0, 1, 1], [], []>, transpose_lhs_hint = false} : vector<2048x48xf32>, vector<48x64xf32>, vector<2048x64xf32> -> vector<2048x64xf32>
    %swap3A_38 = arith.constant 0 : index
    %swap3A_39 = arith.constant 0 : index
    %swap3A_40 = vector.load %arg10[%swap3A_38, %swap3A_39] : memref<2048x64xf32, #tpu.memory_space<vmem>>, vector<2048x64xf32>
    tpu.vector_store %arg10[%swap3A_38, %swap3A_39], %dot_general3A_37 {strides = array<i32>} : memref<2048x64xf32, #tpu.memory_space<vmem>>, vector<2048x64xf32>,
    return
  }
  func.func @transform_0(%arg0: i32) -> (i32, i32) {
    %c0_i32 = arith.constant 0 : i32
    %c0_i32_0 = arith.constant 0 : i32
    return %arg0, %c0_i32 : i32, i32
  }
  func.func @transform_1(%arg0: i32) -> (i32, i32) {
    %c0_i32 = arith.constant 0 : i32
    %c0_i32_0 = arith.constant 0 : i32
    return %arg0, %c0_i32 : i32, i32
  }
  func.func @transform_2(%arg0: i32) -> (i32, i32) {
    %c0_i32 = arith.constant 0 : i32
    %c0_i32_0 = arith.constant 0 : i32
    return %arg0, %c0_i32 : i32, i32
  }
  func.func @transform_3(%arg0: i32) -> (i32, i32) {
    %c0_i32 = arith.constant 0 : i32
    %c0_i32_0 = arith.constant 0 : i32
    return %arg0, %c0_i32 : i32, i32
  }
  func.func @transform_4(%arg0: i32) -> (i32, i32) {
    %c0_i32 = arith.constant 0 : i32
    %c0_i32_0 = arith.constant 0 : i32
    return %arg0, %c0_i32 : i32, i32
  }
  func.func @transform_5(%arg0: i32) -> (i32, i32) {
    %c0_i32 = arith.constant 0 : i32
    %c0_i32_0 = arith.constant 0 : i32
    %c0_i32_1 = arith.constant 0 : i32
    return %c0_i32, %c0_i32_0 : i32, i32
  }
  func.func @transform_6(%arg0: i32) -> (i32, i32) {
    %c0_i32 = arith.constant 0 : i32
    %c0_i32_0 = arith.constant 0 : i32
    %c0_i32_1 = arith.constant 0 : i32
    return %c0_i32, %c0_i32_0 : i32, i32
  }
  func.func @transform_7(%arg0: i32) -> (i32, i32) {
    %c0_i32 = arith.constant 0 : i32
    %c0_i32_0 = arith.constant 0 : i32
    %c0_i32_1 = arith.constant 0 : i32
    return %c0_i32, %c0_i32_0 : i32, i32
  }
  func.func @transform_8(%arg0: i32) -> (i32, i32) {
    %c0_i32 = arith.constant 0 : i32
    %c0_i32_0 = arith.constant 0 : i32
    return %arg0, %c0_i32 : i32, i32
  }
  func.func @transform_9(%arg0: i32) -> (i32, i32) {
    %c0_i32 = arith.constant 0 : i32
    %c0_i32_0 = arith.constant 0 : i32
    return %arg0, %c0_i32 : i32, i32
  }
}

module attributes {stable_mosaic.version = 14 : i64} {
  func.func @_stage_out_body(%arg0: i32, %arg1: memref<2048x64xf32, #tpu.memory_space<vmem>>, %arg2: memref<2048x64xf32, #tpu.memory_space<vmem>>, %arg3: memref<2048x1xf32, #tpu.memory_space<vmem>>, %arg4: memref<2048x1xf32, #tpu.memory_space<vmem>>, %arg5: memref<2048x64xf32, #tpu.memory_space<vmem>>, %arg6: memref<2048x1xi32, #tpu.memory_space<vmem>>, %arg7: memref<1x64xf32, #tpu.memory_space<vmem>>, %arg8: memref<64x32xf32, #tpu.memory_space<vmem>>, %arg9: memref<1x32xf32, #tpu.memory_space<vmem>>, %arg10: memref<32x32xf32, #tpu.memory_space<vmem>>, %arg11: memref<1x32xf32, #tpu.memory_space<vmem>>, %arg12: memref<32x10xf32, #tpu.memory_space<vmem>>, %arg13: memref<1x10xf32, #tpu.memory_space<vmem>>, %arg14: memref<64x10xf32, #tpu.memory_space<vmem>>, %arg15: memref<64x64xf32, #tpu.memory_space<vmem>>, %arg16: memref<64x1xf32, #tpu.memory_space<vmem>>) attributes {dimension_semantics = [#tpu.dimension_semantics<arbitrary>], iteration_bounds = array<i64: 5>, scalar_prefetch = 0 : i64, scratch_operands = 2 : i64, tpu.core_type = #tpu.core_type<tc>, window_params = [{transform_indices = @transform_0, window_bounds = array<i64: 2048, 64>}, {transform_indices = @transform_1, window_bounds = array<i64: 2048, 64>}, {transform_indices = @transform_2, window_bounds = array<i64: 2048, 1>}, {transform_indices = @transform_3, window_bounds = array<i64: 2048, 1>}, {transform_indices = @transform_4, window_bounds = array<i64: 2048, 64>}, {transform_indices = @transform_5, window_bounds = array<i64: 2048, 1>}, {pipeline_mode = #tpu.pipeline_mode<synchronous>, transform_indices = @transform_6, window_bounds = array<i64: 1, 64>}, {pipeline_mode = #tpu.pipeline_mode<synchronous>, transform_indices = @transform_7, window_bounds = array<i64: 64, 32>}, {pipeline_mode = #tpu.pipeline_mode<synchronous>, transform_indices = @transform_8, window_bounds = array<i64: 1, 32>}, {pipeline_mode = #tpu.pipeline_mode<synchronous>, transform_indices = @transform_9, window_bounds = array<i64: 32, 32>}, {pipeline_mode = #tpu.pipeline_mode<synchronous>, transform_indices = @transform_10, window_bounds = array<i64: 1, 32>}, {pipeline_mode = #tpu.pipeline_mode<synchronous>, transform_indices = @transform_11, window_bounds = array<i64: 32, 10>}, {pipeline_mode = #tpu.pipeline_mode<synchronous>, transform_indices = @transform_12, window_bounds = array<i64: 1, 10>}, {pipeline_mode = #tpu.pipeline_mode<synchronous>, transform_indices = @transform_13, window_bounds = array<i64: 64, 10>}]} {
    %eq3A = arith.constant 0 : i32
    %eq3A_0 = arith.cmpi eq, %arg0, %eq3A : i32
    %convert_element_type3A = arith.extui %eq3A_0 : i1 to i32
    %cond3A = arith.constant 0 : i32
    %cond3A_1 = arith.cmpi ne, %convert_element_type3A, %cond3A : i32
    scf.if %cond3A_1 {
      %broadcast_in_dim3A_56 = arith.constant 0.000000e+00 : f32
      %broadcast_in_dim3A_57 = vector.broadcast %broadcast_in_dim3A_56 : f32 to vector<64x64xf32>
      %swap3A_58 = arith.constant 0 : index
      %swap3A_59 = arith.constant 0 : index
      %swap3A_60 = vector.load %arg15[%swap3A_58, %swap3A_59] : memref<64x64xf32, #tpu.memory_space<vmem>>, vector<64x64xf32>
      tpu.vector_store %arg15[%swap3A_58, %swap3A_59], %broadcast_in_dim3A_57 {strides = array<i32>} : memref<64x64xf32, #tpu.memory_space<vmem>>, vector<64x64xf32>,
      %broadcast_in_dim3A_61 = arith.constant 0.000000e+00 : f32
      %broadcast_in_dim3A_62 = vector.broadcast %broadcast_in_dim3A_61 : f32 to vector<64x1xf32>
      %swap3A_63 = arith.constant 0 : index
      %swap3A_64 = arith.constant 0 : index
      %swap3A_65 = vector.load %arg16[%swap3A_63, %swap3A_64] : memref<64x1xf32, #tpu.memory_space<vmem>>, vector<64x1xf32>
      tpu.vector_store %arg16[%swap3A_63, %swap3A_64], %broadcast_in_dim3A_62 {strides = array<i32>} : memref<64x1xf32, #tpu.memory_space<vmem>>, vector<64x1xf32>,
    } else {
    }
    %get3A = arith.constant 0 : index
    %get3A_2 = arith.constant 0 : index
    %get3A_3 = vector.load %arg3[%get3A, %get3A_2] : memref<2048x1xf32, #tpu.memory_space<vmem>>, vector<2048x1xf32>
    %get3A_4 = arith.constant 0 : index
    %get3A_5 = arith.constant 0 : index
    %get3A_6 = vector.load %arg4[%get3A_4, %get3A_5] : memref<2048x1xf32, #tpu.memory_space<vmem>>, vector<2048x1xf32>
    %add3A = arith.addf %get3A_3, %get3A_6 : vector<2048x1xf32>
    %max3A = arith.constant 1.000000e+00 : f32
    %max3A_7 = vector.broadcast %max3A : f32 to vector<2048x1xf32>
    %max3A_8 = arith.maximumf %add3A, %max3A_7 : vector<2048x1xf32>
    %get3A_9 = arith.constant 0 : index
    %get3A_10 = arith.constant 0 : index
    %get3A_11 = vector.load %arg1[%get3A_9, %get3A_10] : memref<2048x64xf32, #tpu.memory_space<vmem>>, vector<2048x64xf32>
    %get3A_12 = arith.constant 0 : index
    %get3A_13 = arith.constant 0 : index
    %get3A_14 = vector.load %arg2[%get3A_12, %get3A_13] : memref<2048x64xf32, #tpu.memory_space<vmem>>, vector<2048x64xf32>
    %add3A_15 = arith.addf %get3A_11, %get3A_14 : vector<2048x64xf32>
    %div3A = vector.broadcast %max3A_8 : vector<2048x1xf32> to vector<2048x64xf32>
    %div3A_16 = arith.divf %add3A_15, %div3A : vector<2048x64xf32>
    %get3A_17 = arith.constant 0 : index
    %get3A_18 = arith.constant 0 : index
    %get3A_19 = vector.load %arg7[%get3A_17, %get3A_18] : memref<1x64xf32, #tpu.memory_space<vmem>>, vector<1x64xf32>
    %add3A_20 = vector.broadcast %get3A_19 : vector<1x64xf32> to vector<2048x64xf32>
    %add3A_21 = arith.addf %div3A_16, %add3A_20 : vector<2048x64xf32>
    %get3A_22 = arith.constant 0 : index
    %get3A_23 = arith.constant 0 : index
    %get3A_24 = vector.load %arg5[%get3A_22, %get3A_23] : memref<2048x64xf32, #tpu.memory_space<vmem>>, vector<2048x64xf32>
    %add3A_25 = arith.addf %add3A_21, %get3A_24 : vector<2048x64xf32>
    %iota3A = tpu.iota {dimensions = array<i32: 1>} : vector<1x64xi32>
    %get3A_26 = arith.constant 0 : index
    %get3A_27 = arith.constant 0 : index
    %get3A_28 = vector.load %arg6[%get3A_26, %get3A_27] : memref<2048x1xi32, #tpu.memory_space<vmem>>, vector<2048x1xi32>
    %eq3A_29 = vector.broadcast %get3A_28 : vector<2048x1xi32> to vector<2048x64xi32>
    %eq3A_30 = vector.broadcast %iota3A : vector<1x64xi32> to vector<2048x64xi32>
    %eq3A_31 = arith.cmpi eq, %eq3A_29, %eq3A_30 : vector<2048x64xi32>
    %convert_element_type3A_32 = arith.extui %eq3A_31 : vector<2048x64xi1> to vector<2048x64xi32>
    %convert_element_type3A_33 = arith.sitofp %convert_element_type3A_32 : vector<2048x64xi32> to vector<2048x64xf32>
    %get3A_34 = arith.constant 0 : index
    %get3A_35 = arith.constant 0 : index
    %get3A_36 = vector.load %arg15[%get3A_34, %get3A_35] : memref<64x64xf32, #tpu.memory_space<vmem>>, vector<64x64xf32>
    %dot_general3A = arith.constant dense<0.000000e+00> : vector<64x64xf32>
    %dot_general3A_37 = tpu.matmul %convert_element_type3A_33, %add3A_25, %dot_general3A {dimension_numbers = #tpu.dot_dimension_numbers<[0], [0], [1], [1], [0, 1, 1, 1], [], []>, transpose_lhs_hint = false} : vector<2048x64xf32>, vector<2048x64xf32>, vector<64x64xf32> -> vector<64x64xf32>
    %add3A_38 = arith.addf %get3A_36, %dot_general3A_37 : vector<64x64xf32>
    %swap3A = arith.constant 0 : index
    %swap3A_39 = arith.constant 0 : index
    %swap3A_40 = vector.load %arg15[%swap3A, %swap3A_39] : memref<64x64xf32, #tpu.memory_space<vmem>>, vector<64x64xf32>
    tpu.vector_store %arg15[%swap3A, %swap3A_39], %add3A_38 {strides = array<i32>} : memref<64x64xf32, #tpu.memory_space<vmem>>, vector<64x64xf32>,
    %broadcast_in_dim3A = arith.constant 1.000000e+00 : f32
    %broadcast_in_dim3A_41 = vector.broadcast %broadcast_in_dim3A : f32 to vector<2048x1xf32>
    %get3A_42 = arith.constant 0 : index
    %get3A_43 = arith.constant 0 : index
    %get3A_44 = vector.load %arg16[%get3A_42, %get3A_43] : memref<64x1xf32, #tpu.memory_space<vmem>>, vector<64x1xf32>
    %dot_general3A_45 = arith.constant dense<0.000000e+00> : vector<64x1xf32>
    %dot_general3A_46 = tpu.matmul %convert_element_type3A_33, %broadcast_in_dim3A_41, %dot_general3A_45 {dimension_numbers = #tpu.dot_dimension_numbers<[0], [0], [1], [1], [0, 1, 1, 1], [], []>, transpose_lhs_hint = false} : vector<2048x64xf32>, vector<2048x1xf32>, vector<64x1xf32> -> vector<64x1xf32>
    %add3A_47 = arith.addf %get3A_44, %dot_general3A_46 : vector<64x1xf32>
    %swap3A_48 = arith.constant 0 : index
    %swap3A_49 = arith.constant 0 : index
    %swap3A_50 = vector.load %arg16[%swap3A_48, %swap3A_49] : memref<64x1xf32, #tpu.memory_space<vmem>>, vector<64x1xf32>
    tpu.vector_store %arg16[%swap3A_48, %swap3A_49], %add3A_47 {strides = array<i32>} : memref<64x1xf32, #tpu.memory_space<vmem>>, vector<64x1xf32>,
    %eq3A_51 = arith.constant 4 : i32
    %eq3A_52 = arith.cmpi eq, %arg0, %eq3A_51 : i32
    %convert_element_type3A_53 = arith.extui %eq3A_52 : i1 to i32
    %cond3A_54 = arith.constant 0 : i32
    %cond3A_55 = arith.cmpi ne, %convert_element_type3A_53, %cond3A_54 : i32
    scf.if %cond3A_55 {
      %get3A_56 = arith.constant 0 : index
      %get3A_57 = arith.constant 0 : index
      %get3A_58 = vector.load %arg15[%get3A_56, %get3A_57] : memref<64x64xf32, #tpu.memory_space<vmem>>, vector<64x64xf32>
      %get3A_59 = arith.constant 0 : index
      %get3A_60 = arith.constant 0 : index
      %get3A_61 = vector.load %arg16[%get3A_59, %get3A_60] : memref<64x1xf32, #tpu.memory_space<vmem>>, vector<64x1xf32>
      %max3A_62 = arith.constant 1.000000e+00 : f32
      %max3A_63 = vector.broadcast %max3A_62 : f32 to vector<64x1xf32>
      %max3A_64 = arith.maximumf %get3A_61, %max3A_63 : vector<64x1xf32>
      %div3A_65 = vector.broadcast %max3A_64 : vector<64x1xf32> to vector<64x64xf32>
      %div3A_66 = arith.divf %get3A_58, %div3A_65 : vector<64x64xf32>
      %get3A_67 = arith.constant 0 : index
      %get3A_68 = arith.constant 0 : index
      %get3A_69 = vector.load %arg8[%get3A_67, %get3A_68] : memref<64x32xf32, #tpu.memory_space<vmem>>, vector<64x32xf32>
      %dot_general3A_70 = arith.constant dense<0.000000e+00> : vector<64x32xf32>
      %dot_general3A_71 = tpu.matmul %div3A_66, %get3A_69, %dot_general3A_70 {dimension_numbers = #tpu.dot_dimension_numbers<[1], [0], [0], [1], [0, 0, 1, 1], [], []>, transpose_lhs_hint = false} : vector<64x64xf32>, vector<64x32xf32>, vector<64x32xf32> -> vector<64x32xf32>
      %get3A_72 = arith.constant 0 : index
      %get3A_73 = arith.constant 0 : index
      %get3A_74 = vector.load %arg9[%get3A_72, %get3A_73] : memref<1x32xf32, #tpu.memory_space<vmem>>, vector<1x32xf32>
      %add3A_75 = vector.broadcast %get3A_74 : vector<1x32xf32> to vector<64x32xf32>
      %add3A_76 = arith.addf %dot_general3A_71, %add3A_75 : vector<64x32xf32>
      %max3A_77 = arith.constant 0.000000e+00 : f32
      %max3A_78 = vector.broadcast %max3A_77 : f32 to vector<64x32xf32>
      %max3A_79 = arith.maximumf %add3A_76, %max3A_78 : vector<64x32xf32>
      %get3A_80 = arith.constant 0 : index
      %get3A_81 = arith.constant 0 : index
      %get3A_82 = vector.load %arg10[%get3A_80, %get3A_81] : memref<32x32xf32, #tpu.memory_space<vmem>>, vector<32x32xf32>
      %dot_general3A_83 = arith.constant dense<0.000000e+00> : vector<64x32xf32>
      %dot_general3A_84 = tpu.matmul %max3A_79, %get3A_82, %dot_general3A_83 {dimension_numbers = #tpu.dot_dimension_numbers<[1], [0], [0], [1], [0, 0, 1, 1], [], []>, transpose_lhs_hint = false} : vector<64x32xf32>, vector<32x32xf32>, vector<64x32xf32> -> vector<64x32xf32>
      %get3A_85 = arith.constant 0 : index
      %get3A_86 = arith.constant 0 : index
      %get3A_87 = vector.load %arg11[%get3A_85, %get3A_86] : memref<1x32xf32, #tpu.memory_space<vmem>>, vector<1x32xf32>
      %add3A_88 = vector.broadcast %get3A_87 : vector<1x32xf32> to vector<64x32xf32>
      %add3A_89 = arith.addf %dot_general3A_84, %add3A_88 : vector<64x32xf32>
      %max3A_90 = arith.constant 0.000000e+00 : f32
      %max3A_91 = vector.broadcast %max3A_90 : f32 to vector<64x32xf32>
      %max3A_92 = arith.maximumf %add3A_89, %max3A_91 : vector<64x32xf32>
      %get3A_93 = arith.constant 0 : index
      %get3A_94 = arith.constant 0 : index
      %get3A_95 = vector.load %arg12[%get3A_93, %get3A_94] : memref<32x10xf32, #tpu.memory_space<vmem>>, vector<32x10xf32>
      %dot_general3A_96 = arith.constant dense<0.000000e+00> : vector<64x10xf32>
      %dot_general3A_97 = tpu.matmul %max3A_92, %get3A_95, %dot_general3A_96 {dimension_numbers = #tpu.dot_dimension_numbers<[1], [0], [0], [1], [0, 0, 1, 1], [], []>, transpose_lhs_hint = false} : vector<64x32xf32>, vector<32x10xf32>, vector<64x10xf32> -> vector<64x10xf32>
      %get3A_98 = arith.constant 0 : index
      %get3A_99 = arith.constant 0 : index
      %get3A_100 = vector.load %arg13[%get3A_98, %get3A_99] : memref<1x10xf32, #tpu.memory_space<vmem>>, vector<1x10xf32>
      %add3A_101 = vector.broadcast %get3A_100 : vector<1x10xf32> to vector<64x10xf32>
      %add3A_102 = arith.addf %dot_general3A_97, %add3A_101 : vector<64x10xf32>
      %swap3A_103 = arith.constant 0 : index
      %swap3A_104 = arith.constant 0 : index
      %swap3A_105 = vector.load %arg14[%swap3A_103, %swap3A_104] : memref<64x10xf32, #tpu.memory_space<vmem>>, vector<64x10xf32>
      tpu.vector_store %arg14[%swap3A_103, %swap3A_104], %add3A_102 {strides = array<i32>} : memref<64x10xf32, #tpu.memory_space<vmem>>, vector<64x10xf32>,
    } else {
    }
    return
  }
  func.func @transform_0(%arg0: i32) -> (i32, i32) {
    %c0_i32 = arith.constant 0 : i32
    %c0_i32_0 = arith.constant 0 : i32
    return %arg0, %c0_i32 : i32, i32
  }
  func.func @transform_1(%arg0: i32) -> (i32, i32) {
    %c0_i32 = arith.constant 0 : i32
    %c0_i32_0 = arith.constant 0 : i32
    return %arg0, %c0_i32 : i32, i32
  }
  func.func @transform_2(%arg0: i32) -> (i32, i32) {
    %c0_i32 = arith.constant 0 : i32
    %c0_i32_0 = arith.constant 0 : i32
    return %arg0, %c0_i32 : i32, i32
  }
  func.func @transform_3(%arg0: i32) -> (i32, i32) {
    %c0_i32 = arith.constant 0 : i32
    %c0_i32_0 = arith.constant 0 : i32
    return %arg0, %c0_i32 : i32, i32
  }
  func.func @transform_4(%arg0: i32) -> (i32, i32) {
    %c0_i32 = arith.constant 0 : i32
    %c0_i32_0 = arith.constant 0 : i32
    return %arg0, %c0_i32 : i32, i32
  }
  func.func @transform_5(%arg0: i32) -> (i32, i32) {
    %c0_i32 = arith.constant 0 : i32
    %c0_i32_0 = arith.constant 0 : i32
    return %arg0, %c0_i32 : i32, i32
  }
  func.func @transform_6(%arg0: i32) -> (i32, i32) {
    %c0_i32 = arith.constant 0 : i32
    %c0_i32_0 = arith.constant 0 : i32
    %c0_i32_1 = arith.constant 0 : i32
    return %c0_i32, %c0_i32_0 : i32, i32
  }
  func.func @transform_7(%arg0: i32) -> (i32, i32) {
    %c0_i32 = arith.constant 0 : i32
    %c0_i32_0 = arith.constant 0 : i32
    %c0_i32_1 = arith.constant 0 : i32
    return %c0_i32, %c0_i32_0 : i32, i32
  }
  func.func @transform_8(%arg0: i32) -> (i32, i32) {
    %c0_i32 = arith.constant 0 : i32
    %c0_i32_0 = arith.constant 0 : i32
    %c0_i32_1 = arith.constant 0 : i32
    return %c0_i32, %c0_i32_0 : i32, i32
  }
  func.func @transform_9(%arg0: i32) -> (i32, i32) {
    %c0_i32 = arith.constant 0 : i32
    %c0_i32_0 = arith.constant 0 : i32
    %c0_i32_1 = arith.constant 0 : i32
    return %c0_i32, %c0_i32_0 : i32, i32
  }
  func.func @transform_10(%arg0: i32) -> (i32, i32) {
    %c0_i32 = arith.constant 0 : i32
    %c0_i32_0 = arith.constant 0 : i32
    %c0_i32_1 = arith.constant 0 : i32
    return %c0_i32, %c0_i32_0 : i32, i32
  }
  func.func @transform_11(%arg0: i32) -> (i32, i32) {
    %c0_i32 = arith.constant 0 : i32
    %c0_i32_0 = arith.constant 0 : i32
    %c0_i32_1 = arith.constant 0 : i32
    return %c0_i32, %c0_i32_0 : i32, i32
  }
  func.func @transform_12(%arg0: i32) -> (i32, i32) {
    %c0_i32 = arith.constant 0 : i32
    %c0_i32_0 = arith.constant 0 : i32
    %c0_i32_1 = arith.constant 0 : i32
    return %c0_i32, %c0_i32_0 : i32, i32
  }
  func.func @transform_13(%arg0: i32) -> (i32, i32) {
    %c0_i32 = arith.constant 0 : i32
    %c0_i32_0 = arith.constant 0 : i32
    %c0_i32_1 = arith.constant 0 : i32
    return %c0_i32, %c0_i32_0 : i32, i32
  }
}

</mosaic_0001>

<sc_bundles>
// kernel: kernel.12.cloned.1.call-start
scs
__scs_entry_jumppad:
0x0: {  	(pc) =	sbr.rel $0x88, $3  }
0x1: {  	(tag) =	ssettag $0x0;
	lr =	simm.s32 $0x1  }
0x2: {  	[smem:$0x3F8F] =	sst lr;
	_ =	strace $0xD0000000  }
0x3: {  	_ = 	snop  }
0x4: {  	_ = 	snop  }
0x5: {  	_ = 	snop  }
0x6: {  	_ = 	snop  }
0x7: {  	_ = 	snop  }
__scs_overlays_trampoline_lowered:
0x8: {  	[smem:$0x3F9E] =	sst s0  }
0x9: {  	[smem:$0x3F9F] =	sst s1  }
0xa: {  	[smem:$0x3FA0] =	sst s2  }
0xb: {  	[smem:$0x3FA1] =	sst s3  }
0xc: {  	[smem:$0x3FA2] =	sst s4  }
0xd: {  	[smem:$0x3FA3] =	sst s5  }
0xe: {  	[smem:$0x3FA4] =	sst s6  }
0xf: {  	[smem:$0x3FA5] =	sst s7  }
0x10: {  	[smem:$0x3FA6] =	sst s8  }
0x11: {  	[smem:$0x3FA7] =	sst s9;
	s0 =	simm.s32 @!p0 $0x0  }
0x12: {  	s1 =	sld [smem:$0x3F8D];
	s0 =	simm.s32 @p0 $0x1  }
0x13: {  	[smem:$0x3FA8] =	sst s0;
	s0 =	simm.s32 @!p1 $0x0  }
0x14: {  	s2 =	sld [smem:$0x3F8C];
	s0 =	simm.s32 @p1 $0x1  }
0x15: {  	[smem:$0x3FA9] =	sst s0;
	s0 =	simm.s32 @!p2 $0x0  }
0x16: {  	s3 =	sld [smem:$0x3FDB];
	s0 =	simm.s32 @p2 $0x1  }
0x17: {  	s4 =	simm.s32 $0x1BF5;
	[smem:$0x3FAB] =	sst s0  }
0x18: {  	s0 =	sld [smem:$0x3F8E];
	_ =	swait.ge [sflag:s4], $0x0  }
0x19: {  	s7 =	sld [smem:$0x3F8F]  }
0x1a: {  	s8 =	sadd.s32 $0xFFFFE003, lr  }
0x1b: {  	s9 =	sadd.s32 $0xFFFFFEF7, lr;
	s5 =	simm.s32 $0xFFFFFFFF;
	p2 =	slt.u32 s8, $0xFFFFF086  }
0x1c: {  	p1 =	slt.u32 s9, $0xF7A;
	s5 =	simm.s32 @!p2 $0x0  }
0x1d: {  	s5 =	simm.s32 @p1 $0x1;
	p0 =	seq.s32 s7, s2  }
0x1e: {  	s7 =	smul.u32 @!p0 $0xF7A, s2;
	p2 =	seq.s32 @!p0 s5, $0x0  }
0x1f: {  	s9 =	smul.u32 $0xF7A, s1;
	s8 =	simm.s32 @!p0 $0x1BF5;
	p2 =	por !p2, p0  }
0x20: {  	[sflag:s8] =	ssyncset.s32 @!p0 $0xFFFFF086;
	s6 =	sadd.s32 @!p0 s3, s7;
	s7 =	simm.s32 @!p0 $0x108  }
0x21: {  	s3 =	sadd.s32 s3, s9;
	s6 =	sadd.s32 @!p0 $0x88, s6;
	s7 =	simm.s32 @p2 $0x1082  }
0x22: {  	[simem:s7], [sflag:s8] =	dma.local @!p0 [hbm:s6], $0xF7A  }
0x23: {  	s9 =	sor.u32 $0xD0000000, s2;
	s6 =	simm.s32 $0x108;
	_ =	swait.ge @!p0 [sflag:s8], $0x0  }
0x24: {  	s3 =	sadd.s32 $0x88, s3;
	s6 =	simm.s32 @!p1 $0x1082;
	[sflag:s4] =	ssyncset.s32 $0xFFFFF086  }
0x25: {  	[simem:s6], [sflag:s4] =	dma.local [hbm:s3], $0xF7A  }
0x26: {  	[smem:$0x3F8F] =	sst s1;
	(tag) =	ssettag s2;
	_ =	strace s9  }
0x27: {  	s1 =	sld [smem:$0x3F9F]  }
0x28: {  	s2 =	sld [smem:$0x3FA0]  }
0x29: {  	s4 =	sld [smem:$0x3FA2]  }
0x2a: {  	p0 =	seq.s32 s5, $0x0;
	s5 =	sld [smem:$0x3FA3]  }
0x2b: {  	s6 =	sld [smem:$0x3FA4]  }
0x2c: {  	s7 =	sld [smem:$0x3FA5]  }
0x2d: {  	s3 =	simm.s32 $0x108;
	s8 =	sld [smem:$0x3FA6]  }
0x2e: {  	s3 =	simm.s32 @!p0 $0x1082;
	s9 =	sld [smem:$0x3FA7]  }
0x2f: {  	lr =	sadd.s32 s0, s3;
	s0 =	sld [smem:$0x3F9E]  }
0x30: {  	s3 =	sld [smem:$0x3FA1]  }
0x31: {  	[smem:$0x3FAA] =	sst s10  }
0x32: {  	s10 =	sld [smem:$0x3FA8];
	_ =	sdelay $0x3  }
0x33: {  	p0 =	seq.s32 s10, $0x1;
	s10 =	sld [smem:$0x3FAA];
	_ =	sdelay $0x3  }
0x34: {  	[smem:$0x3FAA] =	sst s10  }
0x35: {  	s10 =	sld [smem:$0x3FA9];
	_ =	sdelay $0x3  }
0x36: {  	p1 =	seq.s32 s10, $0x1;
	s10 =	sld [smem:$0x3FAA];
	_ =	sdelay $0x3  }
0x37: {  	[smem:$0x3FAA] =	sst s10  }
0x38: {  	s10 =	sld [smem:$0x3FAB]  }
0x39: {  	_ = 	snop;
	(pc) =	sbr.ind lr, $3  }
0x3a: {  	_ = 	snop  }
0x3b: {  	_ = 	snop  }
0x3c: {  	p2 =	seq.s32 s10, $0x1;
	s10 =	sld [smem:$0x3FAA]  }
0x3d: {  	_ =	shalt  }
0x3e: {  	_ =	shalt  }
0x3f: {  	_ =	shalt  }
0x40: {  	_ =	shalt  }
0x41: {  	_ =	shalt  }
0x42: {  	_ =	shalt  }
0x43: {  	_ =	shalt  }
0x44: {  	_ =	shalt  }
0x45: {  	_ =	shalt  }
0x46: {  	_ =	shalt  }
0x47: {  	_ =	shalt  }
0x48: {  	_ =	shalt  }
0x49: {  	_ =	shalt  }
0x4a: {  	_ =	shalt  }
0x4b: {  	_ =	shalt  }
0x4c: {  	_ =	shalt  }
0x4d: {  	_ =	shalt  }
0x4e: {  	_ =	shalt  }
0x4f: {  	_ =	shalt  }
0x50: {  	_ =	shalt  }
0x51: {  	_ =	shalt  }
0x52: {  	_ =	shalt  }
0x53: {  	_ =	shalt  }
0x54: {  	_ =	shalt  }
0x55: {  	_ =	shalt  }
0x56: {  	_ =	shalt  }
0x57: {  	_ =	shalt  }
0x58: {  	_ =	shalt  }
0x59: {  	_ =	shalt  }
0x5a: {  	_ =	shalt  }
0x5b: {  	_ =	shalt  }
0x5c: {  	_ =	shalt  }
0x5d: {  	_ =	shalt  }
0x5e: {  	_ =	shalt  }
0x5f: {  	_ =	shalt  }
0x60: {  	_ =	shalt  }
0x61: {  	_ =	shalt  }
0x62: {  	_ =	shalt  }
0x63: {  	_ =	shalt  }
0x64: {  	_ =	shalt  }
0x65: {  	_ =	shalt  }
0x66: {  	_ =	shalt  }
0x67: {  	_ =	shalt  }
0x68: {  	_ =	shalt  }
0x69: {  	_ =	shalt  }
0x6a: {  	_ =	shalt  }
0x6b: {  	_ =	shalt  }
0x6c: {  	_ =	shalt  }
0x6d: {  	_ =	shalt  }
0x6e: {  	_ =	shalt  }
0x6f: {  	_ =	shalt  }
0x70: {  	_ =	shalt  }
0x71: {  	_ =	shalt  }
0x72: {  	_ =	shalt  }
0x73: {  	_ =	shalt  }
0x74: {  	_ =	shalt  }
0x75: {  	_ =	shalt  }
0x76: {  	_ =	shalt  }
0x77: {  	_ =	shalt  }
0x78: {  	_ =	shalt  }
0x79: {  	_ =	shalt  }
0x7a: {  	_ =	shalt  }
0x7b: {  	_ =	shalt  }
0x7c: {  	_ =	shalt  }
0x7d: {  	_ =	shalt  }
0x7e: {  	_ =	shalt  }
0x7f: {  	_ =	shalt  }
0x80: {  	_ =	shalt  }
0x81: {  	_ =	shalt  }
0x82: {  	_ =	shalt  }
0x83: {  	_ =	shalt  }
0x84: {  	_ =	shalt  }
0x85: {  	_ =	shalt  }
0x86: {  	_ =	shalt  }
0x87: {  	_ =	shalt  }
.Lfunc_end0:
.L_simem_size_0:
called_computation.1_lowered:
.L_overlay_start_0:
0x88: {  	s2 =	sld [smem:$0x3FD9]  }
0x89: {  	s3 =	sld [smem:$0x3FFE];
	_ =	sdelay $0x1  }
0x8a: {  	s1 =	srdreg.scid  }
0x8b: {  	s0 =	sand.u32 $0x1, s1  }
0x8c: {  	s16 =	sshll.u32 s0, $0xA;
	s2 =	sadd.s32 s3, s2  }
0x8d: {  	s2 =	sadd.s32 s2, s16  }
0x8e: {  	[smem:$0x3FB6] =	sst s2  }
0x8f: {  	_ = 	snop  }
0x90: {  	(tm) =	ssettm $0x1  }
0x91: {  	s17 =	sld [smem:$0x3FFB];
	_ =	sdelay $0x3  }
0x92: {  	_ =	strace s17  }
0x93: {  	s2 =	sld [smem:$0x3FFC];
	_ =	sdelay $0x3  }
0x94: {  	_ =	strace s2  }
0x95: {  	s2 =	sld [smem:$0x3FFD];
	_ =	sdelay $0x3  }
0x96: {  	_ =	strace s2  }
0x97: {  	_ =	strace $0x8FFFFFFF  }
0x98: {  	s18 =	sld [smem:$0x3FDB];
	_ =	sdelay $0x1  }
0x99: {  	s19 =	simm.s32 $_scs_section_size  }
0x9a: {  	s4 =	simm.s32 $_size__tile_overlayer_lowered;
	s5 =	simm.s32 $_tile_overlayer_lowered  }
0x9b: {  	s22 =	simm.s32 $0x1BFF;
	s21 =	sshll.u32 s5, $0x1;
	s2 =	sadd.s32 s19, s18  }
0x9c: {  	s6 =	simm.s32 $0x0;
	s20 =	sshll.u32 s4, $0x1;
	s4 =	sadd.s32 s21, s2  }
0x9d: {  	[timem:s6], [sflag:s22] =	dma.local [hbm:s4], s20  }
0x9e: {  	_ =	swait.ge [sflag:s22], s20  }
0x9f: {  	s3 =	ssub.s32 $0x0, s20;
	[sflag:s22] =	ssyncset.done $0x0  }
0xa0: {  	[sflag:s22] =	ssyncadd.s32 s3;
	_ =	sdelay $0x1  }
0xa1: {  	s23 =	simm.s32 $0x1B8B  }
0xa2: {  	_ =	swait.ge [sflag:s23], $0x1  }
0xa3: {  	[sflag:s23] =	ssyncset.done $0x0  }
0xa4: {  	s25 =	simm.s32 $0x1B8E;
	s24 =	sld [smem:$0x3FFE];
	[sflag:s23] =	ssyncadd.s32 $0xFFFFFFFF  }
0xa5: {  	s26 =	simm.s32 $execute0_lowered;
	[smem:$0x3FD2] =	sst s25  }
0xa6: {  	s4 =	sshll.u32 s26, $0x1;
	_ =	strace $0x80000049;
	[dreg:$0x1] =	wrdreg $0xFFFFFFFF  }
0xa7: {  	s28 =	simm.s32 $_size_execute0_lowered;
	s2 =	sadd.s32 s2, s4;
	[dreg:$0x0] =	wrdreg $0x0  }
0xa8: {  	s4 =	sshll.u32 s28, $0x1;
	[dreg:$0x2] =	wrdreg s2  }
0xa9: {  	[dreg:$0x3] =	wrdreg s4  }
0xaa: {  	[dreg:$0x4] =	wrdreg $0xC0  }
0xab: {  	_ =	task [dreg:s6], $0x5FFFF  }
0xac: {  	[dreg:$0x1] =	wrdreg $0xFFFFFFFF  }
0xad: {  	[dreg:$0x0] =	wrdreg $0x60  }
0xae: {  	[dreg:$0x2] =	wrdreg s24  }
0xaf: {  	[dreg:$0x3] =	wrdreg $0xF0000  }
0xb0: {  	[dreg:$0x4] =	wrdreg $0x9  }
0xb1: {  	_ =	task.clear_ibuf [dreg:s6], $0x5FFFF;
	_ =	strace $0x90000049  }
0xb2: {  	s29 =	simm.s32 $0x9;
	_ =	strace $0x8000004B  }
0xb3: {  	_ =	swait.ge [sflag:s29], $0x1  }
0xb4: {  	[sflag:s29] =	ssyncadd.s32 $0xFFFFFFFF  }
0xb5: {  	_ =	strace $0x9000004B  }
0xb6: {  	_ =	sfence  }
0xb7: {  	s30 =	sld [smem:$0x0];
	_ =	sdelay $0x2  }
0xb8: {  	s31 =	sshll.u32 s1, $0xD;
	s1 =	sshrl.u32 s1, $0x2  }
0xb9: {  	s3 =	sand.u32 $0x4000, s31;
	s1 =	sadd.s32 s1, s30  }
0xba: {  	s0 =	sor.u32 s3, s0;
	s1 =	sshll.u32 s1, $0x11  }
0xbb: {  	s0 =	sor.u32 s1, s0  }
0xbc: {  	s0 =	sadd.s32 $0x8F2B, s0  }
0xbd: {  	[sflag:s0] =	ssyncadd.remote.s32 $0x1  }
0xbe: {  	_ =	sfence.sel $0xFFFF  }
0xbf: {  	[dreg:$0x0] =	wrdreg $0xFFFFFFFF;
	(pc) =	sbr.abs _section_cstart, $3  }
0xc0: {  	[dreg:$0x1] =	wrdreg $0xFFFFFFFF  }
0xc1: {  	_ =	task.clear_ibuf [dreg:s6], $0x2FFFF;
	_ =	strace $0x9FFFFFFF  }
0xc2: {  	(tm) =	ssettm $0x7FFFFFFF  }
0xc3: {  	_ =	shalt  }
tec
execute0_lowered:
.L_overlay_start_1:
0x0: {  	(tag) =	ssettag $0x1  }
0x1: {  	s0 =	srdreg.scid;
	s5 =	rddreg [dreg:$0x0]  }
0x2: {  	s8 =	stileid.u32;
	s2 =	rddreg [dreg:$0x1];
	s3 =	simm.s32 $0x0  }
0x3: {  	s15 =	simm.s32 $0x9;
	s17 =	simm.s32 $0xD000;
	s18 =	simm.s32 $0x80  }
0x4: {  	s28 =	simm.s32 $0x2;
	s29 =	simm.s32 $0x7000;
	s30 =	simm.s32 $0x5  }
0x5: {  	s31 =	simm.s32 $0x6;
	s16 =	simm.s32 $0x9000;
	s0 =	sand.u32 $0x1, s0  }
0x6: {  	s6 =	smul.u32 $0xA000, s8;
	[smem:$0x7FF] =	sst s3;
	s4 =	sadd.s32 $0x45E00, s5  }
0x7: {  	s9 =	sadd.s32 $0x2CE00, s5;
	s1 =	sshll.u32 s0, $0x4;
	s7 =	smul.u32 $0xA0000, s0  }
0x8: {  	_ =	strace $0x8000004A;
	s0 =	ssub.s32 $0x2, s0;
	[dreg:$0x3] =	wrdreg s9  }
0x9: {  	s1 =	sor.u32 s8, s1;
	s8 =	smul.u32 $0x28000, s8;
	s19 =	sshrl.u32 s0, $0x1  }
0xa: {  	s1 =	smul.u32 $0x500, s1;
	s7 =	sadd.s32 s6, s7;
	s0 =	ssub.s32 s0, s19  }
0xb: {  	s19 =	simm.s32 $0x19000;
	s7 =	sshrl.u32 s7, $0x3;
	s21 =	sshrl.u32 s8, $0x2  }
0xc: {  	s8 =	sadd.s32 s6, s2;
	s14 =	smax.u32 s0, $0x1;
	s1 =	sadd.s32 s1, s5  }
0xd: {  	s0 =	simm.s32 $0x7;
	s6 =	simm.s32 $0x0;
	s20 =	sadd.s32 $0x3BE00, s1  }
0xe: {  	s22 =	sadd.s32 s21, s2;
	s1 =	sadd.s32 $0x31E00, s1;
	[dreg:$0x4] =	wrdreg s20  }
0xf: {  	s5 =	sadd.s32 s7, s5;
	s23 =	sadd.s32 $0x2000, s22;
	[dreg:$0x5] =	wrdreg s1  }
0x10: {  	s21 =	simm.s32 $0x4;
	s24 =	sadd.s32 $0x4000, s22;
	[dreg:$0x6] =	wrdreg s23  }
0x11: {  	s25 =	sadd.s32 $0x6000, s22;
	s26 =	sadd.s32 $0xAAA00, s5;
	[dreg:$0x7] =	wrdreg s24  }
0x12: {  	s5 =	simm.s32 $0x8;
	[dreg:$0x8] =	wrdreg s25;
	s1 =	sadd.s32 $0x8000, s22  }
0x13: {  	[dreg:$0xa] =	wrdreg s26;
	s20 =	simm.s32 $0x1A000;
	s22 =	simm.s32 $0x1B000  }
0x14: {  	s24 =	simm.s32 $0x1C000;
	s25 =	simm.s32 $0x1;
	s26 =	simm.s32 $0x5000  }
0x15: {  	s23 =	simm.s32 $0xB000;
	[dreg:$0x9] =	wrdreg s1;
	s1 =	simm.s32 $0x3  }
.LBB2_1:
0x16: {  	s7 =	rddreg [dreg:$0x4]  }
0x17: {  	[tilespmem:s3], [sflag:$0x9] =	stream.linear.gather [hbm4b:s7+s3], $0x2800, $0x38;
	[tilespmem:$0x1D000] =	vst v63  }
0x18: {  	_ =	swait.ge [sflag:s15], $0x2800  }
0x19: {  	[sflag:s15] =	ssyncset.done $0x0  }
0x1a: {  	s9 =	simm.s32 $0x2800;
	s11 =	rddreg [dreg:$0x5];
	[sflag:s15] =	ssyncadd.s32 $0xFFFFD800  }
0x1b: {  	[tilespmem:s9], [sflag:$0x9] =	stream.linear.gather [hbm4b:s11+s3], $0x2800, $0x38;
	[tilespmem:$0x1D000] =	vst v63  }
0x1c: {  	_ =	swait.ge [sflag:s15], $0x2800  }
0x1d: {  	[sflag:s15] =	ssyncset.done $0x0  }
0x1e: {  	s12 =	rddreg [dreg:$0x3];
	[sflag:s15] =	ssyncadd.s32 $0xFFFFD800  }
0x1f: {  	[tilespmem:s17], [sflag:$0x9] =	stream.linear.gather [hbm4b:s12+s3], $0x2000, $0x38;
	[tilespmem:$0x1D000] =	vst v63  }
0x20: {  	_ =	swait.ge [sflag:s15], $0x2000  }
0x21: {  	[sflag:s15] =	ssyncset.done $0x0  }
0x22: {  	[sflag:s15] =	ssyncadd.s32 $0xFFFFE000  }
0x23: {  	[spmem:s8] =	stream.linear.scatter [tilespmem:s17], [sflag:$0x9], $0x2000, $0x38;
	[tilespmem:$0x1D000] =	vst v63  }
0x24: {  	_ =	swait.ge [sflag:s15], $0x2000  }
0x25: {  	[sflag:s15] =	ssyncset.done $0x0  }
0x26: {  	s13 =	rddreg [dreg:$0x6];
	[sflag:s15] =	ssyncadd.s32 $0xFFFFE000  }
0x27: {  	[spmem:s13] =	stream.linear.scatter [tilespmem:s17], [sflag:$0x9], $0x2000, $0x38;
	[tilespmem:$0x1D000] =	vst v63  }
0x28: {  	_ =	swait.ge [sflag:s15], $0x2000  }
0x29: {  	[sflag:s15] =	ssyncset.done $0x0  }
0x2a: {  	s9 =	rddreg [dreg:$0x7];
	[sflag:s15] =	ssyncadd.s32 $0xFFFFE000  }
0x2b: {  	[spmem:s9] =	stream.linear.scatter [tilespmem:s17], [sflag:$0x9], $0x2000, $0x38;
	[tilespmem:$0x1D000] =	vst v63  }
0x2c: {  	_ =	swait.ge [sflag:s15], $0x2000  }
0x2d: {  	[sflag:s15] =	ssyncset.done $0x0  }
0x2e: {  	s10 =	rddreg [dreg:$0x8];
	[sflag:s15] =	ssyncadd.s32 $0xFFFFE000  }
0x2f: {  	[spmem:s10] =	stream.linear.scatter [tilespmem:s17], [sflag:$0x9], $0x2000, $0x38;
	[tilespmem:$0x1D000] =	vst v63  }
0x30: {  	_ =	swait.ge [sflag:s15], $0x2000  }
0x31: {  	[sflag:s15] =	ssyncset.done $0x0  }
0x32: {  	s11 =	rddreg [dreg:$0x9];
	[sflag:s15] =	ssyncadd.s32 $0xFFFFE000  }
0x33: {  	[spmem:s11] =	stream.linear.scatter [tilespmem:s17], [sflag:$0x9], $0x2000, $0x38;
	[tilespmem:$0x1D000] =	vst v63  }
0x34: {  	_ =	swait.ge [sflag:s15], $0x2000  }
0x35: {  	[sflag:s15] =	ssyncset.done $0x0  }
0x36: {  	[sflag:s15] =	ssyncadd.s32 $0xFFFFE000  }
0x37: {  	[bflag:$0x0] =	sbarrier.arrive $0xFFFF  }
0x38: {  	[tilespmem:s19], [sflag:$0x1] =	stream.indirect.gather [hbm4b:s4+s18], $0x20, s3, s18, $0xb8;
	[tilespmem:$0x1D000] =	vst v63  }
0x39: {  	_ = 	snop  }
0x3a: {  	[tilespmem:s20], [sflag:$0x2] =	stream.indirect.gather [hbm4b:s4+s18], $0x20, s18, s18, $0xb8;
	[tilespmem:$0x1D000] =	vst v63  }
0x3b: {  	s12 =	simm.s32 $0x100  }
0x3c: {  	[tilespmem:s22], [sflag:$0x3] =	stream.indirect.gather [hbm4b:s4+s18], $0x20, s12, s18, $0xb8;
	[tilespmem:$0x1D000] =	vst v63  }
0x3d: {  	s7 =	simm.s32 $0x0;
	s13 =	simm.s32 $0x180  }
0x3e: {  	[tilespmem:s24], [sflag:$0x4] =	stream.indirect.gather [hbm4b:s4+s18], $0x20, s13, s18, $0xb8;
	[tilespmem:$0x1D000] =	vst v63  }
.LBB2_2:
0x3f: {  	_ =	swait.ge [sflag:s25], $0x1000  }
0x40: {  	[sflag:s25] =	ssyncset.done $0x0  }
0x41: {  	s10 =	simm.s32 $0x0;
	[sflag:s25] =	ssyncadd.s32 $0xFFFFF000  }
0x42: {  	v0 =	vld [tilespmem:s10+$0x19000];
	_ =	sdelay $0x4  }
0x43: {  	s9 =	simm.s32 $0x5020;
	v1 =	vunpack.i.l.bf16.f32 v0  }
0x44: {  	v0 =	vunpack.i.u.bf16.f32 v0;
	[tilespmem:s9+$0xFFFFFFE0] =	vst v1  }
0x45: {  	[tilespmem:s9+$0xFFFFFFF0] =	vst v0  }
0x46: {  	s11 =	simm.s32 $0x80;
	v0 =	vld [tilespmem:s10+$0x19010];
	s10 =	simm.s32 $0x5020  }
.LBB2_3:
0x47: {  	_ =	sdelay $0x2  }
0x48: {  	p0 =	sne.s32 s11, $0x3F80  }
0x49: {  	s9 =	sadd.s32 $0x40, s9;
	s12 =	smov.u32 s11;
	s11 =	sadd.s32 $0x80, s11;
	v1 =	vunpack.i.u.bf16.f32 v0;
	v0 =	vunpack.i.l.bf16.f32 v0  }
0x4a: {  	[tilespmem:s10+$0x0] =	vst v0  }
0x4b: {  	s12 =	sshra.s32 s12, $0x2;
	[tilespmem:s10+$0x10] =	vst v1;
	s10 =	smov.u32 s9  }
0x4c: {  	v0 =	vld [tilespmem:s12+$0x19000];
	_ =	sdelay $0x3  }
.Ltmp0:
0x4d: {  	(pc) =	sbr.rel @p0 .LBB2_3-.Ltmp0, $4  }
0x4e: {  	v1 =	vunpack.i.u.bf16.f32 v0;
	v0 =	vunpack.i.l.bf16.f32 v0  }
0x4f: {  	[tilespmem:s9+$0xFFFFFFE0] =	vst v0  }
0x50: {  	[tilespmem:s9+$0xFFFFFFF0] =	vst v1  }
0x51: {  	v0 =	vld [tilespmem:s12+$0x19010]  }
0x52: {  	_ =	sdelay $0x3  }
0x53: {  	s9 =	sshll.u32 s7, $0xB;
	v1 =	vunpack.i.l.bf16.f32 v0  }
0x54: {  	s9 =	sshrl.u32 s9, $0x2;
	v0 =	vunpack.i.u.bf16.f32 v0;
	[tilespmem:s10+$0x0] =	vst v1  }
0x55: {  	s13 =	sadd.s32 $0x2800, s9;
	[tilespmem:s10+$0x10] =	vst v0  }
0x56: {  	[spmem:s2] =	stream.indirect.scatter.add.f32 [tilespmem:s26], [sflag:$0x5], $0x40, s13, s18, $0xb8;
	[tilespmem:$0x1D000] =	vst v63  }
0x57: {  	_ =	swait.ge [sflag:s28], $0x1000  }
0x58: {  	[sflag:s28] =	ssyncset.done $0x0  }
0x59: {  	s11 =	simm.s32 $0x0;
	[sflag:s28] =	ssyncadd.s32 $0xFFFFF000  }
0x5a: {  	v0 =	vld [tilespmem:s11+$0x1A000];
	_ =	sdelay $0x4  }
0x5b: {  	s10 =	simm.s32 $0x7030;
	v1 =	vunpack.i.l.bf16.f32 v0  }
0x5c: {  	v0 =	vunpack.i.u.bf16.f32 v0;
	[tilespmem:s10+$0xFFFFFFD0] =	vst v1  }
0x5d: {  	[tilespmem:s10+$0xFFFFFFE0] =	vst v0  }
0x5e: {  	s12 =	simm.s32 $0x80;
	v0 =	vld [tilespmem:s11+$0x1A010];
	s11 =	simm.s32 $0x7030  }
.LBB2_5:
0x5f: {  	_ =	sdelay $0x2  }
0x60: {  	p0 =	sne.s32 s12, $0x3F80  }
0x61: {  	s10 =	sadd.s32 $0x40, s10;
	s13 =	smov.u32 s12;
	s12 =	sadd.s32 $0x80, s12;
	v1 =	vunpack.i.u.bf16.f32 v0;
	v0 =	vunpack.i.l.bf16.f32 v0  }
0x62: {  	[tilespmem:s11+$0xFFFFFFF0] =	vst v0  }
0x63: {  	s13 =	sshra.s32 s13, $0x2;
	[tilespmem:s11+$0x0] =	vst v1;
	s11 =	smov.u32 s10  }
0x64: {  	v0 =	vld [tilespmem:s13+$0x1A000];
	_ =	sdelay $0x3  }
.Ltmp1:
0x65: {  	(pc) =	sbr.rel @p0 .LBB2_5-.Ltmp1, $4  }
0x66: {  	v1 =	vunpack.i.u.bf16.f32 v0;
	v0 =	vunpack.i.l.bf16.f32 v0  }
0x67: {  	[tilespmem:s10+$0xFFFFFFD0] =	vst v0  }
0x68: {  	[tilespmem:s10+$0xFFFFFFE0] =	vst v1  }
0x69: {  	v0 =	vld [tilespmem:s13+$0x1A010]  }
0x6a: {  	_ =	sdelay $0x3  }
0x6b: {  	v1 =	vunpack.i.l.bf16.f32 v0  }
0x6c: {  	v0 =	vunpack.i.u.bf16.f32 v0;
	[tilespmem:s11+$0xFFFFFFF0] =	vst v1  }
0x6d: {  	s10 =	sadd.s32 $0x2880, s9;
	[tilespmem:s11+$0x0] =	vst v0  }
0x6e: {  	[spmem:s2] =	stream.indirect.scatter.add.f32 [tilespmem:s29], [sflag:$0x6], $0x40, s10, s18, $0xb8;
	[tilespmem:$0x1D000] =	vst v63  }
0x6f: {  	_ =	swait.ge [sflag:s30], $0x2000  }
0x70: {  	[sflag:s30] =	ssyncset.done $0x0  }
0x71: {  	s12 =	sadd.s32 $0x200, s9;
	[sflag:s30] =	ssyncadd.s32 $0xFFFFE000  }
0x72: {  	[tilespmem:s19], [sflag:$0x1] =	stream.indirect.gather [hbm4b:s4+s18], $0x20, s12, s18, $0xb8;
	[tilespmem:$0x1D000] =	vst v63  }
0x73: {  	_ =	swait.ge [sflag:s31], $0x2000  }
0x74: {  	[sflag:s31] =	ssyncset.done $0x0  }
0x75: {  	s13 =	sadd.s32 $0x280, s9;
	[sflag:s31] =	ssyncadd.s32 $0xFFFFE000  }
0x76: {  	[tilespmem:s20], [sflag:$0x2] =	stream.indirect.gather [hbm4b:s4+s18], $0x20, s13, s18, $0xb8;
	[tilespmem:$0x1D000] =	vst v63  }
0x77: {  	_ =	swait.ge [sflag:s1], $0x1000  }
0x78: {  	[sflag:s1] =	ssyncset.done $0x0  }
0x79: {  	s10 =	simm.s32 $0x1B010;
	[sflag:s1] =	ssyncadd.s32 $0xFFFFF000  }
0x7a: {  	v0 =	vld [tilespmem:s10+$0xFFFFFFF0];
	_ =	sdelay $0x4  }
0x7b: {  	s12 =	simm.s32 $0x0;
	v1 =	vunpack.i.l.bf16.f32 v0  }
0x7c: {  	v0 =	vunpack.i.u.bf16.f32 v0;
	[tilespmem:s12+$0x9000] =	vst v1  }
0x7d: {  	[tilespmem:s12+$0x9010] =	vst v0  }
0x7e: {  	s11 =	simm.s32 $0x100;
	v0 =	vld [tilespmem:s10+$0x0]  }
.LBB2_7:
0x7f: {  	_ =	sdelay $0x2  }
0x80: {  	p0 =	sne.s32 s11, $0x7F00  }
0x81: {  	s10 =	sadd.s32 $0x20, s10;
	s13 =	smov.u32 s11;
	s11 =	sadd.s32 $0x100, s11;
	v1 =	vunpack.i.u.bf16.f32 v0;
	v0 =	vunpack.i.l.bf16.f32 v0  }
0x82: {  	[tilespmem:s12+$0x9020] =	vst v0  }
0x83: {  	[tilespmem:s12+$0x9030] =	vst v1  }
0x84: {  	v0 =	vld [tilespmem:s10+$0xFFFFFFF0];
	_ =	sdelay $0x3  }
.Ltmp2:
0x85: {  	(pc) =	sbr.rel @p0 .LBB2_7-.Ltmp2, $4  }
0x86: {  	s12 =	sshra.s32 s13, $0x2;
	v1 =	vunpack.i.u.bf16.f32 v0;
	v0 =	vunpack.i.l.bf16.f32 v0  }
0x87: {  	[tilespmem:s12+$0x9000] =	vst v0  }
0x88: {  	[tilespmem:s12+$0x9010] =	vst v1  }
0x89: {  	v0 =	vld [tilespmem:s10+$0x0]  }
0x8a: {  	_ =	sdelay $0x3  }
0x8b: {  	v1 =	vunpack.i.l.bf16.f32 v0  }
0x8c: {  	v0 =	vunpack.i.u.bf16.f32 v0;
	[tilespmem:s12+$0x9020] =	vst v1  }
0x8d: {  	s10 =	sadd.s32 $0x2900, s9;
	[tilespmem:s12+$0x9030] =	vst v0  }
0x8e: {  	[spmem:s2] =	stream.indirect.scatter.add.f32 [tilespmem:s16], [sflag:$0x7], $0x40, s10, s18, $0xb8;
	[tilespmem:$0x1D000] =	vst v63  }
0x8f: {  	_ =	swait.ge [sflag:s21], $0x1000  }
0x90: {  	[sflag:s21] =	ssyncset.done $0x0  }
0x91: {  	s10 =	simm.s32 $0x1C010;
	[sflag:s21] =	ssyncadd.s32 $0xFFFFF000  }
0x92: {  	v0 =	vld [tilespmem:s10+$0xFFFFFFF0];
	_ =	sdelay $0x4  }
0x93: {  	s12 =	simm.s32 $0x0;
	v1 =	vunpack.i.l.bf16.f32 v0  }
0x94: {  	v0 =	vunpack.i.u.bf16.f32 v0;
	[tilespmem:s12+$0xB000] =	vst v1  }
0x95: {  	[tilespmem:s12+$0xB010] =	vst v0  }
0x96: {  	s11 =	simm.s32 $0x100;
	v0 =	vld [tilespmem:s10+$0x0]  }
.LBB2_9:
0x97: {  	_ =	sdelay $0x2  }
0x98: {  	p0 =	sne.s32 s11, $0x7F00  }
0x99: {  	s10 =	sadd.s32 $0x20, s10;
	s13 =	smov.u32 s11;
	s11 =	sadd.s32 $0x100, s11;
	v1 =	vunpack.i.u.bf16.f32 v0;
	v0 =	vunpack.i.l.bf16.f32 v0  }
0x9a: {  	[tilespmem:s12+$0xB020] =	vst v0  }
0x9b: {  	[tilespmem:s12+$0xB030] =	vst v1  }
0x9c: {  	v0 =	vld [tilespmem:s10+$0xFFFFFFF0];
	_ =	sdelay $0x3  }
.Ltmp3:
0x9d: {  	(pc) =	sbr.rel @p0 .LBB2_9-.Ltmp3, $4  }
0x9e: {  	s12 =	sshra.s32 s13, $0x2;
	v1 =	vunpack.i.u.bf16.f32 v0;
	v0 =	vunpack.i.l.bf16.f32 v0  }
0x9f: {  	[tilespmem:s12+$0xB000] =	vst v0  }
0xa0: {  	[tilespmem:s12+$0xB010] =	vst v1  }
0xa1: {  	v0 =	vld [tilespmem:s10+$0x0]  }
0xa2: {  	_ =	sdelay $0x3  }
0xa3: {  	v1 =	vunpack.i.l.bf16.f32 v0  }
0xa4: {  	v63 =	vunpack.i.u.bf16.f32 v0;
	[tilespmem:s12+$0xB020] =	vst v1  }
0xa5: {  	s10 =	sadd.s32 $0x2980, s9;
	[tilespmem:s12+$0xB030] =	vst v63  }
0xa6: {  	[spmem:s2] =	stream.indirect.scatter.add.f32 [tilespmem:s23], [sflag:$0x8], $0x40, s10, s18, $0xb8;
	[tilespmem:$0x1D000] =	vst v63  }
0xa7: {  	_ =	swait.ge [sflag:s0], $0x2000  }
0xa8: {  	s7 =	sadd.s32 $0x1, s7;
	[sflag:s0] =	ssyncset.done $0x0  }
0xa9: {  	p0 =	sne.s32 s7, $0x13;
	s12 =	sadd.s32 $0x300, s9;
	[sflag:s0] =	ssyncadd.s32 $0xFFFFE000  }
0xaa: {  	[tilespmem:s22], [sflag:$0x3] =	stream.indirect.gather [hbm4b:s4+s18], $0x20, s12, s18, $0xb8;
	[tilespmem:$0x1D000] =	vst v63  }
.Ltmp4:
0xab: {  	_ = 	snop;
	(pc) =	sbr.rel @p0 .LBB2_2-.Ltmp4, $4  }
0xac: {  	_ =	swait.ge [sflag:s5], $0x2000  }
0xad: {  	[sflag:s5] =	ssyncset.done $0x0  }
0xae: {  	s13 =	sadd.s32 $0x380, s9;
	[sflag:s5] =	ssyncadd.s32 $0xFFFFE000  }
0xaf: {  	[tilespmem:s24], [sflag:$0x4] =	stream.indirect.gather [hbm4b:s4+s18], $0x20, s13, s18, $0xb8;
	[tilespmem:$0x1D000] =	vst v63  }
0xb0: {  	_ =	swait.ge [sflag:s25], $0x1000  }
0xb1: {  	[sflag:s25] =	ssyncset.done $0x0  }
0xb2: {  	s9 =	simm.s32 $0x0;
	[sflag:s25] =	ssyncadd.s32 $0xFFFFF000  }
0xb3: {  	v0 =	vld [tilespmem:s9+$0x19000];
	_ =	sdelay $0x4  }
0xb4: {  	s7 =	simm.s32 $0x5020;
	v1 =	vunpack.i.l.bf16.f32 v0  }
0xb5: {  	v0 =	vunpack.i.u.bf16.f32 v0;
	[tilespmem:s7+$0xFFFFFFE0] =	vst v1  }
0xb6: {  	[tilespmem:s7+$0xFFFFFFF0] =	vst v0  }
0xb7: {  	s10 =	simm.s32 $0x80;
	v0 =	vld [tilespmem:s9+$0x19010];
	s9 =	simm.s32 $0x5020  }
.LBB2_12:
0xb8: {  	_ =	sdelay $0x2  }
0xb9: {  	p0 =	sne.s32 s10, $0x3F80  }
0xba: {  	s7 =	sadd.s32 $0x40, s7;
	s11 =	smov.u32 s10;
	s10 =	sadd.s32 $0x80, s10;
	v1 =	vunpack.i.u.bf16.f32 v0;
	v0 =	vunpack.i.l.bf16.f32 v0  }
0xbb: {  	[tilespmem:s9+$0x0] =	vst v0  }
0xbc: {  	s11 =	sshra.s32 s11, $0x2;
	[tilespmem:s9+$0x10] =	vst v1;
	s9 =	smov.u32 s7  }
0xbd: {  	v0 =	vld [tilespmem:s11+$0x19000];
	_ =	sdelay $0x3  }
.Ltmp5:
0xbe: {  	(pc) =	sbr.rel @p0 .LBB2_12-.Ltmp5, $4  }
0xbf: {  	v1 =	vunpack.i.u.bf16.f32 v0;
	v0 =	vunpack.i.l.bf16.f32 v0  }
0xc0: {  	[tilespmem:s7+$0xFFFFFFE0] =	vst v0  }
0xc1: {  	[tilespmem:s7+$0xFFFFFFF0] =	vst v1  }
0xc2: {  	v0 =	vld [tilespmem:s11+$0x19010]  }
0xc3: {  	_ =	sdelay $0x3  }
0xc4: {  	v1 =	vunpack.i.l.bf16.f32 v0  }
0xc5: {  	v0 =	vunpack.i.u.bf16.f32 v0;
	[tilespmem:s9+$0x0] =	vst v1  }
0xc6: {  	s7 =	simm.s32 $0x4E00;
	[tilespmem:s9+$0x10] =	vst v0  }
0xc7: {  	[spmem:s2] =	stream.indirect.scatter.add.f32 [tilespmem:s26], [sflag:$0x5], $0x40, s7, s18, $0xb8;
	[tilespmem:$0x1D000] =	vst v63  }
0xc8: {  	_ =	swait.ge [sflag:s28], $0x1000  }
0xc9: {  	[sflag:s28] =	ssyncset.done $0x0  }
0xca: {  	s13 =	simm.s32 $0x0;
	[sflag:s28] =	ssyncadd.s32 $0xFFFFF000  }
0xcb: {  	v0 =	vld [tilespmem:s13+$0x1A000];
	_ =	sdelay $0x4  }
0xcc: {  	s7 =	simm.s32 $0x7030;
	v1 =	vunpack.i.l.bf16.f32 v0  }
0xcd: {  	v0 =	vunpack.i.u.bf16.f32 v0;
	[tilespmem:s7+$0xFFFFFFD0] =	vst v1  }
0xce: {  	[tilespmem:s7+$0xFFFFFFE0] =	vst v0  }
0xcf: {  	s10 =	simm.s32 $0x80;
	s9 =	simm.s32 $0x7030;
	v0 =	vld [tilespmem:s13+$0x1A010]  }
.LBB2_14:
0xd0: {  	_ =	sdelay $0x2  }
0xd1: {  	p0 =	sne.s32 s10, $0x3F80  }
0xd2: {  	s7 =	sadd.s32 $0x40, s7;
	s11 =	smov.u32 s10;
	s10 =	sadd.s32 $0x80, s10;
	v1 =	vunpack.i.u.bf16.f32 v0;
	v0 =	vunpack.i.l.bf16.f32 v0  }
0xd3: {  	[tilespmem:s9+$0xFFFFFFF0] =	vst v0  }
0xd4: {  	s11 =	sshra.s32 s11, $0x2;
	[tilespmem:s9+$0x0] =	vst v1;
	s9 =	smov.u32 s7  }
0xd5: {  	v0 =	vld [tilespmem:s11+$0x1A000];
	_ =	sdelay $0x3  }
.Ltmp6:
0xd6: {  	(pc) =	sbr.rel @p0 .LBB2_14-.Ltmp6, $4  }
0xd7: {  	v1 =	vunpack.i.u.bf16.f32 v0;
	v0 =	vunpack.i.l.bf16.f32 v0  }
0xd8: {  	[tilespmem:s7+$0xFFFFFFD0] =	vst v0  }
0xd9: {  	[tilespmem:s7+$0xFFFFFFE0] =	vst v1  }
0xda: {  	v0 =	vld [tilespmem:s11+$0x1A010]  }
0xdb: {  	_ =	sdelay $0x3  }
0xdc: {  	v1 =	vunpack.i.l.bf16.f32 v0  }
0xdd: {  	v0 =	vunpack.i.u.bf16.f32 v0;
	[tilespmem:s9+$0xFFFFFFF0] =	vst v1  }
0xde: {  	s7 =	simm.s32 $0x4E80;
	[tilespmem:s9+$0x0] =	vst v0  }
0xdf: {  	[spmem:s2] =	stream.indirect.scatter.add.f32 [tilespmem:s29], [sflag:$0x6], $0x40, s7, s18, $0xb8;
	[tilespmem:$0x1D000] =	vst v63  }
0xe0: {  	_ =	swait.ge [sflag:s30], $0x2000  }
0xe1: {  	[sflag:s30] =	ssyncset.done $0x0  }
0xe2: {  	[sflag:s30] =	ssyncadd.s32 $0xFFFFE000  }
0xe3: {  	_ =	swait.ge [sflag:s31], $0x2000  }
0xe4: {  	[sflag:s31] =	ssyncset.done $0x0  }
0xe5: {  	[sflag:s31] =	ssyncadd.s32 $0xFFFFE000  }
0xe6: {  	_ =	swait.ge [sflag:s1], $0x1000  }
0xe7: {  	[sflag:s1] =	ssyncset.done $0x0  }
0xe8: {  	s7 =	simm.s32 $0x1B010;
	[sflag:s1] =	ssyncadd.s32 $0xFFFFF000  }
0xe9: {  	v0 =	vld [tilespmem:s7+$0xFFFFFFF0];
	_ =	sdelay $0x4  }
0xea: {  	s10 =	simm.s32 $0x0;
	v1 =	vunpack.i.l.bf16.f32 v0  }
0xeb: {  	v0 =	vunpack.i.u.bf16.f32 v0;
	[tilespmem:s10+$0x9000] =	vst v1  }
0xec: {  	[tilespmem:s10+$0x9010] =	vst v0  }
0xed: {  	s9 =	simm.s32 $0x100;
	v0 =	vld [tilespmem:s7+$0x0]  }
.LBB2_16:
0xee: {  	_ =	sdelay $0x2  }
0xef: {  	p0 =	sne.s32 s9, $0x7F00  }
0xf0: {  	s7 =	sadd.s32 $0x20, s7;
	s11 =	smov.u32 s9;
	s9 =	sadd.s32 $0x100, s9;
	v1 =	vunpack.i.u.bf16.f32 v0;
	v0 =	vunpack.i.l.bf16.f32 v0  }
0xf1: {  	[tilespmem:s10+$0x9020] =	vst v0  }
0xf2: {  	[tilespmem:s10+$0x9030] =	vst v1  }
0xf3: {  	v0 =	vld [tilespmem:s7+$0xFFFFFFF0];
	_ =	sdelay $0x3  }
.Ltmp7:
0xf4: {  	(pc) =	sbr.rel @p0 .LBB2_16-.Ltmp7, $4  }
0xf5: {  	s10 =	sshra.s32 s11, $0x2;
	v1 =	vunpack.i.u.bf16.f32 v0;
	v0 =	vunpack.i.l.bf16.f32 v0  }
0xf6: {  	[tilespmem:s10+$0x9000] =	vst v0  }
0xf7: {  	[tilespmem:s10+$0x9010] =	vst v1  }
0xf8: {  	v0 =	vld [tilespmem:s7+$0x0]  }
0xf9: {  	_ =	sdelay $0x3  }
0xfa: {  	v1 =	vunpack.i.l.bf16.f32 v0  }
0xfb: {  	v0 =	vunpack.i.u.bf16.f32 v0;
	[tilespmem:s10+$0x9020] =	vst v1  }
0xfc: {  	s7 =	simm.s32 $0x4F00;
	[tilespmem:s10+$0x9030] =	vst v0  }
0xfd: {  	[spmem:s2] =	stream.indirect.scatter.add.f32 [tilespmem:s16], [sflag:$0x7], $0x40, s7, s18, $0xb8;
	[tilespmem:$0x1D000] =	vst v63  }
0xfe: {  	_ =	swait.ge [sflag:s21], $0x1000  }
0xff: {  	[sflag:s21] =	ssyncset.done $0x0  }
0x100: {  	s7 =	simm.s32 $0x1C010;
	[sflag:s21] =	ssyncadd.s32 $0xFFFFF000  }
0x101: {  	v0 =	vld [tilespmem:s7+$0xFFFFFFF0];
	_ =	sdelay $0x4  }
0x102: {  	s10 =	simm.s32 $0x0;
	v1 =	vunpack.i.l.bf16.f32 v0  }
0x103: {  	v0 =	vunpack.i.u.bf16.f32 v0;
	[tilespmem:s10+$0xB000] =	vst v1  }
0x104: {  	[tilespmem:s10+$0xB010] =	vst v0  }
0x105: {  	s9 =	simm.s32 $0x100;
	v0 =	vld [tilespmem:s7+$0x0]  }
.LBB2_18:
0x106: {  	_ =	sdelay $0x2  }
0x107: {  	p0 =	sne.s32 s9, $0x7F00  }
0x108: {  	s7 =	sadd.s32 $0x20, s7;
	s11 =	smov.u32 s9;
	s9 =	sadd.s32 $0x100, s9;
	v1 =	vunpack.i.u.bf16.f32 v0;
	v0 =	vunpack.i.l.bf16.f32 v0  }
0x109: {  	[tilespmem:s10+$0xB020] =	vst v0  }
0x10a: {  	[tilespmem:s10+$0xB030] =	vst v1  }
0x10b: {  	v0 =	vld [tilespmem:s7+$0xFFFFFFF0];
	_ =	sdelay $0x3  }
.Ltmp8:
0x10c: {  	(pc) =	sbr.rel @p0 .LBB2_18-.Ltmp8, $4  }
0x10d: {  	s10 =	sshra.s32 s11, $0x2;
	v1 =	vunpack.i.u.bf16.f32 v0;
	v0 =	vunpack.i.l.bf16.f32 v0  }
0x10e: {  	[tilespmem:s10+$0xB000] =	vst v0  }
0x10f: {  	[tilespmem:s10+$0xB010] =	vst v1  }
0x110: {  	v0 =	vld [tilespmem:s7+$0x0]  }
0x111: {  	_ =	sdelay $0x3  }
0x112: {  	v1 =	vunpack.i.l.bf16.f32 v0  }
0x113: {  	v63 =	vunpack.i.u.bf16.f32 v0;
	[tilespmem:s10+$0xB020] =	vst v1  }
0x114: {  	s7 =	simm.s32 $0x4F80;
	[tilespmem:s10+$0xB030] =	vst v63  }
0x115: {  	[spmem:s2] =	stream.indirect.scatter.add.f32 [tilespmem:s23], [sflag:$0x8], $0x40, s7, s18, $0xb8;
	[tilespmem:$0x1D000] =	vst v63  }
0x116: {  	_ =	swait.ge [sflag:s0], $0x2000  }
0x117: {  	[sflag:s0] =	ssyncset.done $0x0  }
0x118: {  	[sflag:s0] =	ssyncadd.s32 $0xFFFFE000  }
0x119: {  	_ =	swait.ge [sflag:s5], $0x2000  }
0x11a: {  	s12 =	stileid.u32;
	[sflag:s5] =	ssyncset.done $0x0  }
0x11b: {  	s9 =	sshrl.u32 s8, $0x3;
	s6 =	sadd.s32 $0x1, s6;
	[sflag:s5] =	ssyncadd.s32 $0xFFFFE000  }
0x11c: {  	p0 =	sne.s32 s6, s14;
	s7 =	sshll.u32 s12, $0x6;
	[bflag:$0x0] =	sbarrier.arrive $0xFFFF  }
.Ltmp9:
0x11d: {  	s7 =	sor.u32 $0x1C09, s7;
	s13 =	rddreg [dreg:$0xa];
	(pc) =	sbr.rel @p0 .LBB2_1-.Ltmp9, $4  }
0x11e: {  	[hbm:s13], [sflag:s7] =	dma.local [spmem:s9], $0x1400  }
0x11f: {  	_ =	swait.ge [sflag:s15], $0x1400  }
0x120: {  	[sflag:s15] =	ssyncset.done $0x0  }
0x121: {  	[sflag:s15] =	ssyncadd.s32 $0xFFFFEC00  }
0x122: {  	_ =	sfence.sel $0x180000  }
0x123: {  	[bflag:$0x0] =	sbarrier.arrive $0xFFFF  }
0x124: {  	_ =	strace $0x9000004A  }
0x125: {  	s0 =	stileid.u32;
	[bflag:$0x2] =	sbarrier.arrive $0xFFFF  }
0x126: {  	p0 =	sne.s32 s0, $0x0;
	s0 =	rddreg [dreg:$0x2]  }
0x127: {  	s0 =	sadd.s32 @!p0 $0x100000, s0  }
0x128: {  	[sflag:s0] =	ssyncadd.tile.s32 @!p0 $0x1;
	_ =	shalt  }
.Lfunc_end2:
_tile_overlayer_lowered:
.L_overlay_start_2:
0x129: {  	(tag) =	ssettag $0x2  }
0x12a: {  	s0 =	rddreg [dreg:$0x0];
	s2 =	stileid.u32  }
0x12b: {  	s1 =	rddreg [dreg:$0x1];
	p0 =	sne.s32 s2, $0x0  }
0x12c: {  	s3 =	rddreg [dreg:$0x2];
	[bflag:$0x3] =	sbarrier.arrive $0xFFFF;
	s2 =	simm.s32 @!p0 $0x1C09  }
0x12d: {  	[timem:s3], [sflag:s2] =	dma.local @!p0 [hbm:s0], s1  }
0x12e: {  	s0 =	simm.s32 @!p0 $0x9  }
0x12f: {  	_ =	swait.ge @!p0 [sflag:s0], s1  }
0x130: {  	s1 =	ssub.s32 @!p0 $0x0, s1;
	[sflag:s0] =	ssyncset.done @!p0 $0x0  }
0x131: {  	[sflag:s0] =	ssyncadd.s32 @!p0 s1  }
0x132: {  	[bflag:$0x3] =	sbarrier.arrive $0xFFFF  }
0x133: {  	_ =	shalt  }

// kernel: kernel.15.cloned.1.call-start
scs
__scs_entry_jumppad:
0x0: {  	(pc) =	sbr.rel $0x88, $3  }
0x1: {  	(tag) =	ssettag $0x0;
	lr =	simm.s32 $0x1  }
0x2: {  	[smem:$0x3F8F] =	sst lr;
	_ =	strace $0xD0000000  }
0x3: {  	_ = 	snop  }
0x4: {  	_ = 	snop  }
0x5: {  	_ = 	snop  }
0x6: {  	_ = 	snop  }
0x7: {  	_ = 	snop  }
__scs_overlays_trampoline_lowered:
0x8: {  	[smem:$0x3F9E] =	sst s0  }
0x9: {  	[smem:$0x3F9F] =	sst s1  }
0xa: {  	[smem:$0x3FA0] =	sst s2  }
0xb: {  	[smem:$0x3FA1] =	sst s3  }
0xc: {  	[smem:$0x3FA2] =	sst s4  }
0xd: {  	[smem:$0x3FA3] =	sst s5  }
0xe: {  	[smem:$0x3FA4] =	sst s6  }
0xf: {  	[smem:$0x3FA5] =	sst s7  }
0x10: {  	[smem:$0x3FA6] =	sst s8  }
0x11: {  	[smem:$0x3FA7] =	sst s9;
	s0 =	simm.s32 @!p0 $0x0  }
0x12: {  	s1 =	sld [smem:$0x3F8D];
	s0 =	simm.s32 @p0 $0x1  }
0x13: {  	[smem:$0x3FA8] =	sst s0;
	s0 =	simm.s32 @!p1 $0x0  }
0x14: {  	s2 =	sld [smem:$0x3F8C];
	s0 =	simm.s32 @p1 $0x1  }
0x15: {  	[smem:$0x3FA9] =	sst s0;
	s0 =	simm.s32 @!p2 $0x0  }
0x16: {  	s3 =	sld [smem:$0x3FDB];
	s0 =	simm.s32 @p2 $0x1  }
0x17: {  	s4 =	simm.s32 $0x1BF5;
	[smem:$0x3FAB] =	sst s0  }
0x18: {  	s0 =	sld [smem:$0x3F8E];
	_ =	swait.ge [sflag:s4], $0x0  }
0x19: {  	s7 =	sld [smem:$0x3F8F]  }
0x1a: {  	s8 =	sadd.s32 $0xFFFFE003, lr  }
0x1b: {  	s9 =	sadd.s32 $0xFFFFFEF7, lr;
	s5 =	simm.s32 $0xFFFFFFFF;
	p2 =	slt.u32 s8, $0xFFFFF086  }
0x1c: {  	p1 =	slt.u32 s9, $0xF7A;
	s5 =	simm.s32 @!p2 $0x0  }
0x1d: {  	s5 =	simm.s32 @p1 $0x1;
	p0 =	seq.s32 s7, s2  }
0x1e: {  	s7 =	smul.u32 @!p0 $0xF7A, s2;
	p2 =	seq.s32 @!p0 s5, $0x0  }
0x1f: {  	s9 =	smul.u32 $0xF7A, s1;
	s8 =	simm.s32 @!p0 $0x1BF5;
	p2 =	por !p2, p0  }
0x20: {  	[sflag:s8] =	ssyncset.s32 @!p0 $0xFFFFF086;
	s6 =	sadd.s32 @!p0 s3, s7;
	s7 =	simm.s32 @!p0 $0x108  }
0x21: {  	s3 =	sadd.s32 s3, s9;
	s6 =	sadd.s32 @!p0 $0x88, s6;
	s7 =	simm.s32 @p2 $0x1082  }
0x22: {  	[simem:s7], [sflag:s8] =	dma.local @!p0 [hbm:s6], $0xF7A  }
0x23: {  	s9 =	sor.u32 $0xD0000000, s2;
	s6 =	simm.s32 $0x108;
	_ =	swait.ge @!p0 [sflag:s8], $0x0  }
0x24: {  	s3 =	sadd.s32 $0x88, s3;
	s6 =	simm.s32 @!p1 $0x1082;
	[sflag:s4] =	ssyncset.s32 $0xFFFFF086  }
0x25: {  	[simem:s6], [sflag:s4] =	dma.local [hbm:s3], $0xF7A  }
0x26: {  	[smem:$0x3F8F] =	sst s1;
	(tag) =	ssettag s2;
	_ =	strace s9  }
0x27: {  	s1 =	sld [smem:$0x3F9F]  }
0x28: {  	s2 =	sld [smem:$0x3FA0]  }
0x29: {  	s4 =	sld [smem:$0x3FA2]  }
0x2a: {  	p0 =	seq.s32 s5, $0x0;
	s5 =	sld [smem:$0x3FA3]  }
0x2b: {  	s6 =	sld [smem:$0x3FA4]  }
0x2c: {  	s7 =	sld [smem:$0x3FA5]  }
0x2d: {  	s3 =	simm.s32 $0x108;
	s8 =	sld [smem:$0x3FA6]  }
0x2e: {  	s3 =	simm.s32 @!p0 $0x1082;
	s9 =	sld [smem:$0x3FA7]  }
0x2f: {  	lr =	sadd.s32 s0, s3;
	s0 =	sld [smem:$0x3F9E]  }
0x30: {  	s3 =	sld [smem:$0x3FA1]  }
0x31: {  	[smem:$0x3FAA] =	sst s10  }
0x32: {  	s10 =	sld [smem:$0x3FA8];
	_ =	sdelay $0x3  }
0x33: {  	p0 =	seq.s32 s10, $0x1;
	s10 =	sld [smem:$0x3FAA];
	_ =	sdelay $0x3  }
0x34: {  	[smem:$0x3FAA] =	sst s10  }
0x35: {  	s10 =	sld [smem:$0x3FA9];
	_ =	sdelay $0x3  }
0x36: {  	p1 =	seq.s32 s10, $0x1;
	s10 =	sld [smem:$0x3FAA];
	_ =	sdelay $0x3  }
0x37: {  	[smem:$0x3FAA] =	sst s10  }
0x38: {  	s10 =	sld [smem:$0x3FAB]  }
0x39: {  	_ = 	snop;
	(pc) =	sbr.ind lr, $3  }
0x3a: {  	_ = 	snop  }
0x3b: {  	_ = 	snop  }
0x3c: {  	p2 =	seq.s32 s10, $0x1;
	s10 =	sld [smem:$0x3FAA]  }
0x3d: {  	_ =	shalt  }
0x3e: {  	_ =	shalt  }
0x3f: {  	_ =	shalt  }
0x40: {  	_ =	shalt  }
0x41: {  	_ =	shalt  }
0x42: {  	_ =	shalt  }
0x43: {  	_ =	shalt  }
0x44: {  	_ =	shalt  }
0x45: {  	_ =	shalt  }
0x46: {  	_ =	shalt  }
0x47: {  	_ =	shalt  }
0x48: {  	_ =	shalt  }
0x49: {  	_ =	shalt  }
0x4a: {  	_ =	shalt  }
0x4b: {  	_ =	shalt  }
0x4c: {  	_ =	shalt  }
0x4d: {  	_ =	shalt  }
0x4e: {  	_ =	shalt  }
0x4f: {  	_ =	shalt  }
0x50: {  	_ =	shalt  }
0x51: {  	_ =	shalt  }
0x52: {  	_ =	shalt  }
0x53: {  	_ =	shalt  }
0x54: {  	_ =	shalt  }
0x55: {  	_ =	shalt  }
0x56: {  	_ =	shalt  }
0x57: {  	_ =	shalt  }
0x58: {  	_ =	shalt  }
0x59: {  	_ =	shalt  }
0x5a: {  	_ =	shalt  }
0x5b: {  	_ =	shalt  }
0x5c: {  	_ =	shalt  }
0x5d: {  	_ =	shalt  }
0x5e: {  	_ =	shalt  }
0x5f: {  	_ =	shalt  }
0x60: {  	_ =	shalt  }
0x61: {  	_ =	shalt  }
0x62: {  	_ =	shalt  }
0x63: {  	_ =	shalt  }
0x64: {  	_ =	shalt  }
0x65: {  	_ =	shalt  }
0x66: {  	_ =	shalt  }
0x67: {  	_ =	shalt  }
0x68: {  	_ =	shalt  }
0x69: {  	_ =	shalt  }
0x6a: {  	_ =	shalt  }
0x6b: {  	_ =	shalt  }
0x6c: {  	_ =	shalt  }
0x6d: {  	_ =	shalt  }
0x6e: {  	_ =	shalt  }
0x6f: {  	_ =	shalt  }
0x70: {  	_ =	shalt  }
0x71: {  	_ =	shalt  }
0x72: {  	_ =	shalt  }
0x73: {  	_ =	shalt  }
0x74: {  	_ =	shalt  }
0x75: {  	_ =	shalt  }
0x76: {  	_ =	shalt  }
0x77: {  	_ =	shalt  }
0x78: {  	_ =	shalt  }
0x79: {  	_ =	shalt  }
0x7a: {  	_ =	shalt  }
0x7b: {  	_ =	shalt  }
0x7c: {  	_ =	shalt  }
0x7d: {  	_ =	shalt  }
0x7e: {  	_ =	shalt  }
0x7f: {  	_ =	shalt  }
0x80: {  	_ =	shalt  }
0x81: {  	_ =	shalt  }
0x82: {  	_ =	shalt  }
0x83: {  	_ =	shalt  }
0x84: {  	_ =	shalt  }
0x85: {  	_ =	shalt  }
0x86: {  	_ =	shalt  }
0x87: {  	_ =	shalt  }
.Lfunc_end0:
.L_simem_size_0:
called_computation.2_lowered:
.L_overlay_start_0:
0x88: {  	s2 =	sld [smem:$0x3FD9]  }
0x89: {  	s3 =	sld [smem:$0x3FFE];
	_ =	sdelay $0x1  }
0x8a: {  	s1 =	srdreg.scid  }
0x8b: {  	s0 =	sand.u32 $0x1, s1  }
0x8c: {  	s16 =	sshll.u32 s0, $0xA;
	s2 =	sadd.s32 s3, s2  }
0x8d: {  	s2 =	sadd.s32 s2, s16  }
0x8e: {  	[smem:$0x3FB6] =	sst s2  }
0x8f: {  	_ = 	snop  }
0x90: {  	(tm) =	ssettm $0x1  }
0x91: {  	s17 =	sld [smem:$0x3FFB];
	_ =	sdelay $0x3  }
0x92: {  	_ =	strace s17  }
0x93: {  	s2 =	sld [smem:$0x3FFC];
	_ =	sdelay $0x3  }
0x94: {  	_ =	strace s2  }
0x95: {  	s2 =	sld [smem:$0x3FFD];
	_ =	sdelay $0x3  }
0x96: {  	_ =	strace s2  }
0x97: {  	_ =	strace $0x8FFFFFFF  }
0x98: {  	s18 =	sld [smem:$0x3FDB];
	_ =	sdelay $0x1  }
0x99: {  	s19 =	simm.s32 $_scs_section_size  }
0x9a: {  	s4 =	simm.s32 $_size__tile_overlayer_lowered;
	s5 =	simm.s32 $_tile_overlayer_lowered  }
0x9b: {  	s22 =	simm.s32 $0x1BFF;
	s21 =	sshll.u32 s5, $0x1;
	s2 =	sadd.s32 s19, s18  }
0x9c: {  	s6 =	simm.s32 $0x0;
	s20 =	sshll.u32 s4, $0x1;
	s4 =	sadd.s32 s21, s2  }
0x9d: {  	[timem:s6], [sflag:s22] =	dma.local [hbm:s4], s20  }
0x9e: {  	_ =	swait.ge [sflag:s22], s20  }
0x9f: {  	s3 =	ssub.s32 $0x0, s20;
	[sflag:s22] =	ssyncset.done $0x0  }
0xa0: {  	[sflag:s22] =	ssyncadd.s32 s3;
	_ =	sdelay $0x1  }
0xa1: {  	s23 =	simm.s32 $0x1B8B  }
0xa2: {  	_ =	swait.ge [sflag:s23], $0x1  }
0xa3: {  	[sflag:s23] =	ssyncset.done $0x0  }
0xa4: {  	s25 =	simm.s32 $0x1B8E;
	s24 =	sld [smem:$0x3FFE];
	[sflag:s23] =	ssyncadd.s32 $0xFFFFFFFF  }
0xa5: {  	s26 =	simm.s32 $execute0_lowered;
	[smem:$0x3FD2] =	sst s25  }
0xa6: {  	s4 =	sshll.u32 s26, $0x1;
	_ =	strace $0x8000004C;
	[dreg:$0x1] =	wrdreg $0xFFFFFFFF  }
0xa7: {  	s28 =	simm.s32 $_size_execute0_lowered;
	s2 =	sadd.s32 s2, s4;
	[dreg:$0x0] =	wrdreg $0x0  }
0xa8: {  	s4 =	sshll.u32 s28, $0x1;
	[dreg:$0x2] =	wrdreg s2  }
0xa9: {  	[dreg:$0x3] =	wrdreg s4  }
0xaa: {  	[dreg:$0x4] =	wrdreg $0xC0  }
0xab: {  	_ =	task [dreg:s6], $0x5FFFF  }
0xac: {  	[dreg:$0x1] =	wrdreg $0xFFFFFFFF  }
0xad: {  	[dreg:$0x0] =	wrdreg $0x60  }
0xae: {  	[dreg:$0x2] =	wrdreg s24  }
0xaf: {  	[dreg:$0x3] =	wrdreg $0xF0000  }
0xb0: {  	[dreg:$0x4] =	wrdreg $0x9  }
0xb1: {  	_ =	task.clear_ibuf [dreg:s6], $0x5FFFF;
	_ =	strace $0x9000004C  }
0xb2: {  	s29 =	simm.s32 $0x9;
	_ =	strace $0x8000004E  }
0xb3: {  	_ =	swait.ge [sflag:s29], $0x1  }
0xb4: {  	[sflag:s29] =	ssyncadd.s32 $0xFFFFFFFF  }
0xb5: {  	_ =	strace $0x9000004E  }
0xb6: {  	_ =	sfence  }
0xb7: {  	s30 =	sld [smem:$0x0];
	_ =	sdelay $0x2  }
0xb8: {  	s31 =	sshll.u32 s1, $0xD;
	s1 =	sshrl.u32 s1, $0x2  }
0xb9: {  	s3 =	sand.u32 $0x4000, s31;
	s1 =	sadd.s32 s1, s30  }
0xba: {  	s0 =	sor.u32 s3, s0;
	s1 =	sshll.u32 s1, $0x11  }
0xbb: {  	s0 =	sor.u32 s1, s0  }
0xbc: {  	s0 =	sadd.s32 $0x8F2B, s0  }
0xbd: {  	[sflag:s0] =	ssyncadd.remote.s32 $0x1  }
0xbe: {  	_ =	sfence.sel $0xFFFF  }
0xbf: {  	[dreg:$0x0] =	wrdreg $0xFFFFFFFF;
	(pc) =	sbr.abs _section_cstart, $3  }
0xc0: {  	[dreg:$0x1] =	wrdreg $0xFFFFFFFF  }
0xc1: {  	_ =	task.clear_ibuf [dreg:s6], $0x2FFFF;
	_ =	strace $0x9FFFFFFF  }
0xc2: {  	(tm) =	ssettm $0x7FFFFFFF  }
0xc3: {  	_ =	shalt  }
tec
execute0_lowered:
.L_overlay_start_1:
0x0: {  	(tag) =	ssettag $0x1  }
0x1: {  	s0 =	srdreg.scid;
	s5 =	rddreg [dreg:$0x0]  }
0x2: {  	s8 =	stileid.u32;
	s2 =	rddreg [dreg:$0x1];
	s3 =	simm.s32 $0x0  }
0x3: {  	s15 =	simm.s32 $0x9;
	s17 =	simm.s32 $0xD000;
	s18 =	simm.s32 $0x80  }
0x4: {  	s28 =	simm.s32 $0x2;
	s29 =	simm.s32 $0x7000;
	s30 =	simm.s32 $0x5  }
0x5: {  	s31 =	simm.s32 $0x6;
	s16 =	simm.s32 $0x9000;
	s0 =	sand.u32 $0x1, s0  }
0x6: {  	s6 =	smul.u32 $0xA000, s8;
	[smem:$0x7FF] =	sst s3;
	s4 =	sadd.s32 $0x45E00, s5  }
0x7: {  	s9 =	sadd.s32 $0x2CE00, s5;
	s1 =	sshll.u32 s0, $0x4;
	s7 =	smul.u32 $0xA0000, s0  }
0x8: {  	_ =	strace $0x8000004D;
	s0 =	ssub.s32 $0x2, s0;
	[dreg:$0x3] =	wrdreg s9  }
0x9: {  	s1 =	sor.u32 s8, s1;
	s8 =	smul.u32 $0x28000, s8;
	s19 =	sshrl.u32 s0, $0x1  }
0xa: {  	s1 =	smul.u32 $0x500, s1;
	s7 =	sadd.s32 s6, s7;
	s0 =	ssub.s32 s0, s19  }
0xb: {  	s19 =	simm.s32 $0x19000;
	s7 =	sshrl.u32 s7, $0x3;
	s21 =	sshrl.u32 s8, $0x2  }
0xc: {  	s8 =	sadd.s32 s6, s2;
	s14 =	smax.u32 s0, $0x1;
	s1 =	sadd.s32 s1, s5  }
0xd: {  	s0 =	simm.s32 $0x7;
	s6 =	simm.s32 $0x0;
	s20 =	sadd.s32 $0x3BE00, s1  }
0xe: {  	s22 =	sadd.s32 s21, s2;
	s1 =	sadd.s32 $0x31E00, s1;
	[dreg:$0x4] =	wrdreg s20  }
0xf: {  	s5 =	sadd.s32 s7, s5;
	s23 =	sadd.s32 $0x2000, s22;
	[dreg:$0x5] =	wrdreg s1  }
0x10: {  	s21 =	simm.s32 $0x4;
	s24 =	sadd.s32 $0x4000, s22;
	[dreg:$0x6] =	wrdreg s23  }
0x11: {  	s25 =	sadd.s32 $0x6000, s22;
	s26 =	sadd.s32 $0xAAA00, s5;
	[dreg:$0x7] =	wrdreg s24  }
0x12: {  	s5 =	simm.s32 $0x8;
	[dreg:$0x8] =	wrdreg s25;
	s1 =	sadd.s32 $0x8000, s22  }
0x13: {  	[dreg:$0xa] =	wrdreg s26;
	s20 =	simm.s32 $0x1A000;
	s22 =	simm.s32 $0x1B000  }
0x14: {  	s24 =	simm.s32 $0x1C000;
	s25 =	simm.s32 $0x1;
	s26 =	simm.s32 $0x5000  }
0x15: {  	s23 =	simm.s32 $0xB000;
	[dreg:$0x9] =	wrdreg s1;
	s1 =	simm.s32 $0x3  }
.LBB2_1:
0x16: {  	s7 =	rddreg [dreg:$0x4]  }
0x17: {  	[tilespmem:s3], [sflag:$0x9] =	stream.linear.gather [hbm4b:s7+s3], $0x2800, $0x38;
	[tilespmem:$0x1D000] =	vst v63  }
0x18: {  	_ =	swait.ge [sflag:s15], $0x2800  }
0x19: {  	[sflag:s15] =	ssyncset.done $0x0  }
0x1a: {  	s9 =	simm.s32 $0x2800;
	s11 =	rddreg [dreg:$0x5];
	[sflag:s15] =	ssyncadd.s32 $0xFFFFD800  }
0x1b: {  	[tilespmem:s9], [sflag:$0x9] =	stream.linear.gather [hbm4b:s11+s3], $0x2800, $0x38;
	[tilespmem:$0x1D000] =	vst v63  }
0x1c: {  	_ =	swait.ge [sflag:s15], $0x2800  }
0x1d: {  	[sflag:s15] =	ssyncset.done $0x0  }
0x1e: {  	s12 =	rddreg [dreg:$0x3];
	[sflag:s15] =	ssyncadd.s32 $0xFFFFD800  }
0x1f: {  	[tilespmem:s17], [sflag:$0x9] =	stream.linear.gather [hbm4b:s12+s3], $0x2000, $0x38;
	[tilespmem:$0x1D000] =	vst v63  }
0x20: {  	_ =	swait.ge [sflag:s15], $0x2000  }
0x21: {  	[sflag:s15] =	ssyncset.done $0x0  }
0x22: {  	[sflag:s15] =	ssyncadd.s32 $0xFFFFE000  }
0x23: {  	[spmem:s8] =	stream.linear.scatter [tilespmem:s17], [sflag:$0x9], $0x2000, $0x38;
	[tilespmem:$0x1D000] =	vst v63  }
0x24: {  	_ =	swait.ge [sflag:s15], $0x2000  }
0x25: {  	[sflag:s15] =	ssyncset.done $0x0  }
0x26: {  	s13 =	rddreg [dreg:$0x6];
	[sflag:s15] =	ssyncadd.s32 $0xFFFFE000  }
0x27: {  	[spmem:s13] =	stream.linear.scatter [tilespmem:s17], [sflag:$0x9], $0x2000, $0x38;
	[tilespmem:$0x1D000] =	vst v63  }
0x28: {  	_ =	swait.ge [sflag:s15], $0x2000  }
0x29: {  	[sflag:s15] =	ssyncset.done $0x0  }
0x2a: {  	s9 =	rddreg [dreg:$0x7];
	[sflag:s15] =	ssyncadd.s32 $0xFFFFE000  }
0x2b: {  	[spmem:s9] =	stream.linear.scatter [tilespmem:s17], [sflag:$0x9], $0x2000, $0x38;
	[tilespmem:$0x1D000] =	vst v63  }
0x2c: {  	_ =	swait.ge [sflag:s15], $0x2000  }
0x2d: {  	[sflag:s15] =	ssyncset.done $0x0  }
0x2e: {  	s10 =	rddreg [dreg:$0x8];
	[sflag:s15] =	ssyncadd.s32 $0xFFFFE000  }
0x2f: {  	[spmem:s10] =	stream.linear.scatter [tilespmem:s17], [sflag:$0x9], $0x2000, $0x38;
	[tilespmem:$0x1D000] =	vst v63  }
0x30: {  	_ =	swait.ge [sflag:s15], $0x2000  }
0x31: {  	[sflag:s15] =	ssyncset.done $0x0  }
0x32: {  	s11 =	rddreg [dreg:$0x9];
	[sflag:s15] =	ssyncadd.s32 $0xFFFFE000  }
0x33: {  	[spmem:s11] =	stream.linear.scatter [tilespmem:s17], [sflag:$0x9], $0x2000, $0x38;
	[tilespmem:$0x1D000] =	vst v63  }
0x34: {  	_ =	swait.ge [sflag:s15], $0x2000  }
0x35: {  	[sflag:s15] =	ssyncset.done $0x0  }
0x36: {  	[sflag:s15] =	ssyncadd.s32 $0xFFFFE000  }
0x37: {  	[bflag:$0x0] =	sbarrier.arrive $0xFFFF  }
0x38: {  	[tilespmem:s19], [sflag:$0x1] =	stream.indirect.gather [hbm4b:s4+s18], $0x20, s3, s18, $0xb8;
	[tilespmem:$0x1D000] =	vst v63  }
0x39: {  	_ = 	snop  }
0x3a: {  	[tilespmem:s20], [sflag:$0x2] =	stream.indirect.gather [hbm4b:s4+s18], $0x20, s18, s18, $0xb8;
	[tilespmem:$0x1D000] =	vst v63  }
0x3b: {  	s12 =	simm.s32 $0x100  }
0x3c: {  	[tilespmem:s22], [sflag:$0x3] =	stream.indirect.gather [hbm4b:s4+s18], $0x20, s12, s18, $0xb8;
	[tilespmem:$0x1D000] =	vst v63  }
0x3d: {  	s7 =	simm.s32 $0x0;
	s13 =	simm.s32 $0x180  }
0x3e: {  	[tilespmem:s24], [sflag:$0x4] =	stream.indirect.gather [hbm4b:s4+s18], $0x20, s13, s18, $0xb8;
	[tilespmem:$0x1D000] =	vst v63  }
.LBB2_2:
0x3f: {  	_ =	swait.ge [sflag:s25], $0x1000  }
0x40: {  	[sflag:s25] =	ssyncset.done $0x0  }
0x41: {  	s10 =	simm.s32 $0x0;
	[sflag:s25] =	ssyncadd.s32 $0xFFFFF000  }
0x42: {  	v0 =	vld [tilespmem:s10+$0x19000];
	_ =	sdelay $0x4  }
0x43: {  	s9 =	simm.s32 $0x5020;
	v1 =	vunpack.i.l.bf16.f32 v0  }
0x44: {  	v0 =	vunpack.i.u.bf16.f32 v0;
	[tilespmem:s9+$0xFFFFFFE0] =	vst v1  }
0x45: {  	[tilespmem:s9+$0xFFFFFFF0] =	vst v0  }
0x46: {  	s11 =	simm.s32 $0x80;
	v0 =	vld [tilespmem:s10+$0x19010];
	s10 =	simm.s32 $0x5020  }
.LBB2_3:
0x47: {  	_ =	sdelay $0x2  }
0x48: {  	p0 =	sne.s32 s11, $0x3F80  }
0x49: {  	s9 =	sadd.s32 $0x40, s9;
	s12 =	smov.u32 s11;
	s11 =	sadd.s32 $0x80, s11;
	v1 =	vunpack.i.u.bf16.f32 v0;
	v0 =	vunpack.i.l.bf16.f32 v0  }
0x4a: {  	[tilespmem:s10+$0x0] =	vst v0  }
0x4b: {  	s12 =	sshra.s32 s12, $0x2;
	[tilespmem:s10+$0x10] =	vst v1;
	s10 =	smov.u32 s9  }
0x4c: {  	v0 =	vld [tilespmem:s12+$0x19000];
	_ =	sdelay $0x3  }
.Ltmp0:
0x4d: {  	(pc) =	sbr.rel @p0 .LBB2_3-.Ltmp0, $4  }
0x4e: {  	v1 =	vunpack.i.u.bf16.f32 v0;
	v0 =	vunpack.i.l.bf16.f32 v0  }
0x4f: {  	[tilespmem:s9+$0xFFFFFFE0] =	vst v0  }
0x50: {  	[tilespmem:s9+$0xFFFFFFF0] =	vst v1  }
0x51: {  	v0 =	vld [tilespmem:s12+$0x19010]  }
0x52: {  	_ =	sdelay $0x3  }
0x53: {  	s9 =	sshll.u32 s7, $0xB;
	v1 =	vunpack.i.l.bf16.f32 v0  }
0x54: {  	s9 =	sshrl.u32 s9, $0x2;
	v0 =	vunpack.i.u.bf16.f32 v0;
	[tilespmem:s10+$0x0] =	vst v1  }
0x55: {  	s13 =	sadd.s32 $0x2800, s9;
	[tilespmem:s10+$0x10] =	vst v0  }
0x56: {  	[spmem:s2] =	stream.indirect.scatter.add.f32 [tilespmem:s26], [sflag:$0x5], $0x40, s13, s18, $0xb8;
	[tilespmem:$0x1D000] =	vst v63  }
0x57: {  	_ =	swait.ge [sflag:s28], $0x1000  }
0x58: {  	[sflag:s28] =	ssyncset.done $0x0  }
0x59: {  	s11 =	simm.s32 $0x0;
	[sflag:s28] =	ssyncadd.s32 $0xFFFFF000  }
0x5a: {  	v0 =	vld [tilespmem:s11+$0x1A000];
	_ =	sdelay $0x4  }
0x5b: {  	s10 =	simm.s32 $0x7030;
	v1 =	vunpack.i.l.bf16.f32 v0  }
0x5c: {  	v0 =	vunpack.i.u.bf16.f32 v0;
	[tilespmem:s10+$0xFFFFFFD0] =	vst v1  }
0x5d: {  	[tilespmem:s10+$0xFFFFFFE0] =	vst v0  }
0x5e: {  	s12 =	simm.s32 $0x80;
	v0 =	vld [tilespmem:s11+$0x1A010];
	s11 =	simm.s32 $0x7030  }
.LBB2_5:
0x5f: {  	_ =	sdelay $0x2  }
0x60: {  	p0 =	sne.s32 s12, $0x3F80  }
0x61: {  	s10 =	sadd.s32 $0x40, s10;
	s13 =	smov.u32 s12;
	s12 =	sadd.s32 $0x80, s12;
	v1 =	vunpack.i.u.bf16.f32 v0;
	v0 =	vunpack.i.l.bf16.f32 v0  }
0x62: {  	[tilespmem:s11+$0xFFFFFFF0] =	vst v0  }
0x63: {  	s13 =	sshra.s32 s13, $0x2;
	[tilespmem:s11+$0x0] =	vst v1;
	s11 =	smov.u32 s10  }
0x64: {  	v0 =	vld [tilespmem:s13+$0x1A000];
	_ =	sdelay $0x3  }
.Ltmp1:
0x65: {  	(pc) =	sbr.rel @p0 .LBB2_5-.Ltmp1, $4  }
0x66: {  	v1 =	vunpack.i.u.bf16.f32 v0;
	v0 =	vunpack.i.l.bf16.f32 v0  }
0x67: {  	[tilespmem:s10+$0xFFFFFFD0] =	vst v0  }
0x68: {  	[tilespmem:s10+$0xFFFFFFE0] =	vst v1  }
0x69: {  	v0 =	vld [tilespmem:s13+$0x1A010]  }
0x6a: {  	_ =	sdelay $0x3  }
0x6b: {  	v1 =	vunpack.i.l.bf16.f32 v0  }
0x6c: {  	v0 =	vunpack.i.u.bf16.f32 v0;
	[tilespmem:s11+$0xFFFFFFF0] =	vst v1  }
0x6d: {  	s10 =	sadd.s32 $0x2880, s9;
	[tilespmem:s11+$0x0] =	vst v0  }
0x6e: {  	[spmem:s2] =	stream.indirect.scatter.add.f32 [tilespmem:s29], [sflag:$0x6], $0x40, s10, s18, $0xb8;
	[tilespmem:$0x1D000] =	vst v63  }
0x6f: {  	_ =	swait.ge [sflag:s30], $0x2000  }
0x70: {  	[sflag:s30] =	ssyncset.done $0x0  }
0x71: {  	s12 =	sadd.s32 $0x200, s9;
	[sflag:s30] =	ssyncadd.s32 $0xFFFFE000  }
0x72: {  	[tilespmem:s19], [sflag:$0x1] =	stream.indirect.gather [hbm4b:s4+s18], $0x20, s12, s18, $0xb8;
	[tilespmem:$0x1D000] =	vst v63  }
0x73: {  	_ =	swait.ge [sflag:s31], $0x2000  }
0x74: {  	[sflag:s31] =	ssyncset.done $0x0  }
0x75: {  	s13 =	sadd.s32 $0x280, s9;
	[sflag:s31] =	ssyncadd.s32 $0xFFFFE000  }
0x76: {  	[tilespmem:s20], [sflag:$0x2] =	stream.indirect.gather [hbm4b:s4+s18], $0x20, s13, s18, $0xb8;
	[tilespmem:$0x1D000] =	vst v63  }
0x77: {  	_ =	swait.ge [sflag:s1], $0x1000  }
0x78: {  	[sflag:s1] =	ssyncset.done $0x0  }
0x79: {  	s10 =	simm.s32 $0x1B010;
	[sflag:s1] =	ssyncadd.s32 $0xFFFFF000  }
0x7a: {  	v0 =	vld [tilespmem:s10+$0xFFFFFFF0];
	_ =	sdelay $0x4  }
0x7b: {  	s12 =	simm.s32 $0x0;
	v1 =	vunpack.i.l.bf16.f32 v0  }
0x7c: {  	v0 =	vunpack.i.u.bf16.f32 v0;
	[tilespmem:s12+$0x9000] =	vst v1  }
0x7d: {  	[tilespmem:s12+$0x9010] =	vst v0  }
0x7e: {  	s11 =	simm.s32 $0x100;
	v0 =	vld [tilespmem:s10+$0x0]  }
.LBB2_7:
0x7f: {  	_ =	sdelay $0x2  }
0x80: {  	p0 =	sne.s32 s11, $0x7F00  }
0x81: {  	s10 =	sadd.s32 $0x20, s10;
	s13 =	smov.u32 s11;
	s11 =	sadd.s32 $0x100, s11;
	v1 =	vunpack.i.u.bf16.f32 v0;
	v0 =	vunpack.i.l.bf16.f32 v0  }
0x82: {  	[tilespmem:s12+$0x9020] =	vst v0  }
0x83: {  	[tilespmem:s12+$0x9030] =	vst v1  }
0x84: {  	v0 =	vld [tilespmem:s10+$0xFFFFFFF0];
	_ =	sdelay $0x3  }
.Ltmp2:
0x85: {  	(pc) =	sbr.rel @p0 .LBB2_7-.Ltmp2, $4  }
0x86: {  	s12 =	sshra.s32 s13, $0x2;
	v1 =	vunpack.i.u.bf16.f32 v0;
	v0 =	vunpack.i.l.bf16.f32 v0  }
0x87: {  	[tilespmem:s12+$0x9000] =	vst v0  }
0x88: {  	[tilespmem:s12+$0x9010] =	vst v1  }
0x89: {  	v0 =	vld [tilespmem:s10+$0x0]  }
0x8a: {  	_ =	sdelay $0x3  }
0x8b: {  	v1 =	vunpack.i.l.bf16.f32 v0  }
0x8c: {  	v0 =	vunpack.i.u.bf16.f32 v0;
	[tilespmem:s12+$0x9020] =	vst v1  }
0x8d: {  	s10 =	sadd.s32 $0x2900, s9;
	[tilespmem:s12+$0x9030] =	vst v0  }
0x8e: {  	[spmem:s2] =	stream.indirect.scatter.add.f32 [tilespmem:s16], [sflag:$0x7], $0x40, s10, s18, $0xb8;
	[tilespmem:$0x1D000] =	vst v63  }
0x8f: {  	_ =	swait.ge [sflag:s21], $0x1000  }
0x90: {  	[sflag:s21] =	ssyncset.done $0x0  }
0x91: {  	s10 =	simm.s32 $0x1C010;
	[sflag:s21] =	ssyncadd.s32 $0xFFFFF000  }
0x92: {  	v0 =	vld [tilespmem:s10+$0xFFFFFFF0];
	_ =	sdelay $0x4  }
0x93: {  	s12 =	simm.s32 $0x0;
	v1 =	vunpack.i.l.bf16.f32 v0  }
0x94: {  	v0 =	vunpack.i.u.bf16.f32 v0;
	[tilespmem:s12+$0xB000] =	vst v1  }
0x95: {  	[tilespmem:s12+$0xB010] =	vst v0  }
0x96: {  	s11 =	simm.s32 $0x100;
	v0 =	vld [tilespmem:s10+$0x0]  }
.LBB2_9:
0x97: {  	_ =	sdelay $0x2  }
0x98: {  	p0 =	sne.s32 s11, $0x7F00  }
0x99: {  	s10 =	sadd.s32 $0x20, s10;
	s13 =	smov.u32 s11;
	s11 =	sadd.s32 $0x100, s11;
	v1 =	vunpack.i.u.bf16.f32 v0;
	v0 =	vunpack.i.l.bf16.f32 v0  }
0x9a: {  	[tilespmem:s12+$0xB020] =	vst v0  }
0x9b: {  	[tilespmem:s12+$0xB030] =	vst v1  }
0x9c: {  	v0 =	vld [tilespmem:s10+$0xFFFFFFF0];
	_ =	sdelay $0x3  }
.Ltmp3:
0x9d: {  	(pc) =	sbr.rel @p0 .LBB2_9-.Ltmp3, $4  }
0x9e: {  	s12 =	sshra.s32 s13, $0x2;
	v1 =	vunpack.i.u.bf16.f32 v0;
	v0 =	vunpack.i.l.bf16.f32 v0  }
0x9f: {  	[tilespmem:s12+$0xB000] =	vst v0  }
0xa0: {  	[tilespmem:s12+$0xB010] =	vst v1  }
0xa1: {  	v0 =	vld [tilespmem:s10+$0x0]  }
0xa2: {  	_ =	sdelay $0x3  }
0xa3: {  	v1 =	vunpack.i.l.bf16.f32 v0  }
0xa4: {  	v63 =	vunpack.i.u.bf16.f32 v0;
	[tilespmem:s12+$0xB020] =	vst v1  }
0xa5: {  	s10 =	sadd.s32 $0x2980, s9;
	[tilespmem:s12+$0xB030] =	vst v63  }
0xa6: {  	[spmem:s2] =	stream.indirect.scatter.add.f32 [tilespmem:s23], [sflag:$0x8], $0x40, s10, s18, $0xb8;
	[tilespmem:$0x1D000] =	vst v63  }
0xa7: {  	_ =	swait.ge [sflag:s0], $0x2000  }
0xa8: {  	s7 =	sadd.s32 $0x1, s7;
	[sflag:s0] =	ssyncset.done $0x0  }
0xa9: {  	p0 =	sne.s32 s7, $0x13;
	s12 =	sadd.s32 $0x300, s9;
	[sflag:s0] =	ssyncadd.s32 $0xFFFFE000  }
0xaa: {  	[tilespmem:s22], [sflag:$0x3] =	stream.indirect.gather [hbm4b:s4+s18], $0x20, s12, s18, $0xb8;
	[tilespmem:$0x1D000] =	vst v63  }
.Ltmp4:
0xab: {  	_ = 	snop;
	(pc) =	sbr.rel @p0 .LBB2_2-.Ltmp4, $4  }
0xac: {  	_ =	swait.ge [sflag:s5], $0x2000  }
0xad: {  	[sflag:s5] =	ssyncset.done $0x0  }
0xae: {  	s13 =	sadd.s32 $0x380, s9;
	[sflag:s5] =	ssyncadd.s32 $0xFFFFE000  }
0xaf: {  	[tilespmem:s24], [sflag:$0x4] =	stream.indirect.gather [hbm4b:s4+s18], $0x20, s13, s18, $0xb8;
	[tilespmem:$0x1D000] =	vst v63  }
0xb0: {  	_ =	swait.ge [sflag:s25], $0x1000  }
0xb1: {  	[sflag:s25] =	ssyncset.done $0x0  }
0xb2: {  	s9 =	simm.s32 $0x0;
	[sflag:s25] =	ssyncadd.s32 $0xFFFFF000  }
0xb3: {  	v0 =	vld [tilespmem:s9+$0x19000];
	_ =	sdelay $0x4  }
0xb4: {  	s7 =	simm.s32 $0x5020;
	v1 =	vunpack.i.l.bf16.f32 v0  }
0xb5: {  	v0 =	vunpack.i.u.bf16.f32 v0;
	[tilespmem:s7+$0xFFFFFFE0] =	vst v1  }
0xb6: {  	[tilespmem:s7+$0xFFFFFFF0] =	vst v0  }
0xb7: {  	s10 =	simm.s32 $0x80;
	v0 =	vld [tilespmem:s9+$0x19010];
	s9 =	simm.s32 $0x5020  }
.LBB2_12:
0xb8: {  	_ =	sdelay $0x2  }
0xb9: {  	p0 =	sne.s32 s10, $0x3F80  }
0xba: {  	s7 =	sadd.s32 $0x40, s7;
	s11 =	smov.u32 s10;
	s10 =	sadd.s32 $0x80, s10;
	v1 =	vunpack.i.u.bf16.f32 v0;
	v0 =	vunpack.i.l.bf16.f32 v0  }
0xbb: {  	[tilespmem:s9+$0x0] =	vst v0  }
0xbc: {  	s11 =	sshra.s32 s11, $0x2;
	[tilespmem:s9+$0x10] =	vst v1;
	s9 =	smov.u32 s7  }
0xbd: {  	v0 =	vld [tilespmem:s11+$0x19000];
	_ =	sdelay $0x3  }
.Ltmp5:
0xbe: {  	(pc) =	sbr.rel @p0 .LBB2_12-.Ltmp5, $4  }
0xbf: {  	v1 =	vunpack.i.u.bf16.f32 v0;
	v0 =	vunpack.i.l.bf16.f32 v0  }
0xc0: {  	[tilespmem:s7+$0xFFFFFFE0] =	vst v0  }
0xc1: {  	[tilespmem:s7+$0xFFFFFFF0] =	vst v1  }
0xc2: {  	v0 =	vld [tilespmem:s11+$0x19010]  }
0xc3: {  	_ =	sdelay $0x3  }
0xc4: {  	v1 =	vunpack.i.l.bf16.f32 v0  }
0xc5: {  	v0 =	vunpack.i.u.bf16.f32 v0;
	[tilespmem:s9+$0x0] =	vst v1  }
0xc6: {  	s7 =	simm.s32 $0x4E00;
	[tilespmem:s9+$0x10] =	vst v0  }
0xc7: {  	[spmem:s2] =	stream.indirect.scatter.add.f32 [tilespmem:s26], [sflag:$0x5], $0x40, s7, s18, $0xb8;
	[tilespmem:$0x1D000] =	vst v63  }
0xc8: {  	_ =	swait.ge [sflag:s28], $0x1000  }
0xc9: {  	[sflag:s28] =	ssyncset.done $0x0  }
0xca: {  	s13 =	simm.s32 $0x0;
	[sflag:s28] =	ssyncadd.s32 $0xFFFFF000  }
0xcb: {  	v0 =	vld [tilespmem:s13+$0x1A000];
	_ =	sdelay $0x4  }
0xcc: {  	s7 =	simm.s32 $0x7030;
	v1 =	vunpack.i.l.bf16.f32 v0  }
0xcd: {  	v0 =	vunpack.i.u.bf16.f32 v0;
	[tilespmem:s7+$0xFFFFFFD0] =	vst v1  }
0xce: {  	[tilespmem:s7+$0xFFFFFFE0] =	vst v0  }
0xcf: {  	s10 =	simm.s32 $0x80;
	s9 =	simm.s32 $0x7030;
	v0 =	vld [tilespmem:s13+$0x1A010]  }
.LBB2_14:
0xd0: {  	_ =	sdelay $0x2  }
0xd1: {  	p0 =	sne.s32 s10, $0x3F80  }
0xd2: {  	s7 =	sadd.s32 $0x40, s7;
	s11 =	smov.u32 s10;
	s10 =	sadd.s32 $0x80, s10;
	v1 =	vunpack.i.u.bf16.f32 v0;
	v0 =	vunpack.i.l.bf16.f32 v0  }
0xd3: {  	[tilespmem:s9+$0xFFFFFFF0] =	vst v0  }
0xd4: {  	s11 =	sshra.s32 s11, $0x2;
	[tilespmem:s9+$0x0] =	vst v1;
	s9 =	smov.u32 s7  }
0xd5: {  	v0 =	vld [tilespmem:s11+$0x1A000];
	_ =	sdelay $0x3  }
.Ltmp6:
0xd6: {  	(pc) =	sbr.rel @p0 .LBB2_14-.Ltmp6, $4  }
0xd7: {  	v1 =	vunpack.i.u.bf16.f32 v0;
	v0 =	vunpack.i.l.bf16.f32 v0  }
0xd8: {  	[tilespmem:s7+$0xFFFFFFD0] =	vst v0  }
0xd9: {  	[tilespmem:s7+$0xFFFFFFE0] =	vst v1  }
0xda: {  	v0 =	vld [tilespmem:s11+$0x1A010]  }
0xdb: {  	_ =	sdelay $0x3  }
0xdc: {  	v1 =	vunpack.i.l.bf16.f32 v0  }
0xdd: {  	v0 =	vunpack.i.u.bf16.f32 v0;
	[tilespmem:s9+$0xFFFFFFF0] =	vst v1  }
0xde: {  	s7 =	simm.s32 $0x4E80;
	[tilespmem:s9+$0x0] =	vst v0  }
0xdf: {  	[spmem:s2] =	stream.indirect.scatter.add.f32 [tilespmem:s29], [sflag:$0x6], $0x40, s7, s18, $0xb8;
	[tilespmem:$0x1D000] =	vst v63  }
0xe0: {  	_ =	swait.ge [sflag:s30], $0x2000  }
0xe1: {  	[sflag:s30] =	ssyncset.done $0x0  }
0xe2: {  	[sflag:s30] =	ssyncadd.s32 $0xFFFFE000  }
0xe3: {  	_ =	swait.ge [sflag:s31], $0x2000  }
0xe4: {  	[sflag:s31] =	ssyncset.done $0x0  }
0xe5: {  	[sflag:s31] =	ssyncadd.s32 $0xFFFFE000  }
0xe6: {  	_ =	swait.ge [sflag:s1], $0x1000  }
0xe7: {  	[sflag:s1] =	ssyncset.done $0x0  }
0xe8: {  	s7 =	simm.s32 $0x1B010;
	[sflag:s1] =	ssyncadd.s32 $0xFFFFF000  }
0xe9: {  	v0 =	vld [tilespmem:s7+$0xFFFFFFF0];
	_ =	sdelay $0x4  }
0xea: {  	s10 =	simm.s32 $0x0;
	v1 =	vunpack.i.l.bf16.f32 v0  }
0xeb: {  	v0 =	vunpack.i.u.bf16.f32 v0;
	[tilespmem:s10+$0x9000] =	vst v1  }
0xec: {  	[tilespmem:s10+$0x9010] =	vst v0  }
0xed: {  	s9 =	simm.s32 $0x100;
	v0 =	vld [tilespmem:s7+$0x0]  }
.LBB2_16:
0xee: {  	_ =	sdelay $0x2  }
0xef: {  	p0 =	sne.s32 s9, $0x7F00  }
0xf0: {  	s7 =	sadd.s32 $0x20, s7;
	s11 =	smov.u32 s9;
	s9 =	sadd.s32 $0x100, s9;
	v1 =	vunpack.i.u.bf16.f32 v0;
	v0 =	vunpack.i.l.bf16.f32 v0  }
0xf1: {  	[tilespmem:s10+$0x9020] =	vst v0  }
0xf2: {  	[tilespmem:s10+$0x9030] =	vst v1  }
0xf3: {  	v0 =	vld [tilespmem:s7+$0xFFFFFFF0];
	_ =	sdelay $0x3  }
.Ltmp7:
0xf4: {  	(pc) =	sbr.rel @p0 .LBB2_16-.Ltmp7, $4  }
0xf5: {  	s10 =	sshra.s32 s11, $0x2;
	v1 =	vunpack.i.u.bf16.f32 v0;
	v0 =	vunpack.i.l.bf16.f32 v0  }
0xf6: {  	[tilespmem:s10+$0x9000] =	vst v0  }
0xf7: {  	[tilespmem:s10+$0x9010] =	vst v1  }
0xf8: {  	v0 =	vld [tilespmem:s7+$0x0]  }
0xf9: {  	_ =	sdelay $0x3  }
0xfa: {  	v1 =	vunpack.i.l.bf16.f32 v0  }
0xfb: {  	v0 =	vunpack.i.u.bf16.f32 v0;
	[tilespmem:s10+$0x9020] =	vst v1  }
0xfc: {  	s7 =	simm.s32 $0x4F00;
	[tilespmem:s10+$0x9030] =	vst v0  }
0xfd: {  	[spmem:s2] =	stream.indirect.scatter.add.f32 [tilespmem:s16], [sflag:$0x7], $0x40, s7, s18, $0xb8;
	[tilespmem:$0x1D000] =	vst v63  }
0xfe: {  	_ =	swait.ge [sflag:s21], $0x1000  }
0xff: {  	[sflag:s21] =	ssyncset.done $0x0  }
0x100: {  	s7 =	simm.s32 $0x1C010;
	[sflag:s21] =	ssyncadd.s32 $0xFFFFF000  }
0x101: {  	v0 =	vld [tilespmem:s7+$0xFFFFFFF0];
	_ =	sdelay $0x4  }
0x102: {  	s10 =	simm.s32 $0x0;
	v1 =	vunpack.i.l.bf16.f32 v0  }
0x103: {  	v0 =	vunpack.i.u.bf16.f32 v0;
	[tilespmem:s10+$0xB000] =	vst v1  }
0x104: {  	[tilespmem:s10+$0xB010] =	vst v0  }
0x105: {  	s9 =	simm.s32 $0x100;
	v0 =	vld [tilespmem:s7+$0x0]  }
.LBB2_18:
0x106: {  	_ =	sdelay $0x2  }
0x107: {  	p0 =	sne.s32 s9, $0x7F00  }
0x108: {  	s7 =	sadd.s32 $0x20, s7;
	s11 =	smov.u32 s9;
	s9 =	sadd.s32 $0x100, s9;
	v1 =	vunpack.i.u.bf16.f32 v0;
	v0 =	vunpack.i.l.bf16.f32 v0  }
0x109: {  	[tilespmem:s10+$0xB020] =	vst v0  }
0x10a: {  	[tilespmem:s10+$0xB030] =	vst v1  }
0x10b: {  	v0 =	vld [tilespmem:s7+$0xFFFFFFF0];
	_ =	sdelay $0x3  }
.Ltmp8:
0x10c: {  	(pc) =	sbr.rel @p0 .LBB2_18-.Ltmp8, $4  }
0x10d: {  	s10 =	sshra.s32 s11, $0x2;
	v1 =	vunpack.i.u.bf16.f32 v0;
	v0 =	vunpack.i.l.bf16.f32 v0  }
0x10e: {  	[tilespmem:s10+$0xB000] =	vst v0  }
0x10f: {  	[tilespmem:s10+$0xB010] =	vst v1  }
0x110: {  	v0 =	vld [tilespmem:s7+$0x0]  }
0x111: {  	_ =	sdelay $0x3  }
0x112: {  	v1 =	vunpack.i.l.bf16.f32 v0  }
0x113: {  	v63 =	vunpack.i.u.bf16.f32 v0;
	[tilespmem:s10+$0xB020] =	vst v1  }
0x114: {  	s7 =	simm.s32 $0x4F80;
	[tilespmem:s10+$0xB030] =	vst v63  }
0x115: {  	[spmem:s2] =	stream.indirect.scatter.add.f32 [tilespmem:s23], [sflag:$0x8], $0x40, s7, s18, $0xb8;
	[tilespmem:$0x1D000] =	vst v63  }
0x116: {  	_ =	swait.ge [sflag:s0], $0x2000  }
0x117: {  	[sflag:s0] =	ssyncset.done $0x0  }
0x118: {  	[sflag:s0] =	ssyncadd.s32 $0xFFFFE000  }
0x119: {  	_ =	swait.ge [sflag:s5], $0x2000  }
0x11a: {  	s12 =	stileid.u32;
	[sflag:s5] =	ssyncset.done $0x0  }
0x11b: {  	s9 =	sshrl.u32 s8, $0x3;
	s6 =	sadd.s32 $0x1, s6;
	[sflag:s5] =	ssyncadd.s32 $0xFFFFE000  }
0x11c: {  	p0 =	sne.s32 s6, s14;
	s7 =	sshll.u32 s12, $0x6;
	[bflag:$0x0] =	sbarrier.arrive $0xFFFF  }
.Ltmp9:
0x11d: {  	s7 =	sor.u32 $0x1C09, s7;
	s13 =	rddreg [dreg:$0xa];
	(pc) =	sbr.rel @p0 .LBB2_1-.Ltmp9, $4  }
0x11e: {  	[hbm:s13], [sflag:s7] =	dma.local [spmem:s9], $0x1400  }
0x11f: {  	_ =	swait.ge [sflag:s15], $0x1400  }
0x120: {  	[sflag:s15] =	ssyncset.done $0x0  }
0x121: {  	[sflag:s15] =	ssyncadd.s32 $0xFFFFEC00  }
0x122: {  	_ =	sfence.sel $0x180000  }
0x123: {  	[bflag:$0x0] =	sbarrier.arrive $0xFFFF  }
0x124: {  	_ =	strace $0x9000004D  }
0x125: {  	s0 =	stileid.u32;
	[bflag:$0x2] =	sbarrier.arrive $0xFFFF  }
0x126: {  	p0 =	sne.s32 s0, $0x0;
	s0 =	rddreg [dreg:$0x2]  }
0x127: {  	s0 =	sadd.s32 @!p0 $0x100000, s0  }
0x128: {  	[sflag:s0] =	ssyncadd.tile.s32 @!p0 $0x1;
	_ =	shalt  }
.Lfunc_end2:
_tile_overlayer_lowered:
.L_overlay_start_2:
0x129: {  	(tag) =	ssettag $0x2  }
0x12a: {  	s0 =	rddreg [dreg:$0x0];
	s2 =	stileid.u32  }
0x12b: {  	s1 =	rddreg [dreg:$0x1];
	p0 =	sne.s32 s2, $0x0  }
0x12c: {  	s3 =	rddreg [dreg:$0x2];
	[bflag:$0x3] =	sbarrier.arrive $0xFFFF;
	s2 =	simm.s32 @!p0 $0x1C09  }
0x12d: {  	[timem:s3], [sflag:s2] =	dma.local @!p0 [hbm:s0], s1  }
0x12e: {  	s0 =	simm.s32 @!p0 $0x9  }
0x12f: {  	_ =	swait.ge @!p0 [sflag:s0], s1  }
0x130: {  	s1 =	ssub.s32 @!p0 $0x0, s1;
	[sflag:s0] =	ssyncset.done @!p0 $0x0  }
0x131: {  	[sflag:s0] =	ssyncadd.s32 @!p0 s1  }
0x132: {  	[bflag:$0x3] =	sbarrier.arrive $0xFFFF  }
0x133: {  	_ =	shalt  }

// kernel: kernel.9.cloned.1.call-start
scs
__scs_entry_jumppad:
0x0: {  	(pc) =	sbr.rel $0x88, $3  }
0x1: {  	(tag) =	ssettag $0x0;
	lr =	simm.s32 $0x1  }
0x2: {  	[smem:$0x3F8F] =	sst lr;
	_ =	strace $0xD0000000  }
0x3: {  	_ = 	snop  }
0x4: {  	_ = 	snop  }
0x5: {  	_ = 	snop  }
0x6: {  	_ = 	snop  }
0x7: {  	_ = 	snop  }
__scs_overlays_trampoline_lowered:
0x8: {  	[smem:$0x3F9E] =	sst s0  }
0x9: {  	[smem:$0x3F9F] =	sst s1  }
0xa: {  	[smem:$0x3FA0] =	sst s2  }
0xb: {  	[smem:$0x3FA1] =	sst s3  }
0xc: {  	[smem:$0x3FA2] =	sst s4  }
0xd: {  	[smem:$0x3FA3] =	sst s5  }
0xe: {  	[smem:$0x3FA4] =	sst s6  }
0xf: {  	[smem:$0x3FA5] =	sst s7  }
0x10: {  	[smem:$0x3FA6] =	sst s8  }
0x11: {  	[smem:$0x3FA7] =	sst s9;
	s0 =	simm.s32 @!p0 $0x0  }
0x12: {  	s1 =	sld [smem:$0x3F8D];
	s0 =	simm.s32 @p0 $0x1  }
0x13: {  	[smem:$0x3FA8] =	sst s0;
	s0 =	simm.s32 @!p1 $0x0  }
0x14: {  	s2 =	sld [smem:$0x3F8C];
	s0 =	simm.s32 @p1 $0x1  }
0x15: {  	[smem:$0x3FA9] =	sst s0;
	s0 =	simm.s32 @!p2 $0x0  }
0x16: {  	s3 =	sld [smem:$0x3FDB];
	s0 =	simm.s32 @p2 $0x1  }
0x17: {  	s4 =	simm.s32 $0x1BF5;
	[smem:$0x3FAB] =	sst s0  }
0x18: {  	s0 =	sld [smem:$0x3F8E];
	_ =	swait.ge [sflag:s4], $0x0  }
0x19: {  	s7 =	sld [smem:$0x3F8F]  }
0x1a: {  	s8 =	sadd.s32 $0xFFFFE003, lr  }
0x1b: {  	s9 =	sadd.s32 $0xFFFFFEF7, lr;
	s5 =	simm.s32 $0xFFFFFFFF;
	p2 =	slt.u32 s8, $0xFFFFF086  }
0x1c: {  	p1 =	slt.u32 s9, $0xF7A;
	s5 =	simm.s32 @!p2 $0x0  }
0x1d: {  	s5 =	simm.s32 @p1 $0x1;
	p0 =	seq.s32 s7, s2  }
0x1e: {  	s7 =	smul.u32 @!p0 $0xF7A, s2;
	p2 =	seq.s32 @!p0 s5, $0x0  }
0x1f: {  	s9 =	smul.u32 $0xF7A, s1;
	s8 =	simm.s32 @!p0 $0x1BF5;
	p2 =	por !p2, p0  }
0x20: {  	[sflag:s8] =	ssyncset.s32 @!p0 $0xFFFFF086;
	s6 =	sadd.s32 @!p0 s3, s7;
	s7 =	simm.s32 @!p0 $0x108  }
0x21: {  	s3 =	sadd.s32 s3, s9;
	s6 =	sadd.s32 @!p0 $0x88, s6;
	s7 =	simm.s32 @p2 $0x1082  }
0x22: {  	[simem:s7], [sflag:s8] =	dma.local @!p0 [hbm:s6], $0xF7A  }
0x23: {  	s9 =	sor.u32 $0xD0000000, s2;
	s6 =	simm.s32 $0x108;
	_ =	swait.ge @!p0 [sflag:s8], $0x0  }
0x24: {  	s3 =	sadd.s32 $0x88, s3;
	s6 =	simm.s32 @!p1 $0x1082;
	[sflag:s4] =	ssyncset.s32 $0xFFFFF086  }
0x25: {  	[simem:s6], [sflag:s4] =	dma.local [hbm:s3], $0xF7A  }
0x26: {  	[smem:$0x3F8F] =	sst s1;
	(tag) =	ssettag s2;
	_ =	strace s9  }
0x27: {  	s1 =	sld [smem:$0x3F9F]  }
0x28: {  	s2 =	sld [smem:$0x3FA0]  }
0x29: {  	s4 =	sld [smem:$0x3FA2]  }
0x2a: {  	p0 =	seq.s32 s5, $0x0;
	s5 =	sld [smem:$0x3FA3]  }
0x2b: {  	s6 =	sld [smem:$0x3FA4]  }
0x2c: {  	s7 =	sld [smem:$0x3FA5]  }
0x2d: {  	s3 =	simm.s32 $0x108;
	s8 =	sld [smem:$0x3FA6]  }
0x2e: {  	s3 =	simm.s32 @!p0 $0x1082;
	s9 =	sld [smem:$0x3FA7]  }
0x2f: {  	lr =	sadd.s32 s0, s3;
	s0 =	sld [smem:$0x3F9E]  }
0x30: {  	s3 =	sld [smem:$0x3FA1]  }
0x31: {  	[smem:$0x3FAA] =	sst s10  }
0x32: {  	s10 =	sld [smem:$0x3FA8];
	_ =	sdelay $0x3  }
0x33: {  	p0 =	seq.s32 s10, $0x1;
	s10 =	sld [smem:$0x3FAA];
	_ =	sdelay $0x3  }
0x34: {  	[smem:$0x3FAA] =	sst s10  }
0x35: {  	s10 =	sld [smem:$0x3FA9];
	_ =	sdelay $0x3  }
0x36: {  	p1 =	seq.s32 s10, $0x1;
	s10 =	sld [smem:$0x3FAA];
	_ =	sdelay $0x3  }
0x37: {  	[smem:$0x3FAA] =	sst s10  }
0x38: {  	s10 =	sld [smem:$0x3FAB]  }
0x39: {  	_ = 	snop;
	(pc) =	sbr.ind lr, $3  }
0x3a: {  	_ = 	snop  }
0x3b: {  	_ = 	snop  }
0x3c: {  	p2 =	seq.s32 s10, $0x1;
	s10 =	sld [smem:$0x3FAA]  }
0x3d: {  	_ =	shalt  }
0x3e: {  	_ =	shalt  }
0x3f: {  	_ =	shalt  }
0x40: {  	_ =	shalt  }
0x41: {  	_ =	shalt  }
0x42: {  	_ =	shalt  }
0x43: {  	_ =	shalt  }
0x44: {  	_ =	shalt  }
0x45: {  	_ =	shalt  }
0x46: {  	_ =	shalt  }
0x47: {  	_ =	shalt  }
0x48: {  	_ =	shalt  }
0x49: {  	_ =	shalt  }
0x4a: {  	_ =	shalt  }
0x4b: {  	_ =	shalt  }
0x4c: {  	_ =	shalt  }
0x4d: {  	_ =	shalt  }
0x4e: {  	_ =	shalt  }
0x4f: {  	_ =	shalt  }
0x50: {  	_ =	shalt  }
0x51: {  	_ =	shalt  }
0x52: {  	_ =	shalt  }
0x53: {  	_ =	shalt  }
0x54: {  	_ =	shalt  }
0x55: {  	_ =	shalt  }
0x56: {  	_ =	shalt  }
0x57: {  	_ =	shalt  }
0x58: {  	_ =	shalt  }
0x59: {  	_ =	shalt  }
0x5a: {  	_ =	shalt  }
0x5b: {  	_ =	shalt  }
0x5c: {  	_ =	shalt  }
0x5d: {  	_ =	shalt  }
0x5e: {  	_ =	shalt  }
0x5f: {  	_ =	shalt  }
0x60: {  	_ =	shalt  }
0x61: {  	_ =	shalt  }
0x62: {  	_ =	shalt  }
0x63: {  	_ =	shalt  }
0x64: {  	_ =	shalt  }
0x65: {  	_ =	shalt  }
0x66: {  	_ =	shalt  }
0x67: {  	_ =	shalt  }
0x68: {  	_ =	shalt  }
0x69: {  	_ =	shalt  }
0x6a: {  	_ =	shalt  }
0x6b: {  	_ =	shalt  }
0x6c: {  	_ =	shalt  }
0x6d: {  	_ =	shalt  }
0x6e: {  	_ =	shalt  }
0x6f: {  	_ =	shalt  }
0x70: {  	_ =	shalt  }
0x71: {  	_ =	shalt  }
0x72: {  	_ =	shalt  }
0x73: {  	_ =	shalt  }
0x74: {  	_ =	shalt  }
0x75: {  	_ =	shalt  }
0x76: {  	_ =	shalt  }
0x77: {  	_ =	shalt  }
0x78: {  	_ =	shalt  }
0x79: {  	_ =	shalt  }
0x7a: {  	_ =	shalt  }
0x7b: {  	_ =	shalt  }
0x7c: {  	_ =	shalt  }
0x7d: {  	_ =	shalt  }
0x7e: {  	_ =	shalt  }
0x7f: {  	_ =	shalt  }
0x80: {  	_ =	shalt  }
0x81: {  	_ =	shalt  }
0x82: {  	_ =	shalt  }
0x83: {  	_ =	shalt  }
0x84: {  	_ =	shalt  }
0x85: {  	_ =	shalt  }
0x86: {  	_ =	shalt  }
0x87: {  	_ =	shalt  }
.Lfunc_end0:
.L_simem_size_0:
called_computation_lowered:
.L_overlay_start_0:
0x88: {  	s2 =	sld [smem:$0x3FD9]  }
0x89: {  	s3 =	sld [smem:$0x3FFE];
	_ =	sdelay $0x1  }
0x8a: {  	s1 =	srdreg.scid  }
0x8b: {  	s0 =	sand.u32 $0x1, s1  }
0x8c: {  	s16 =	sshll.u32 s0, $0xA;
	s2 =	sadd.s32 s3, s2  }
0x8d: {  	s2 =	sadd.s32 s2, s16  }
0x8e: {  	[smem:$0x3FB6] =	sst s2  }
0x8f: {  	_ = 	snop  }
0x90: {  	(tm) =	ssettm $0x1  }
0x91: {  	s17 =	sld [smem:$0x3FFB];
	_ =	sdelay $0x3  }
0x92: {  	_ =	strace s17  }
0x93: {  	s2 =	sld [smem:$0x3FFC];
	_ =	sdelay $0x3  }
0x94: {  	_ =	strace s2  }
0x95: {  	s2 =	sld [smem:$0x3FFD];
	_ =	sdelay $0x3  }
0x96: {  	_ =	strace s2  }
0x97: {  	_ =	strace $0x8FFFFFFF  }
0x98: {  	s18 =	sld [smem:$0x3FDB];
	_ =	sdelay $0x1  }
0x99: {  	s19 =	simm.s32 $_scs_section_size  }
0x9a: {  	s4 =	simm.s32 $_size__tile_overlayer_lowered;
	s5 =	simm.s32 $_tile_overlayer_lowered  }
0x9b: {  	s22 =	simm.s32 $0x1BFF;
	s21 =	sshll.u32 s5, $0x1;
	s2 =	sadd.s32 s19, s18  }
0x9c: {  	s6 =	simm.s32 $0x0;
	s20 =	sshll.u32 s4, $0x1;
	s4 =	sadd.s32 s21, s2  }
0x9d: {  	[timem:s6], [sflag:s22] =	dma.local [hbm:s4], s20  }
0x9e: {  	_ =	swait.ge [sflag:s22], s20  }
0x9f: {  	s3 =	ssub.s32 $0x0, s20;
	[sflag:s22] =	ssyncset.done $0x0  }
0xa0: {  	[sflag:s22] =	ssyncadd.s32 s3;
	_ =	sdelay $0x1  }
0xa1: {  	s23 =	simm.s32 $0x1B8B  }
0xa2: {  	_ =	swait.ge [sflag:s23], $0x1  }
0xa3: {  	[sflag:s23] =	ssyncset.done $0x0  }
0xa4: {  	s25 =	simm.s32 $0x1B8E;
	s24 =	sld [smem:$0x3FFE];
	[sflag:s23] =	ssyncadd.s32 $0xFFFFFFFF  }
0xa5: {  	s26 =	simm.s32 $execute0_lowered;
	[smem:$0x3FD2] =	sst s25  }
0xa6: {  	s4 =	sshll.u32 s26, $0x1;
	_ =	strace $0x80000046;
	[dreg:$0x1] =	wrdreg $0xFFFFFFFF  }
0xa7: {  	s28 =	simm.s32 $_size_execute0_lowered;
	s2 =	sadd.s32 s2, s4;
	[dreg:$0x0] =	wrdreg $0x0  }
0xa8: {  	s4 =	sshll.u32 s28, $0x1;
	[dreg:$0x2] =	wrdreg s2  }
0xa9: {  	[dreg:$0x3] =	wrdreg s4  }
0xaa: {  	[dreg:$0x4] =	wrdreg $0xC0  }
0xab: {  	_ =	task [dreg:s6], $0x5FFFF  }
0xac: {  	[dreg:$0x1] =	wrdreg $0xFFFFFFFF  }
0xad: {  	[dreg:$0x0] =	wrdreg $0x60  }
0xae: {  	[dreg:$0x2] =	wrdreg s24  }
0xaf: {  	[dreg:$0x3] =	wrdreg $0xA0000  }
0xb0: {  	[dreg:$0x4] =	wrdreg $0x138500  }
0xb1: {  	[dreg:$0x5] =	wrdreg $0x9  }
0xb2: {  	_ =	task.clear_ibuf [dreg:s6], $0x6FFFF;
	_ =	strace $0x90000046  }
0xb3: {  	s29 =	simm.s32 $0x9;
	_ =	strace $0x80000048  }
0xb4: {  	_ =	swait.ge [sflag:s29], $0x1  }
0xb5: {  	[sflag:s29] =	ssyncadd.s32 $0xFFFFFFFF  }
0xb6: {  	_ =	strace $0x90000048  }
0xb7: {  	_ =	sfence  }
0xb8: {  	s30 =	sld [smem:$0x0];
	_ =	sdelay $0x2  }
0xb9: {  	s31 =	sshll.u32 s1, $0xD;
	s1 =	sshrl.u32 s1, $0x2  }
0xba: {  	s3 =	sand.u32 $0x4000, s31;
	s1 =	sadd.s32 s1, s30  }
0xbb: {  	s0 =	sor.u32 s3, s0;
	s1 =	sshll.u32 s1, $0x11  }
0xbc: {  	s0 =	sor.u32 s1, s0  }
0xbd: {  	s0 =	sadd.s32 $0x8F2B, s0  }
0xbe: {  	[sflag:s0] =	ssyncadd.remote.s32 $0x1  }
0xbf: {  	_ =	sfence.sel $0xFFFF  }
0xc0: {  	[dreg:$0x0] =	wrdreg $0xFFFFFFFF;
	(pc) =	sbr.abs _section_cstart, $3  }
0xc1: {  	[dreg:$0x1] =	wrdreg $0xFFFFFFFF  }
0xc2: {  	_ =	task.clear_ibuf [dreg:s6], $0x2FFFF;
	_ =	strace $0x9FFFFFFF  }
0xc3: {  	(tm) =	ssettm $0x7FFFFFFF  }
tec
execute0_lowered:
.L_overlay_start_1:
0x0: {  	(tag) =	ssettag $0x1  }
0x1: {  	s0 =	srdreg.scid;
	s1 =	rddreg [dreg:$0x0]  }
0x2: {  	s10 =	stileid.u32;
	s2 =	rddreg [dreg:$0x1]  }
0x3: {  	s12 =	rddreg [dreg:$0x2];
	s4 =	simm.s32 $0x0;
	s18 =	simm.s32 $0x9  }
0x4: {  	s29 =	simm.s32 $0x10800;
	s30 =	simm.s32 $0x1;
	s31 =	simm.s32 $0x5000  }
0x5: {  	s28 =	simm.s32 $0x3;
	s0 =	sand.u32 $0x1, s0;
	s6 =	smul.u32 $0x5000, s10  }
0x6: {  	[smem:$0x7FF] =	sst s4;
	s8 =	smul.u32 $0x280, s10;
	s5 =	sadd.s32 $0x2CE00, s1  }
0x7: {  	s11 =	sadd.s32 $0x45E00, s1;
	s3 =	sshll.u32 s0, $0x4;
	s7 =	smul.u32 $0x50000, s0  }
0x8: {  	_ =	strace $0x80000047;
	s9 =	smul.u32 $0x2800, s0;
	[dreg:$0x4] =	wrdreg s11  }
0x9: {  	s0 =	ssub.s32 $0x2, s0;
	s11 =	simm.s32 $0x0;
	s3 =	sor.u32 s10, s3  }
0xa: {  	s10 =	smul.u32 $0x14000, s10;
	s19 =	sshrl.u32 s0, $0x1;
	s14 =	sadd.s32 s8, s12  }
0xb: {  	s3 =	smul.u32 $0x500, s3;
	s7 =	sadd.s32 s6, s7;
	s9 =	sadd.s32 s8, s9  }
0xc: {  	s0 =	ssub.s32 s0, s19;
	s19 =	simm.s32 $0x5;
	s8 =	simm.s32 $0x7  }
0xd: {  	s7 =	sshrl.u32 s7, $0x3;
	s9 =	sshrl.u32 s9, $0x3;
	s20 =	sshrl.u32 s10, $0x2  }
0xe: {  	s0 =	smax.u32 s0, $0x1;
	s10 =	simm.s32 $0x8;
	s3 =	sadd.s32 s3, s1  }
0xf: {  	s7 =	sadd.s32 s7, s1;
	[dreg:$0xd] =	wrdreg s0;
	s21 =	sadd.s32 $0x3BE00, s3  }
0x10: {  	s22 =	sadd.s32 s20, s2;
	s3 =	sadd.s32 $0x31E00, s3;
	[dreg:$0x5] =	wrdreg s21  }
0x11: {  	s1 =	sadd.s32 s9, s1;
	s23 =	sadd.s32 $0x1000, s22;
	[dreg:$0x6] =	wrdreg s3  }
0x12: {  	s9 =	sadd.s32 s6, s2;
	s24 =	sadd.s32 $0x2000, s22;
	[dreg:$0x7] =	wrdreg s23  }
0x13: {  	s20 =	simm.s32 $0x9000;
	s25 =	sadd.s32 $0x3000, s22;
	[dreg:$0x8] =	wrdreg s24  }
0x14: {  	s0 =	simm.s32 $0x7000;
	s26 =	sadd.s32 $0x46A00, s7;
	[dreg:$0x9] =	wrdreg s25  }
0x15: {  	s6 =	simm.s32 $0x4;
	s1 =	sadd.s32 $0x46000, s1;
	[dreg:$0xb] =	wrdreg s26  }
0x16: {  	s7 =	simm.s32 $0x8000;
	s3 =	sadd.s32 $0x4000, s22;
	[dreg:$0xc] =	wrdreg s1  }
0x17: {  	v0 =	vlaneseq.u32;
	s21 =	simm.s32 $0x11000;
	s22 =	simm.s32 $0x80;
	s23 =	simm.s32 $0xF000  }
0x18: {  	v1 =	vimm.f32 $0.0e+00;
	v6 =	vimm.f32 $1.000000000e+00;
	v2 =	vor.u32 $0x10, v0;
	s24 =	simm.s32 $0xF800;
	s26 =	simm.s32 $0x10000;
	s1 =	simm.s32 $0x2  }
0x19: {  	v3 =	vor.u32 $0x20, v0;
	v4 =	vor.u32 $0x30, v0;
	v5 =	vor.u32 $0x40, v0;
	s25 =	simm.s32 $0x6;
	[dreg:$0xa] =	wrdreg s3;
	s3 =	simm.s32 $0x6000  }
.LBB2_1:
0x1a: {  	s12 =	rddreg [dreg:$0x5]  }
0x1b: {  	[tilespmem:s4], [sflag:$0x9] =	stream.linear.gather [hbm4b:s12+s4], $0x2800, $0x38;
	[tilespmem:$0x13AD0] =	vst v63  }
0x1c: {  	_ =	swait.ge [sflag:s18], $0x2800  }
0x1d: {  	[sflag:s18] =	ssyncset.done $0x0  }
0x1e: {  	s13 =	simm.s32 $0x2800;
	s16 =	rddreg [dreg:$0x6];
	[sflag:s18] =	ssyncadd.s32 $0xFFFFD800  }
0x1f: {  	[tilespmem:s13], [sflag:$0x9] =	stream.linear.gather [hbm4b:s16+s4], $0x2800, $0x38;
	[tilespmem:$0x13AD0] =	vst v63  }
0x20: {  	_ =	swait.ge [sflag:s18], $0x2800  }
0x21: {  	[sflag:s18] =	ssyncset.done $0x0  }
0x22: {  	s17 =	rddreg [dreg:$0x4];
	[sflag:s18] =	ssyncadd.s32 $0xFFFFD800  }
0x23: {  	[tilespmem:s20], [sflag:$0x9] =	stream.linear.gather [hbm4b:s17+s4], $0x1000, $0x38;
	[tilespmem:$0x13AD0] =	vst v63  }
0x24: {  	_ =	swait.ge [sflag:s18], $0x1000  }
0x25: {  	[sflag:s18] =	ssyncset.done $0x0  }
0x26: {  	[sflag:s18] =	ssyncadd.s32 $0xFFFFF000  }
0x27: {  	[spmem:s9] =	stream.linear.scatter [tilespmem:s20], [sflag:$0x9], $0x1000, $0x38;
	[tilespmem:$0x13AD0] =	vst v63  }
0x28: {  	_ =	swait.ge [sflag:s18], $0x1000  }
0x29: {  	[sflag:s18] =	ssyncset.done $0x0  }
0x2a: {  	s13 =	rddreg [dreg:$0x7];
	[sflag:s18] =	ssyncadd.s32 $0xFFFFF000  }
0x2b: {  	[spmem:s13] =	stream.linear.scatter [tilespmem:s20], [sflag:$0x9], $0x1000, $0x38;
	[tilespmem:$0x13AD0] =	vst v63  }
0x2c: {  	_ =	swait.ge [sflag:s18], $0x1000  }
0x2d: {  	[sflag:s18] =	ssyncset.done $0x0  }
0x2e: {  	s15 =	rddreg [dreg:$0x8];
	[sflag:s18] =	ssyncadd.s32 $0xFFFFF000  }
0x2f: {  	[spmem:s15] =	stream.linear.scatter [tilespmem:s20], [sflag:$0x9], $0x1000, $0x38;
	[tilespmem:$0x13AD0] =	vst v63  }
0x30: {  	_ =	swait.ge [sflag:s18], $0x1000  }
0x31: {  	[sflag:s18] =	ssyncset.done $0x0  }
0x32: {  	s16 =	rddreg [dreg:$0x9];
	[sflag:s18] =	ssyncadd.s32 $0xFFFFF000  }
0x33: {  	[spmem:s16] =	stream.linear.scatter [tilespmem:s20], [sflag:$0x9], $0x1000, $0x38;
	[tilespmem:$0x13AD0] =	vst v63  }
0x34: {  	_ =	swait.ge [sflag:s18], $0x1000  }
0x35: {  	[sflag:s18] =	ssyncset.done $0x0  }
0x36: {  	s17 =	rddreg [dreg:$0xa];
	[sflag:s18] =	ssyncadd.s32 $0xFFFFF000  }
0x37: {  	[spmem:s17] =	stream.linear.scatter [tilespmem:s20], [sflag:$0x9], $0x1000, $0x38;
	[tilespmem:$0x13AD0] =	vst v63  }
0x38: {  	_ =	swait.ge [sflag:s18], $0x1000  }
0x39: {  	[sflag:s18] =	ssyncset.done $0x0  }
0x3a: {  	s12 =	simm.s32 $0x0;
	s13 =	simm.s32 $0x200;
	[sflag:s18] =	ssyncadd.s32 $0xFFFFF000  }
.LBB2_2:
0x3b: {  	p0 =	sne.s32 s13, $0x9E00;
	[tilespmem:s12+$0x11070] =	vst v1  }
0x3c: {  	[tilespmem:s12+$0x11000] =	vst v1  }
0x3d: {  	[tilespmem:s12+$0x11010] =	vst v1  }
.Ltmp0:
0x3e: {  	[tilespmem:s12+$0x11020] =	vst v1;
	(pc) =	sbr.rel @p0 .LBB2_2-.Ltmp0, $4  }
0x3f: {  	[tilespmem:s12+$0x11030] =	vst v1  }
0x40: {  	[tilespmem:s12+$0x11040] =	vst v1  }
0x41: {  	[tilespmem:s12+$0x11050] =	vst v1  }
0x42: {  	[tilespmem:s12+$0x11060] =	vst v1;
	s12 =	sshra.s32 s13, $0x2;
	s13 =	sadd.s32 $0x200, s13  }
0x43: {  	[tilespmem:s12+$0x11070] =	vst v1  }
0x44: {  	[tilespmem:s12+$0x11000] =	vst v1  }
0x45: {  	[tilespmem:s12+$0x11010] =	vst v1  }
0x46: {  	[tilespmem:s12+$0x11020] =	vst v1  }
0x47: {  	[tilespmem:s12+$0x11030] =	vst v1  }
0x48: {  	[tilespmem:s12+$0x11040] =	vst v1  }
0x49: {  	[tilespmem:s12+$0x11050] =	vst v1  }
0x4a: {  	[tilespmem:s12+$0x11060] =	vst v1  }
0x4b: {  	[tilespmem:$0x13800] =	vst v0  }
0x4c: {  	[tilespmem:$0x13810] =	vst v2  }
0x4d: {  	[tilespmem:$0x13820] =	vst v3  }
0x4e: {  	[tilespmem:$0x13830] =	vst v4  }
0x4f: {  	[tilespmem:$0x13840] =	vst v5  }
0x50: {  	[spmem:s14] =	stream.linear.scatter [tilespmem:s21], [sflag:$0x9], $0x280, $0x38;
	[tilespmem:$0x13AD0] =	vst v63  }
0x51: {  	_ =	swait.ge [sflag:s18], $0x280  }
0x52: {  	[sflag:s18] =	ssyncset.done $0x0  }
0x53: {  	[sflag:s18] =	ssyncadd.s32 $0xFFFFFD80  }
0x54: {  	s12 =	simm.s32 $0x0;
	[bflag:$0x0] =	sbarrier.arrive $0xFFFF  }
0x55: {  	[tilespmem:s23], [sflag:$0x1] =	stream.indirect.gather [hbm4b:s5+s22], $0x10, s12, s22, $0xb8;
	[tilespmem:$0x13AD0] =	vst v63  }
0x56: {  	_ = 	snop  }
0x57: {  	[tilespmem:s24], [sflag:$0x2] =	stream.indirect.gather [hbm4b:s5+s22], $0x10, s22, s22, $0xb8;
	[tilespmem:$0x13AD0] =	vst v63  }
0x58: {  	s13 =	simm.s32 $0x100  }
0x59: {  	[tilespmem:s26], [sflag:$0x3] =	stream.indirect.gather [hbm4b:s5+s22], $0x10, s13, s22, $0xb8;
	[tilespmem:$0x13AD0] =	vst v63  }
0x5a: {  	s17 =	simm.s32 $0x180  }
0x5b: {  	[tilespmem:s29], [sflag:$0x4] =	stream.indirect.gather [hbm4b:s5+s22], $0x10, s17, s22, $0xb8;
	[tilespmem:$0x13AD0] =	vst v63  }
.LBB2_4:
0x5c: {  	_ =	swait.ge [sflag:s30], $0x800  }
0x5d: {  	[sflag:s30] =	ssyncset.done $0x0  }
0x5e: {  	s13 =	simm.s32 $0x0;
	[sflag:s30] =	ssyncadd.s32 $0xFFFFF800  }
0x5f: {  	v7 =	vld [tilespmem:s13+$0xF000];
	_ =	sdelay $0x4  }
0x60: {  	s13 =	simm.s32 $0x5010;
	v8 =	vunpack.i.l.bf16.f32 v7  }
0x61: {  	v7 =	vunpack.i.u.bf16.f32 v7;
	[tilespmem:s13+$0xFFFFFFF0] =	vst v8  }
0x62: {  	s16 =	simm.s32 $0x10;
	s15 =	simm.s32 $0x80;
	[tilespmem:s13+$0x0] =	vst v7  }
.LBB2_5:
0x63: {  	p0 =	sne.s32 s15, $0x1FC0;
	v7 =	vld [tilespmem:s16+$0xF000];
	_ =	sdelay $0x2  }
.Ltmp1:
0x64: {  	(pc) =	sbr.rel @p0 .LBB2_5-.Ltmp1, $4  }
0x65: {  	_ = 	snop  }
0x66: {  	s13 =	sadd.s32 $0x20, s13;
	v8 =	vunpack.i.u.bf16.f32 v7;
	v7 =	vunpack.i.l.bf16.f32 v7  }
0x67: {  	[tilespmem:s13+$0xFFFFFFF0] =	vst v7  }
0x68: {  	s16 =	sshra.s32 s15, $0x2;
	s15 =	sadd.s32 $0x40, s15;
	[tilespmem:s13+$0x0] =	vst v8  }
0x69: {  	v7 =	vld [tilespmem:s16+$0xF000];
	_ =	sdelay $0x4  }
0x6a: {  	s15 =	sadd.s32 $0x20, s13;
	s17 =	sshll.u32 s12, $0xB;
	v8 =	vunpack.i.l.bf16.f32 v7  }
0x6b: {  	s13 =	sshrl.u32 s17, $0x2;
	v7 =	vunpack.i.u.bf16.f32 v7;
	[tilespmem:s15+$0xFFFFFFF0] =	vst v8  }
0x6c: {  	s16 =	sadd.s32 $0x2800, s13;
	[tilespmem:s15+$0x0] =	vst v7  }
0x6d: {  	[spmem:s2] =	stream.indirect.scatter.add.f32 [tilespmem:s31], [sflag:$0x5], $0x20, s16, s22, $0xb8;
	[tilespmem:$0x13AD0] =	vst v63  }
0x6e: {  	_ =	swait.ge [sflag:s1], $0x800  }
0x6f: {  	[sflag:s1] =	ssyncset.done $0x0  }
0x70: {  	s17 =	simm.s32 $0x0;
	[sflag:s1] =	ssyncadd.s32 $0xFFFFF800  }
0x71: {  	v7 =	vld [tilespmem:s17+$0xF800];
	_ =	sdelay $0x4  }
0x72: {  	s15 =	simm.s32 $0x6010;
	v8 =	vunpack.i.l.bf16.f32 v7  }
0x73: {  	v7 =	vunpack.i.u.bf16.f32 v7;
	[tilespmem:s15+$0xFFFFFFF0] =	vst v8  }
0x74: {  	s16 =	simm.s32 $0x80;
	s17 =	simm.s32 $0x10;
	[tilespmem:s15+$0x0] =	vst v7  }
.LBB2_7:
0x75: {  	p0 =	sne.s32 s16, $0x1FC0;
	v7 =	vld [tilespmem:s17+$0xF800];
	_ =	sdelay $0x2  }
.Ltmp2:
0x76: {  	(pc) =	sbr.rel @p0 .LBB2_7-.Ltmp2, $4  }
0x77: {  	_ = 	snop  }
0x78: {  	s15 =	sadd.s32 $0x20, s15;
	v8 =	vunpack.i.u.bf16.f32 v7;
	v7 =	vunpack.i.l.bf16.f32 v7  }
0x79: {  	[tilespmem:s15+$0xFFFFFFF0] =	vst v7  }
0x7a: {  	s17 =	sshra.s32 s16, $0x2;
	s16 =	sadd.s32 $0x40, s16;
	[tilespmem:s15+$0x0] =	vst v8  }
0x7b: {  	v7 =	vld [tilespmem:s17+$0xF800];
	_ =	sdelay $0x4  }
0x7c: {  	s15 =	sadd.s32 $0x20, s15;
	v8 =	vunpack.i.l.bf16.f32 v7  }
0x7d: {  	v7 =	vunpack.i.u.bf16.f32 v7;
	[tilespmem:s15+$0xFFFFFFF0] =	vst v8  }
0x7e: {  	s16 =	sadd.s32 $0x2880, s13;
	[tilespmem:s15+$0x0] =	vst v7  }
0x7f: {  	[spmem:s2] =	stream.indirect.scatter.add.f32 [tilespmem:s3], [sflag:$0x6], $0x20, s16, s22, $0xb8;
	[tilespmem:$0x13AD0] =	vst v63  }
0x80: {  	_ =	swait.ge [sflag:s19], $0x1000  }
0x81: {  	[sflag:s19] =	ssyncset.done $0x0  }
0x82: {  	s17 =	sadd.s32 $0x200, s13;
	[sflag:s19] =	ssyncadd.s32 $0xFFFFF000  }
0x83: {  	[tilespmem:s23], [sflag:$0x1] =	stream.indirect.gather [hbm4b:s5+s22], $0x10, s17, s22, $0xb8;
	[tilespmem:$0x13AD0] =	vst v63  }
0x84: {  	_ =	swait.ge [sflag:s25], $0x1000  }
0x85: {  	[sflag:s25] =	ssyncset.done $0x0  }
0x86: {  	s16 =	sadd.s32 $0x280, s13;
	[sflag:s25] =	ssyncadd.s32 $0xFFFFF000  }
0x87: {  	[tilespmem:s24], [sflag:$0x2] =	stream.indirect.gather [hbm4b:s5+s22], $0x10, s16, s22, $0xb8;
	[tilespmem:$0x13AD0] =	vst v63  }
0x88: {  	_ =	swait.ge [sflag:s28], $0x800  }
0x89: {  	[sflag:s28] =	ssyncset.done $0x0  }
0x8a: {  	s17 =	simm.s32 $0x0;
	[sflag:s28] =	ssyncadd.s32 $0xFFFFF800  }
0x8b: {  	v7 =	vld [tilespmem:s17+$0x10000];
	_ =	sdelay $0x4  }
0x8c: {  	s15 =	simm.s32 $0x7010;
	v8 =	vunpack.i.l.bf16.f32 v7  }
0x8d: {  	v7 =	vunpack.i.u.bf16.f32 v7;
	[tilespmem:s15+$0xFFFFFFF0] =	vst v8  }
0x8e: {  	s16 =	simm.s32 $0x80;
	s17 =	simm.s32 $0x10;
	[tilespmem:s15+$0x0] =	vst v7  }
.LBB2_9:
0x8f: {  	p0 =	sne.s32 s16, $0x1FC0;
	v7 =	vld [tilespmem:s17+$0x10000];
	_ =	sdelay $0x2  }
.Ltmp3:
0x90: {  	(pc) =	sbr.rel @p0 .LBB2_9-.Ltmp3, $4  }
0x91: {  	_ = 	snop  }
0x92: {  	s15 =	sadd.s32 $0x20, s15;
	v8 =	vunpack.i.u.bf16.f32 v7;
	v7 =	vunpack.i.l.bf16.f32 v7  }
0x93: {  	[tilespmem:s15+$0xFFFFFFF0] =	vst v7  }
0x94: {  	s17 =	sshra.s32 s16, $0x2;
	s16 =	sadd.s32 $0x40, s16;
	[tilespmem:s15+$0x0] =	vst v8  }
0x95: {  	v7 =	vld [tilespmem:s17+$0x10000];
	_ =	sdelay $0x4  }
0x96: {  	s15 =	sadd.s32 $0x20, s15;
	v8 =	vunpack.i.l.bf16.f32 v7  }
0x97: {  	v7 =	vunpack.i.u.bf16.f32 v7;
	[tilespmem:s15+$0xFFFFFFF0] =	vst v8  }
0x98: {  	s16 =	sadd.s32 $0x2900, s13;
	[tilespmem:s15+$0x0] =	vst v7  }
0x99: {  	[spmem:s2] =	stream.indirect.scatter.add.f32 [tilespmem:s0], [sflag:$0x7], $0x20, s16, s22, $0xb8;
	[tilespmem:$0x13AD0] =	vst v63  }
0x9a: {  	_ =	swait.ge [sflag:s6], $0x800  }
0x9b: {  	[sflag:s6] =	ssyncset.done $0x0  }
0x9c: {  	s17 =	simm.s32 $0x0;
	[sflag:s6] =	ssyncadd.s32 $0xFFFFF800  }
0x9d: {  	v7 =	vld [tilespmem:s17+$0x10800];
	_ =	sdelay $0x4  }
0x9e: {  	s15 =	simm.s32 $0x8010;
	v8 =	vunpack.i.l.bf16.f32 v7  }
0x9f: {  	v7 =	vunpack.i.u.bf16.f32 v7;
	[tilespmem:s15+$0xFFFFFFF0] =	vst v8  }
0xa0: {  	s16 =	simm.s32 $0x80;
	s17 =	simm.s32 $0x10;
	[tilespmem:s15+$0x0] =	vst v7  }
.LBB2_11:
0xa1: {  	p0 =	sne.s32 s16, $0x1FC0;
	v7 =	vld [tilespmem:s17+$0x10800];
	_ =	sdelay $0x2  }
.Ltmp4:
0xa2: {  	(pc) =	sbr.rel @p0 .LBB2_11-.Ltmp4, $4  }
0xa3: {  	_ = 	snop  }
0xa4: {  	s15 =	sadd.s32 $0x20, s15;
	v8 =	vunpack.i.u.bf16.f32 v7;
	v7 =	vunpack.i.l.bf16.f32 v7  }
0xa5: {  	[tilespmem:s15+$0xFFFFFFF0] =	vst v7  }
0xa6: {  	s17 =	sshra.s32 s16, $0x2;
	s16 =	sadd.s32 $0x40, s16;
	[tilespmem:s15+$0x0] =	vst v8  }
0xa7: {  	v7 =	vld [tilespmem:s17+$0x10800];
	_ =	sdelay $0x4  }
0xa8: {  	s15 =	sadd.s32 $0x20, s15;
	v8 =	vunpack.i.l.bf16.f32 v7  }
0xa9: {  	v7 =	vunpack.i.u.bf16.f32 v7;
	[tilespmem:s15+$0xFFFFFFF0] =	vst v8  }
0xaa: {  	s17 =	sadd.s32 $0x2980, s13;
	[tilespmem:s15+$0x0] =	vst v7  }
0xab: {  	[spmem:s2] =	stream.indirect.scatter.add.f32 [tilespmem:s7], [sflag:$0x8], $0x20, s17, s22, $0xb8;
	[tilespmem:$0x13AD0] =	vst v63  }
0xac: {  	_ =	swait.ge [sflag:s8], $0x1000  }
0xad: {  	s12 =	sadd.s32 $0x1, s12;
	[sflag:s8] =	ssyncset.done $0x0  }
0xae: {  	s16 =	sadd.s32 $0x300, s13;
	p0 =	sne.s32 s12, $0x13;
	[sflag:s8] =	ssyncadd.s32 $0xFFFFF000  }
0xaf: {  	[tilespmem:s26], [sflag:$0x3] =	stream.indirect.gather [hbm4b:s5+s22], $0x10, s16, s22, $0xb8;
	[tilespmem:$0x13AD0] =	vst v63  }
.Ltmp5:
0xb0: {  	_ = 	snop;
	(pc) =	sbr.rel @p0 .LBB2_4-.Ltmp5, $4  }
0xb1: {  	_ =	swait.ge [sflag:s10], $0x1000  }
0xb2: {  	[sflag:s10] =	ssyncset.done $0x0  }
0xb3: {  	s17 =	sadd.s32 $0x380, s13;
	[sflag:s10] =	ssyncadd.s32 $0xFFFFF000  }
0xb4: {  	[tilespmem:s29], [sflag:$0x4] =	stream.indirect.gather [hbm4b:s5+s22], $0x10, s17, s22, $0xb8;
	[tilespmem:$0x13AD0] =	vst v63  }
0xb5: {  	_ =	swait.ge [sflag:s30], $0x800  }
0xb6: {  	[sflag:s30] =	ssyncset.done $0x0  }
0xb7: {  	s12 =	simm.s32 $0x0;
	[sflag:s30] =	ssyncadd.s32 $0xFFFFF800  }
0xb8: {  	v7 =	vld [tilespmem:s12+$0xF000];
	_ =	sdelay $0x4  }
0xb9: {  	s12 =	simm.s32 $0x5010;
	v8 =	vunpack.i.l.bf16.f32 v7  }
0xba: {  	v7 =	vunpack.i.u.bf16.f32 v7;
	[tilespmem:s12+$0xFFFFFFF0] =	vst v8  }
0xbb: {  	s15 =	simm.s32 $0x10;
	s13 =	simm.s32 $0x80;
	[tilespmem:s12+$0x0] =	vst v7  }
.LBB2_14:
0xbc: {  	p0 =	sne.s32 s13, $0x1FC0;
	v7 =	vld [tilespmem:s15+$0xF000];
	_ =	sdelay $0x2  }
.Ltmp6:
0xbd: {  	(pc) =	sbr.rel @p0 .LBB2_14-.Ltmp6, $4  }
0xbe: {  	_ = 	snop  }
0xbf: {  	s12 =	sadd.s32 $0x20, s12;
	v8 =	vunpack.i.u.bf16.f32 v7;
	v7 =	vunpack.i.l.bf16.f32 v7  }
0xc0: {  	[tilespmem:s12+$0xFFFFFFF0] =	vst v7  }
0xc1: {  	s15 =	sshra.s32 s13, $0x2;
	s13 =	sadd.s32 $0x40, s13;
	[tilespmem:s12+$0x0] =	vst v8  }
0xc2: {  	v7 =	vld [tilespmem:s15+$0xF000];
	_ =	sdelay $0x4  }
0xc3: {  	s12 =	sadd.s32 $0x20, s12;
	v8 =	vunpack.i.l.bf16.f32 v7  }
0xc4: {  	v7 =	vunpack.i.u.bf16.f32 v7;
	[tilespmem:s12+$0xFFFFFFF0] =	vst v8  }
0xc5: {  	s16 =	simm.s32 $0x4E00;
	[tilespmem:s12+$0x0] =	vst v7  }
0xc6: {  	[spmem:s2] =	stream.indirect.scatter.add.f32 [tilespmem:s31], [sflag:$0x5], $0x20, s16, s22, $0xb8;
	[tilespmem:$0x13AD0] =	vst v63  }
0xc7: {  	_ =	swait.ge [sflag:s1], $0x800  }
0xc8: {  	[sflag:s1] =	ssyncset.done $0x0  }
0xc9: {  	s17 =	simm.s32 $0x0;
	[sflag:s1] =	ssyncadd.s32 $0xFFFFF800  }
0xca: {  	v7 =	vld [tilespmem:s17+$0xF800];
	_ =	sdelay $0x4  }
0xcb: {  	s12 =	simm.s32 $0x6010;
	v8 =	vunpack.i.l.bf16.f32 v7  }
0xcc: {  	v7 =	vunpack.i.u.bf16.f32 v7;
	[tilespmem:s12+$0xFFFFFFF0] =	vst v8  }
0xcd: {  	s15 =	simm.s32 $0x10;
	s13 =	simm.s32 $0x80;
	[tilespmem:s12+$0x0] =	vst v7  }
.LBB2_16:
0xce: {  	p0 =	sne.s32 s13, $0x1FC0;
	v7 =	vld [tilespmem:s15+$0xF800];
	_ =	sdelay $0x2  }
.Ltmp7:
0xcf: {  	(pc) =	sbr.rel @p0 .LBB2_16-.Ltmp7, $4  }
0xd0: {  	_ = 	snop  }
0xd1: {  	s12 =	sadd.s32 $0x20, s12;
	v8 =	vunpack.i.u.bf16.f32 v7;
	v7 =	vunpack.i.l.bf16.f32 v7  }
0xd2: {  	[tilespmem:s12+$0xFFFFFFF0] =	vst v7  }
0xd3: {  	s15 =	sshra.s32 s13, $0x2;
	s13 =	sadd.s32 $0x40, s13;
	[tilespmem:s12+$0x0] =	vst v8  }
0xd4: {  	v7 =	vld [tilespmem:s15+$0xF800];
	_ =	sdelay $0x4  }
0xd5: {  	s12 =	sadd.s32 $0x20, s12;
	v8 =	vunpack.i.l.bf16.f32 v7  }
0xd6: {  	v7 =	vunpack.i.u.bf16.f32 v7;
	[tilespmem:s12+$0xFFFFFFF0] =	vst v8  }
0xd7: {  	s16 =	simm.s32 $0x4E80;
	[tilespmem:s12+$0x0] =	vst v7  }
0xd8: {  	[spmem:s2] =	stream.indirect.scatter.add.f32 [tilespmem:s3], [sflag:$0x6], $0x20, s16, s22, $0xb8;
	[tilespmem:$0x13AD0] =	vst v63  }
0xd9: {  	_ =	swait.ge [sflag:s19], $0x1000  }
0xda: {  	[sflag:s19] =	ssyncset.done $0x0  }
0xdb: {  	[sflag:s19] =	ssyncadd.s32 $0xFFFFF000  }
0xdc: {  	_ =	swait.ge [sflag:s25], $0x1000  }
0xdd: {  	[sflag:s25] =	ssyncset.done $0x0  }
0xde: {  	[sflag:s25] =	ssyncadd.s32 $0xFFFFF000  }
0xdf: {  	_ =	swait.ge [sflag:s28], $0x800  }
0xe0: {  	[sflag:s28] =	ssyncset.done $0x0  }
0xe1: {  	s17 =	simm.s32 $0x0;
	[sflag:s28] =	ssyncadd.s32 $0xFFFFF800  }
0xe2: {  	v7 =	vld [tilespmem:s17+$0x10000];
	_ =	sdelay $0x4  }
0xe3: {  	s12 =	simm.s32 $0x7010;
	v8 =	vunpack.i.l.bf16.f32 v7  }
0xe4: {  	v7 =	vunpack.i.u.bf16.f32 v7;
	[tilespmem:s12+$0xFFFFFFF0] =	vst v8  }
0xe5: {  	s15 =	simm.s32 $0x10;
	s13 =	simm.s32 $0x80;
	[tilespmem:s12+$0x0] =	vst v7  }
.LBB2_18:
0xe6: {  	p0 =	sne.s32 s13, $0x1FC0;
	v7 =	vld [tilespmem:s15+$0x10000];
	_ =	sdelay $0x2  }
.Ltmp8:
0xe7: {  	(pc) =	sbr.rel @p0 .LBB2_18-.Ltmp8, $4  }
0xe8: {  	_ = 	snop  }
0xe9: {  	s12 =	sadd.s32 $0x20, s12;
	v8 =	vunpack.i.u.bf16.f32 v7;
	v7 =	vunpack.i.l.bf16.f32 v7  }
0xea: {  	[tilespmem:s12+$0xFFFFFFF0] =	vst v7  }
0xeb: {  	s15 =	sshra.s32 s13, $0x2;
	s13 =	sadd.s32 $0x40, s13;
	[tilespmem:s12+$0x0] =	vst v8  }
0xec: {  	v7 =	vld [tilespmem:s15+$0x10000];
	_ =	sdelay $0x4  }
0xed: {  	s12 =	sadd.s32 $0x20, s12;
	v8 =	vunpack.i.l.bf16.f32 v7  }
0xee: {  	v7 =	vunpack.i.u.bf16.f32 v7;
	[tilespmem:s12+$0xFFFFFFF0] =	vst v8  }
0xef: {  	s16 =	simm.s32 $0x4F00;
	[tilespmem:s12+$0x0] =	vst v7  }
0xf0: {  	[spmem:s2] =	stream.indirect.scatter.add.f32 [tilespmem:s0], [sflag:$0x7], $0x20, s16, s22, $0xb8;
	[tilespmem:$0x13AD0] =	vst v63  }
0xf1: {  	_ =	swait.ge [sflag:s6], $0x800  }
0xf2: {  	[sflag:s6] =	ssyncset.done $0x0  }
0xf3: {  	s17 =	simm.s32 $0x0;
	[sflag:s6] =	ssyncadd.s32 $0xFFFFF800  }
0xf4: {  	v7 =	vld [tilespmem:s17+$0x10800];
	_ =	sdelay $0x4  }
0xf5: {  	s12 =	simm.s32 $0x8010;
	v8 =	vunpack.i.l.bf16.f32 v7  }
0xf6: {  	v7 =	vunpack.i.u.bf16.f32 v7;
	[tilespmem:s12+$0xFFFFFFF0] =	vst v8  }
0xf7: {  	s15 =	simm.s32 $0x10;
	s13 =	simm.s32 $0x80;
	[tilespmem:s12+$0x0] =	vst v7  }
.LBB2_20:
0xf8: {  	p0 =	sne.s32 s13, $0x1FC0;
	v7 =	vld [tilespmem:s15+$0x10800];
	_ =	sdelay $0x2  }
.Ltmp9:
0xf9: {  	(pc) =	sbr.rel @p0 .LBB2_20-.Ltmp9, $4  }
0xfa: {  	_ = 	snop  }
0xfb: {  	s12 =	sadd.s32 $0x20, s12;
	v8 =	vunpack.i.u.bf16.f32 v7;
	v7 =	vunpack.i.l.bf16.f32 v7  }
0xfc: {  	[tilespmem:s12+$0xFFFFFFF0] =	vst v7  }
0xfd: {  	s15 =	sshra.s32 s13, $0x2;
	s13 =	sadd.s32 $0x40, s13;
	[tilespmem:s12+$0x0] =	vst v8  }
0xfe: {  	v7 =	vld [tilespmem:s15+$0x10800];
	_ =	sdelay $0x4  }
0xff: {  	s12 =	sadd.s32 $0x20, s12;
	v8 =	vunpack.i.l.bf16.f32 v7  }
0x100: {  	v7 =	vunpack.i.u.bf16.f32 v7;
	[tilespmem:s12+$0xFFFFFFF0] =	vst v8  }
0x101: {  	s17 =	simm.s32 $0x4F80;
	[tilespmem:s12+$0x0] =	vst v7  }
0x102: {  	[spmem:s2] =	stream.indirect.scatter.add.f32 [tilespmem:s7], [sflag:$0x8], $0x20, s17, s22, $0xb8;
	[tilespmem:$0x13AD0] =	vst v63  }
0x103: {  	_ =	swait.ge [sflag:s8], $0x1000  }
0x104: {  	[sflag:s8] =	ssyncset.done $0x0  }
0x105: {  	[sflag:s8] =	ssyncadd.s32 $0xFFFFF000  }
0x106: {  	_ =	swait.ge [sflag:s10], $0x1000  }
0x107: {  	[sflag:s10] =	ssyncset.done $0x0  }
0x108: {  	s12 =	simm.s32 $0x0;
	[sflag:s10] =	ssyncadd.s32 $0xFFFFF000  }
.LBB2_22:
0x109: {  	s13 =	sshra.s32 s12, $0x2  }
0x10a: {  	v7 =	vld [tilespmem:s13+$0x2800];
	_ =	sdelay $0x7  }
0x10b: {  	[tilespmem:v7+s21+$0x0] =	vst.idx.add.f32.msk $0xffff, v6  }
0x10c: {  	v7 =	vld [tilespmem:s13+$0x2810];
	_ =	sdelay $0x7  }
0x10d: {  	[tilespmem:v7+s21+$0x0] =	vst.idx.add.f32.msk $0xffff, v6  }
0x10e: {  	v7 =	vld [tilespmem:s13+$0x2820];
	_ =	sdelay $0x7  }
0x10f: {  	[tilespmem:v7+s21+$0x0] =	vst.idx.add.f32.msk $0xffff, v6  }
0x110: {  	v7 =	vld [tilespmem:s13+$0x2830];
	_ =	sdelay $0x7  }
0x111: {  	[tilespmem:v7+s21+$0x0] =	vst.idx.add.f32.msk $0xffff, v6  }
0x112: {  	v7 =	vld [tilespmem:s13+$0x2840];
	_ =	sdelay $0x7  }
0x113: {  	[tilespmem:v7+s21+$0x0] =	vst.idx.add.f32.msk $0xffff, v6  }
0x114: {  	v7 =	vld [tilespmem:s13+$0x2850];
	_ =	sdelay $0x7  }
0x115: {  	[tilespmem:v7+s21+$0x0] =	vst.idx.add.f32.msk $0xffff, v6  }
0x116: {  	v7 =	vld [tilespmem:s13+$0x2860];
	_ =	sdelay $0x7  }
0x117: {  	[tilespmem:v7+s21+$0x0] =	vst.idx.add.f32.msk $0xffff, v6  }
0x118: {  	v7 =	vld [tilespmem:s13+$0x2870];
	_ =	sdelay $0x2  }
0x119: {  	p0 =	sne.s32 s12, $0x9E00  }
.Ltmp10:
0x11a: {  	_ = 	snop;
	(pc) =	sbr.rel @p0 .LBB2_22-.Ltmp10, $2  }
0x11b: {  	_ =	sdelay $0x2  }
0x11c: {  	s12 =	sadd.s32 $0x200, s12;
	[tilespmem:v7+s21+$0x0] =	vst.idx.add.f32.msk $0xffff, v6  }
0x11d: {  	s12 =	rddreg [dreg:$0x2];
	s13 =	simm.s32 $0x50;
	s15 =	simm.s32 $0x13800  }
0x11e: {  	[spmem:s12] =	stream.indirect.scatter.add.f32 [tilespmem:s21], [sflag:$0x9], $0x80, s15, s13, $0xb8;
	[tilespmem:$0x13AD0] =	vst v63  }
0x11f: {  	_ =	swait.ge [sflag:s18], $0x2800  }
0x120: {  	[sflag:s18] =	ssyncset.done $0x0  }
0x121: {  	s15 =	stileid.u32;
	[sflag:s18] =	ssyncadd.s32 $0xFFFFD800  }
0x122: {  	s12 =	sshll.u32 s15, $0x6;
	[bflag:$0x0] =	sbarrier.arrive $0xFFFF  }
0x123: {  	s16 =	sshrl.u32 s9, $0x3;
	s12 =	sor.u32 $0x1C09, s12;
	s17 =	rddreg [dreg:$0xb]  }
0x124: {  	[hbm:s17], [sflag:s12] =	dma.local [spmem:s16], $0xA00  }
0x125: {  	_ =	swait.ge [sflag:s18], $0xA00  }
0x126: {  	[sflag:s18] =	ssyncset.done $0x0  }
0x127: {  	s15 =	sshrl.u32 s14, $0x3;
	s16 =	rddreg [dreg:$0xc];
	[sflag:s18] =	ssyncadd.s32 $0xFFFFF600  }
0x128: {  	[hbm:s16], [sflag:s12] =	dma.local [spmem:s15], $0x50  }
0x129: {  	_ =	swait.ge [sflag:s18], $0x50  }
0x12a: {  	s11 =	sadd.s32 $0x1, s11;
	s17 =	rddreg [dreg:$0xd]  }
0x12b: {  	p0 =	sne.s32 s11, s17  }
.Ltmp11:
0x12c: {  	_ = 	snop;
	(pc) =	sbr.rel @p0 .LBB2_1-.Ltmp11, $3  }
0x12d: {  	_ =	sdelay $0x1  }
0x12e: {  	[sflag:s18] =	ssyncset.done $0x0  }
0x12f: {  	[sflag:s18] =	ssyncadd.s32 $0xFFFFFFB0  }
0x130: {  	_ =	sfence.sel $0x180000  }
0x131: {  	[bflag:$0x0] =	sbarrier.arrive $0xFFFF  }
0x132: {  	_ =	strace $0x90000047  }
0x133: {  	s0 =	stileid.u32;
	[bflag:$0x2] =	sbarrier.arrive $0xFFFF  }
0x134: {  	p0 =	sne.s32 s0, $0x0;
	s0 =	rddreg [dreg:$0x3]  }
0x135: {  	s0 =	sadd.s32 @!p0 $0x100000, s0  }
0x136: {  	[sflag:s0] =	ssyncadd.tile.s32 @!p0 $0x1;
	_ =	shalt  }
.Lfunc_end2:
_tile_overlayer_lowered:
.L_overlay_start_2:
0x137: {  	(tag) =	ssettag $0x2  }
0x138: {  	s0 =	rddreg [dreg:$0x0];
	s2 =	stileid.u32  }
0x139: {  	s1 =	rddreg [dreg:$0x1];
	p0 =	sne.s32 s2, $0x0  }
0x13a: {  	s3 =	rddreg [dreg:$0x2];
	[bflag:$0x3] =	sbarrier.arrive $0xFFFF;
	s2 =	simm.s32 @!p0 $0x1C09  }
0x13b: {  	[timem:s3], [sflag:s2] =	dma.local @!p0 [hbm:s0], s1  }
0x13c: {  	s0 =	simm.s32 @!p0 $0x9  }
0x13d: {  	_ =	swait.ge @!p0 [sflag:s0], s1  }
0x13e: {  	s1 =	ssub.s32 @!p0 $0x0, s1;
	[sflag:s0] =	ssyncset.done @!p0 $0x0  }
0x13f: {  	[sflag:s0] =	ssyncadd.s32 @!p0 s1  }
0x140: {  	[bflag:$0x3] =	sbarrier.arrive $0xFFFF  }
0x141: {  	_ =	shalt  }

</sc_bundles>
